<compile_context>
chip_gen: v7x
topology: tpu7x:2x2x1
jax: 0.10.2.dev20260603
libtpu: 0.0.44.dev20260713+nightly
codegen_flags: <defaults>
</compile_context>

<pallas_src>
import functools

import jax
import jax.numpy as jnp
from jax import lax
from jax.experimental import pallas as pl
from jax.experimental.pallas import tpu as pltpu
from jax.experimental.pallas import tpu_sc as plsc

_BATCH = 16384
_VIS = 512
_EMB = 8
_HID = 16
_NUSER = 1000000
_NCAT = 368

_NC = 2
_NS = 16
_NW = _NC * _NS
_BPW = _BATCH // _NW
_CH = 128
_TAIL = (_NUSER // _CH) * _CH

_CPW = 16384
_CPG = (_NUSER + _CPW - 1) // _CPW
_CPR = _CPW // _CH * _EMB


def _copy_body(in_ref, bias_ref, out_ref, bout_ref):
    for t in range(_CPW // _CH):
        out_ref[pl.ds(_EMB * t, _EMB), :] = in_ref[:, pl.ds(_CH * t, _CH)]
    bout_ref[...] = bias_ref[0, :]


def _tile_stream(tabT, biasT):
    return pl.pallas_call(
        _copy_body,
        grid=(_CPG,),
        in_specs=[pl.BlockSpec((_EMB, _CPW), lambda i: (0, i)),
                  pl.BlockSpec((1, _CPW), lambda i: (0, i))],
        out_specs=[pl.BlockSpec((_CPR, _CH), lambda i: (i, 0)),
                   pl.BlockSpec((_CPW,), lambda i: (i,))],
        out_shape=[jax.ShapeDtypeStruct((_NUSER * _EMB // _CH, _CH),
                                        jnp.float32),
                   jax.ShapeDtypeStruct((_NUSER,), jnp.float32)],
    )(tabT, biasT)


_BSW = 16384
_BSG = (_NUSER + _BSW - 1) // _BSW


def _bias_body(in_ref, out_ref):
    out_ref[...] = in_ref[0, :]


def _bias_stream(biasT):
    return pl.pallas_call(
        _bias_body,
        grid=(_BSG,),
        in_specs=[pl.BlockSpec((1, _BSW), lambda i: (0, i))],
        out_specs=pl.BlockSpec((_BSW,), lambda i: (i,)),
        out_shape=jax.ShapeDtypeStruct((_NUSER,), jnp.float32),
    )(biasT)


def _sc_table_body(x1d, xlin, xb8, tailx,
                   x_o, bx_o,
                   xraw, xsh, xbsh, gx, gbx, tailxv, outx, outbx, sem):
    c = lax.axis_index("c")
    s = lax.axis_index("s")
    wid = s * _NC + c
    base = wid * _BPW
    pltpu.sync_copy(x1d.at[pl.ds(base, _BPW)], xraw)
    pltpu.sync_copy(tailx, tailxv)

    lane = jnp.arange(16, dtype=jnp.int32)

    def idx_body(t, carry):
        sl16 = pl.ds(t * 16, 16)
        x = xraw[sl16]
        xbsh[sl16] = x >> 3
        xc = jnp.minimum(x, _TAIL - 1)
        xbase = (xc >> 7) * 128 + ((xc >> 3) & 15)
        for d in range(_EMB):
            xsh[pl.ds(d * 512 + t * 16, 16)] = xbase + d * 16
        return carry
    lax.fori_loop(0, 32, idx_body, 0)

    copies = []
    for k in range(32):
        sl = pl.ds(k * _CH, _CH)
        copies.append(pltpu.async_copy(xlin.at[xsh.at[sl]], gx.at[sl], sem))
    for k in range(4):
        sl = pl.ds(k * _CH, _CH)
        copies.append(pltpu.async_copy(xb8.at[xbsh.at[sl]], gbx.at[sl], sem))
    for cp in copies:
        cp.wait()

    def sel_body(t, carry):
        sl16 = pl.ds(t * 16, 16)
        b = t * 16 + lane
        x = xraw[sl16]
        xsel = x & 7
        xtail = x >= _TAIL
        xtidx = jnp.maximum(x - _TAIL, 0)
        outbx[sl16] = plsc.load_gather(gbx, [b, xsel])
        for d in range(_EMB):
            p = d * 512 + b
            dsl = pl.ds(d * 512 + t * 16, 16)
            dvec = jnp.full((16,), d, jnp.int32)
            mx = plsc.load_gather(gx, [p, xsel])
            tx = plsc.load_gather(tailxv, [xtidx, dvec])
            outx[dsl] = jnp.where(xtail, tx, mx)
        return carry
    lax.fori_loop(0, 32, sel_body, 0)

    for d in range(_EMB):
        pltpu.sync_copy(outx.at[pl.ds(d * 512, 512)],
                        x_o.at[pl.ds(d * _BATCH + base, _BPW)])
    pltpu.sync_copy(outbx, bx_o.at[pl.ds(base, _BPW)])


def _sc_cat_body(c1d, catf, cbf, c_o, bc_o, craw, catv, cbv, outc, outbc):
    c = lax.axis_index("c")
    s = lax.axis_index("s")
    wid = s * _NC + c
    base = wid * _BPW
    pltpu.sync_copy(c1d.at[pl.ds(base, _BPW)], craw)
    pltpu.sync_copy(catf, catv)
    pltpu.sync_copy(cbf, cbv)

    def cat_body(t, carry):
        sl16 = pl.ds(t * 16, 16)
        cid = craw[sl16]
        outbc[sl16] = plsc.load_gather(cbv, [cid])
        for d in range(_EMB):
            outc[pl.ds(d * 512 + t * 16, 16)] = plsc.load_gather(
                catv, [d * _NCAT + cid])
        return carry
    lax.fori_loop(0, 32, cat_body, 0)

    for d in range(_EMB):
        pltpu.sync_copy(outc.at[pl.ds(d * 512, 512)],
                        c_o.at[pl.ds(d * _BATCH + base, _BPW)])
    pltpu.sync_copy(outbc, bc_o.at[pl.ds(base, _BPW)])


_sc_mesh = plsc.VectorSubcoreMesh(core_axis_name="c", subcore_axis_name="s")
_sc_params = pltpu.CompilerParams(use_tc_tiling_on_sc=False,
                                  needs_layout_passes=False)

_sc_table = functools.partial(
    pl.kernel,
    mesh=_sc_mesh,
    out_type=(
        jax.ShapeDtypeStruct((_BATCH * _EMB,), jnp.float32),
        jax.ShapeDtypeStruct((_BATCH,), jnp.float32),
    ),
    scratch_types=(
        [pltpu.VMEM((_BPW,), jnp.int32),
         pltpu.VMEM((_BPW * _EMB,), jnp.int32),
         pltpu.VMEM((_BPW,), jnp.int32),
         pltpu.VMEM((_BPW * _EMB, _EMB), jnp.float32),
         pltpu.VMEM((_BPW, _EMB), jnp.float32),
         pltpu.VMEM((_NUSER - _TAIL, _EMB), jnp.float32),
         pltpu.VMEM((_BPW * _EMB,), jnp.float32),
         pltpu.VMEM((_BPW,), jnp.float32),
         pltpu.SemaphoreType.DMA]),
    compiler_params=_sc_params,
)(_sc_table_body)

_sc_cat = functools.partial(
    pl.kernel,
    mesh=_sc_mesh,
    out_type=(
        jax.ShapeDtypeStruct((_BATCH * _EMB,), jnp.float32),
        jax.ShapeDtypeStruct((_BATCH,), jnp.float32),
    ),
    scratch_types=(
        [pltpu.VMEM((_BPW,), jnp.int32),
         pltpu.VMEM((_EMB * _NCAT,), jnp.float32),
         pltpu.VMEM((_NCAT,), jnp.float32),
         pltpu.VMEM((_BPW * _EMB,), jnp.float32),
         pltpu.VMEM((_BPW,), jnp.float32)]),
    compiler_params=_sc_params,
)(_sc_cat_body)


_BLK = 2048
_NBLK = _BATCH // _BLK


def _mlp_body(vis_ref, w1t_ref, b1_ref, w2t_ref, b2_ref, out_ref):
    h = jnp.maximum(
        lax.dot_general(vis_ref[...], w1t_ref[...],
                        (((1,), (1,)), ((), ())),
                        preferred_element_type=jnp.float32) + b1_ref[...], 0.0)
    v = lax.dot_general(h, w2t_ref[...], (((1,), (1,)), ((), ())),
                        preferred_element_type=jnp.float32) + b2_ref[...]
    out_ref[...] = v.T


def _combine_body(scal_ref, u_ref, i_ref, c_ref, v_ref,
                  bu_ref, bi_ref, bc_ref, out_ref):
    w = scal_ref[0, 0]
    vb = scal_ref[0, 1]
    mn = scal_ref[0, 2]
    i2 = (1.0 - w) * i_ref[...] + w * (v_ref[...] + c_ref[...])
    pred = jnp.sum(u_ref[...] * i2, axis=0)
    out_ref[0, 0, :] = (pred + bu_ref[0, 0, :] + bi_ref[0, 0, :]
                        + w * (vb + bc_ref[0, 0, :]) + mn)


def kernel(u_id, i_id, weight, visual_features, category_features,
           user_emb, user_bias, item_emb, item_bias,
           W1, b1, W2, b2, visual_bias, category_emb, category_bias, mean):
    u_id = u_id.astype(jnp.int32)
    i_id = i_id.astype(jnp.int32)
    cat = category_features.astype(jnp.int32)

    C1, bc = _sc_cat(cat, category_emb.T.reshape(_EMB * _NCAT),
                     category_bias.T.reshape(_NCAT))

    ustream, ub1 = _tile_stream(user_emb.T, user_bias.T)
    U1, bu = _sc_table(u_id, ustream.reshape(_NUSER, _EMB),
                       ub1.reshape(_NUSER // _EMB, _EMB),
                       user_emb[_TAIL:])

    istream, ib1 = _tile_stream(item_emb.T, item_bias.T)
    I1, bi = _sc_table(i_id, istream.reshape(_NUSER, _EMB),
                       ib1.reshape(_NUSER // _EMB, _EMB),
                       item_emb[_TAIL:])

    vt = pl.pallas_call(
        _mlp_body,
        grid=(_NBLK,),
        in_specs=[
            pl.BlockSpec((_BLK, _VIS), lambda i: (i, 0)),
            pl.BlockSpec((_HID, _VIS), lambda i: (0, 0)),
            pl.BlockSpec((1, _HID), lambda i: (0, 0)),
            pl.BlockSpec((_EMB, _HID), lambda i: (0, 0)),
            pl.BlockSpec((1, _EMB), lambda i: (0, 0)),
        ],
        out_specs=pl.BlockSpec((_EMB, _BLK), lambda i: (0, i)),
        out_shape=jax.ShapeDtypeStruct((_EMB, _BATCH), jnp.float32),
    )(visual_features, W1.T, b1.reshape(1, _HID), W2.T, b2.reshape(1, _EMB))

    scal = jnp.concatenate([weight, visual_bias, mean]).reshape(1, 3)

    out = pl.pallas_call(
        _combine_body,
        grid=(_NBLK,),
        in_specs=[
            pl.BlockSpec(memory_space=pltpu.SMEM),
            pl.BlockSpec((_EMB, _BLK), lambda i: (0, i)),
            pl.BlockSpec((_EMB, _BLK), lambda i: (0, i)),
            pl.BlockSpec((_EMB, _BLK), lambda i: (0, i)),
            pl.BlockSpec((_EMB, _BLK), lambda i: (0, i)),
            pl.BlockSpec((1, 1, _BLK), lambda i: (i, 0, 0)),
            pl.BlockSpec((1, 1, _BLK), lambda i: (i, 0, 0)),
            pl.BlockSpec((1, 1, _BLK), lambda i: (i, 0, 0)),
        ],
        out_specs=pl.BlockSpec((1, 1, _BLK), lambda i: (i, 0, 0)),
        out_shape=jax.ShapeDtypeStruct((_NBLK, 1, _BLK), jnp.float32),
    )(scal, U1.reshape(_EMB, _BATCH), I1.reshape(_EMB, _BATCH),
      C1.reshape(_EMB, _BATCH), vt,
      bu.reshape(_NBLK, 1, _BLK), bi.reshape(_NBLK, 1, _BLK),
      bc.reshape(_NBLK, 1, _BLK))

    return out.reshape(_BATCH)

# --- scband reference (transcript-rebuilt; emitter-appended) ---
"""Pipeline reference for scband-content-based-mf-42133629174344 (READ-ONLY COPY).

The authoritative reference and input builder live on the scoring server;
editing this copy changes nothing except your own understanding.
"""

import jax, jax.numpy as jnp
import numpy as np

NUM_USERS = 1000000
NUM_ITEMS = 1000000
VIS_DIM = 512
CAT_SIZE = 368
EMB = 8
BATCH = 16384


def setup_inputs(seed: int = 0) -> dict:
    key = jax.random.key(seed)
    ks = jax.random.split(key, 16)
    u_id = jax.random.randint(ks[0], (BATCH,), 0, NUM_USERS, dtype=jnp.int64 if jax.config.jax_enable_x64 else jnp.int32)
    i_id = jax.random.randint(ks[1], (BATCH,), 0, NUM_ITEMS, dtype=jnp.int64 if jax.config.jax_enable_x64 else jnp.int32)
    cat = jax.random.randint(ks[2], (BATCH,), 0, CAT_SIZE, dtype=jnp.int64 if jax.config.jax_enable_x64 else jnp.int32)
    weight = jax.random.uniform(ks[3], (1,), dtype=jnp.float32)
    visual_features = jax.random.normal(ks[4], (BATCH, VIS_DIM), dtype=jnp.float32)
    user_emb = jax.random.uniform(ks[5], (NUM_USERS, EMB), minval=0.0, maxval=0.005, dtype=jnp.float32)
    user_bias = jax.random.uniform(ks[6], (NUM_USERS, 1), minval=-0.01, maxval=0.01, dtype=jnp.float32)
    item_emb = jax.random.uniform(ks[7], (NUM_ITEMS, EMB), minval=0.0, maxval=0.005, dtype=jnp.float32)
    item_bias = jax.random.uniform(ks[8], (NUM_ITEMS, 1), minval=-0.01, maxval=0.01, dtype=jnp.float32)
    W1 = jax.random.uniform(ks[9], (VIS_DIM, EMB * 2), minval=0.0, maxval=0.005, dtype=jnp.float32)
    b1 = jnp.zeros((EMB * 2,), dtype=jnp.float32)
    W2 = jax.random.uniform(ks[10], (EMB * 2, EMB), minval=0.0, maxval=0.005, dtype=jnp.float32)
    b2 = jnp.zeros((EMB,), dtype=jnp.float32)
    visual_bias = jax.random.uniform(ks[11], (1,), minval=-0.01, maxval=0.01, dtype=jnp.float32)
    category_emb = jax.random.uniform(ks[12], (CAT_SIZE, EMB), minval=0.0, maxval=0.005, dtype=jnp.float32)
    category_bias = jax.random.uniform(ks[13], (CAT_SIZE, 1), minval=-0.01, maxval=0.01, dtype=jnp.float32)
    mean = jnp.zeros((1,), dtype=jnp.float32)
    return {
        "u_id": u_id, "i_id": i_id, "weight": weight,
        "visual_features": visual_features, "category_features": cat,
        "user_emb": user_emb, "user_bias": user_bias,
        "item_emb": item_emb, "item_bias": item_bias,
        "W1": W1, "b1": b1, "W2": W2, "b2": b2,
        "visual_bias": visual_bias, "category_emb": category_emb,
        "category_bias": category_bias, "mean": mean,
    }


def reference(u_id, i_id, weight, visual_features, category_features,
              user_emb, user_bias, item_emb, item_bias,
              W1, b1, W2, b2, visual_bias, category_emb, category_bias, mean):
    U = jnp.take(user_emb, u_id, axis=0)
    I = jnp.take(item_emb, i_id, axis=0)
    b_u = jnp.take(user_bias, u_id, axis=0).squeeze(-1)
    b_i = jnp.take(item_bias, i_id, axis=0).squeeze(-1)
    b_c = jnp.take(category_bias, category_features, axis=0).squeeze(-1)
    h = jnp.maximum(visual_features @ W1 + b1, 0.0)
    V = h @ W2 + b2
    C = jnp.take(category_emb, category_features, axis=0)
    I2 = (1.0 - weight) * I + weight * (V + C)
    prediction = (U * I2).sum(axis=1) + b_u + b_i + weight * (visual_bias + b_c) + mean
    return prediction

if __name__ == "__main__":
    import jax
    _d = setup_inputs()
    print(jax.jit(kernel)(*tuple(_d.values())))

</pallas_src>

<mosaic_0001>
#map = affine_map<(d0, d1) -> (0)>
#map1 = affine_map<(d0, d1) -> (0, 0)>
module attributes {stable_mosaic.version = 14 : i64} {
  func.func @_sc_table_body(%arg0: i32, %arg1: i32, %arg2: memref<16384xi32, #tpu.memory_space<hbm>>, %arg3: memref<1000000x8xf32, #tpu.memory_space<hbm>>, %arg4: memref<125000x8xf32, #tpu.memory_space<hbm>>, %arg5: memref<64x8xf32, #tpu.memory_space<hbm>>, %arg6: memref<131072xf32, #tpu.memory_space<hbm>>, %arg7: memref<16384xf32, #tpu.memory_space<hbm>>, %arg8: memref<512xi32, #tpu.memory_space<vmem>>, %arg9: memref<4096xi32, #tpu.memory_space<vmem>>, %arg10: memref<512xi32, #tpu.memory_space<vmem>>, %arg11: memref<4096x8xf32, #tpu.memory_space<vmem>>, %arg12: memref<512x8xf32, #tpu.memory_space<vmem>>, %arg13: memref<64x8xf32, #tpu.memory_space<vmem>>, %arg14: memref<4096xf32, #tpu.memory_space<vmem>>, %arg15: memref<512xf32, #tpu.memory_space<vmem>>, %arg16: memref<!tpu.dma_semaphore, #tpu.memory_space<semaphore_mem>>) attributes {dimension_semantics = [#tpu.dimension_semantics<core_parallel>, #tpu.dimension_semantics<subcore_parallel>], iteration_bounds = array<i64: 2, 16>, scalar_prefetch = 0 : i64, scratch_operands = 9 : i64, tpu.core_type = #tpu.core_type<sc_vector_subcore>, window_params = [{transform_indices = #map}, {transform_indices = #map1}, {transform_indices = #map1}, {transform_indices = #map1}, {transform_indices = #map}, {transform_indices = #map}]} {
    %mul3A = arith.constant 2 : i32
    %mul3A_0 = arith.muli %arg1, %mul3A : i32
    %add3A = arith.addi %mul3A_0, %arg0 : i32
    %mul3A_1 = arith.constant 512 : i32
    %mul3A_2 = arith.muli %add3A, %mul3A_1 : i32
    "tpu.region"() ({
      %run_scoped3A = tpu.sem_alloc : memref<!tpu.dma_semaphore, #tpu.memory_space<semaphore_mem>>
      %dma_start3A_604 = tpu.memref_slice %arg2[%mul3A_2] : memref<16384xi32, #tpu.memory_space<hbm>> -> memref<512xi32, #tpu.memory_space<hbm>>
      %dma_start3A_605 = tpu.memref_slice %arg2[%mul3A_2] : memref<16384xi32, #tpu.memory_space<hbm>> -> memref<512xi32, #tpu.memory_space<hbm>>
      tpu.enqueue_dma source(%dma_start3A_605 : memref<512xi32, #tpu.memory_space<hbm>>) target(%arg8 : memref<512xi32, #tpu.memory_space<vmem>>) target_semaphore(%run_scoped3A : memref<!tpu.dma_semaphore, #tpu.memory_space<semaphore_mem>>)
      %dma_wait3A_606 = tpu.memref_slice %arg2[%mul3A_2] : memref<16384xi32, #tpu.memory_space<hbm>> -> memref<512xi32, #tpu.memory_space<hbm>>
      %dma_wait3A_607 = tpu.memref_slice %arg2[%mul3A_2] : memref<16384xi32, #tpu.memory_space<hbm>> -> memref<512xi32, #tpu.memory_space<hbm>>
      tpu.wait_dma2 semaphore(%run_scoped3A : memref<!tpu.dma_semaphore, #tpu.memory_space<semaphore_mem>>) src(%dma_wait3A_607 : memref<512xi32, #tpu.memory_space<hbm>>) dst(%arg8 : memref<512xi32, #tpu.memory_space<vmem>>)
      tpu.yield
    }) : () -> ()
    "tpu.region"() ({
      %run_scoped3A = tpu.sem_alloc : memref<!tpu.dma_semaphore, #tpu.memory_space<semaphore_mem>>
      tpu.enqueue_dma source(%arg5 : memref<64x8xf32, #tpu.memory_space<hbm>>) target(%arg13 : memref<64x8xf32, #tpu.memory_space<vmem>>) target_semaphore(%run_scoped3A : memref<!tpu.dma_semaphore, #tpu.memory_space<semaphore_mem>>)
      tpu.wait_dma2 semaphore(%run_scoped3A : memref<!tpu.dma_semaphore, #tpu.memory_space<semaphore_mem>>) src(%arg5 : memref<64x8xf32, #tpu.memory_space<hbm>>) dst(%arg13 : memref<64x8xf32, #tpu.memory_space<vmem>>)
      tpu.yield
    }) : () -> ()
    %iota3A = tpu.iota {dimensions = array<i32: 0>} : vector<16xi32>
    %scan3A = arith.constant 0 : i32
    %scan3A_3 = arith.constant 0 : i32
    %scan3A_4 = arith.constant 32 : i32
    %scan3A_5 = arith.addi %scan3A_3, %scan3A_4 : i32
    %scan3A_6 = arith.constant 1 : i32
    scf.for %scan3A_604 = %scan3A_3 to %scan3A_5 step %scan3A_6  : i32 {
      %mul3A_605 = arith.constant 16 : i32
      %mul3A_606 = arith.muli %scan3A_604, %mul3A_605 : i32
      %get3A = arith.index_cast %mul3A_606 : i32 to index
      %get3A_607 = tpu.vector_load %arg8[%get3A] {strides = array<i32>} : memref<512xi32, #tpu.memory_space<vmem>>, vector<16xi32>,
      %shift_right_arithmetic3A = arith.constant 3 : i32
      %shift_right_arithmetic3A_608 = vector.broadcast %shift_right_arithmetic3A : i32 to vector<16xi32>
      %shift_right_arithmetic3A_609 = arith.shrsi %get3A_607, %shift_right_arithmetic3A_608 : vector<16xi32>
      %swap3A = arith.index_cast %mul3A_606 : i32 to index
      %swap3A_610 = tpu.vector_load %arg10[%swap3A] {strides = array<i32>} : memref<512xi32, #tpu.memory_space<vmem>>, vector<16xi32>,
      tpu.vector_store %arg10[%swap3A], %shift_right_arithmetic3A_609 {strides = array<i32>} : memref<512xi32, #tpu.memory_space<vmem>>, vector<16xi32>,
      %min3A = arith.constant 999935 : i32
      %min3A_611 = vector.broadcast %min3A : i32 to vector<16xi32>
      %min3A_612 = arith.minsi %get3A_607, %min3A_611 : vector<16xi32>
      %shift_right_arithmetic3A_613 = arith.constant 7 : i32
      %shift_right_arithmetic3A_614 = vector.broadcast %shift_right_arithmetic3A_613 : i32 to vector<16xi32>
      %shift_right_arithmetic3A_615 = arith.shrsi %min3A_612, %shift_right_arithmetic3A_614 : vector<16xi32>
      %mul3A_616 = arith.constant 128 : i32
      %mul3A_617 = vector.broadcast %mul3A_616 : i32 to vector<16xi32>
      %mul3A_618 = arith.muli %shift_right_arithmetic3A_615, %mul3A_617 : vector<16xi32>
      %shift_right_arithmetic3A_619 = arith.constant 3 : i32
      %shift_right_arithmetic3A_620 = vector.broadcast %shift_right_arithmetic3A_619 : i32 to vector<16xi32>
      %shift_right_arithmetic3A_621 = arith.shrsi %min3A_612, %shift_right_arithmetic3A_620 : vector<16xi32>
      %and3A = arith.constant 15 : i32
      %and3A_622 = vector.broadcast %and3A : i32 to vector<16xi32>
      %and3A_623 = arith.andi %shift_right_arithmetic3A_621, %and3A_622 : vector<16xi32>
      %add3A_624 = arith.addi %mul3A_618, %and3A_623 : vector<16xi32>
      %add3A_625 = arith.constant 0 : i32
      %add3A_626 = vector.broadcast %add3A_625 : i32 to vector<16xi32>
      %add3A_627 = arith.addi %add3A_624, %add3A_626 : vector<16xi32>
      %mul3A_628 = arith.constant 16 : i32
      %mul3A_629 = arith.muli %scan3A_604, %mul3A_628 : i32
      %add3A_630 = arith.constant 0 : i32
      %add3A_631 = arith.addi %add3A_630, %mul3A_629 : i32
      %swap3A_632 = arith.index_cast %add3A_631 : i32 to index
      %swap3A_633 = tpu.vector_load %arg9[%swap3A_632] {strides = array<i32>} : memref<4096xi32, #tpu.memory_space<vmem>>, vector<16xi32>,
      tpu.vector_store %arg9[%swap3A_632], %add3A_627 {strides = array<i32>} : memref<4096xi32, #tpu.memory_space<vmem>>, vector<16xi32>,
      %add3A_634 = arith.constant 16 : i32
      %add3A_635 = vector.broadcast %add3A_634 : i32 to vector<16xi32>
      %add3A_636 = arith.addi %add3A_624, %add3A_635 : vector<16xi32>
      %mul3A_637 = arith.constant 16 : i32
      %mul3A_638 = arith.muli %scan3A_604, %mul3A_637 : i32
      %add3A_639 = arith.constant 512 : i32
      %add3A_640 = arith.addi %add3A_639, %mul3A_638 : i32
      %swap3A_641 = arith.index_cast %add3A_640 : i32 to index
      %swap3A_642 = tpu.vector_load %arg9[%swap3A_641] {strides = array<i32>} : memref<4096xi32, #tpu.memory_space<vmem>>, vector<16xi32>,
      tpu.vector_store %arg9[%swap3A_641], %add3A_636 {strides = array<i32>} : memref<4096xi32, #tpu.memory_space<vmem>>, vector<16xi32>,
      %add3A_643 = arith.constant 32 : i32
      %add3A_644 = vector.broadcast %add3A_643 : i32 to vector<16xi32>
      %add3A_645 = arith.addi %add3A_624, %add3A_644 : vector<16xi32>
      %mul3A_646 = arith.constant 16 : i32
      %mul3A_647 = arith.muli %scan3A_604, %mul3A_646 : i32
      %add3A_648 = arith.constant 1024 : i32
      %add3A_649 = arith.addi %add3A_648, %mul3A_647 : i32
      %swap3A_650 = arith.index_cast %add3A_649 : i32 to index
      %swap3A_651 = tpu.vector_load %arg9[%swap3A_650] {strides = array<i32>} : memref<4096xi32, #tpu.memory_space<vmem>>, vector<16xi32>,
      tpu.vector_store %arg9[%swap3A_650], %add3A_645 {strides = array<i32>} : memref<4096xi32, #tpu.memory_space<vmem>>, vector<16xi32>,
      %add3A_652 = arith.constant 48 : i32
      %add3A_653 = vector.broadcast %add3A_652 : i32 to vector<16xi32>
      %add3A_654 = arith.addi %add3A_624, %add3A_653 : vector<16xi32>
      %mul3A_655 = arith.constant 16 : i32
      %mul3A_656 = arith.muli %scan3A_604, %mul3A_655 : i32
      %add3A_657 = arith.constant 1536 : i32
      %add3A_658 = arith.addi %add3A_657, %mul3A_656 : i32
      %swap3A_659 = arith.index_cast %add3A_658 : i32 to index
      %swap3A_660 = tpu.vector_load %arg9[%swap3A_659] {strides = array<i32>} : memref<4096xi32, #tpu.memory_space<vmem>>, vector<16xi32>,
      tpu.vector_store %arg9[%swap3A_659], %add3A_654 {strides = array<i32>} : memref<4096xi32, #tpu.memory_space<vmem>>, vector<16xi32>,
      %add3A_661 = arith.constant 64 : i32
      %add3A_662 = vector.broadcast %add3A_661 : i32 to vector<16xi32>
      %add3A_663 = arith.addi %add3A_624, %add3A_662 : vector<16xi32>
      %mul3A_664 = arith.constant 16 : i32
      %mul3A_665 = arith.muli %scan3A_604, %mul3A_664 : i32
      %add3A_666 = arith.constant 2048 : i32
      %add3A_667 = arith.addi %add3A_666, %mul3A_665 : i32
      %swap3A_668 = arith.index_cast %add3A_667 : i32 to index
      %swap3A_669 = tpu.vector_load %arg9[%swap3A_668] {strides = array<i32>} : memref<4096xi32, #tpu.memory_space<vmem>>, vector<16xi32>,
      tpu.vector_store %arg9[%swap3A_668], %add3A_663 {strides = array<i32>} : memref<4096xi32, #tpu.memory_space<vmem>>, vector<16xi32>,
      %add3A_670 = arith.constant 80 : i32
      %add3A_671 = vector.broadcast %add3A_670 : i32 to vector<16xi32>
      %add3A_672 = arith.addi %add3A_624, %add3A_671 : vector<16xi32>
      %mul3A_673 = arith.constant 16 : i32
      %mul3A_674 = arith.muli %scan3A_604, %mul3A_673 : i32
      %add3A_675 = arith.constant 2560 : i32
      %add3A_676 = arith.addi %add3A_675, %mul3A_674 : i32
      %swap3A_677 = arith.index_cast %add3A_676 : i32 to index
      %swap3A_678 = tpu.vector_load %arg9[%swap3A_677] {strides = array<i32>} : memref<4096xi32, #tpu.memory_space<vmem>>, vector<16xi32>,
      tpu.vector_store %arg9[%swap3A_677], %add3A_672 {strides = array<i32>} : memref<4096xi32, #tpu.memory_space<vmem>>, vector<16xi32>,
      %add3A_679 = arith.constant 96 : i32
      %add3A_680 = vector.broadcast %add3A_679 : i32 to vector<16xi32>
      %add3A_681 = arith.addi %add3A_624, %add3A_680 : vector<16xi32>
      %mul3A_682 = arith.constant 16 : i32
      %mul3A_683 = arith.muli %scan3A_604, %mul3A_682 : i32
      %add3A_684 = arith.constant 3072 : i32
      %add3A_685 = arith.addi %add3A_684, %mul3A_683 : i32
      %swap3A_686 = arith.index_cast %add3A_685 : i32 to index
      %swap3A_687 = tpu.vector_load %arg9[%swap3A_686] {strides = array<i32>} : memref<4096xi32, #tpu.memory_space<vmem>>, vector<16xi32>,
      tpu.vector_store %arg9[%swap3A_686], %add3A_681 {strides = array<i32>} : memref<4096xi32, #tpu.memory_space<vmem>>, vector<16xi32>,
      %add3A_688 = arith.constant 112 : i32
      %add3A_689 = vector.broadcast %add3A_688 : i32 to vector<16xi32>
      %add3A_690 = arith.addi %add3A_624, %add3A_689 : vector<16xi32>
      %mul3A_691 = arith.constant 16 : i32
      %mul3A_692 = arith.muli %scan3A_604, %mul3A_691 : i32
      %add3A_693 = arith.constant 3584 : i32
      %add3A_694 = arith.addi %add3A_693, %mul3A_692 : i32
      %swap3A_695 = arith.index_cast %add3A_694 : i32 to index
      %swap3A_696 = tpu.vector_load %arg9[%swap3A_695] {strides = array<i32>} : memref<4096xi32, #tpu.memory_space<vmem>>, vector<16xi32>,
      tpu.vector_store %arg9[%swap3A_695], %add3A_690 {strides = array<i32>} : memref<4096xi32, #tpu.memory_space<vmem>>, vector<16xi32>,
    }
    %scan3A_7 = arith.constant 32 : i32
    %dma_start3A = arith.constant 0 : i32
    %dma_start3A_8 = arith.constant 0 : i32
    %dma_start3A_9 = tpu.memref_slice %arg11[%dma_start3A, %dma_start3A_8] : memref<4096x8xf32, #tpu.memory_space<vmem>> -> memref<128x8xf32, #tpu.memory_space<vmem>>
    %dma_start3A_10 = arith.constant 0 : i32
    %dma_start3A_11 = tpu.memref_slice %arg9[%dma_start3A_10] : memref<4096xi32, #tpu.memory_space<vmem>> -> memref<128xi32, #tpu.memory_space<vmem>>
    %dma_start3A_12 = arith.constant 0 : i32
    %dma_start3A_13 = arith.constant 0 : i32
    %dma_start3A_14 = tpu.memref_slice %arg3[%dma_start3A_12, %dma_start3A_13] : memref<1000000x8xf32, #tpu.memory_space<hbm>> -> memref<1000000x8xf32, #tpu.memory_space<hbm>>
    tpu.enqueue_indirect_dma source(%dma_start3A_14 : memref<1000000x8xf32, #tpu.memory_space<hbm>>) target(%dma_start3A_9 : memref<128x8xf32, #tpu.memory_space<vmem>>) offsets(%dma_start3A_11 : memref<128xi32, #tpu.memory_space<vmem>>) semaphore(%arg16 : memref<!tpu.dma_semaphore, #tpu.memory_space<semaphore_mem>>)
    %dma_start3A_15 = arith.constant 128 : i32
    %dma_start3A_16 = arith.constant 0 : i32
    %dma_start3A_17 = tpu.memref_slice %arg11[%dma_start3A_15, %dma_start3A_16] : memref<4096x8xf32, #tpu.memory_space<vmem>> -> memref<128x8xf32, #tpu.memory_space<vmem>>
    %dma_start3A_18 = arith.constant 128 : i32
    %dma_start3A_19 = tpu.memref_slice %arg9[%dma_start3A_18] : memref<4096xi32, #tpu.memory_space<vmem>> -> memref<128xi32, #tpu.memory_space<vmem>>
    %dma_start3A_20 = arith.constant 0 : i32
    %dma_start3A_21 = arith.constant 0 : i32
    %dma_start3A_22 = tpu.memref_slice %arg3[%dma_start3A_20, %dma_start3A_21] : memref<1000000x8xf32, #tpu.memory_space<hbm>> -> memref<1000000x8xf32, #tpu.memory_space<hbm>>
    tpu.enqueue_indirect_dma source(%dma_start3A_22 : memref<1000000x8xf32, #tpu.memory_space<hbm>>) target(%dma_start3A_17 : memref<128x8xf32, #tpu.memory_space<vmem>>) offsets(%dma_start3A_19 : memref<128xi32, #tpu.memory_space<vmem>>) semaphore(%arg16 : memref<!tpu.dma_semaphore, #tpu.memory_space<semaphore_mem>>)
    %dma_start3A_23 = arith.constant 256 : i32
    %dma_start3A_24 = arith.constant 0 : i32
    %dma_start3A_25 = tpu.memref_slice %arg11[%dma_start3A_23, %dma_start3A_24] : memref<4096x8xf32, #tpu.memory_space<vmem>> -> memref<128x8xf32, #tpu.memory_space<vmem>>
    %dma_start3A_26 = arith.constant 256 : i32
    %dma_start3A_27 = tpu.memref_slice %arg9[%dma_start3A_26] : memref<4096xi32, #tpu.memory_space<vmem>> -> memref<128xi32, #tpu.memory_space<vmem>>
    %dma_start3A_28 = arith.constant 0 : i32
    %dma_start3A_29 = arith.constant 0 : i32
    %dma_start3A_30 = tpu.memref_slice %arg3[%dma_start3A_28, %dma_start3A_29] : memref<1000000x8xf32, #tpu.memory_space<hbm>> -> memref<1000000x8xf32, #tpu.memory_space<hbm>>
    tpu.enqueue_indirect_dma source(%dma_start3A_30 : memref<1000000x8xf32, #tpu.memory_space<hbm>>) target(%dma_start3A_25 : memref<128x8xf32, #tpu.memory_space<vmem>>) offsets(%dma_start3A_27 : memref<128xi32, #tpu.memory_space<vmem>>) semaphore(%arg16 : memref<!tpu.dma_semaphore, #tpu.memory_space<semaphore_mem>>)
    %dma_start3A_31 = arith.constant 384 : i32
    %dma_start3A_32 = arith.constant 0 : i32
    %dma_start3A_33 = tpu.memref_slice %arg11[%dma_start3A_31, %dma_start3A_32] : memref<4096x8xf32, #tpu.memory_space<vmem>> -> memref<128x8xf32, #tpu.memory_space<vmem>>
    %dma_start3A_34 = arith.constant 384 : i32
    %dma_start3A_35 = tpu.memref_slice %arg9[%dma_start3A_34] : memref<4096xi32, #tpu.memory_space<vmem>> -> memref<128xi32, #tpu.memory_space<vmem>>
    %dma_start3A_36 = arith.constant 0 : i32
    %dma_start3A_37 = arith.constant 0 : i32
    %dma_start3A_38 = tpu.memref_slice %arg3[%dma_start3A_36, %dma_start3A_37] : memref<1000000x8xf32, #tpu.memory_space<hbm>> -> memref<1000000x8xf32, #tpu.memory_space<hbm>>
    tpu.enqueue_indirect_dma source(%dma_start3A_38 : memref<1000000x8xf32, #tpu.memory_space<hbm>>) target(%dma_start3A_33 : memref<128x8xf32, #tpu.memory_space<vmem>>) offsets(%dma_start3A_35 : memref<128xi32, #tpu.memory_space<vmem>>) semaphore(%arg16 : memref<!tpu.dma_semaphore, #tpu.memory_space<semaphore_mem>>)
    %dma_start3A_39 = arith.constant 512 : i32
    %dma_start3A_40 = arith.constant 0 : i32
    %dma_start3A_41 = tpu.memref_slice %arg11[%dma_start3A_39, %dma_start3A_40] : memref<4096x8xf32, #tpu.memory_space<vmem>> -> memref<128x8xf32, #tpu.memory_space<vmem>>
    %dma_start3A_42 = arith.constant 512 : i32
    %dma_start3A_43 = tpu.memref_slice %arg9[%dma_start3A_42] : memref<4096xi32, #tpu.memory_space<vmem>> -> memref<128xi32, #tpu.memory_space<vmem>>
    %dma_start3A_44 = arith.constant 0 : i32
    %dma_start3A_45 = arith.constant 0 : i32
    %dma_start3A_46 = tpu.memref_slice %arg3[%dma_start3A_44, %dma_start3A_45] : memref<1000000x8xf32, #tpu.memory_space<hbm>> -> memref<1000000x8xf32, #tpu.memory_space<hbm>>
    tpu.enqueue_indirect_dma source(%dma_start3A_46 : memref<1000000x8xf32, #tpu.memory_space<hbm>>) target(%dma_start3A_41 : memref<128x8xf32, #tpu.memory_space<vmem>>) offsets(%dma_start3A_43 : memref<128xi32, #tpu.memory_space<vmem>>) semaphore(%arg16 : memref<!tpu.dma_semaphore, #tpu.memory_space<semaphore_mem>>)
    %dma_start3A_47 = arith.constant 640 : i32
    %dma_start3A_48 = arith.constant 0 : i32
    %dma_start3A_49 = tpu.memref_slice %arg11[%dma_start3A_47, %dma_start3A_48] : memref<4096x8xf32, #tpu.memory_space<vmem>> -> memref<128x8xf32, #tpu.memory_space<vmem>>
    %dma_start3A_50 = arith.constant 640 : i32
    %dma_start3A_51 = tpu.memref_slice %arg9[%dma_start3A_50] : memref<4096xi32, #tpu.memory_space<vmem>> -> memref<128xi32, #tpu.memory_space<vmem>>
    %dma_start3A_52 = arith.constant 0 : i32
    %dma_start3A_53 = arith.constant 0 : i32
    %dma_start3A_54 = tpu.memref_slice %arg3[%dma_start3A_52, %dma_start3A_53] : memref<1000000x8xf32, #tpu.memory_space<hbm>> -> memref<1000000x8xf32, #tpu.memory_space<hbm>>
    tpu.enqueue_indirect_dma source(%dma_start3A_54 : memref<1000000x8xf32, #tpu.memory_space<hbm>>) target(%dma_start3A_49 : memref<128x8xf32, #tpu.memory_space<vmem>>) offsets(%dma_start3A_51 : memref<128xi32, #tpu.memory_space<vmem>>) semaphore(%arg16 : memref<!tpu.dma_semaphore, #tpu.memory_space<semaphore_mem>>)
    %dma_start3A_55 = arith.constant 768 : i32
    %dma_start3A_56 = arith.constant 0 : i32
    %dma_start3A_57 = tpu.memref_slice %arg11[%dma_start3A_55, %dma_start3A_56] : memref<4096x8xf32, #tpu.memory_space<vmem>> -> memref<128x8xf32, #tpu.memory_space<vmem>>
    %dma_start3A_58 = arith.constant 768 : i32
    %dma_start3A_59 = tpu.memref_slice %arg9[%dma_start3A_58] : memref<4096xi32, #tpu.memory_space<vmem>> -> memref<128xi32, #tpu.memory_space<vmem>>
    %dma_start3A_60 = arith.constant 0 : i32
    %dma_start3A_61 = arith.constant 0 : i32
    %dma_start3A_62 = tpu.memref_slice %arg3[%dma_start3A_60, %dma_start3A_61] : memref<1000000x8xf32, #tpu.memory_space<hbm>> -> memref<1000000x8xf32, #tpu.memory_space<hbm>>
    tpu.enqueue_indirect_dma source(%dma_start3A_62 : memref<1000000x8xf32, #tpu.memory_space<hbm>>) target(%dma_start3A_57 : memref<128x8xf32, #tpu.memory_space<vmem>>) offsets(%dma_start3A_59 : memref<128xi32, #tpu.memory_space<vmem>>) semaphore(%arg16 : memref<!tpu.dma_semaphore, #tpu.memory_space<semaphore_mem>>)
    %dma_start3A_63 = arith.constant 896 : i32
    %dma_start3A_64 = arith.constant 0 : i32
    %dma_start3A_65 = tpu.memref_slice %arg11[%dma_start3A_63, %dma_start3A_64] : memref<4096x8xf32, #tpu.memory_space<vmem>> -> memref<128x8xf32, #tpu.memory_space<vmem>>
    %dma_start3A_66 = arith.constant 896 : i32
    %dma_start3A_67 = tpu.memref_slice %arg9[%dma_start3A_66] : memref<4096xi32, #tpu.memory_space<vmem>> -> memref<128xi32, #tpu.memory_space<vmem>>
    %dma_start3A_68 = arith.constant 0 : i32
    %dma_start3A_69 = arith.constant 0 : i32
    %dma_start3A_70 = tpu.memref_slice %arg3[%dma_start3A_68, %dma_start3A_69] : memref<1000000x8xf32, #tpu.memory_space<hbm>> -> memref<1000000x8xf32, #tpu.memory_space<hbm>>
    tpu.enqueue_indirect_dma source(%dma_start3A_70 : memref<1000000x8xf32, #tpu.memory_space<hbm>>) target(%dma_start3A_65 : memref<128x8xf32, #tpu.memory_space<vmem>>) offsets(%dma_start3A_67 : memref<128xi32, #tpu.memory_space<vmem>>) semaphore(%arg16 : memref<!tpu.dma_semaphore, #tpu.memory_space<semaphore_mem>>)
    %dma_start3A_71 = arith.constant 1024 : i32
    %dma_start3A_72 = arith.constant 0 : i32
    %dma_start3A_73 = tpu.memref_slice %arg11[%dma_start3A_71, %dma_start3A_72] : memref<4096x8xf32, #tpu.memory_space<vmem>> -> memref<128x8xf32, #tpu.memory_space<vmem>>
    %dma_start3A_74 = arith.constant 1024 : i32
    %dma_start3A_75 = tpu.memref_slice %arg9[%dma_start3A_74] : memref<4096xi32, #tpu.memory_space<vmem>> -> memref<128xi32, #tpu.memory_space<vmem>>
    %dma_start3A_76 = arith.constant 0 : i32
    %dma_start3A_77 = arith.constant 0 : i32
    %dma_start3A_78 = tpu.memref_slice %arg3[%dma_start3A_76, %dma_start3A_77] : memref<1000000x8xf32, #tpu.memory_space<hbm>> -> memref<1000000x8xf32, #tpu.memory_space<hbm>>
    tpu.enqueue_indirect_dma source(%dma_start3A_78 : memref<1000000x8xf32, #tpu.memory_space<hbm>>) target(%dma_start3A_73 : memref<128x8xf32, #tpu.memory_space<vmem>>) offsets(%dma_start3A_75 : memref<128xi32, #tpu.memory_space<vmem>>) semaphore(%arg16 : memref<!tpu.dma_semaphore, #tpu.memory_space<semaphore_mem>>)
    %dma_start3A_79 = arith.constant 1152 : i32
    %dma_start3A_80 = arith.constant 0 : i32
    %dma_start3A_81 = tpu.memref_slice %arg11[%dma_start3A_79, %dma_start3A_80] : memref<4096x8xf32, #tpu.memory_space<vmem>> -> memref<128x8xf32, #tpu.memory_space<vmem>>
    %dma_start3A_82 = arith.constant 1152 : i32
    %dma_start3A_83 = tpu.memref_slice %arg9[%dma_start3A_82] : memref<4096xi32, #tpu.memory_space<vmem>> -> memref<128xi32, #tpu.memory_space<vmem>>
    %dma_start3A_84 = arith.constant 0 : i32
    %dma_start3A_85 = arith.constant 0 : i32
    %dma_start3A_86 = tpu.memref_slice %arg3[%dma_start3A_84, %dma_start3A_85] : memref<1000000x8xf32, #tpu.memory_space<hbm>> -> memref<1000000x8xf32, #tpu.memory_space<hbm>>
    tpu.enqueue_indirect_dma source(%dma_start3A_86 : memref<1000000x8xf32, #tpu.memory_space<hbm>>) target(%dma_start3A_81 : memref<128x8xf32, #tpu.memory_space<vmem>>) offsets(%dma_start3A_83 : memref<128xi32, #tpu.memory_space<vmem>>) semaphore(%arg16 : memref<!tpu.dma_semaphore, #tpu.memory_space<semaphore_mem>>)
    %dma_start3A_87 = arith.constant 1280 : i32
    %dma_start3A_88 = arith.constant 0 : i32
    %dma_start3A_89 = tpu.memref_slice %arg11[%dma_start3A_87, %dma_start3A_88] : memref<4096x8xf32, #tpu.memory_space<vmem>> -> memref<128x8xf32, #tpu.memory_space<vmem>>
    %dma_start3A_90 = arith.constant 1280 : i32
    %dma_start3A_91 = tpu.memref_slice %arg9[%dma_start3A_90] : memref<4096xi32, #tpu.memory_space<vmem>> -> memref<128xi32, #tpu.memory_space<vmem>>
    %dma_start3A_92 = arith.constant 0 : i32
    %dma_start3A_93 = arith.constant 0 : i32
    %dma_start3A_94 = tpu.memref_slice %arg3[%dma_start3A_92, %dma_start3A_93] : memref<1000000x8xf32, #tpu.memory_space<hbm>> -> memref<1000000x8xf32, #tpu.memory_space<hbm>>
    tpu.enqueue_indirect_dma source(%dma_start3A_94 : memref<1000000x8xf32, #tpu.memory_space<hbm>>) target(%dma_start3A_89 : memref<128x8xf32, #tpu.memory_space<vmem>>) offsets(%dma_start3A_91 : memref<128xi32, #tpu.memory_space<vmem>>) semaphore(%arg16 : memref<!tpu.dma_semaphore, #tpu.memory_space<semaphore_mem>>)
    %dma_start3A_95 = arith.constant 1408 : i32
    %dma_start3A_96 = arith.constant 0 : i32
    %dma_start3A_97 = tpu.memref_slice %arg11[%dma_start3A_95, %dma_start3A_96] : memref<4096x8xf32, #tpu.memory_space<vmem>> -> memref<128x8xf32, #tpu.memory_space<vmem>>
    %dma_start3A_98 = arith.constant 1408 : i32
    %dma_start3A_99 = tpu.memref_slice %arg9[%dma_start3A_98] : memref<4096xi32, #tpu.memory_space<vmem>> -> memref<128xi32, #tpu.memory_space<vmem>>
    %dma_start3A_100 = arith.constant 0 : i32
    %dma_start3A_101 = arith.constant 0 : i32
    %dma_start3A_102 = tpu.memref_slice %arg3[%dma_start3A_100, %dma_start3A_101] : memref<1000000x8xf32, #tpu.memory_space<hbm>> -> memref<1000000x8xf32, #tpu.memory_space<hbm>>
    tpu.enqueue_indirect_dma source(%dma_start3A_102 : memref<1000000x8xf32, #tpu.memory_space<hbm>>) target(%dma_start3A_97 : memref<128x8xf32, #tpu.memory_space<vmem>>) offsets(%dma_start3A_99 : memref<128xi32, #tpu.memory_space<vmem>>) semaphore(%arg16 : memref<!tpu.dma_semaphore, #tpu.memory_space<semaphore_mem>>)
    %dma_start3A_103 = arith.constant 1536 : i32
    %dma_start3A_104 = arith.constant 0 : i32
    %dma_start3A_105 = tpu.memref_slice %arg11[%dma_start3A_103, %dma_start3A_104] : memref<4096x8xf32, #tpu.memory_space<vmem>> -> memref<128x8xf32, #tpu.memory_space<vmem>>
    %dma_start3A_106 = arith.constant 1536 : i32
    %dma_start3A_107 = tpu.memref_slice %arg9[%dma_start3A_106] : memref<4096xi32, #tpu.memory_space<vmem>> -> memref<128xi32, #tpu.memory_space<vmem>>
    %dma_start3A_108 = arith.constant 0 : i32
    %dma_start3A_109 = arith.constant 0 : i32
    %dma_start3A_110 = tpu.memref_slice %arg3[%dma_start3A_108, %dma_start3A_109] : memref<1000000x8xf32, #tpu.memory_space<hbm>> -> memref<1000000x8xf32, #tpu.memory_space<hbm>>
    tpu.enqueue_indirect_dma source(%dma_start3A_110 : memref<1000000x8xf32, #tpu.memory_space<hbm>>) target(%dma_start3A_105 : memref<128x8xf32, #tpu.memory_space<vmem>>) offsets(%dma_start3A_107 : memref<128xi32, #tpu.memory_space<vmem>>) semaphore(%arg16 : memref<!tpu.dma_semaphore, #tpu.memory_space<semaphore_mem>>)
    %dma_start3A_111 = arith.constant 1664 : i32
    %dma_start3A_112 = arith.constant 0 : i32
    %dma_start3A_113 = tpu.memref_slice %arg11[%dma_start3A_111, %dma_start3A_112] : memref<4096x8xf32, #tpu.memory_space<vmem>> -> memref<128x8xf32, #tpu.memory_space<vmem>>
    %dma_start3A_114 = arith.constant 1664 : i32
    %dma_start3A_115 = tpu.memref_slice %arg9[%dma_start3A_114] : memref<4096xi32, #tpu.memory_space<vmem>> -> memref<128xi32, #tpu.memory_space<vmem>>
    %dma_start3A_116 = arith.constant 0 : i32
    %dma_start3A_117 = arith.constant 0 : i32
    %dma_start3A_118 = tpu.memref_slice %arg3[%dma_start3A_116, %dma_start3A_117] : memref<1000000x8xf32, #tpu.memory_space<hbm>> -> memref<1000000x8xf32, #tpu.memory_space<hbm>>
    tpu.enqueue_indirect_dma source(%dma_start3A_118 : memref<1000000x8xf32, #tpu.memory_space<hbm>>) target(%dma_start3A_113 : memref<128x8xf32, #tpu.memory_space<vmem>>) offsets(%dma_start3A_115 : memref<128xi32, #tpu.memory_space<vmem>>) semaphore(%arg16 : memref<!tpu.dma_semaphore, #tpu.memory_space<semaphore_mem>>)
    %dma_start3A_119 = arith.constant 1792 : i32
    %dma_start3A_120 = arith.constant 0 : i32
    %dma_start3A_121 = tpu.memref_slice %arg11[%dma_start3A_119, %dma_start3A_120] : memref<4096x8xf32, #tpu.memory_space<vmem>> -> memref<128x8xf32, #tpu.memory_space<vmem>>
    %dma_start3A_122 = arith.constant 1792 : i32
    %dma_start3A_123 = tpu.memref_slice %arg9[%dma_start3A_122] : memref<4096xi32, #tpu.memory_space<vmem>> -> memref<128xi32, #tpu.memory_space<vmem>>
    %dma_start3A_124 = arith.constant 0 : i32
    %dma_start3A_125 = arith.constant 0 : i32
    %dma_start3A_126 = tpu.memref_slice %arg3[%dma_start3A_124, %dma_start3A_125] : memref<1000000x8xf32, #tpu.memory_space<hbm>> -> memref<1000000x8xf32, #tpu.memory_space<hbm>>
    tpu.enqueue_indirect_dma source(%dma_start3A_126 : memref<1000000x8xf32, #tpu.memory_space<hbm>>) target(%dma_start3A_121 : memref<128x8xf32, #tpu.memory_space<vmem>>) offsets(%dma_start3A_123 : memref<128xi32, #tpu.memory_space<vmem>>) semaphore(%arg16 : memref<!tpu.dma_semaphore, #tpu.memory_space<semaphore_mem>>)
    %dma_start3A_127 = arith.constant 1920 : i32
    %dma_start3A_128 = arith.constant 0 : i32
    %dma_start3A_129 = tpu.memref_slice %arg11[%dma_start3A_127, %dma_start3A_128] : memref<4096x8xf32, #tpu.memory_space<vmem>> -> memref<128x8xf32, #tpu.memory_space<vmem>>
    %dma_start3A_130 = arith.constant 1920 : i32
    %dma_start3A_131 = tpu.memref_slice %arg9[%dma_start3A_130] : memref<4096xi32, #tpu.memory_space<vmem>> -> memref<128xi32, #tpu.memory_space<vmem>>
    %dma_start3A_132 = arith.constant 0 : i32
    %dma_start3A_133 = arith.constant 0 : i32
    %dma_start3A_134 = tpu.memref_slice %arg3[%dma_start3A_132, %dma_start3A_133] : memref<1000000x8xf32, #tpu.memory_space<hbm>> -> memref<1000000x8xf32, #tpu.memory_space<hbm>>
    tpu.enqueue_indirect_dma source(%dma_start3A_134 : memref<1000000x8xf32, #tpu.memory_space<hbm>>) target(%dma_start3A_129 : memref<128x8xf32, #tpu.memory_space<vmem>>) offsets(%dma_start3A_131 : memref<128xi32, #tpu.memory_space<vmem>>) semaphore(%arg16 : memref<!tpu.dma_semaphore, #tpu.memory_space<semaphore_mem>>)
    %dma_start3A_135 = arith.constant 2048 : i32
    %dma_start3A_136 = arith.constant 0 : i32
    %dma_start3A_137 = tpu.memref_slice %arg11[%dma_start3A_135, %dma_start3A_136] : memref<4096x8xf32, #tpu.memory_space<vmem>> -> memref<128x8xf32, #tpu.memory_space<vmem>>
    %dma_start3A_138 = arith.constant 2048 : i32
    %dma_start3A_139 = tpu.memref_slice %arg9[%dma_start3A_138] : memref<4096xi32, #tpu.memory_space<vmem>> -> memref<128xi32, #tpu.memory_space<vmem>>
    %dma_start3A_140 = arith.constant 0 : i32
    %dma_start3A_141 = arith.constant 0 : i32
    %dma_start3A_142 = tpu.memref_slice %arg3[%dma_start3A_140, %dma_start3A_141] : memref<1000000x8xf32, #tpu.memory_space<hbm>> -> memref<1000000x8xf32, #tpu.memory_space<hbm>>
    tpu.enqueue_indirect_dma source(%dma_start3A_142 : memref<1000000x8xf32, #tpu.memory_space<hbm>>) target(%dma_start3A_137 : memref<128x8xf32, #tpu.memory_space<vmem>>) offsets(%dma_start3A_139 : memref<128xi32, #tpu.memory_space<vmem>>) semaphore(%arg16 : memref<!tpu.dma_semaphore, #tpu.memory_space<semaphore_mem>>)
    %dma_start3A_143 = arith.constant 2176 : i32
    %dma_start3A_144 = arith.constant 0 : i32
    %dma_start3A_145 = tpu.memref_slice %arg11[%dma_start3A_143, %dma_start3A_144] : memref<4096x8xf32, #tpu.memory_space<vmem>> -> memref<128x8xf32, #tpu.memory_space<vmem>>
    %dma_start3A_146 = arith.constant 2176 : i32
    %dma_start3A_147 = tpu.memref_slice %arg9[%dma_start3A_146] : memref<4096xi32, #tpu.memory_space<vmem>> -> memref<128xi32, #tpu.memory_space<vmem>>
    %dma_start3A_148 = arith.constant 0 : i32
    %dma_start3A_149 = arith.constant 0 : i32
    %dma_start3A_150 = tpu.memref_slice %arg3[%dma_start3A_148, %dma_start3A_149] : memref<1000000x8xf32, #tpu.memory_space<hbm>> -> memref<1000000x8xf32, #tpu.memory_space<hbm>>
    tpu.enqueue_indirect_dma source(%dma_start3A_150 : memref<1000000x8xf32, #tpu.memory_space<hbm>>) target(%dma_start3A_145 : memref<128x8xf32, #tpu.memory_space<vmem>>) offsets(%dma_start3A_147 : memref<128xi32, #tpu.memory_space<vmem>>) semaphore(%arg16 : memref<!tpu.dma_semaphore, #tpu.memory_space<semaphore_mem>>)
    %dma_start3A_151 = arith.constant 2304 : i32
    %dma_start3A_152 = arith.constant 0 : i32
    %dma_start3A_153 = tpu.memref_slice %arg11[%dma_start3A_151, %dma_start3A_152] : memref<4096x8xf32, #tpu.memory_space<vmem>> -> memref<128x8xf32, #tpu.memory_space<vmem>>
    %dma_start3A_154 = arith.constant 2304 : i32
    %dma_start3A_155 = tpu.memref_slice %arg9[%dma_start3A_154] : memref<4096xi32, #tpu.memory_space<vmem>> -> memref<128xi32, #tpu.memory_space<vmem>>
    %dma_start3A_156 = arith.constant 0 : i32
    %dma_start3A_157 = arith.constant 0 : i32
    %dma_start3A_158 = tpu.memref_slice %arg3[%dma_start3A_156, %dma_start3A_157] : memref<1000000x8xf32, #tpu.memory_space<hbm>> -> memref<1000000x8xf32, #tpu.memory_space<hbm>>
    tpu.enqueue_indirect_dma source(%dma_start3A_158 : memref<1000000x8xf32, #tpu.memory_space<hbm>>) target(%dma_start3A_153 : memref<128x8xf32, #tpu.memory_space<vmem>>) offsets(%dma_start3A_155 : memref<128xi32, #tpu.memory_space<vmem>>) semaphore(%arg16 : memref<!tpu.dma_semaphore, #tpu.memory_space<semaphore_mem>>)
    %dma_start3A_159 = arith.constant 2432 : i32
    %dma_start3A_160 = arith.constant 0 : i32
    %dma_start3A_161 = tpu.memref_slice %arg11[%dma_start3A_159, %dma_start3A_160] : memref<4096x8xf32, #tpu.memory_space<vmem>> -> memref<128x8xf32, #tpu.memory_space<vmem>>
    %dma_start3A_162 = arith.constant 2432 : i32
    %dma_start3A_163 = tpu.memref_slice %arg9[%dma_start3A_162] : memref<4096xi32, #tpu.memory_space<vmem>> -> memref<128xi32, #tpu.memory_space<vmem>>
    %dma_start3A_164 = arith.constant 0 : i32
    %dma_start3A_165 = arith.constant 0 : i32
    %dma_start3A_166 = tpu.memref_slice %arg3[%dma_start3A_164, %dma_start3A_165] : memref<1000000x8xf32, #tpu.memory_space<hbm>> -> memref<1000000x8xf32, #tpu.memory_space<hbm>>
    tpu.enqueue_indirect_dma source(%dma_start3A_166 : memref<1000000x8xf32, #tpu.memory_space<hbm>>) target(%dma_start3A_161 : memref<128x8xf32, #tpu.memory_space<vmem>>) offsets(%dma_start3A_163 : memref<128xi32, #tpu.memory_space<vmem>>) semaphore(%arg16 : memref<!tpu.dma_semaphore, #tpu.memory_space<semaphore_mem>>)
    %dma_start3A_167 = arith.constant 2560 : i32
    %dma_start3A_168 = arith.constant 0 : i32
    %dma_start3A_169 = tpu.memref_slice %arg11[%dma_start3A_167, %dma_start3A_168] : memref<4096x8xf32, #tpu.memory_space<vmem>> -> memref<128x8xf32, #tpu.memory_space<vmem>>
    %dma_start3A_170 = arith.constant 2560 : i32
    %dma_start3A_171 = tpu.memref_slice %arg9[%dma_start3A_170] : memref<4096xi32, #tpu.memory_space<vmem>> -> memref<128xi32, #tpu.memory_space<vmem>>
    %dma_start3A_172 = arith.constant 0 : i32
    %dma_start3A_173 = arith.constant 0 : i32
    %dma_start3A_174 = tpu.memref_slice %arg3[%dma_start3A_172, %dma_start3A_173] : memref<1000000x8xf32, #tpu.memory_space<hbm>> -> memref<1000000x8xf32, #tpu.memory_space<hbm>>
    tpu.enqueue_indirect_dma source(%dma_start3A_174 : memref<1000000x8xf32, #tpu.memory_space<hbm>>) target(%dma_start3A_169 : memref<128x8xf32, #tpu.memory_space<vmem>>) offsets(%dma_start3A_171 : memref<128xi32, #tpu.memory_space<vmem>>) semaphore(%arg16 : memref<!tpu.dma_semaphore, #tpu.memory_space<semaphore_mem>>)
    %dma_start3A_175 = arith.constant 2688 : i32
    %dma_start3A_176 = arith.constant 0 : i32
    %dma_start3A_177 = tpu.memref_slice %arg11[%dma_start3A_175, %dma_start3A_176] : memref<4096x8xf32, #tpu.memory_space<vmem>> -> memref<128x8xf32, #tpu.memory_space<vmem>>
    %dma_start3A_178 = arith.constant 2688 : i32
    %dma_start3A_179 = tpu.memref_slice %arg9[%dma_start3A_178] : memref<4096xi32, #tpu.memory_space<vmem>> -> memref<128xi32, #tpu.memory_space<vmem>>
    %dma_start3A_180 = arith.constant 0 : i32
    %dma_start3A_181 = arith.constant 0 : i32
    %dma_start3A_182 = tpu.memref_slice %arg3[%dma_start3A_180, %dma_start3A_181] : memref<1000000x8xf32, #tpu.memory_space<hbm>> -> memref<1000000x8xf32, #tpu.memory_space<hbm>>
    tpu.enqueue_indirect_dma source(%dma_start3A_182 : memref<1000000x8xf32, #tpu.memory_space<hbm>>) target(%dma_start3A_177 : memref<128x8xf32, #tpu.memory_space<vmem>>) offsets(%dma_start3A_179 : memref<128xi32, #tpu.memory_space<vmem>>) semaphore(%arg16 : memref<!tpu.dma_semaphore, #tpu.memory_space<semaphore_mem>>)
    %dma_start3A_183 = arith.constant 2816 : i32
    %dma_start3A_184 = arith.constant 0 : i32
    %dma_start3A_185 = tpu.memref_slice %arg11[%dma_start3A_183, %dma_start3A_184] : memref<4096x8xf32, #tpu.memory_space<vmem>> -> memref<128x8xf32, #tpu.memory_space<vmem>>
    %dma_start3A_186 = arith.constant 2816 : i32
    %dma_start3A_187 = tpu.memref_slice %arg9[%dma_start3A_186] : memref<4096xi32, #tpu.memory_space<vmem>> -> memref<128xi32, #tpu.memory_space<vmem>>
    %dma_start3A_188 = arith.constant 0 : i32
    %dma_start3A_189 = arith.constant 0 : i32
    %dma_start3A_190 = tpu.memref_slice %arg3[%dma_start3A_188, %dma_start3A_189] : memref<1000000x8xf32, #tpu.memory_space<hbm>> -> memref<1000000x8xf32, #tpu.memory_space<hbm>>
    tpu.enqueue_indirect_dma source(%dma_start3A_190 : memref<1000000x8xf32, #tpu.memory_space<hbm>>) target(%dma_start3A_185 : memref<128x8xf32, #tpu.memory_space<vmem>>) offsets(%dma_start3A_187 : memref<128xi32, #tpu.memory_space<vmem>>) semaphore(%arg16 : memref<!tpu.dma_semaphore, #tpu.memory_space<semaphore_mem>>)
    %dma_start3A_191 = arith.constant 2944 : i32
    %dma_start3A_192 = arith.constant 0 : i32
    %dma_start3A_193 = tpu.memref_slice %arg11[%dma_start3A_191, %dma_start3A_192] : memref<4096x8xf32, #tpu.memory_space<vmem>> -> memref<128x8xf32, #tpu.memory_space<vmem>>
    %dma_start3A_194 = arith.constant 2944 : i32
    %dma_start3A_195 = tpu.memref_slice %arg9[%dma_start3A_194] : memref<4096xi32, #tpu.memory_space<vmem>> -> memref<128xi32, #tpu.memory_space<vmem>>
    %dma_start3A_196 = arith.constant 0 : i32
    %dma_start3A_197 = arith.constant 0 : i32
    %dma_start3A_198 = tpu.memref_slice %arg3[%dma_start3A_196, %dma_start3A_197] : memref<1000000x8xf32, #tpu.memory_space<hbm>> -> memref<1000000x8xf32, #tpu.memory_space<hbm>>
    tpu.enqueue_indirect_dma source(%dma_start3A_198 : memref<1000000x8xf32, #tpu.memory_space<hbm>>) target(%dma_start3A_193 : memref<128x8xf32, #tpu.memory_space<vmem>>) offsets(%dma_start3A_195 : memref<128xi32, #tpu.memory_space<vmem>>) semaphore(%arg16 : memref<!tpu.dma_semaphore, #tpu.memory_space<semaphore_mem>>)
    %dma_start3A_199 = arith.constant 3072 : i32
    %dma_start3A_200 = arith.constant 0 : i32
    %dma_start3A_201 = tpu.memref_slice %arg11[%dma_start3A_199, %dma_start3A_200] : memref<4096x8xf32, #tpu.memory_space<vmem>> -> memref<128x8xf32, #tpu.memory_space<vmem>>
    %dma_start3A_202 = arith.constant 3072 : i32
    %dma_start3A_203 = tpu.memref_slice %arg9[%dma_start3A_202] : memref<4096xi32, #tpu.memory_space<vmem>> -> memref<128xi32, #tpu.memory_space<vmem>>
    %dma_start3A_204 = arith.constant 0 : i32
    %dma_start3A_205 = arith.constant 0 : i32
    %dma_start3A_206 = tpu.memref_slice %arg3[%dma_start3A_204, %dma_start3A_205] : memref<1000000x8xf32, #tpu.memory_space<hbm>> -> memref<1000000x8xf32, #tpu.memory_space<hbm>>
    tpu.enqueue_indirect_dma source(%dma_start3A_206 : memref<1000000x8xf32, #tpu.memory_space<hbm>>) target(%dma_start3A_201 : memref<128x8xf32, #tpu.memory_space<vmem>>) offsets(%dma_start3A_203 : memref<128xi32, #tpu.memory_space<vmem>>) semaphore(%arg16 : memref<!tpu.dma_semaphore, #tpu.memory_space<semaphore_mem>>)
    %dma_start3A_207 = arith.constant 3200 : i32
    %dma_start3A_208 = arith.constant 0 : i32
    %dma_start3A_209 = tpu.memref_slice %arg11[%dma_start3A_207, %dma_start3A_208] : memref<4096x8xf32, #tpu.memory_space<vmem>> -> memref<128x8xf32, #tpu.memory_space<vmem>>
    %dma_start3A_210 = arith.constant 3200 : i32
    %dma_start3A_211 = tpu.memref_slice %arg9[%dma_start3A_210] : memref<4096xi32, #tpu.memory_space<vmem>> -> memref<128xi32, #tpu.memory_space<vmem>>
    %dma_start3A_212 = arith.constant 0 : i32
    %dma_start3A_213 = arith.constant 0 : i32
    %dma_start3A_214 = tpu.memref_slice %arg3[%dma_start3A_212, %dma_start3A_213] : memref<1000000x8xf32, #tpu.memory_space<hbm>> -> memref<1000000x8xf32, #tpu.memory_space<hbm>>
    tpu.enqueue_indirect_dma source(%dma_start3A_214 : memref<1000000x8xf32, #tpu.memory_space<hbm>>) target(%dma_start3A_209 : memref<128x8xf32, #tpu.memory_space<vmem>>) offsets(%dma_start3A_211 : memref<128xi32, #tpu.memory_space<vmem>>) semaphore(%arg16 : memref<!tpu.dma_semaphore, #tpu.memory_space<semaphore_mem>>)
    %dma_start3A_215 = arith.constant 3328 : i32
    %dma_start3A_216 = arith.constant 0 : i32
    %dma_start3A_217 = tpu.memref_slice %arg11[%dma_start3A_215, %dma_start3A_216] : memref<4096x8xf32, #tpu.memory_space<vmem>> -> memref<128x8xf32, #tpu.memory_space<vmem>>
    %dma_start3A_218 = arith.constant 3328 : i32
    %dma_start3A_219 = tpu.memref_slice %arg9[%dma_start3A_218] : memref<4096xi32, #tpu.memory_space<vmem>> -> memref<128xi32, #tpu.memory_space<vmem>>
    %dma_start3A_220 = arith.constant 0 : i32
    %dma_start3A_221 = arith.constant 0 : i32
    %dma_start3A_222 = tpu.memref_slice %arg3[%dma_start3A_220, %dma_start3A_221] : memref<1000000x8xf32, #tpu.memory_space<hbm>> -> memref<1000000x8xf32, #tpu.memory_space<hbm>>
    tpu.enqueue_indirect_dma source(%dma_start3A_222 : memref<1000000x8xf32, #tpu.memory_space<hbm>>) target(%dma_start3A_217 : memref<128x8xf32, #tpu.memory_space<vmem>>) offsets(%dma_start3A_219 : memref<128xi32, #tpu.memory_space<vmem>>) semaphore(%arg16 : memref<!tpu.dma_semaphore, #tpu.memory_space<semaphore_mem>>)
    %dma_start3A_223 = arith.constant 3456 : i32
    %dma_start3A_224 = arith.constant 0 : i32
    %dma_start3A_225 = tpu.memref_slice %arg11[%dma_start3A_223, %dma_start3A_224] : memref<4096x8xf32, #tpu.memory_space<vmem>> -> memref<128x8xf32, #tpu.memory_space<vmem>>
    %dma_start3A_226 = arith.constant 3456 : i32
    %dma_start3A_227 = tpu.memref_slice %arg9[%dma_start3A_226] : memref<4096xi32, #tpu.memory_space<vmem>> -> memref<128xi32, #tpu.memory_space<vmem>>
    %dma_start3A_228 = arith.constant 0 : i32
    %dma_start3A_229 = arith.constant 0 : i32
    %dma_start3A_230 = tpu.memref_slice %arg3[%dma_start3A_228, %dma_start3A_229] : memref<1000000x8xf32, #tpu.memory_space<hbm>> -> memref<1000000x8xf32, #tpu.memory_space<hbm>>
    tpu.enqueue_indirect_dma source(%dma_start3A_230 : memref<1000000x8xf32, #tpu.memory_space<hbm>>) target(%dma_start3A_225 : memref<128x8xf32, #tpu.memory_space<vmem>>) offsets(%dma_start3A_227 : memref<128xi32, #tpu.memory_space<vmem>>) semaphore(%arg16 : memref<!tpu.dma_semaphore, #tpu.memory_space<semaphore_mem>>)
    %dma_start3A_231 = arith.constant 3584 : i32
    %dma_start3A_232 = arith.constant 0 : i32
    %dma_start3A_233 = tpu.memref_slice %arg11[%dma_start3A_231, %dma_start3A_232] : memref<4096x8xf32, #tpu.memory_space<vmem>> -> memref<128x8xf32, #tpu.memory_space<vmem>>
    %dma_start3A_234 = arith.constant 3584 : i32
    %dma_start3A_235 = tpu.memref_slice %arg9[%dma_start3A_234] : memref<4096xi32, #tpu.memory_space<vmem>> -> memref<128xi32, #tpu.memory_space<vmem>>
    %dma_start3A_236 = arith.constant 0 : i32
    %dma_start3A_237 = arith.constant 0 : i32
    %dma_start3A_238 = tpu.memref_slice %arg3[%dma_start3A_236, %dma_start3A_237] : memref<1000000x8xf32, #tpu.memory_space<hbm>> -> memref<1000000x8xf32, #tpu.memory_space<hbm>>
    tpu.enqueue_indirect_dma source(%dma_start3A_238 : memref<1000000x8xf32, #tpu.memory_space<hbm>>) target(%dma_start3A_233 : memref<128x8xf32, #tpu.memory_space<vmem>>) offsets(%dma_start3A_235 : memref<128xi32, #tpu.memory_space<vmem>>) semaphore(%arg16 : memref<!tpu.dma_semaphore, #tpu.memory_space<semaphore_mem>>)
    %dma_start3A_239 = arith.constant 3712 : i32
    %dma_start3A_240 = arith.constant 0 : i32
    %dma_start3A_241 = tpu.memref_slice %arg11[%dma_start3A_239, %dma_start3A_240] : memref<4096x8xf32, #tpu.memory_space<vmem>> -> memref<128x8xf32, #tpu.memory_space<vmem>>
    %dma_start3A_242 = arith.constant 3712 : i32
    %dma_start3A_243 = tpu.memref_slice %arg9[%dma_start3A_242] : memref<4096xi32, #tpu.memory_space<vmem>> -> memref<128xi32, #tpu.memory_space<vmem>>
    %dma_start3A_244 = arith.constant 0 : i32
    %dma_start3A_245 = arith.constant 0 : i32
    %dma_start3A_246 = tpu.memref_slice %arg3[%dma_start3A_244, %dma_start3A_245] : memref<1000000x8xf32, #tpu.memory_space<hbm>> -> memref<1000000x8xf32, #tpu.memory_space<hbm>>
    tpu.enqueue_indirect_dma source(%dma_start3A_246 : memref<1000000x8xf32, #tpu.memory_space<hbm>>) target(%dma_start3A_241 : memref<128x8xf32, #tpu.memory_space<vmem>>) offsets(%dma_start3A_243 : memref<128xi32, #tpu.memory_space<vmem>>) semaphore(%arg16 : memref<!tpu.dma_semaphore, #tpu.memory_space<semaphore_mem>>)
    %dma_start3A_247 = arith.constant 3840 : i32
    %dma_start3A_248 = arith.constant 0 : i32
    %dma_start3A_249 = tpu.memref_slice %arg11[%dma_start3A_247, %dma_start3A_248] : memref<4096x8xf32, #tpu.memory_space<vmem>> -> memref<128x8xf32, #tpu.memory_space<vmem>>
    %dma_start3A_250 = arith.constant 3840 : i32
    %dma_start3A_251 = tpu.memref_slice %arg9[%dma_start3A_250] : memref<4096xi32, #tpu.memory_space<vmem>> -> memref<128xi32, #tpu.memory_space<vmem>>
    %dma_start3A_252 = arith.constant 0 : i32
    %dma_start3A_253 = arith.constant 0 : i32
    %dma_start3A_254 = tpu.memref_slice %arg3[%dma_start3A_252, %dma_start3A_253] : memref<1000000x8xf32, #tpu.memory_space<hbm>> -> memref<1000000x8xf32, #tpu.memory_space<hbm>>
    tpu.enqueue_indirect_dma source(%dma_start3A_254 : memref<1000000x8xf32, #tpu.memory_space<hbm>>) target(%dma_start3A_249 : memref<128x8xf32, #tpu.memory_space<vmem>>) offsets(%dma_start3A_251 : memref<128xi32, #tpu.memory_space<vmem>>) semaphore(%arg16 : memref<!tpu.dma_semaphore, #tpu.memory_space<semaphore_mem>>)
    %dma_start3A_255 = arith.constant 3968 : i32
    %dma_start3A_256 = arith.constant 0 : i32
    %dma_start3A_257 = tpu.memref_slice %arg11[%dma_start3A_255, %dma_start3A_256] : memref<4096x8xf32, #tpu.memory_space<vmem>> -> memref<128x8xf32, #tpu.memory_space<vmem>>
    %dma_start3A_258 = arith.constant 3968 : i32
    %dma_start3A_259 = tpu.memref_slice %arg9[%dma_start3A_258] : memref<4096xi32, #tpu.memory_space<vmem>> -> memref<128xi32, #tpu.memory_space<vmem>>
    %dma_start3A_260 = arith.constant 0 : i32
    %dma_start3A_261 = arith.constant 0 : i32
    %dma_start3A_262 = tpu.memref_slice %arg3[%dma_start3A_260, %dma_start3A_261] : memref<1000000x8xf32, #tpu.memory_space<hbm>> -> memref<1000000x8xf32, #tpu.memory_space<hbm>>
    tpu.enqueue_indirect_dma source(%dma_start3A_262 : memref<1000000x8xf32, #tpu.memory_space<hbm>>) target(%dma_start3A_257 : memref<128x8xf32, #tpu.memory_space<vmem>>) offsets(%dma_start3A_259 : memref<128xi32, #tpu.memory_space<vmem>>) semaphore(%arg16 : memref<!tpu.dma_semaphore, #tpu.memory_space<semaphore_mem>>)
    %dma_start3A_263 = arith.constant 0 : i32
    %dma_start3A_264 = arith.constant 0 : i32
    %dma_start3A_265 = tpu.memref_slice %arg12[%dma_start3A_263, %dma_start3A_264] : memref<512x8xf32, #tpu.memory_space<vmem>> -> memref<128x8xf32, #tpu.memory_space<vmem>>
    %dma_start3A_266 = arith.constant 0 : i32
    %dma_start3A_267 = tpu.memref_slice %arg10[%dma_start3A_266] : memref<512xi32, #tpu.memory_space<vmem>> -> memref<128xi32, #tpu.memory_space<vmem>>
    %dma_start3A_268 = arith.constant 0 : i32
    %dma_start3A_269 = arith.constant 0 : i32
    %dma_start3A_270 = tpu.memref_slice %arg4[%dma_start3A_268, %dma_start3A_269] : memref<125000x8xf32, #tpu.memory_space<hbm>> -> memref<125000x8xf32, #tpu.memory_space<hbm>>
    tpu.enqueue_indirect_dma source(%dma_start3A_270 : memref<125000x8xf32, #tpu.memory_space<hbm>>) target(%dma_start3A_265 : memref<128x8xf32, #tpu.memory_space<vmem>>) offsets(%dma_start3A_267 : memref<128xi32, #tpu.memory_space<vmem>>) semaphore(%arg16 : memref<!tpu.dma_semaphore, #tpu.memory_space<semaphore_mem>>)
    %dma_start3A_271 = arith.constant 128 : i32
    %dma_start3A_272 = arith.constant 0 : i32
    %dma_start3A_273 = tpu.memref_slice %arg12[%dma_start3A_271, %dma_start3A_272] : memref<512x8xf32, #tpu.memory_space<vmem>> -> memref<128x8xf32, #tpu.memory_space<vmem>>
    %dma_start3A_274 = arith.constant 128 : i32
    %dma_start3A_275 = tpu.memref_slice %arg10[%dma_start3A_274] : memref<512xi32, #tpu.memory_space<vmem>> -> memref<128xi32, #tpu.memory_space<vmem>>
    %dma_start3A_276 = arith.constant 0 : i32
    %dma_start3A_277 = arith.constant 0 : i32
    %dma_start3A_278 = tpu.memref_slice %arg4[%dma_start3A_276, %dma_start3A_277] : memref<125000x8xf32, #tpu.memory_space<hbm>> -> memref<125000x8xf32, #tpu.memory_space<hbm>>
    tpu.enqueue_indirect_dma source(%dma_start3A_278 : memref<125000x8xf32, #tpu.memory_space<hbm>>) target(%dma_start3A_273 : memref<128x8xf32, #tpu.memory_space<vmem>>) offsets(%dma_start3A_275 : memref<128xi32, #tpu.memory_space<vmem>>) semaphore(%arg16 : memref<!tpu.dma_semaphore, #tpu.memory_space<semaphore_mem>>)
    %dma_start3A_279 = arith.constant 256 : i32
    %dma_start3A_280 = arith.constant 0 : i32
    %dma_start3A_281 = tpu.memref_slice %arg12[%dma_start3A_279, %dma_start3A_280] : memref<512x8xf32, #tpu.memory_space<vmem>> -> memref<128x8xf32, #tpu.memory_space<vmem>>
    %dma_start3A_282 = arith.constant 256 : i32
    %dma_start3A_283 = tpu.memref_slice %arg10[%dma_start3A_282] : memref<512xi32, #tpu.memory_space<vmem>> -> memref<128xi32, #tpu.memory_space<vmem>>
    %dma_start3A_284 = arith.constant 0 : i32
    %dma_start3A_285 = arith.constant 0 : i32
    %dma_start3A_286 = tpu.memref_slice %arg4[%dma_start3A_284, %dma_start3A_285] : memref<125000x8xf32, #tpu.memory_space<hbm>> -> memref<125000x8xf32, #tpu.memory_space<hbm>>
    tpu.enqueue_indirect_dma source(%dma_start3A_286 : memref<125000x8xf32, #tpu.memory_space<hbm>>) target(%dma_start3A_281 : memref<128x8xf32, #tpu.memory_space<vmem>>) offsets(%dma_start3A_283 : memref<128xi32, #tpu.memory_space<vmem>>) semaphore(%arg16 : memref<!tpu.dma_semaphore, #tpu.memory_space<semaphore_mem>>)
    %dma_start3A_287 = arith.constant 384 : i32
    %dma_start3A_288 = arith.constant 0 : i32
    %dma_start3A_289 = tpu.memref_slice %arg12[%dma_start3A_287, %dma_start3A_288] : memref<512x8xf32, #tpu.memory_space<vmem>> -> memref<128x8xf32, #tpu.memory_space<vmem>>
    %dma_start3A_290 = arith.constant 384 : i32
    %dma_start3A_291 = tpu.memref_slice %arg10[%dma_start3A_290] : memref<512xi32, #tpu.memory_space<vmem>> -> memref<128xi32, #tpu.memory_space<vmem>>
    %dma_start3A_292 = arith.constant 0 : i32
    %dma_start3A_293 = arith.constant 0 : i32
    %dma_start3A_294 = tpu.memref_slice %arg4[%dma_start3A_292, %dma_start3A_293] : memref<125000x8xf32, #tpu.memory_space<hbm>> -> memref<125000x8xf32, #tpu.memory_space<hbm>>
    tpu.enqueue_indirect_dma source(%dma_start3A_294 : memref<125000x8xf32, #tpu.memory_space<hbm>>) target(%dma_start3A_289 : memref<128x8xf32, #tpu.memory_space<vmem>>) offsets(%dma_start3A_291 : memref<128xi32, #tpu.memory_space<vmem>>) semaphore(%arg16 : memref<!tpu.dma_semaphore, #tpu.memory_space<semaphore_mem>>)
    %dma_wait3A = arith.constant 0 : i32
    %dma_wait3A_295 = arith.constant 0 : i32
    %dma_wait3A_296 = tpu.memref_slice %arg11[%dma_wait3A, %dma_wait3A_295] : memref<4096x8xf32, #tpu.memory_space<vmem>> -> memref<128x8xf32, #tpu.memory_space<vmem>>
    %dma_wait3A_297 = arith.constant 0 : i32
    %dma_wait3A_298 = tpu.memref_slice %arg9[%dma_wait3A_297] : memref<4096xi32, #tpu.memory_space<vmem>> -> memref<128xi32, #tpu.memory_space<vmem>>
    %dma_wait3A_299 = arith.constant 0 : i32
    %dma_wait3A_300 = arith.constant 0 : i32
    %dma_wait3A_301 = tpu.memref_slice %arg3[%dma_wait3A_299, %dma_wait3A_300] : memref<1000000x8xf32, #tpu.memory_space<hbm>> -> memref<1000000x8xf32, #tpu.memory_space<hbm>>
    tpu.wait_indirect_dma semaphore(%arg16 : memref<!tpu.dma_semaphore, #tpu.memory_space<semaphore_mem>>) src(%dma_wait3A_301 : memref<1000000x8xf32, #tpu.memory_space<hbm>>) dst(%dma_wait3A_296 : memref<128x8xf32, #tpu.memory_space<vmem>>)
    %dma_wait3A_302 = arith.constant 128 : i32
    %dma_wait3A_303 = arith.constant 0 : i32
    %dma_wait3A_304 = tpu.memref_slice %arg11[%dma_wait3A_302, %dma_wait3A_303] : memref<4096x8xf32, #tpu.memory_space<vmem>> -> memref<128x8xf32, #tpu.memory_space<vmem>>
    %dma_wait3A_305 = arith.constant 128 : i32
    %dma_wait3A_306 = tpu.memref_slice %arg9[%dma_wait3A_305] : memref<4096xi32, #tpu.memory_space<vmem>> -> memref<128xi32, #tpu.memory_space<vmem>>
    %dma_wait3A_307 = arith.constant 0 : i32
    %dma_wait3A_308 = arith.constant 0 : i32
    %dma_wait3A_309 = tpu.memref_slice %arg3[%dma_wait3A_307, %dma_wait3A_308] : memref<1000000x8xf32, #tpu.memory_space<hbm>> -> memref<1000000x8xf32, #tpu.memory_space<hbm>>
    tpu.wait_indirect_dma semaphore(%arg16 : memref<!tpu.dma_semaphore, #tpu.memory_space<semaphore_mem>>) src(%dma_wait3A_309 : memref<1000000x8xf32, #tpu.memory_space<hbm>>) dst(%dma_wait3A_304 : memref<128x8xf32, #tpu.memory_space<vmem>>)
    %dma_wait3A_310 = arith.constant 256 : i32
    %dma_wait3A_311 = arith.constant 0 : i32
    %dma_wait3A_312 = tpu.memref_slice %arg11[%dma_wait3A_310, %dma_wait3A_311] : memref<4096x8xf32, #tpu.memory_space<vmem>> -> memref<128x8xf32, #tpu.memory_space<vmem>>
    %dma_wait3A_313 = arith.constant 256 : i32
    %dma_wait3A_314 = tpu.memref_slice %arg9[%dma_wait3A_313] : memref<4096xi32, #tpu.memory_space<vmem>> -> memref<128xi32, #tpu.memory_space<vmem>>
    %dma_wait3A_315 = arith.constant 0 : i32
    %dma_wait3A_316 = arith.constant 0 : i32
    %dma_wait3A_317 = tpu.memref_slice %arg3[%dma_wait3A_315, %dma_wait3A_316] : memref<1000000x8xf32, #tpu.memory_space<hbm>> -> memref<1000000x8xf32, #tpu.memory_space<hbm>>
    tpu.wait_indirect_dma semaphore(%arg16 : memref<!tpu.dma_semaphore, #tpu.memory_space<semaphore_mem>>) src(%dma_wait3A_317 : memref<1000000x8xf32, #tpu.memory_space<hbm>>) dst(%dma_wait3A_312 : memref<128x8xf32, #tpu.memory_space<vmem>>)
    %dma_wait3A_318 = arith.constant 384 : i32
    %dma_wait3A_319 = arith.constant 0 : i32
    %dma_wait3A_320 = tpu.memref_slice %arg11[%dma_wait3A_318, %dma_wait3A_319] : memref<4096x8xf32, #tpu.memory_space<vmem>> -> memref<128x8xf32, #tpu.memory_space<vmem>>
    %dma_wait3A_321 = arith.constant 384 : i32
    %dma_wait3A_322 = tpu.memref_slice %arg9[%dma_wait3A_321] : memref<4096xi32, #tpu.memory_space<vmem>> -> memref<128xi32, #tpu.memory_space<vmem>>
    %dma_wait3A_323 = arith.constant 0 : i32
    %dma_wait3A_324 = arith.constant 0 : i32
    %dma_wait3A_325 = tpu.memref_slice %arg3[%dma_wait3A_323, %dma_wait3A_324] : memref<1000000x8xf32, #tpu.memory_space<hbm>> -> memref<1000000x8xf32, #tpu.memory_space<hbm>>
    tpu.wait_indirect_dma semaphore(%arg16 : memref<!tpu.dma_semaphore, #tpu.memory_space<semaphore_mem>>) src(%dma_wait3A_325 : memref<1000000x8xf32, #tpu.memory_space<hbm>>) dst(%dma_wait3A_320 : memref<128x8xf32, #tpu.memory_space<vmem>>)
    %dma_wait3A_326 = arith.constant 512 : i32
    %dma_wait3A_327 = arith.constant 0 : i32
    %dma_wait3A_328 = tpu.memref_slice %arg11[%dma_wait3A_326, %dma_wait3A_327] : memref<4096x8xf32, #tpu.memory_space<vmem>> -> memref<128x8xf32, #tpu.memory_space<vmem>>
    %dma_wait3A_329 = arith.constant 512 : i32
    %dma_wait3A_330 = tpu.memref_slice %arg9[%dma_wait3A_329] : memref<4096xi32, #tpu.memory_space<vmem>> -> memref<128xi32, #tpu.memory_space<vmem>>
    %dma_wait3A_331 = arith.constant 0 : i32
    %dma_wait3A_332 = arith.constant 0 : i32
    %dma_wait3A_333 = tpu.memref_slice %arg3[%dma_wait3A_331, %dma_wait3A_332] : memref<1000000x8xf32, #tpu.memory_space<hbm>> -> memref<1000000x8xf32, #tpu.memory_space<hbm>>
    tpu.wait_indirect_dma semaphore(%arg16 : memref<!tpu.dma_semaphore, #tpu.memory_space<semaphore_mem>>) src(%dma_wait3A_333 : memref<1000000x8xf32, #tpu.memory_space<hbm>>) dst(%dma_wait3A_328 : memref<128x8xf32, #tpu.memory_space<vmem>>)
    %dma_wait3A_334 = arith.constant 640 : i32
    %dma_wait3A_335 = arith.constant 0 : i32
    %dma_wait3A_336 = tpu.memref_slice %arg11[%dma_wait3A_334, %dma_wait3A_335] : memref<4096x8xf32, #tpu.memory_space<vmem>> -> memref<128x8xf32, #tpu.memory_space<vmem>>
    %dma_wait3A_337 = arith.constant 640 : i32
    %dma_wait3A_338 = tpu.memref_slice %arg9[%dma_wait3A_337] : memref<4096xi32, #tpu.memory_space<vmem>> -> memref<128xi32, #tpu.memory_space<vmem>>
    %dma_wait3A_339 = arith.constant 0 : i32
    %dma_wait3A_340 = arith.constant 0 : i32
    %dma_wait3A_341 = tpu.memref_slice %arg3[%dma_wait3A_339, %dma_wait3A_340] : memref<1000000x8xf32, #tpu.memory_space<hbm>> -> memref<1000000x8xf32, #tpu.memory_space<hbm>>
    tpu.wait_indirect_dma semaphore(%arg16 : memref<!tpu.dma_semaphore, #tpu.memory_space<semaphore_mem>>) src(%dma_wait3A_341 : memref<1000000x8xf32, #tpu.memory_space<hbm>>) dst(%dma_wait3A_336 : memref<128x8xf32, #tpu.memory_space<vmem>>)
    %dma_wait3A_342 = arith.constant 768 : i32
    %dma_wait3A_343 = arith.constant 0 : i32
    %dma_wait3A_344 = tpu.memref_slice %arg11[%dma_wait3A_342, %dma_wait3A_343] : memref<4096x8xf32, #tpu.memory_space<vmem>> -> memref<128x8xf32, #tpu.memory_space<vmem>>
    %dma_wait3A_345 = arith.constant 768 : i32
    %dma_wait3A_346 = tpu.memref_slice %arg9[%dma_wait3A_345] : memref<4096xi32, #tpu.memory_space<vmem>> -> memref<128xi32, #tpu.memory_space<vmem>>
    %dma_wait3A_347 = arith.constant 0 : i32
    %dma_wait3A_348 = arith.constant 0 : i32
    %dma_wait3A_349 = tpu.memref_slice %arg3[%dma_wait3A_347, %dma_wait3A_348] : memref<1000000x8xf32, #tpu.memory_space<hbm>> -> memref<1000000x8xf32, #tpu.memory_space<hbm>>
    tpu.wait_indirect_dma semaphore(%arg16 : memref<!tpu.dma_semaphore, #tpu.memory_space<semaphore_mem>>) src(%dma_wait3A_349 : memref<1000000x8xf32, #tpu.memory_space<hbm>>) dst(%dma_wait3A_344 : memref<128x8xf32, #tpu.memory_space<vmem>>)
    %dma_wait3A_350 = arith.constant 896 : i32
    %dma_wait3A_351 = arith.constant 0 : i32
    %dma_wait3A_352 = tpu.memref_slice %arg11[%dma_wait3A_350, %dma_wait3A_351] : memref<4096x8xf32, #tpu.memory_space<vmem>> -> memref<128x8xf32, #tpu.memory_space<vmem>>
    %dma_wait3A_353 = arith.constant 896 : i32
    %dma_wait3A_354 = tpu.memref_slice %arg9[%dma_wait3A_353] : memref<4096xi32, #tpu.memory_space<vmem>> -> memref<128xi32, #tpu.memory_space<vmem>>
    %dma_wait3A_355 = arith.constant 0 : i32
    %dma_wait3A_356 = arith.constant 0 : i32
    %dma_wait3A_357 = tpu.memref_slice %arg3[%dma_wait3A_355, %dma_wait3A_356] : memref<1000000x8xf32, #tpu.memory_space<hbm>> -> memref<1000000x8xf32, #tpu.memory_space<hbm>>
    tpu.wait_indirect_dma semaphore(%arg16 : memref<!tpu.dma_semaphore, #tpu.memory_space<semaphore_mem>>) src(%dma_wait3A_357 : memref<1000000x8xf32, #tpu.memory_space<hbm>>) dst(%dma_wait3A_352 : memref<128x8xf32, #tpu.memory_space<vmem>>)
    %dma_wait3A_358 = arith.constant 1024 : i32
    %dma_wait3A_359 = arith.constant 0 : i32
    %dma_wait3A_360 = tpu.memref_slice %arg11[%dma_wait3A_358, %dma_wait3A_359] : memref<4096x8xf32, #tpu.memory_space<vmem>> -> memref<128x8xf32, #tpu.memory_space<vmem>>
    %dma_wait3A_361 = arith.constant 1024 : i32
    %dma_wait3A_362 = tpu.memref_slice %arg9[%dma_wait3A_361] : memref<4096xi32, #tpu.memory_space<vmem>> -> memref<128xi32, #tpu.memory_space<vmem>>
    %dma_wait3A_363 = arith.constant 0 : i32
    %dma_wait3A_364 = arith.constant 0 : i32
    %dma_wait3A_365 = tpu.memref_slice %arg3[%dma_wait3A_363, %dma_wait3A_364] : memref<1000000x8xf32, #tpu.memory_space<hbm>> -> memref<1000000x8xf32, #tpu.memory_space<hbm>>
    tpu.wait_indirect_dma semaphore(%arg16 : memref<!tpu.dma_semaphore, #tpu.memory_space<semaphore_mem>>) src(%dma_wait3A_365 : memref<1000000x8xf32, #tpu.memory_space<hbm>>) dst(%dma_wait3A_360 : memref<128x8xf32, #tpu.memory_space<vmem>>)
    %dma_wait3A_366 = arith.constant 1152 : i32
    %dma_wait3A_367 = arith.constant 0 : i32
    %dma_wait3A_368 = tpu.memref_slice %arg11[%dma_wait3A_366, %dma_wait3A_367] : memref<4096x8xf32, #tpu.memory_space<vmem>> -> memref<128x8xf32, #tpu.memory_space<vmem>>
    %dma_wait3A_369 = arith.constant 1152 : i32
    %dma_wait3A_370 = tpu.memref_slice %arg9[%dma_wait3A_369] : memref<4096xi32, #tpu.memory_space<vmem>> -> memref<128xi32, #tpu.memory_space<vmem>>
    %dma_wait3A_371 = arith.constant 0 : i32
    %dma_wait3A_372 = arith.constant 0 : i32
    %dma_wait3A_373 = tpu.memref_slice %arg3[%dma_wait3A_371, %dma_wait3A_372] : memref<1000000x8xf32, #tpu.memory_space<hbm>> -> memref<1000000x8xf32, #tpu.memory_space<hbm>>
    tpu.wait_indirect_dma semaphore(%arg16 : memref<!tpu.dma_semaphore, #tpu.memory_space<semaphore_mem>>) src(%dma_wait3A_373 : memref<1000000x8xf32, #tpu.memory_space<hbm>>) dst(%dma_wait3A_368 : memref<128x8xf32, #tpu.memory_space<vmem>>)
    %dma_wait3A_374 = arith.constant 1280 : i32
    %dma_wait3A_375 = arith.constant 0 : i32
    %dma_wait3A_376 = tpu.memref_slice %arg11[%dma_wait3A_374, %dma_wait3A_375] : memref<4096x8xf32, #tpu.memory_space<vmem>> -> memref<128x8xf32, #tpu.memory_space<vmem>>
    %dma_wait3A_377 = arith.constant 1280 : i32
    %dma_wait3A_378 = tpu.memref_slice %arg9[%dma_wait3A_377] : memref<4096xi32, #tpu.memory_space<vmem>> -> memref<128xi32, #tpu.memory_space<vmem>>
    %dma_wait3A_379 = arith.constant 0 : i32
    %dma_wait3A_380 = arith.constant 0 : i32
    %dma_wait3A_381 = tpu.memref_slice %arg3[%dma_wait3A_379, %dma_wait3A_380] : memref<1000000x8xf32, #tpu.memory_space<hbm>> -> memref<1000000x8xf32, #tpu.memory_space<hbm>>
    tpu.wait_indirect_dma semaphore(%arg16 : memref<!tpu.dma_semaphore, #tpu.memory_space<semaphore_mem>>) src(%dma_wait3A_381 : memref<1000000x8xf32, #tpu.memory_space<hbm>>) dst(%dma_wait3A_376 : memref<128x8xf32, #tpu.memory_space<vmem>>)
    %dma_wait3A_382 = arith.constant 1408 : i32
    %dma_wait3A_383 = arith.constant 0 : i32
    %dma_wait3A_384 = tpu.memref_slice %arg11[%dma_wait3A_382, %dma_wait3A_383] : memref<4096x8xf32, #tpu.memory_space<vmem>> -> memref<128x8xf32, #tpu.memory_space<vmem>>
    %dma_wait3A_385 = arith.constant 1408 : i32
    %dma_wait3A_386 = tpu.memref_slice %arg9[%dma_wait3A_385] : memref<4096xi32, #tpu.memory_space<vmem>> -> memref<128xi32, #tpu.memory_space<vmem>>
    %dma_wait3A_387 = arith.constant 0 : i32
    %dma_wait3A_388 = arith.constant 0 : i32
    %dma_wait3A_389 = tpu.memref_slice %arg3[%dma_wait3A_387, %dma_wait3A_388] : memref<1000000x8xf32, #tpu.memory_space<hbm>> -> memref<1000000x8xf32, #tpu.memory_space<hbm>>
    tpu.wait_indirect_dma semaphore(%arg16 : memref<!tpu.dma_semaphore, #tpu.memory_space<semaphore_mem>>) src(%dma_wait3A_389 : memref<1000000x8xf32, #tpu.memory_space<hbm>>) dst(%dma_wait3A_384 : memref<128x8xf32, #tpu.memory_space<vmem>>)
    %dma_wait3A_390 = arith.constant 1536 : i32
    %dma_wait3A_391 = arith.constant 0 : i32
    %dma_wait3A_392 = tpu.memref_slice %arg11[%dma_wait3A_390, %dma_wait3A_391] : memref<4096x8xf32, #tpu.memory_space<vmem>> -> memref<128x8xf32, #tpu.memory_space<vmem>>
    %dma_wait3A_393 = arith.constant 1536 : i32
    %dma_wait3A_394 = tpu.memref_slice %arg9[%dma_wait3A_393] : memref<4096xi32, #tpu.memory_space<vmem>> -> memref<128xi32, #tpu.memory_space<vmem>>
    %dma_wait3A_395 = arith.constant 0 : i32
    %dma_wait3A_396 = arith.constant 0 : i32
    %dma_wait3A_397 = tpu.memref_slice %arg3[%dma_wait3A_395, %dma_wait3A_396] : memref<1000000x8xf32, #tpu.memory_space<hbm>> -> memref<1000000x8xf32, #tpu.memory_space<hbm>>
    tpu.wait_indirect_dma semaphore(%arg16 : memref<!tpu.dma_semaphore, #tpu.memory_space<semaphore_mem>>) src(%dma_wait3A_397 : memref<1000000x8xf32, #tpu.memory_space<hbm>>) dst(%dma_wait3A_392 : memref<128x8xf32, #tpu.memory_space<vmem>>)
    %dma_wait3A_398 = arith.constant 1664 : i32
    %dma_wait3A_399 = arith.constant 0 : i32
    %dma_wait3A_400 = tpu.memref_slice %arg11[%dma_wait3A_398, %dma_wait3A_399] : memref<4096x8xf32, #tpu.memory_space<vmem>> -> memref<128x8xf32, #tpu.memory_space<vmem>>
    %dma_wait3A_401 = arith.constant 1664 : i32
    %dma_wait3A_402 = tpu.memref_slice %arg9[%dma_wait3A_401] : memref<4096xi32, #tpu.memory_space<vmem>> -> memref<128xi32, #tpu.memory_space<vmem>>
    %dma_wait3A_403 = arith.constant 0 : i32
    %dma_wait3A_404 = arith.constant 0 : i32
    %dma_wait3A_405 = tpu.memref_slice %arg3[%dma_wait3A_403, %dma_wait3A_404] : memref<1000000x8xf32, #tpu.memory_space<hbm>> -> memref<1000000x8xf32, #tpu.memory_space<hbm>>
    tpu.wait_indirect_dma semaphore(%arg16 : memref<!tpu.dma_semaphore, #tpu.memory_space<semaphore_mem>>) src(%dma_wait3A_405 : memref<1000000x8xf32, #tpu.memory_space<hbm>>) dst(%dma_wait3A_400 : memref<128x8xf32, #tpu.memory_space<vmem>>)
    %dma_wait3A_406 = arith.constant 1792 : i32
    %dma_wait3A_407 = arith.constant 0 : i32
    %dma_wait3A_408 = tpu.memref_slice %arg11[%dma_wait3A_406, %dma_wait3A_407] : memref<4096x8xf32, #tpu.memory_space<vmem>> -> memref<128x8xf32, #tpu.memory_space<vmem>>
    %dma_wait3A_409 = arith.constant 1792 : i32
    %dma_wait3A_410 = tpu.memref_slice %arg9[%dma_wait3A_409] : memref<4096xi32, #tpu.memory_space<vmem>> -> memref<128xi32, #tpu.memory_space<vmem>>
    %dma_wait3A_411 = arith.constant 0 : i32
    %dma_wait3A_412 = arith.constant 0 : i32
    %dma_wait3A_413 = tpu.memref_slice %arg3[%dma_wait3A_411, %dma_wait3A_412] : memref<1000000x8xf32, #tpu.memory_space<hbm>> -> memref<1000000x8xf32, #tpu.memory_space<hbm>>
    tpu.wait_indirect_dma semaphore(%arg16 : memref<!tpu.dma_semaphore, #tpu.memory_space<semaphore_mem>>) src(%dma_wait3A_413 : memref<1000000x8xf32, #tpu.memory_space<hbm>>) dst(%dma_wait3A_408 : memref<128x8xf32, #tpu.memory_space<vmem>>)
    %dma_wait3A_414 = arith.constant 1920 : i32
    %dma_wait3A_415 = arith.constant 0 : i32
    %dma_wait3A_416 = tpu.memref_slice %arg11[%dma_wait3A_414, %dma_wait3A_415] : memref<4096x8xf32, #tpu.memory_space<vmem>> -> memref<128x8xf32, #tpu.memory_space<vmem>>
    %dma_wait3A_417 = arith.constant 1920 : i32
    %dma_wait3A_418 = tpu.memref_slice %arg9[%dma_wait3A_417] : memref<4096xi32, #tpu.memory_space<vmem>> -> memref<128xi32, #tpu.memory_space<vmem>>
    %dma_wait3A_419 = arith.constant 0 : i32
    %dma_wait3A_420 = arith.constant 0 : i32
    %dma_wait3A_421 = tpu.memref_slice %arg3[%dma_wait3A_419, %dma_wait3A_420] : memref<1000000x8xf32, #tpu.memory_space<hbm>> -> memref<1000000x8xf32, #tpu.memory_space<hbm>>
    tpu.wait_indirect_dma semaphore(%arg16 : memref<!tpu.dma_semaphore, #tpu.memory_space<semaphore_mem>>) src(%dma_wait3A_421 : memref<1000000x8xf32, #tpu.memory_space<hbm>>) dst(%dma_wait3A_416 : memref<128x8xf32, #tpu.memory_space<vmem>>)
    %dma_wait3A_422 = arith.constant 2048 : i32
    %dma_wait3A_423 = arith.constant 0 : i32
    %dma_wait3A_424 = tpu.memref_slice %arg11[%dma_wait3A_422, %dma_wait3A_423] : memref<4096x8xf32, #tpu.memory_space<vmem>> -> memref<128x8xf32, #tpu.memory_space<vmem>>
    %dma_wait3A_425 = arith.constant 2048 : i32
    %dma_wait3A_426 = tpu.memref_slice %arg9[%dma_wait3A_425] : memref<4096xi32, #tpu.memory_space<vmem>> -> memref<128xi32, #tpu.memory_space<vmem>>
    %dma_wait3A_427 = arith.constant 0 : i32
    %dma_wait3A_428 = arith.constant 0 : i32
    %dma_wait3A_429 = tpu.memref_slice %arg3[%dma_wait3A_427, %dma_wait3A_428] : memref<1000000x8xf32, #tpu.memory_space<hbm>> -> memref<1000000x8xf32, #tpu.memory_space<hbm>>
    tpu.wait_indirect_dma semaphore(%arg16 : memref<!tpu.dma_semaphore, #tpu.memory_space<semaphore_mem>>) src(%dma_wait3A_429 : memref<1000000x8xf32, #tpu.memory_space<hbm>>) dst(%dma_wait3A_424 : memref<128x8xf32, #tpu.memory_space<vmem>>)
    %dma_wait3A_430 = arith.constant 2176 : i32
    %dma_wait3A_431 = arith.constant 0 : i32
    %dma_wait3A_432 = tpu.memref_slice %arg11[%dma_wait3A_430, %dma_wait3A_431] : memref<4096x8xf32, #tpu.memory_space<vmem>> -> memref<128x8xf32, #tpu.memory_space<vmem>>
    %dma_wait3A_433 = arith.constant 2176 : i32
    %dma_wait3A_434 = tpu.memref_slice %arg9[%dma_wait3A_433] : memref<4096xi32, #tpu.memory_space<vmem>> -> memref<128xi32, #tpu.memory_space<vmem>>
    %dma_wait3A_435 = arith.constant 0 : i32
    %dma_wait3A_436 = arith.constant 0 : i32
    %dma_wait3A_437 = tpu.memref_slice %arg3[%dma_wait3A_435, %dma_wait3A_436] : memref<1000000x8xf32, #tpu.memory_space<hbm>> -> memref<1000000x8xf32, #tpu.memory_space<hbm>>
    tpu.wait_indirect_dma semaphore(%arg16 : memref<!tpu.dma_semaphore, #tpu.memory_space<semaphore_mem>>) src(%dma_wait3A_437 : memref<1000000x8xf32, #tpu.memory_space<hbm>>) dst(%dma_wait3A_432 : memref<128x8xf32, #tpu.memory_space<vmem>>)
    %dma_wait3A_438 = arith.constant 2304 : i32
    %dma_wait3A_439 = arith.constant 0 : i32
    %dma_wait3A_440 = tpu.memref_slice %arg11[%dma_wait3A_438, %dma_wait3A_439] : memref<4096x8xf32, #tpu.memory_space<vmem>> -> memref<128x8xf32, #tpu.memory_space<vmem>>
    %dma_wait3A_441 = arith.constant 2304 : i32
    %dma_wait3A_442 = tpu.memref_slice %arg9[%dma_wait3A_441] : memref<4096xi32, #tpu.memory_space<vmem>> -> memref<128xi32, #tpu.memory_space<vmem>>
    %dma_wait3A_443 = arith.constant 0 : i32
    %dma_wait3A_444 = arith.constant 0 : i32
    %dma_wait3A_445 = tpu.memref_slice %arg3[%dma_wait3A_443, %dma_wait3A_444] : memref<1000000x8xf32, #tpu.memory_space<hbm>> -> memref<1000000x8xf32, #tpu.memory_space<hbm>>
    tpu.wait_indirect_dma semaphore(%arg16 : memref<!tpu.dma_semaphore, #tpu.memory_space<semaphore_mem>>) src(%dma_wait3A_445 : memref<1000000x8xf32, #tpu.memory_space<hbm>>) dst(%dma_wait3A_440 : memref<128x8xf32, #tpu.memory_space<vmem>>)
    %dma_wait3A_446 = arith.constant 2432 : i32
    %dma_wait3A_447 = arith.constant 0 : i32
    %dma_wait3A_448 = tpu.memref_slice %arg11[%dma_wait3A_446, %dma_wait3A_447] : memref<4096x8xf32, #tpu.memory_space<vmem>> -> memref<128x8xf32, #tpu.memory_space<vmem>>
    %dma_wait3A_449 = arith.constant 2432 : i32
    %dma_wait3A_450 = tpu.memref_slice %arg9[%dma_wait3A_449] : memref<4096xi32, #tpu.memory_space<vmem>> -> memref<128xi32, #tpu.memory_space<vmem>>
    %dma_wait3A_451 = arith.constant 0 : i32
    %dma_wait3A_452 = arith.constant 0 : i32
    %dma_wait3A_453 = tpu.memref_slice %arg3[%dma_wait3A_451, %dma_wait3A_452] : memref<1000000x8xf32, #tpu.memory_space<hbm>> -> memref<1000000x8xf32, #tpu.memory_space<hbm>>
    tpu.wait_indirect_dma semaphore(%arg16 : memref<!tpu.dma_semaphore, #tpu.memory_space<semaphore_mem>>) src(%dma_wait3A_453 : memref<1000000x8xf32, #tpu.memory_space<hbm>>) dst(%dma_wait3A_448 : memref<128x8xf32, #tpu.memory_space<vmem>>)
    %dma_wait3A_454 = arith.constant 2560 : i32
    %dma_wait3A_455 = arith.constant 0 : i32
    %dma_wait3A_456 = tpu.memref_slice %arg11[%dma_wait3A_454, %dma_wait3A_455] : memref<4096x8xf32, #tpu.memory_space<vmem>> -> memref<128x8xf32, #tpu.memory_space<vmem>>
    %dma_wait3A_457 = arith.constant 2560 : i32
    %dma_wait3A_458 = tpu.memref_slice %arg9[%dma_wait3A_457] : memref<4096xi32, #tpu.memory_space<vmem>> -> memref<128xi32, #tpu.memory_space<vmem>>
    %dma_wait3A_459 = arith.constant 0 : i32
    %dma_wait3A_460 = arith.constant 0 : i32
    %dma_wait3A_461 = tpu.memref_slice %arg3[%dma_wait3A_459, %dma_wait3A_460] : memref<1000000x8xf32, #tpu.memory_space<hbm>> -> memref<1000000x8xf32, #tpu.memory_space<hbm>>
    tpu.wait_indirect_dma semaphore(%arg16 : memref<!tpu.dma_semaphore, #tpu.memory_space<semaphore_mem>>) src(%dma_wait3A_461 : memref<1000000x8xf32, #tpu.memory_space<hbm>>) dst(%dma_wait3A_456 : memref<128x8xf32, #tpu.memory_space<vmem>>)
    %dma_wait3A_462 = arith.constant 2688 : i32
    %dma_wait3A_463 = arith.constant 0 : i32
    %dma_wait3A_464 = tpu.memref_slice %arg11[%dma_wait3A_462, %dma_wait3A_463] : memref<4096x8xf32, #tpu.memory_space<vmem>> -> memref<128x8xf32, #tpu.memory_space<vmem>>
    %dma_wait3A_465 = arith.constant 2688 : i32
    %dma_wait3A_466 = tpu.memref_slice %arg9[%dma_wait3A_465] : memref<4096xi32, #tpu.memory_space<vmem>> -> memref<128xi32, #tpu.memory_space<vmem>>
    %dma_wait3A_467 = arith.constant 0 : i32
    %dma_wait3A_468 = arith.constant 0 : i32
    %dma_wait3A_469 = tpu.memref_slice %arg3[%dma_wait3A_467, %dma_wait3A_468] : memref<1000000x8xf32, #tpu.memory_space<hbm>> -> memref<1000000x8xf32, #tpu.memory_space<hbm>>
    tpu.wait_indirect_dma semaphore(%arg16 : memref<!tpu.dma_semaphore, #tpu.memory_space<semaphore_mem>>) src(%dma_wait3A_469 : memref<1000000x8xf32, #tpu.memory_space<hbm>>) dst(%dma_wait3A_464 : memref<128x8xf32, #tpu.memory_space<vmem>>)
    %dma_wait3A_470 = arith.constant 2816 : i32
    %dma_wait3A_471 = arith.constant 0 : i32
    %dma_wait3A_472 = tpu.memref_slice %arg11[%dma_wait3A_470, %dma_wait3A_471] : memref<4096x8xf32, #tpu.memory_space<vmem>> -> memref<128x8xf32, #tpu.memory_space<vmem>>
    %dma_wait3A_473 = arith.constant 2816 : i32
    %dma_wait3A_474 = tpu.memref_slice %arg9[%dma_wait3A_473] : memref<4096xi32, #tpu.memory_space<vmem>> -> memref<128xi32, #tpu.memory_space<vmem>>
    %dma_wait3A_475 = arith.constant 0 : i32
    %dma_wait3A_476 = arith.constant 0 : i32
    %dma_wait3A_477 = tpu.memref_slice %arg3[%dma_wait3A_475, %dma_wait3A_476] : memref<1000000x8xf32, #tpu.memory_space<hbm>> -> memref<1000000x8xf32, #tpu.memory_space<hbm>>
    tpu.wait_indirect_dma semaphore(%arg16 : memref<!tpu.dma_semaphore, #tpu.memory_space<semaphore_mem>>) src(%dma_wait3A_477 : memref<1000000x8xf32, #tpu.memory_space<hbm>>) dst(%dma_wait3A_472 : memref<128x8xf32, #tpu.memory_space<vmem>>)
    %dma_wait3A_478 = arith.constant 2944 : i32
    %dma_wait3A_479 = arith.constant 0 : i32
    %dma_wait3A_480 = tpu.memref_slice %arg11[%dma_wait3A_478, %dma_wait3A_479] : memref<4096x8xf32, #tpu.memory_space<vmem>> -> memref<128x8xf32, #tpu.memory_space<vmem>>
    %dma_wait3A_481 = arith.constant 2944 : i32
    %dma_wait3A_482 = tpu.memref_slice %arg9[%dma_wait3A_481] : memref<4096xi32, #tpu.memory_space<vmem>> -> memref<128xi32, #tpu.memory_space<vmem>>
    %dma_wait3A_483 = arith.constant 0 : i32
    %dma_wait3A_484 = arith.constant 0 : i32
    %dma_wait3A_485 = tpu.memref_slice %arg3[%dma_wait3A_483, %dma_wait3A_484] : memref<1000000x8xf32, #tpu.memory_space<hbm>> -> memref<1000000x8xf32, #tpu.memory_space<hbm>>
    tpu.wait_indirect_dma semaphore(%arg16 : memref<!tpu.dma_semaphore, #tpu.memory_space<semaphore_mem>>) src(%dma_wait3A_485 : memref<1000000x8xf32, #tpu.memory_space<hbm>>) dst(%dma_wait3A_480 : memref<128x8xf32, #tpu.memory_space<vmem>>)
    %dma_wait3A_486 = arith.constant 3072 : i32
    %dma_wait3A_487 = arith.constant 0 : i32
    %dma_wait3A_488 = tpu.memref_slice %arg11[%dma_wait3A_486, %dma_wait3A_487] : memref<4096x8xf32, #tpu.memory_space<vmem>> -> memref<128x8xf32, #tpu.memory_space<vmem>>
    %dma_wait3A_489 = arith.constant 3072 : i32
    %dma_wait3A_490 = tpu.memref_slice %arg9[%dma_wait3A_489] : memref<4096xi32, #tpu.memory_space<vmem>> -> memref<128xi32, #tpu.memory_space<vmem>>
    %dma_wait3A_491 = arith.constant 0 : i32
    %dma_wait3A_492 = arith.constant 0 : i32
    %dma_wait3A_493 = tpu.memref_slice %arg3[%dma_wait3A_491, %dma_wait3A_492] : memref<1000000x8xf32, #tpu.memory_space<hbm>> -> memref<1000000x8xf32, #tpu.memory_space<hbm>>
    tpu.wait_indirect_dma semaphore(%arg16 : memref<!tpu.dma_semaphore, #tpu.memory_space<semaphore_mem>>) src(%dma_wait3A_493 : memref<1000000x8xf32, #tpu.memory_space<hbm>>) dst(%dma_wait3A_488 : memref<128x8xf32, #tpu.memory_space<vmem>>)
    %dma_wait3A_494 = arith.constant 3200 : i32
    %dma_wait3A_495 = arith.constant 0 : i32
    %dma_wait3A_496 = tpu.memref_slice %arg11[%dma_wait3A_494, %dma_wait3A_495] : memref<4096x8xf32, #tpu.memory_space<vmem>> -> memref<128x8xf32, #tpu.memory_space<vmem>>
    %dma_wait3A_497 = arith.constant 3200 : i32
    %dma_wait3A_498 = tpu.memref_slice %arg9[%dma_wait3A_497] : memref<4096xi32, #tpu.memory_space<vmem>> -> memref<128xi32, #tpu.memory_space<vmem>>
    %dma_wait3A_499 = arith.constant 0 : i32
    %dma_wait3A_500 = arith.constant 0 : i32
    %dma_wait3A_501 = tpu.memref_slice %arg3[%dma_wait3A_499, %dma_wait3A_500] : memref<1000000x8xf32, #tpu.memory_space<hbm>> -> memref<1000000x8xf32, #tpu.memory_space<hbm>>
    tpu.wait_indirect_dma semaphore(%arg16 : memref<!tpu.dma_semaphore, #tpu.memory_space<semaphore_mem>>) src(%dma_wait3A_501 : memref<1000000x8xf32, #tpu.memory_space<hbm>>) dst(%dma_wait3A_496 : memref<128x8xf32, #tpu.memory_space<vmem>>)
    %dma_wait3A_502 = arith.constant 3328 : i32
    %dma_wait3A_503 = arith.constant 0 : i32
    %dma_wait3A_504 = tpu.memref_slice %arg11[%dma_wait3A_502, %dma_wait3A_503] : memref<4096x8xf32, #tpu.memory_space<vmem>> -> memref<128x8xf32, #tpu.memory_space<vmem>>
    %dma_wait3A_505 = arith.constant 3328 : i32
    %dma_wait3A_506 = tpu.memref_slice %arg9[%dma_wait3A_505] : memref<4096xi32, #tpu.memory_space<vmem>> -> memref<128xi32, #tpu.memory_space<vmem>>
    %dma_wait3A_507 = arith.constant 0 : i32
    %dma_wait3A_508 = arith.constant 0 : i32
    %dma_wait3A_509 = tpu.memref_slice %arg3[%dma_wait3A_507, %dma_wait3A_508] : memref<1000000x8xf32, #tpu.memory_space<hbm>> -> memref<1000000x8xf32, #tpu.memory_space<hbm>>
    tpu.wait_indirect_dma semaphore(%arg16 : memref<!tpu.dma_semaphore, #tpu.memory_space<semaphore_mem>>) src(%dma_wait3A_509 : memref<1000000x8xf32, #tpu.memory_space<hbm>>) dst(%dma_wait3A_504 : memref<128x8xf32, #tpu.memory_space<vmem>>)
    %dma_wait3A_510 = arith.constant 3456 : i32
    %dma_wait3A_511 = arith.constant 0 : i32
    %dma_wait3A_512 = tpu.memref_slice %arg11[%dma_wait3A_510, %dma_wait3A_511] : memref<4096x8xf32, #tpu.memory_space<vmem>> -> memref<128x8xf32, #tpu.memory_space<vmem>>
    %dma_wait3A_513 = arith.constant 3456 : i32
    %dma_wait3A_514 = tpu.memref_slice %arg9[%dma_wait3A_513] : memref<4096xi32, #tpu.memory_space<vmem>> -> memref<128xi32, #tpu.memory_space<vmem>>
    %dma_wait3A_515 = arith.constant 0 : i32
    %dma_wait3A_516 = arith.constant 0 : i32
    %dma_wait3A_517 = tpu.memref_slice %arg3[%dma_wait3A_515, %dma_wait3A_516] : memref<1000000x8xf32, #tpu.memory_space<hbm>> -> memref<1000000x8xf32, #tpu.memory_space<hbm>>
    tpu.wait_indirect_dma semaphore(%arg16 : memref<!tpu.dma_semaphore, #tpu.memory_space<semaphore_mem>>) src(%dma_wait3A_517 : memref<1000000x8xf32, #tpu.memory_space<hbm>>) dst(%dma_wait3A_512 : memref<128x8xf32, #tpu.memory_space<vmem>>)
    %dma_wait3A_518 = arith.constant 3584 : i32
    %dma_wait3A_519 = arith.constant 0 : i32
    %dma_wait3A_520 = tpu.memref_slice %arg11[%dma_wait3A_518, %dma_wait3A_519] : memref<4096x8xf32, #tpu.memory_space<vmem>> -> memref<128x8xf32, #tpu.memory_space<vmem>>
    %dma_wait3A_521 = arith.constant 3584 : i32
    %dma_wait3A_522 = tpu.memref_slice %arg9[%dma_wait3A_521] : memref<4096xi32, #tpu.memory_space<vmem>> -> memref<128xi32, #tpu.memory_space<vmem>>
    %dma_wait3A_523 = arith.constant 0 : i32
    %dma_wait3A_524 = arith.constant 0 : i32
    %dma_wait3A_525 = tpu.memref_slice %arg3[%dma_wait3A_523, %dma_wait3A_524] : memref<1000000x8xf32, #tpu.memory_space<hbm>> -> memref<1000000x8xf32, #tpu.memory_space<hbm>>
    tpu.wait_indirect_dma semaphore(%arg16 : memref<!tpu.dma_semaphore, #tpu.memory_space<semaphore_mem>>) src(%dma_wait3A_525 : memref<1000000x8xf32, #tpu.memory_space<hbm>>) dst(%dma_wait3A_520 : memref<128x8xf32, #tpu.memory_space<vmem>>)
    %dma_wait3A_526 = arith.constant 3712 : i32
    %dma_wait3A_527 = arith.constant 0 : i32
    %dma_wait3A_528 = tpu.memref_slice %arg11[%dma_wait3A_526, %dma_wait3A_527] : memref<4096x8xf32, #tpu.memory_space<vmem>> -> memref<128x8xf32, #tpu.memory_space<vmem>>
    %dma_wait3A_529 = arith.constant 3712 : i32
    %dma_wait3A_530 = tpu.memref_slice %arg9[%dma_wait3A_529] : memref<4096xi32, #tpu.memory_space<vmem>> -> memref<128xi32, #tpu.memory_space<vmem>>
    %dma_wait3A_531 = arith.constant 0 : i32
    %dma_wait3A_532 = arith.constant 0 : i32
    %dma_wait3A_533 = tpu.memref_slice %arg3[%dma_wait3A_531, %dma_wait3A_532] : memref<1000000x8xf32, #tpu.memory_space<hbm>> -> memref<1000000x8xf32, #tpu.memory_space<hbm>>
    tpu.wait_indirect_dma semaphore(%arg16 : memref<!tpu.dma_semaphore, #tpu.memory_space<semaphore_mem>>) src(%dma_wait3A_533 : memref<1000000x8xf32, #tpu.memory_space<hbm>>) dst(%dma_wait3A_528 : memref<128x8xf32, #tpu.memory_space<vmem>>)
    %dma_wait3A_534 = arith.constant 3840 : i32
    %dma_wait3A_535 = arith.constant 0 : i32
    %dma_wait3A_536 = tpu.memref_slice %arg11[%dma_wait3A_534, %dma_wait3A_535] : memref<4096x8xf32, #tpu.memory_space<vmem>> -> memref<128x8xf32, #tpu.memory_space<vmem>>
    %dma_wait3A_537 = arith.constant 3840 : i32
    %dma_wait3A_538 = tpu.memref_slice %arg9[%dma_wait3A_537] : memref<4096xi32, #tpu.memory_space<vmem>> -> memref<128xi32, #tpu.memory_space<vmem>>
    %dma_wait3A_539 = arith.constant 0 : i32
    %dma_wait3A_540 = arith.constant 0 : i32
    %dma_wait3A_541 = tpu.memref_slice %arg3[%dma_wait3A_539, %dma_wait3A_540] : memref<1000000x8xf32, #tpu.memory_space<hbm>> -> memref<1000000x8xf32, #tpu.memory_space<hbm>>
    tpu.wait_indirect_dma semaphore(%arg16 : memref<!tpu.dma_semaphore, #tpu.memory_space<semaphore_mem>>) src(%dma_wait3A_541 : memref<1000000x8xf32, #tpu.memory_space<hbm>>) dst(%dma_wait3A_536 : memref<128x8xf32, #tpu.memory_space<vmem>>)
    %dma_wait3A_542 = arith.constant 3968 : i32
    %dma_wait3A_543 = arith.constant 0 : i32
    %dma_wait3A_544 = tpu.memref_slice %arg11[%dma_wait3A_542, %dma_wait3A_543] : memref<4096x8xf32, #tpu.memory_space<vmem>> -> memref<128x8xf32, #tpu.memory_space<vmem>>
    %dma_wait3A_545 = arith.constant 3968 : i32
    %dma_wait3A_546 = tpu.memref_slice %arg9[%dma_wait3A_545] : memref<4096xi32, #tpu.memory_space<vmem>> -> memref<128xi32, #tpu.memory_space<vmem>>
    %dma_wait3A_547 = arith.constant 0 : i32
    %dma_wait3A_548 = arith.constant 0 : i32
    %dma_wait3A_549 = tpu.memref_slice %arg3[%dma_wait3A_547, %dma_wait3A_548] : memref<1000000x8xf32, #tpu.memory_space<hbm>> -> memref<1000000x8xf32, #tpu.memory_space<hbm>>
    tpu.wait_indirect_dma semaphore(%arg16 : memref<!tpu.dma_semaphore, #tpu.memory_space<semaphore_mem>>) src(%dma_wait3A_549 : memref<1000000x8xf32, #tpu.memory_space<hbm>>) dst(%dma_wait3A_544 : memref<128x8xf32, #tpu.memory_space<vmem>>)
    %dma_wait3A_550 = arith.constant 0 : i32
    %dma_wait3A_551 = arith.constant 0 : i32
    %dma_wait3A_552 = tpu.memref_slice %arg12[%dma_wait3A_550, %dma_wait3A_551] : memref<512x8xf32, #tpu.memory_space<vmem>> -> memref<128x8xf32, #tpu.memory_space<vmem>>
    %dma_wait3A_553 = arith.constant 0 : i32
    %dma_wait3A_554 = tpu.memref_slice %arg10[%dma_wait3A_553] : memref<512xi32, #tpu.memory_space<vmem>> -> memref<128xi32, #tpu.memory_space<vmem>>
    %dma_wait3A_555 = arith.constant 0 : i32
    %dma_wait3A_556 = arith.constant 0 : i32
    %dma_wait3A_557 = tpu.memref_slice %arg4[%dma_wait3A_555, %dma_wait3A_556] : memref<125000x8xf32, #tpu.memory_space<hbm>> -> memref<125000x8xf32, #tpu.memory_space<hbm>>
    tpu.wait_indirect_dma semaphore(%arg16 : memref<!tpu.dma_semaphore, #tpu.memory_space<semaphore_mem>>) src(%dma_wait3A_557 : memref<125000x8xf32, #tpu.memory_space<hbm>>) dst(%dma_wait3A_552 : memref<128x8xf32, #tpu.memory_space<vmem>>)
    %dma_wait3A_558 = arith.constant 128 : i32
    %dma_wait3A_559 = arith.constant 0 : i32
    %dma_wait3A_560 = tpu.memref_slice %arg12[%dma_wait3A_558, %dma_wait3A_559] : memref<512x8xf32, #tpu.memory_space<vmem>> -> memref<128x8xf32, #tpu.memory_space<vmem>>
    %dma_wait3A_561 = arith.constant 128 : i32
    %dma_wait3A_562 = tpu.memref_slice %arg10[%dma_wait3A_561] : memref<512xi32, #tpu.memory_space<vmem>> -> memref<128xi32, #tpu.memory_space<vmem>>
    %dma_wait3A_563 = arith.constant 0 : i32
    %dma_wait3A_564 = arith.constant 0 : i32
    %dma_wait3A_565 = tpu.memref_slice %arg4[%dma_wait3A_563, %dma_wait3A_564] : memref<125000x8xf32, #tpu.memory_space<hbm>> -> memref<125000x8xf32, #tpu.memory_space<hbm>>
    tpu.wait_indirect_dma semaphore(%arg16 : memref<!tpu.dma_semaphore, #tpu.memory_space<semaphore_mem>>) src(%dma_wait3A_565 : memref<125000x8xf32, #tpu.memory_space<hbm>>) dst(%dma_wait3A_560 : memref<128x8xf32, #tpu.memory_space<vmem>>)
    %dma_wait3A_566 = arith.constant 256 : i32
    %dma_wait3A_567 = arith.constant 0 : i32
    %dma_wait3A_568 = tpu.memref_slice %arg12[%dma_wait3A_566, %dma_wait3A_567] : memref<512x8xf32, #tpu.memory_space<vmem>> -> memref<128x8xf32, #tpu.memory_space<vmem>>
    %dma_wait3A_569 = arith.constant 256 : i32
    %dma_wait3A_570 = tpu.memref_slice %arg10[%dma_wait3A_569] : memref<512xi32, #tpu.memory_space<vmem>> -> memref<128xi32, #tpu.memory_space<vmem>>
    %dma_wait3A_571 = arith.constant 0 : i32
    %dma_wait3A_572 = arith.constant 0 : i32
    %dma_wait3A_573 = tpu.memref_slice %arg4[%dma_wait3A_571, %dma_wait3A_572] : memref<125000x8xf32, #tpu.memory_space<hbm>> -> memref<125000x8xf32, #tpu.memory_space<hbm>>
    tpu.wait_indirect_dma semaphore(%arg16 : memref<!tpu.dma_semaphore, #tpu.memory_space<semaphore_mem>>) src(%dma_wait3A_573 : memref<125000x8xf32, #tpu.memory_space<hbm>>) dst(%dma_wait3A_568 : memref<128x8xf32, #tpu.memory_space<vmem>>)
    %dma_wait3A_574 = arith.constant 384 : i32
    %dma_wait3A_575 = arith.constant 0 : i32
    %dma_wait3A_576 = tpu.memref_slice %arg12[%dma_wait3A_574, %dma_wait3A_575] : memref<512x8xf32, #tpu.memory_space<vmem>> -> memref<128x8xf32, #tpu.memory_space<vmem>>
    %dma_wait3A_577 = arith.constant 384 : i32
    %dma_wait3A_578 = tpu.memref_slice %arg10[%dma_wait3A_577] : memref<512xi32, #tpu.memory_space<vmem>> -> memref<128xi32, #tpu.memory_space<vmem>>
    %dma_wait3A_579 = arith.constant 0 : i32
    %dma_wait3A_580 = arith.constant 0 : i32
    %dma_wait3A_581 = tpu.memref_slice %arg4[%dma_wait3A_579, %dma_wait3A_580] : memref<125000x8xf32, #tpu.memory_space<hbm>> -> memref<125000x8xf32, #tpu.memory_space<hbm>>
    tpu.wait_indirect_dma semaphore(%arg16 : memref<!tpu.dma_semaphore, #tpu.memory_space<semaphore_mem>>) src(%dma_wait3A_581 : memref<125000x8xf32, #tpu.memory_space<hbm>>) dst(%dma_wait3A_576 : memref<128x8xf32, #tpu.memory_space<vmem>>)
    %scan3A_582 = arith.constant 0 : i32
    %scan3A_583 = arith.constant 0 : i32
    %scan3A_584 = arith.constant 32 : i32
    %scan3A_585 = arith.addi %scan3A_583, %scan3A_584 : i32
    %scan3A_586 = arith.constant 1 : i32
    scf.for %scan3A_604 = %scan3A_583 to %scan3A_585 step %scan3A_586  : i32 {
      %mul3A_605 = arith.constant 16 : i32
      %mul3A_606 = arith.muli %scan3A_604, %mul3A_605 : i32
      %mul3A_607 = arith.constant 16 : i32
      %mul3A_608 = arith.muli %scan3A_604, %mul3A_607 : i32
      %add3A_609 = vector.broadcast %mul3A_608 : i32 to vector<16xi32>
      %add3A_610 = arith.addi %add3A_609, %iota3A : vector<16xi32>
      %get3A = arith.index_cast %mul3A_606 : i32 to index
      %get3A_611 = tpu.vector_load %arg8[%get3A] {strides = array<i32>} : memref<512xi32, #tpu.memory_space<vmem>>, vector<16xi32>,
      %and3A = arith.constant 7 : i32
      %and3A_612 = vector.broadcast %and3A : i32 to vector<16xi32>
      %and3A_613 = arith.andi %get3A_611, %and3A_612 : vector<16xi32>
      %ge3A = arith.constant 999936 : i32
      %ge3A_614 = vector.broadcast %ge3A : i32 to vector<16xi32>
      %ge3A_615 = arith.cmpi sge, %get3A_611, %ge3A_614 : vector<16xi32>
      %sub3A = arith.constant 999936 : i32
      %sub3A_616 = vector.broadcast %sub3A : i32 to vector<16xi32>
      %sub3A_617 = arith.subi %get3A_611, %sub3A_616 : vector<16xi32>
      %max3A = arith.constant 0 : i32
      %max3A_618 = vector.broadcast %max3A : i32 to vector<16xi32>
      %max3A_619 = arith.maxsi %sub3A_617, %max3A_618 : vector<16xi32>
      %gather3A = tpu.vector_load_idx %arg12[%add3A_610, %and3A_613] : memref<512x8xf32, #tpu.memory_space<vmem>>[vector<16xi32>, vector<16xi32>], vector<16xf32>,
      %swap3A = arith.index_cast %mul3A_606 : i32 to index
      %swap3A_620 = tpu.vector_load %arg15[%swap3A] {strides = array<i32>} : memref<512xf32, #tpu.memory_space<vmem>>, vector<16xf32>,
      tpu.vector_store %arg15[%swap3A], %gather3A {strides = array<i32>} : memref<512xf32, #tpu.memory_space<vmem>>, vector<16xf32>,
      %add3A_621 = arith.constant 0 : i32
      %add3A_622 = vector.broadcast %add3A_621 : i32 to vector<16xi32>
      %add3A_623 = arith.addi %add3A_622, %add3A_610 : vector<16xi32>
      %mul3A_624 = arith.constant 16 : i32
      %mul3A_625 = arith.muli %scan3A_604, %mul3A_624 : i32
      %add3A_626 = arith.constant 0 : i32
      %add3A_627 = arith.addi %add3A_626, %mul3A_625 : i32
      %broadcast_in_dim3A = arith.constant 0 : i32
      %broadcast_in_dim3A_628 = vector.broadcast %broadcast_in_dim3A : i32 to vector<16xi32>
      %gather3A_629 = tpu.vector_load_idx %arg11[%add3A_623, %and3A_613] : memref<4096x8xf32, #tpu.memory_space<vmem>>[vector<16xi32>, vector<16xi32>], vector<16xf32>,
      %gather3A_630 = tpu.vector_load_idx %arg13[%max3A_619, %broadcast_in_dim3A_628] : memref<64x8xf32, #tpu.memory_space<vmem>>[vector<16xi32>, vector<16xi32>], vector<16xf32>,
      %select_n3A = arith.select %ge3A_615, %gather3A_630, %gather3A_629 : vector<16xi1>, vector<16xf32>
      %swap3A_631 = arith.index_cast %add3A_627 : i32 to index
      %swap3A_632 = tpu.vector_load %arg14[%swap3A_631] {strides = array<i32>} : memref<4096xf32, #tpu.memory_space<vmem>>, vector<16xf32>,
      tpu.vector_store %arg14[%swap3A_631], %select_n3A {strides = array<i32>} : memref<4096xf32, #tpu.memory_space<vmem>>, vector<16xf32>,
      %add3A_633 = arith.constant 512 : i32
      %add3A_634 = vector.broadcast %add3A_633 : i32 to vector<16xi32>
      %add3A_635 = arith.addi %add3A_634, %add3A_610 : vector<16xi32>
      %mul3A_636 = arith.constant 16 : i32
      %mul3A_637 = arith.muli %scan3A_604, %mul3A_636 : i32
      %add3A_638 = arith.constant 512 : i32
      %add3A_639 = arith.addi %add3A_638, %mul3A_637 : i32
      %broadcast_in_dim3A_640 = arith.constant 1 : i32
      %broadcast_in_dim3A_641 = vector.broadcast %broadcast_in_dim3A_640 : i32 to vector<16xi32>
      %gather3A_642 = tpu.vector_load_idx %arg11[%add3A_635, %and3A_613] : memref<4096x8xf32, #tpu.memory_space<vmem>>[vector<16xi32>, vector<16xi32>], vector<16xf32>,
      %gather3A_643 = tpu.vector_load_idx %arg13[%max3A_619, %broadcast_in_dim3A_641] : memref<64x8xf32, #tpu.memory_space<vmem>>[vector<16xi32>, vector<16xi32>], vector<16xf32>,
      %select_n3A_644 = arith.select %ge3A_615, %gather3A_643, %gather3A_642 : vector<16xi1>, vector<16xf32>
      %swap3A_645 = arith.index_cast %add3A_639 : i32 to index
      %swap3A_646 = tpu.vector_load %arg14[%swap3A_645] {strides = array<i32>} : memref<4096xf32, #tpu.memory_space<vmem>>, vector<16xf32>,
      tpu.vector_store %arg14[%swap3A_645], %select_n3A_644 {strides = array<i32>} : memref<4096xf32, #tpu.memory_space<vmem>>, vector<16xf32>,
      %add3A_647 = arith.constant 1024 : i32
      %add3A_648 = vector.broadcast %add3A_647 : i32 to vector<16xi32>
      %add3A_649 = arith.addi %add3A_648, %add3A_610 : vector<16xi32>
      %mul3A_650 = arith.constant 16 : i32
      %mul3A_651 = arith.muli %scan3A_604, %mul3A_650 : i32
      %add3A_652 = arith.constant 1024 : i32
      %add3A_653 = arith.addi %add3A_652, %mul3A_651 : i32
      %broadcast_in_dim3A_654 = arith.constant 2 : i32
      %broadcast_in_dim3A_655 = vector.broadcast %broadcast_in_dim3A_654 : i32 to vector<16xi32>
      %gather3A_656 = tpu.vector_load_idx %arg11[%add3A_649, %and3A_613] : memref<4096x8xf32, #tpu.memory_space<vmem>>[vector<16xi32>, vector<16xi32>], vector<16xf32>,
      %gather3A_657 = tpu.vector_load_idx %arg13[%max3A_619, %broadcast_in_dim3A_655] : memref<64x8xf32, #tpu.memory_space<vmem>>[vector<16xi32>, vector<16xi32>], vector<16xf32>,
      %select_n3A_658 = arith.select %ge3A_615, %gather3A_657, %gather3A_656 : vector<16xi1>, vector<16xf32>
      %swap3A_659 = arith.index_cast %add3A_653 : i32 to index
      %swap3A_660 = tpu.vector_load %arg14[%swap3A_659] {strides = array<i32>} : memref<4096xf32, #tpu.memory_space<vmem>>, vector<16xf32>,
      tpu.vector_store %arg14[%swap3A_659], %select_n3A_658 {strides = array<i32>} : memref<4096xf32, #tpu.memory_space<vmem>>, vector<16xf32>,
      %add3A_661 = arith.constant 1536 : i32
      %add3A_662 = vector.broadcast %add3A_661 : i32 to vector<16xi32>
      %add3A_663 = arith.addi %add3A_662, %add3A_610 : vector<16xi32>
      %mul3A_664 = arith.constant 16 : i32
      %mul3A_665 = arith.muli %scan3A_604, %mul3A_664 : i32
      %add3A_666 = arith.constant 1536 : i32
      %add3A_667 = arith.addi %add3A_666, %mul3A_665 : i32
      %broadcast_in_dim3A_668 = arith.constant 3 : i32
      %broadcast_in_dim3A_669 = vector.broadcast %broadcast_in_dim3A_668 : i32 to vector<16xi32>
      %gather3A_670 = tpu.vector_load_idx %arg11[%add3A_663, %and3A_613] : memref<4096x8xf32, #tpu.memory_space<vmem>>[vector<16xi32>, vector<16xi32>], vector<16xf32>,
      %gather3A_671 = tpu.vector_load_idx %arg13[%max3A_619, %broadcast_in_dim3A_669] : memref<64x8xf32, #tpu.memory_space<vmem>>[vector<16xi32>, vector<16xi32>], vector<16xf32>,
      %select_n3A_672 = arith.select %ge3A_615, %gather3A_671, %gather3A_670 : vector<16xi1>, vector<16xf32>
      %swap3A_673 = arith.index_cast %add3A_667 : i32 to index
      %swap3A_674 = tpu.vector_load %arg14[%swap3A_673] {strides = array<i32>} : memref<4096xf32, #tpu.memory_space<vmem>>, vector<16xf32>,
      tpu.vector_store %arg14[%swap3A_673], %select_n3A_672 {strides = array<i32>} : memref<4096xf32, #tpu.memory_space<vmem>>, vector<16xf32>,
      %add3A_675 = arith.constant 2048 : i32
      %add3A_676 = vector.broadcast %add3A_675 : i32 to vector<16xi32>
      %add3A_677 = arith.addi %add3A_676, %add3A_610 : vector<16xi32>
      %mul3A_678 = arith.constant 16 : i32
      %mul3A_679 = arith.muli %scan3A_604, %mul3A_678 : i32
      %add3A_680 = arith.constant 2048 : i32
      %add3A_681 = arith.addi %add3A_680, %mul3A_679 : i32
      %broadcast_in_dim3A_682 = arith.constant 4 : i32
      %broadcast_in_dim3A_683 = vector.broadcast %broadcast_in_dim3A_682 : i32 to vector<16xi32>
      %gather3A_684 = tpu.vector_load_idx %arg11[%add3A_677, %and3A_613] : memref<4096x8xf32, #tpu.memory_space<vmem>>[vector<16xi32>, vector<16xi32>], vector<16xf32>,
      %gather3A_685 = tpu.vector_load_idx %arg13[%max3A_619, %broadcast_in_dim3A_683] : memref<64x8xf32, #tpu.memory_space<vmem>>[vector<16xi32>, vector<16xi32>], vector<16xf32>,
      %select_n3A_686 = arith.select %ge3A_615, %gather3A_685, %gather3A_684 : vector<16xi1>, vector<16xf32>
      %swap3A_687 = arith.index_cast %add3A_681 : i32 to index
      %swap3A_688 = tpu.vector_load %arg14[%swap3A_687] {strides = array<i32>} : memref<4096xf32, #tpu.memory_space<vmem>>, vector<16xf32>,
      tpu.vector_store %arg14[%swap3A_687], %select_n3A_686 {strides = array<i32>} : memref<4096xf32, #tpu.memory_space<vmem>>, vector<16xf32>,
      %add3A_689 = arith.constant 2560 : i32
      %add3A_690 = vector.broadcast %add3A_689 : i32 to vector<16xi32>
      %add3A_691 = arith.addi %add3A_690, %add3A_610 : vector<16xi32>
      %mul3A_692 = arith.constant 16 : i32
      %mul3A_693 = arith.muli %scan3A_604, %mul3A_692 : i32
      %add3A_694 = arith.constant 2560 : i32
      %add3A_695 = arith.addi %add3A_694, %mul3A_693 : i32
      %broadcast_in_dim3A_696 = arith.constant 5 : i32
      %broadcast_in_dim3A_697 = vector.broadcast %broadcast_in_dim3A_696 : i32 to vector<16xi32>
      %gather3A_698 = tpu.vector_load_idx %arg11[%add3A_691, %and3A_613] : memref<4096x8xf32, #tpu.memory_space<vmem>>[vector<16xi32>, vector<16xi32>], vector<16xf32>,
      %gather3A_699 = tpu.vector_load_idx %arg13[%max3A_619, %broadcast_in_dim3A_697] : memref<64x8xf32, #tpu.memory_space<vmem>>[vector<16xi32>, vector<16xi32>], vector<16xf32>,
      %select_n3A_700 = arith.select %ge3A_615, %gather3A_699, %gather3A_698 : vector<16xi1>, vector<16xf32>
      %swap3A_701 = arith.index_cast %add3A_695 : i32 to index
      %swap3A_702 = tpu.vector_load %arg14[%swap3A_701] {strides = array<i32>} : memref<4096xf32, #tpu.memory_space<vmem>>, vector<16xf32>,
      tpu.vector_store %arg14[%swap3A_701], %select_n3A_700 {strides = array<i32>} : memref<4096xf32, #tpu.memory_space<vmem>>, vector<16xf32>,
      %add3A_703 = arith.constant 3072 : i32
      %add3A_704 = vector.broadcast %add3A_703 : i32 to vector<16xi32>
      %add3A_705 = arith.addi %add3A_704, %add3A_610 : vector<16xi32>
      %mul3A_706 = arith.constant 16 : i32
      %mul3A_707 = arith.muli %scan3A_604, %mul3A_706 : i32
      %add3A_708 = arith.constant 3072 : i32
      %add3A_709 = arith.addi %add3A_708, %mul3A_707 : i32
      %broadcast_in_dim3A_710 = arith.constant 6 : i32
      %broadcast_in_dim3A_711 = vector.broadcast %broadcast_in_dim3A_710 : i32 to vector<16xi32>
      %gather3A_712 = tpu.vector_load_idx %arg11[%add3A_705, %and3A_613] : memref<4096x8xf32, #tpu.memory_space<vmem>>[vector<16xi32>, vector<16xi32>], vector<16xf32>,
      %gather3A_713 = tpu.vector_load_idx %arg13[%max3A_619, %broadcast_in_dim3A_711] : memref<64x8xf32, #tpu.memory_space<vmem>>[vector<16xi32>, vector<16xi32>], vector<16xf32>,
      %select_n3A_714 = arith.select %ge3A_615, %gather3A_713, %gather3A_712 : vector<16xi1>, vector<16xf32>
      %swap3A_715 = arith.index_cast %add3A_709 : i32 to index
      %swap3A_716 = tpu.vector_load %arg14[%swap3A_715] {strides = array<i32>} : memref<4096xf32, #tpu.memory_space<vmem>>, vector<16xf32>,
      tpu.vector_store %arg14[%swap3A_715], %select_n3A_714 {strides = array<i32>} : memref<4096xf32, #tpu.memory_space<vmem>>, vector<16xf32>,
      %add3A_717 = arith.constant 3584 : i32
      %add3A_718 = vector.broadcast %add3A_717 : i32 to vector<16xi32>
      %add3A_719 = arith.addi %add3A_718, %add3A_610 : vector<16xi32>
      %mul3A_720 = arith.constant 16 : i32
      %mul3A_721 = arith.muli %scan3A_604, %mul3A_720 : i32
      %add3A_722 = arith.constant 3584 : i32
      %add3A_723 = arith.addi %add3A_722, %mul3A_721 : i32
      %broadcast_in_dim3A_724 = arith.constant 7 : i32
      %broadcast_in_dim3A_725 = vector.broadcast %broadcast_in_dim3A_724 : i32 to vector<16xi32>
      %gather3A_726 = tpu.vector_load_idx %arg11[%add3A_719, %and3A_613] : memref<4096x8xf32, #tpu.memory_space<vmem>>[vector<16xi32>, vector<16xi32>], vector<16xf32>,
      %gather3A_727 = tpu.vector_load_idx %arg13[%max3A_619, %broadcast_in_dim3A_725] : memref<64x8xf32, #tpu.memory_space<vmem>>[vector<16xi32>, vector<16xi32>], vector<16xf32>,
      %select_n3A_728 = arith.select %ge3A_615, %gather3A_727, %gather3A_726 : vector<16xi1>, vector<16xf32>
      %swap3A_729 = arith.index_cast %add3A_723 : i32 to index
      %swap3A_730 = tpu.vector_load %arg14[%swap3A_729] {strides = array<i32>} : memref<4096xf32, #tpu.memory_space<vmem>>, vector<16xf32>,
      tpu.vector_store %arg14[%swap3A_729], %select_n3A_728 {strides = array<i32>} : memref<4096xf32, #tpu.memory_space<vmem>>, vector<16xf32>,
    }
    %scan3A_587 = arith.constant 32 : i32
    %add3A_588 = arith.constant 0 : i32
    %add3A_589 = arith.addi %add3A_588, %mul3A_2 : i32
    "tpu.region"() ({
      %run_scoped3A = tpu.sem_alloc : memref<!tpu.dma_semaphore, #tpu.memory_space<semaphore_mem>>
      %dma_start3A_604 = arith.constant 0 : i32
      %dma_start3A_605 = tpu.memref_slice %arg14[%dma_start3A_604] : memref<4096xf32, #tpu.memory_space<vmem>> -> memref<512xf32, #tpu.memory_space<vmem>>
      %dma_start3A_606 = tpu.memref_slice %arg6[%add3A_589] : memref<131072xf32, #tpu.memory_space<hbm>> -> memref<512xf32, #tpu.memory_space<hbm>>
      %dma_start3A_607 = tpu.memref_slice %arg6[%add3A_589] : memref<131072xf32, #tpu.memory_space<hbm>> -> memref<512xf32, #tpu.memory_space<hbm>>
      %dma_start3A_608 = arith.constant 0 : i32
      %dma_start3A_609 = tpu.memref_slice %arg14[%dma_start3A_608] : memref<4096xf32, #tpu.memory_space<vmem>> -> memref<512xf32, #tpu.memory_space<vmem>>
      tpu.enqueue_dma source(%dma_start3A_609 : memref<512xf32, #tpu.memory_space<vmem>>) target(%dma_start3A_607 : memref<512xf32, #tpu.memory_space<hbm>>) target_semaphore(%run_scoped3A : memref<!tpu.dma_semaphore, #tpu.memory_space<semaphore_mem>>)
      %dma_wait3A_610 = arith.constant 0 : i32
      %dma_wait3A_611 = tpu.memref_slice %arg14[%dma_wait3A_610] : memref<4096xf32, #tpu.memory_space<vmem>> -> memref<512xf32, #tpu.memory_space<vmem>>
      %dma_wait3A_612 = tpu.memref_slice %arg6[%add3A_589] : memref<131072xf32, #tpu.memory_space<hbm>> -> memref<512xf32, #tpu.memory_space<hbm>>
      %dma_wait3A_613 = tpu.memref_slice %arg6[%add3A_589] : memref<131072xf32, #tpu.memory_space<hbm>> -> memref<512xf32, #tpu.memory_space<hbm>>
      %dma_wait3A_614 = arith.constant 0 : i32
      %dma_wait3A_615 = tpu.memref_slice %arg14[%dma_wait3A_614] : memref<4096xf32, #tpu.memory_space<vmem>> -> memref<512xf32, #tpu.memory_space<vmem>>
      tpu.wait_dma2 semaphore(%run_scoped3A : memref<!tpu.dma_semaphore, #tpu.memory_space<semaphore_mem>>) src(%dma_wait3A_615 : memref<512xf32, #tpu.memory_space<vmem>>) dst(%dma_wait3A_613 : memref<512xf32, #tpu.memory_space<hbm>>)
      tpu.yield
    }) : () -> ()
    %add3A_590 = arith.constant 16384 : i32
    %add3A_591 = arith.addi %add3A_590, %mul3A_2 : i32
    "tpu.region"() ({
      %run_scoped3A = tpu.sem_alloc : memref<!tpu.dma_semaphore, #tpu.memory_space<semaphore_mem>>
      %dma_start3A_604 = arith.constant 512 : i32
      %dma_start3A_605 = tpu.memref_slice %arg14[%dma_start3A_604] : memref<4096xf32, #tpu.memory_space<vmem>> -> memref<512xf32, #tpu.memory_space<vmem>>
      %dma_start3A_606 = tpu.memref_slice %arg6[%add3A_591] : memref<131072xf32, #tpu.memory_space<hbm>> -> memref<512xf32, #tpu.memory_space<hbm>>
      %dma_start3A_607 = tpu.memref_slice %arg6[%add3A_591] : memref<131072xf32, #tpu.memory_space<hbm>> -> memref<512xf32, #tpu.memory_space<hbm>>
      %dma_start3A_608 = arith.constant 512 : i32
      %dma_start3A_609 = tpu.memref_slice %arg14[%dma_start3A_608] : memref<4096xf32, #tpu.memory_space<vmem>> -> memref<512xf32, #tpu.memory_space<vmem>>
      tpu.enqueue_dma source(%dma_start3A_609 : memref<512xf32, #tpu.memory_space<vmem>>) target(%dma_start3A_607 : memref<512xf32, #tpu.memory_space<hbm>>) target_semaphore(%run_scoped3A : memref<!tpu.dma_semaphore, #tpu.memory_space<semaphore_mem>>)
      %dma_wait3A_610 = arith.constant 512 : i32
      %dma_wait3A_611 = tpu.memref_slice %arg14[%dma_wait3A_610] : memref<4096xf32, #tpu.memory_space<vmem>> -> memref<512xf32, #tpu.memory_space<vmem>>
      %dma_wait3A_612 = tpu.memref_slice %arg6[%add3A_591] : memref<131072xf32, #tpu.memory_space<hbm>> -> memref<512xf32, #tpu.memory_space<hbm>>
      %dma_wait3A_613 = tpu.memref_slice %arg6[%add3A_591] : memref<131072xf32, #tpu.memory_space<hbm>> -> memref<512xf32, #tpu.memory_space<hbm>>
      %dma_wait3A_614 = arith.constant 512 : i32
      %dma_wait3A_615 = tpu.memref_slice %arg14[%dma_wait3A_614] : memref<4096xf32, #tpu.memory_space<vmem>> -> memref<512xf32, #tpu.memory_space<vmem>>
      tpu.wait_dma2 semaphore(%run_scoped3A : memref<!tpu.dma_semaphore, #tpu.memory_space<semaphore_mem>>) src(%dma_wait3A_615 : memref<512xf32, #tpu.memory_space<vmem>>) dst(%dma_wait3A_613 : memref<512xf32, #tpu.memory_space<hbm>>)
      tpu.yield
    }) : () -> ()
    %add3A_592 = arith.constant 32768 : i32
    %add3A_593 = arith.addi %add3A_592, %mul3A_2 : i32
    "tpu.region"() ({
      %run_scoped3A = tpu.sem_alloc : memref<!tpu.dma_semaphore, #tpu.memory_space<semaphore_mem>>
      %dma_start3A_604 = arith.constant 1024 : i32
      %dma_start3A_605 = tpu.memref_slice %arg14[%dma_start3A_604] : memref<4096xf32, #tpu.memory_space<vmem>> -> memref<512xf32, #tpu.memory_space<vmem>>
      %dma_start3A_606 = tpu.memref_slice %arg6[%add3A_593] : memref<131072xf32, #tpu.memory_space<hbm>> -> memref<512xf32, #tpu.memory_space<hbm>>
      %dma_start3A_607 = tpu.memref_slice %arg6[%add3A_593] : memref<131072xf32, #tpu.memory_space<hbm>> -> memref<512xf32, #tpu.memory_space<hbm>>
      %dma_start3A_608 = arith.constant 1024 : i32
      %dma_start3A_609 = tpu.memref_slice %arg14[%dma_start3A_608] : memref<4096xf32, #tpu.memory_space<vmem>> -> memref<512xf32, #tpu.memory_space<vmem>>
      tpu.enqueue_dma source(%dma_start3A_609 : memref<512xf32, #tpu.memory_space<vmem>>) target(%dma_start3A_607 : memref<512xf32, #tpu.memory_space<hbm>>) target_semaphore(%run_scoped3A : memref<!tpu.dma_semaphore, #tpu.memory_space<semaphore_mem>>)
      %dma_wait3A_610 = arith.constant 1024 : i32
      %dma_wait3A_611 = tpu.memref_slice %arg14[%dma_wait3A_610] : memref<4096xf32, #tpu.memory_space<vmem>> -> memref<512xf32, #tpu.memory_space<vmem>>
      %dma_wait3A_612 = tpu.memref_slice %arg6[%add3A_593] : memref<131072xf32, #tpu.memory_space<hbm>> -> memref<512xf32, #tpu.memory_space<hbm>>
      %dma_wait3A_613 = tpu.memref_slice %arg6[%add3A_593] : memref<131072xf32, #tpu.memory_space<hbm>> -> memref<512xf32, #tpu.memory_space<hbm>>
      %dma_wait3A_614 = arith.constant 1024 : i32
      %dma_wait3A_615 = tpu.memref_slice %arg14[%dma_wait3A_614] : memref<4096xf32, #tpu.memory_space<vmem>> -> memref<512xf32, #tpu.memory_space<vmem>>
      tpu.wait_dma2 semaphore(%run_scoped3A : memref<!tpu.dma_semaphore, #tpu.memory_space<semaphore_mem>>) src(%dma_wait3A_615 : memref<512xf32, #tpu.memory_space<vmem>>) dst(%dma_wait3A_613 : memref<512xf32, #tpu.memory_space<hbm>>)
      tpu.yield
    }) : () -> ()
    %add3A_594 = arith.constant 49152 : i32
    %add3A_595 = arith.addi %add3A_594, %mul3A_2 : i32
    "tpu.region"() ({
      %run_scoped3A = tpu.sem_alloc : memref<!tpu.dma_semaphore, #tpu.memory_space<semaphore_mem>>
      %dma_start3A_604 = arith.constant 1536 : i32
      %dma_start3A_605 = tpu.memref_slice %arg14[%dma_start3A_604] : memref<4096xf32, #tpu.memory_space<vmem>> -> memref<512xf32, #tpu.memory_space<vmem>>
      %dma_start3A_606 = tpu.memref_slice %arg6[%add3A_595] : memref<131072xf32, #tpu.memory_space<hbm>> -> memref<512xf32, #tpu.memory_space<hbm>>
      %dma_start3A_607 = tpu.memref_slice %arg6[%add3A_595] : memref<131072xf32, #tpu.memory_space<hbm>> -> memref<512xf32, #tpu.memory_space<hbm>>
      %dma_start3A_608 = arith.constant 1536 : i32
      %dma_start3A_609 = tpu.memref_slice %arg14[%dma_start3A_608] : memref<4096xf32, #tpu.memory_space<vmem>> -> memref<512xf32, #tpu.memory_space<vmem>>
      tpu.enqueue_dma source(%dma_start3A_609 : memref<512xf32, #tpu.memory_space<vmem>>) target(%dma_start3A_607 : memref<512xf32, #tpu.memory_space<hbm>>) target_semaphore(%run_scoped3A : memref<!tpu.dma_semaphore, #tpu.memory_space<semaphore_mem>>)
      %dma_wait3A_610 = arith.constant 1536 : i32
      %dma_wait3A_611 = tpu.memref_slice %arg14[%dma_wait3A_610] : memref<4096xf32, #tpu.memory_space<vmem>> -> memref<512xf32, #tpu.memory_space<vmem>>
      %dma_wait3A_612 = tpu.memref_slice %arg6[%add3A_595] : memref<131072xf32, #tpu.memory_space<hbm>> -> memref<512xf32, #tpu.memory_space<hbm>>
      %dma_wait3A_613 = tpu.memref_slice %arg6[%add3A_595] : memref<131072xf32, #tpu.memory_space<hbm>> -> memref<512xf32, #tpu.memory_space<hbm>>
      %dma_wait3A_614 = arith.constant 1536 : i32
      %dma_wait3A_615 = tpu.memref_slice %arg14[%dma_wait3A_614] : memref<4096xf32, #tpu.memory_space<vmem>> -> memref<512xf32, #tpu.memory_space<vmem>>
      tpu.wait_dma2 semaphore(%run_scoped3A : memref<!tpu.dma_semaphore, #tpu.memory_space<semaphore_mem>>) src(%dma_wait3A_615 : memref<512xf32, #tpu.memory_space<vmem>>) dst(%dma_wait3A_613 : memref<512xf32, #tpu.memory_space<hbm>>)
      tpu.yield
    }) : () -> ()
    %add3A_596 = arith.constant 65536 : i32
    %add3A_597 = arith.addi %add3A_596, %mul3A_2 : i32
    "tpu.region"() ({
      %run_scoped3A = tpu.sem_alloc : memref<!tpu.dma_semaphore, #tpu.memory_space<semaphore_mem>>
      %dma_start3A_604 = arith.constant 2048 : i32
      %dma_start3A_605 = tpu.memref_slice %arg14[%dma_start3A_604] : memref<4096xf32, #tpu.memory_space<vmem>> -> memref<512xf32, #tpu.memory_space<vmem>>
      %dma_start3A_606 = tpu.memref_slice %arg6[%add3A_597] : memref<131072xf32, #tpu.memory_space<hbm>> -> memref<512xf32, #tpu.memory_space<hbm>>
      %dma_start3A_607 = tpu.memref_slice %arg6[%add3A_597] : memref<131072xf32, #tpu.memory_space<hbm>> -> memref<512xf32, #tpu.memory_space<hbm>>
      %dma_start3A_608 = arith.constant 2048 : i32
      %dma_start3A_609 = tpu.memref_slice %arg14[%dma_start3A_608] : memref<4096xf32, #tpu.memory_space<vmem>> -> memref<512xf32, #tpu.memory_space<vmem>>
      tpu.enqueue_dma source(%dma_start3A_609 : memref<512xf32, #tpu.memory_space<vmem>>) target(%dma_start3A_607 : memref<512xf32, #tpu.memory_space<hbm>>) target_semaphore(%run_scoped3A : memref<!tpu.dma_semaphore, #tpu.memory_space<semaphore_mem>>)
      %dma_wait3A_610 = arith.constant 2048 : i32
      %dma_wait3A_611 = tpu.memref_slice %arg14[%dma_wait3A_610] : memref<4096xf32, #tpu.memory_space<vmem>> -> memref<512xf32, #tpu.memory_space<vmem>>
      %dma_wait3A_612 = tpu.memref_slice %arg6[%add3A_597] : memref<131072xf32, #tpu.memory_space<hbm>> -> memref<512xf32, #tpu.memory_space<hbm>>
      %dma_wait3A_613 = tpu.memref_slice %arg6[%add3A_597] : memref<131072xf32, #tpu.memory_space<hbm>> -> memref<512xf32, #tpu.memory_space<hbm>>
      %dma_wait3A_614 = arith.constant 2048 : i32
      %dma_wait3A_615 = tpu.memref_slice %arg14[%dma_wait3A_614] : memref<4096xf32, #tpu.memory_space<vmem>> -> memref<512xf32, #tpu.memory_space<vmem>>
      tpu.wait_dma2 semaphore(%run_scoped3A : memref<!tpu.dma_semaphore, #tpu.memory_space<semaphore_mem>>) src(%dma_wait3A_615 : memref<512xf32, #tpu.memory_space<vmem>>) dst(%dma_wait3A_613 : memref<512xf32, #tpu.memory_space<hbm>>)
      tpu.yield
    }) : () -> ()
    %add3A_598 = arith.constant 81920 : i32
    %add3A_599 = arith.addi %add3A_598, %mul3A_2 : i32
    "tpu.region"() ({
      %run_scoped3A = tpu.sem_alloc : memref<!tpu.dma_semaphore, #tpu.memory_space<semaphore_mem>>
      %dma_start3A_604 = arith.constant 2560 : i32
      %dma_start3A_605 = tpu.memref_slice %arg14[%dma_start3A_604] : memref<4096xf32, #tpu.memory_space<vmem>> -> memref<512xf32, #tpu.memory_space<vmem>>
      %dma_start3A_606 = tpu.memref_slice %arg6[%add3A_599] : memref<131072xf32, #tpu.memory_space<hbm>> -> memref<512xf32, #tpu.memory_space<hbm>>
      %dma_start3A_607 = tpu.memref_slice %arg6[%add3A_599] : memref<131072xf32, #tpu.memory_space<hbm>> -> memref<512xf32, #tpu.memory_space<hbm>>
      %dma_start3A_608 = arith.constant 2560 : i32
      %dma_start3A_609 = tpu.memref_slice %arg14[%dma_start3A_608] : memref<4096xf32, #tpu.memory_space<vmem>> -> memref<512xf32, #tpu.memory_space<vmem>>
      tpu.enqueue_dma source(%dma_start3A_609 : memref<512xf32, #tpu.memory_space<vmem>>) target(%dma_start3A_607 : memref<512xf32, #tpu.memory_space<hbm>>) target_semaphore(%run_scoped3A : memref<!tpu.dma_semaphore, #tpu.memory_space<semaphore_mem>>)
      %dma_wait3A_610 = arith.constant 2560 : i32
      %dma_wait3A_611 = tpu.memref_slice %arg14[%dma_wait3A_610] : memref<4096xf32, #tpu.memory_space<vmem>> -> memref<512xf32, #tpu.memory_space<vmem>>
      %dma_wait3A_612 = tpu.memref_slice %arg6[%add3A_599] : memref<131072xf32, #tpu.memory_space<hbm>> -> memref<512xf32, #tpu.memory_space<hbm>>
      %dma_wait3A_613 = tpu.memref_slice %arg6[%add3A_599] : memref<131072xf32, #tpu.memory_space<hbm>> -> memref<512xf32, #tpu.memory_space<hbm>>
      %dma_wait3A_614 = arith.constant 2560 : i32
      %dma_wait3A_615 = tpu.memref_slice %arg14[%dma_wait3A_614] : memref<4096xf32, #tpu.memory_space<vmem>> -> memref<512xf32, #tpu.memory_space<vmem>>
      tpu.wait_dma2 semaphore(%run_scoped3A : memref<!tpu.dma_semaphore, #tpu.memory_space<semaphore_mem>>) src(%dma_wait3A_615 : memref<512xf32, #tpu.memory_space<vmem>>) dst(%dma_wait3A_613 : memref<512xf32, #tpu.memory_space<hbm>>)
      tpu.yield
    }) : () -> ()
    %add3A_600 = arith.constant 98304 : i32
    %add3A_601 = arith.addi %add3A_600, %mul3A_2 : i32
    "tpu.region"() ({
      %run_scoped3A = tpu.sem_alloc : memref<!tpu.dma_semaphore, #tpu.memory_space<semaphore_mem>>
      %dma_start3A_604 = arith.constant 3072 : i32
      %dma_start3A_605 = tpu.memref_slice %arg14[%dma_start3A_604] : memref<4096xf32, #tpu.memory_space<vmem>> -> memref<512xf32, #tpu.memory_space<vmem>>
      %dma_start3A_606 = tpu.memref_slice %arg6[%add3A_601] : memref<131072xf32, #tpu.memory_space<hbm>> -> memref<512xf32, #tpu.memory_space<hbm>>
      %dma_start3A_607 = tpu.memref_slice %arg6[%add3A_601] : memref<131072xf32, #tpu.memory_space<hbm>> -> memref<512xf32, #tpu.memory_space<hbm>>
      %dma_start3A_608 = arith.constant 3072 : i32
      %dma_start3A_609 = tpu.memref_slice %arg14[%dma_start3A_608] : memref<4096xf32, #tpu.memory_space<vmem>> -> memref<512xf32, #tpu.memory_space<vmem>>
      tpu.enqueue_dma source(%dma_start3A_609 : memref<512xf32, #tpu.memory_space<vmem>>) target(%dma_start3A_607 : memref<512xf32, #tpu.memory_space<hbm>>) target_semaphore(%run_scoped3A : memref<!tpu.dma_semaphore, #tpu.memory_space<semaphore_mem>>)
      %dma_wait3A_610 = arith.constant 3072 : i32
      %dma_wait3A_611 = tpu.memref_slice %arg14[%dma_wait3A_610] : memref<4096xf32, #tpu.memory_space<vmem>> -> memref<512xf32, #tpu.memory_space<vmem>>
      %dma_wait3A_612 = tpu.memref_slice %arg6[%add3A_601] : memref<131072xf32, #tpu.memory_space<hbm>> -> memref<512xf32, #tpu.memory_space<hbm>>
      %dma_wait3A_613 = tpu.memref_slice %arg6[%add3A_601] : memref<131072xf32, #tpu.memory_space<hbm>> -> memref<512xf32, #tpu.memory_space<hbm>>
      %dma_wait3A_614 = arith.constant 3072 : i32
      %dma_wait3A_615 = tpu.memref_slice %arg14[%dma_wait3A_614] : memref<4096xf32, #tpu.memory_space<vmem>> -> memref<512xf32, #tpu.memory_space<vmem>>
      tpu.wait_dma2 semaphore(%run_scoped3A : memref<!tpu.dma_semaphore, #tpu.memory_space<semaphore_mem>>) src(%dma_wait3A_615 : memref<512xf32, #tpu.memory_space<vmem>>) dst(%dma_wait3A_613 : memref<512xf32, #tpu.memory_space<hbm>>)
      tpu.yield
    }) : () -> ()
    %add3A_602 = arith.constant 114688 : i32
    %add3A_603 = arith.addi %add3A_602, %mul3A_2 : i32
    "tpu.region"() ({
      %run_scoped3A = tpu.sem_alloc : memref<!tpu.dma_semaphore, #tpu.memory_space<semaphore_mem>>
      %dma_start3A_604 = arith.constant 3584 : i32
      %dma_start3A_605 = tpu.memref_slice %arg14[%dma_start3A_604] : memref<4096xf32, #tpu.memory_space<vmem>> -> memref<512xf32, #tpu.memory_space<vmem>>
      %dma_start3A_606 = tpu.memref_slice %arg6[%add3A_603] : memref<131072xf32, #tpu.memory_space<hbm>> -> memref<512xf32, #tpu.memory_space<hbm>>
      %dma_start3A_607 = tpu.memref_slice %arg6[%add3A_603] : memref<131072xf32, #tpu.memory_space<hbm>> -> memref<512xf32, #tpu.memory_space<hbm>>
      %dma_start3A_608 = arith.constant 3584 : i32
      %dma_start3A_609 = tpu.memref_slice %arg14[%dma_start3A_608] : memref<4096xf32, #tpu.memory_space<vmem>> -> memref<512xf32, #tpu.memory_space<vmem>>
      tpu.enqueue_dma source(%dma_start3A_609 : memref<512xf32, #tpu.memory_space<vmem>>) target(%dma_start3A_607 : memref<512xf32, #tpu.memory_space<hbm>>) target_semaphore(%run_scoped3A : memref<!tpu.dma_semaphore, #tpu.memory_space<semaphore_mem>>)
      %dma_wait3A_610 = arith.constant 3584 : i32
      %dma_wait3A_611 = tpu.memref_slice %arg14[%dma_wait3A_610] : memref<4096xf32, #tpu.memory_space<vmem>> -> memref<512xf32, #tpu.memory_space<vmem>>
      %dma_wait3A_612 = tpu.memref_slice %arg6[%add3A_603] : memref<131072xf32, #tpu.memory_space<hbm>> -> memref<512xf32, #tpu.memory_space<hbm>>
      %dma_wait3A_613 = tpu.memref_slice %arg6[%add3A_603] : memref<131072xf32, #tpu.memory_space<hbm>> -> memref<512xf32, #tpu.memory_space<hbm>>
      %dma_wait3A_614 = arith.constant 3584 : i32
      %dma_wait3A_615 = tpu.memref_slice %arg14[%dma_wait3A_614] : memref<4096xf32, #tpu.memory_space<vmem>> -> memref<512xf32, #tpu.memory_space<vmem>>
      tpu.wait_dma2 semaphore(%run_scoped3A : memref<!tpu.dma_semaphore, #tpu.memory_space<semaphore_mem>>) src(%dma_wait3A_615 : memref<512xf32, #tpu.memory_space<vmem>>) dst(%dma_wait3A_613 : memref<512xf32, #tpu.memory_space<hbm>>)
      tpu.yield
    }) : () -> ()
    "tpu.region"() ({
      %run_scoped3A = tpu.sem_alloc : memref<!tpu.dma_semaphore, #tpu.memory_space<semaphore_mem>>
      %dma_start3A_604 = tpu.memref_slice %arg7[%mul3A_2] : memref<16384xf32, #tpu.memory_space<hbm>> -> memref<512xf32, #tpu.memory_space<hbm>>
      %dma_start3A_605 = tpu.memref_slice %arg7[%mul3A_2] : memref<16384xf32, #tpu.memory_space<hbm>> -> memref<512xf32, #tpu.memory_space<hbm>>
      tpu.enqueue_dma source(%arg15 : memref<512xf32, #tpu.memory_space<vmem>>) target(%dma_start3A_605 : memref<512xf32, #tpu.memory_space<hbm>>) target_semaphore(%run_scoped3A : memref<!tpu.dma_semaphore, #tpu.memory_space<semaphore_mem>>)
      %dma_wait3A_606 = tpu.memref_slice %arg7[%mul3A_2] : memref<16384xf32, #tpu.memory_space<hbm>> -> memref<512xf32, #tpu.memory_space<hbm>>
      %dma_wait3A_607 = tpu.memref_slice %arg7[%mul3A_2] : memref<16384xf32, #tpu.memory_space<hbm>> -> memref<512xf32, #tpu.memory_space<hbm>>
      tpu.wait_dma2 semaphore(%run_scoped3A : memref<!tpu.dma_semaphore, #tpu.memory_space<semaphore_mem>>) src(%arg15 : memref<512xf32, #tpu.memory_space<vmem>>) dst(%dma_wait3A_607 : memref<512xf32, #tpu.memory_space<hbm>>)
      tpu.yield
    }) : () -> ()
    return
  }
}

#map = affine_map<(d0, d1) -> (0)>
#map1 = affine_map<(d0, d1) -> (0, 0)>
module attributes {stable_mosaic.version = 14 : i64} {
  func.func @_sc_table_body(%arg0: i32, %arg1: i32, %arg2: memref<16384xi32, #tpu.memory_space<hbm>>, %arg3: memref<1000000x8xf32, #tpu.memory_space<hbm>>, %arg4: memref<125000x8xf32, #tpu.memory_space<hbm>>, %arg5: memref<64x8xf32, #tpu.memory_space<hbm>>, %arg6: memref<131072xf32, #tpu.memory_space<hbm>>, %arg7: memref<16384xf32, #tpu.memory_space<hbm>>, %arg8: memref<512xi32, #tpu.memory_space<vmem>>, %arg9: memref<4096xi32, #tpu.memory_space<vmem>>, %arg10: memref<512xi32, #tpu.memory_space<vmem>>, %arg11: memref<4096x8xf32, #tpu.memory_space<vmem>>, %arg12: memref<512x8xf32, #tpu.memory_space<vmem>>, %arg13: memref<64x8xf32, #tpu.memory_space<vmem>>, %arg14: memref<4096xf32, #tpu.memory_space<vmem>>, %arg15: memref<512xf32, #tpu.memory_space<vmem>>, %arg16: memref<!tpu.dma_semaphore, #tpu.memory_space<semaphore_mem>>) attributes {dimension_semantics = [#tpu.dimension_semantics<core_parallel>, #tpu.dimension_semantics<subcore_parallel>], iteration_bounds = array<i64: 2, 16>, scalar_prefetch = 0 : i64, scratch_operands = 9 : i64, tpu.core_type = #tpu.core_type<sc_vector_subcore>, window_params = [{transform_indices = #map}, {transform_indices = #map1}, {transform_indices = #map1}, {transform_indices = #map1}, {transform_indices = #map}, {transform_indices = #map}]} {
    %mul3A = arith.constant 2 : i32
    %mul3A_0 = arith.muli %arg1, %mul3A : i32
    %add3A = arith.addi %mul3A_0, %arg0 : i32
    %mul3A_1 = arith.constant 512 : i32
    %mul3A_2 = arith.muli %add3A, %mul3A_1 : i32
    "tpu.region"() ({
      %run_scoped3A = tpu.sem_alloc : memref<!tpu.dma_semaphore, #tpu.memory_space<semaphore_mem>>
      %dma_start3A_604 = tpu.memref_slice %arg2[%mul3A_2] : memref<16384xi32, #tpu.memory_space<hbm>> -> memref<512xi32, #tpu.memory_space<hbm>>
      %dma_start3A_605 = tpu.memref_slice %arg2[%mul3A_2] : memref<16384xi32, #tpu.memory_space<hbm>> -> memref<512xi32, #tpu.memory_space<hbm>>
      tpu.enqueue_dma source(%dma_start3A_605 : memref<512xi32, #tpu.memory_space<hbm>>) target(%arg8 : memref<512xi32, #tpu.memory_space<vmem>>) target_semaphore(%run_scoped3A : memref<!tpu.dma_semaphore, #tpu.memory_space<semaphore_mem>>)
      %dma_wait3A_606 = tpu.memref_slice %arg2[%mul3A_2] : memref<16384xi32, #tpu.memory_space<hbm>> -> memref<512xi32, #tpu.memory_space<hbm>>
      %dma_wait3A_607 = tpu.memref_slice %arg2[%mul3A_2] : memref<16384xi32, #tpu.memory_space<hbm>> -> memref<512xi32, #tpu.memory_space<hbm>>
      tpu.wait_dma2 semaphore(%run_scoped3A : memref<!tpu.dma_semaphore, #tpu.memory_space<semaphore_mem>>) src(%dma_wait3A_607 : memref<512xi32, #tpu.memory_space<hbm>>) dst(%arg8 : memref<512xi32, #tpu.memory_space<vmem>>)
      tpu.yield
    }) : () -> ()
    "tpu.region"() ({
      %run_scoped3A = tpu.sem_alloc : memref<!tpu.dma_semaphore, #tpu.memory_space<semaphore_mem>>
      tpu.enqueue_dma source(%arg5 : memref<64x8xf32, #tpu.memory_space<hbm>>) target(%arg13 : memref<64x8xf32, #tpu.memory_space<vmem>>) target_semaphore(%run_scoped3A : memref<!tpu.dma_semaphore, #tpu.memory_space<semaphore_mem>>)
      tpu.wait_dma2 semaphore(%run_scoped3A : memref<!tpu.dma_semaphore, #tpu.memory_space<semaphore_mem>>) src(%arg5 : memref<64x8xf32, #tpu.memory_space<hbm>>) dst(%arg13 : memref<64x8xf32, #tpu.memory_space<vmem>>)
      tpu.yield
    }) : () -> ()
    %iota3A = tpu.iota {dimensions = array<i32: 0>} : vector<16xi32>
    %scan3A = arith.constant 0 : i32
    %scan3A_3 = arith.constant 0 : i32
    %scan3A_4 = arith.constant 32 : i32
    %scan3A_5 = arith.addi %scan3A_3, %scan3A_4 : i32
    %scan3A_6 = arith.constant 1 : i32
    scf.for %scan3A_604 = %scan3A_3 to %scan3A_5 step %scan3A_6  : i32 {
      %mul3A_605 = arith.constant 16 : i32
      %mul3A_606 = arith.muli %scan3A_604, %mul3A_605 : i32
      %get3A = arith.index_cast %mul3A_606 : i32 to index
      %get3A_607 = tpu.vector_load %arg8[%get3A] {strides = array<i32>} : memref<512xi32, #tpu.memory_space<vmem>>, vector<16xi32>,
      %shift_right_arithmetic3A = arith.constant 3 : i32
      %shift_right_arithmetic3A_608 = vector.broadcast %shift_right_arithmetic3A : i32 to vector<16xi32>
      %shift_right_arithmetic3A_609 = arith.shrsi %get3A_607, %shift_right_arithmetic3A_608 : vector<16xi32>
      %swap3A = arith.index_cast %mul3A_606 : i32 to index
      %swap3A_610 = tpu.vector_load %arg10[%swap3A] {strides = array<i32>} : memref<512xi32, #tpu.memory_space<vmem>>, vector<16xi32>,
      tpu.vector_store %arg10[%swap3A], %shift_right_arithmetic3A_609 {strides = array<i32>} : memref<512xi32, #tpu.memory_space<vmem>>, vector<16xi32>,
      %min3A = arith.constant 999935 : i32
      %min3A_611 = vector.broadcast %min3A : i32 to vector<16xi32>
      %min3A_612 = arith.minsi %get3A_607, %min3A_611 : vector<16xi32>
      %shift_right_arithmetic3A_613 = arith.constant 7 : i32
      %shift_right_arithmetic3A_614 = vector.broadcast %shift_right_arithmetic3A_613 : i32 to vector<16xi32>
      %shift_right_arithmetic3A_615 = arith.shrsi %min3A_612, %shift_right_arithmetic3A_614 : vector<16xi32>
      %mul3A_616 = arith.constant 128 : i32
      %mul3A_617 = vector.broadcast %mul3A_616 : i32 to vector<16xi32>
      %mul3A_618 = arith.muli %shift_right_arithmetic3A_615, %mul3A_617 : vector<16xi32>
      %shift_right_arithmetic3A_619 = arith.constant 3 : i32
      %shift_right_arithmetic3A_620 = vector.broadcast %shift_right_arithmetic3A_619 : i32 to vector<16xi32>
      %shift_right_arithmetic3A_621 = arith.shrsi %min3A_612, %shift_right_arithmetic3A_620 : vector<16xi32>
      %and3A = arith.constant 15 : i32
      %and3A_622 = vector.broadcast %and3A : i32 to vector<16xi32>
      %and3A_623 = arith.andi %shift_right_arithmetic3A_621, %and3A_622 : vector<16xi32>
      %add3A_624 = arith.addi %mul3A_618, %and3A_623 : vector<16xi32>
      %add3A_625 = arith.constant 0 : i32
      %add3A_626 = vector.broadcast %add3A_625 : i32 to vector<16xi32>
      %add3A_627 = arith.addi %add3A_624, %add3A_626 : vector<16xi32>
      %mul3A_628 = arith.constant 16 : i32
      %mul3A_629 = arith.muli %scan3A_604, %mul3A_628 : i32
      %add3A_630 = arith.constant 0 : i32
      %add3A_631 = arith.addi %add3A_630, %mul3A_629 : i32
      %swap3A_632 = arith.index_cast %add3A_631 : i32 to index
      %swap3A_633 = tpu.vector_load %arg9[%swap3A_632] {strides = array<i32>} : memref<4096xi32, #tpu.memory_space<vmem>>, vector<16xi32>,
      tpu.vector_store %arg9[%swap3A_632], %add3A_627 {strides = array<i32>} : memref<4096xi32, #tpu.memory_space<vmem>>, vector<16xi32>,
      %add3A_634 = arith.constant 16 : i32
      %add3A_635 = vector.broadcast %add3A_634 : i32 to vector<16xi32>
      %add3A_636 = arith.addi %add3A_624, %add3A_635 : vector<16xi32>
      %mul3A_637 = arith.constant 16 : i32
      %mul3A_638 = arith.muli %scan3A_604, %mul3A_637 : i32
      %add3A_639 = arith.constant 512 : i32
      %add3A_640 = arith.addi %add3A_639, %mul3A_638 : i32
      %swap3A_641 = arith.index_cast %add3A_640 : i32 to index
      %swap3A_642 = tpu.vector_load %arg9[%swap3A_641] {strides = array<i32>} : memref<4096xi32, #tpu.memory_space<vmem>>, vector<16xi32>,
      tpu.vector_store %arg9[%swap3A_641], %add3A_636 {strides = array<i32>} : memref<4096xi32, #tpu.memory_space<vmem>>, vector<16xi32>,
      %add3A_643 = arith.constant 32 : i32
      %add3A_644 = vector.broadcast %add3A_643 : i32 to vector<16xi32>
      %add3A_645 = arith.addi %add3A_624, %add3A_644 : vector<16xi32>
      %mul3A_646 = arith.constant 16 : i32
      %mul3A_647 = arith.muli %scan3A_604, %mul3A_646 : i32
      %add3A_648 = arith.constant 1024 : i32
      %add3A_649 = arith.addi %add3A_648, %mul3A_647 : i32
      %swap3A_650 = arith.index_cast %add3A_649 : i32 to index
      %swap3A_651 = tpu.vector_load %arg9[%swap3A_650] {strides = array<i32>} : memref<4096xi32, #tpu.memory_space<vmem>>, vector<16xi32>,
      tpu.vector_store %arg9[%swap3A_650], %add3A_645 {strides = array<i32>} : memref<4096xi32, #tpu.memory_space<vmem>>, vector<16xi32>,
      %add3A_652 = arith.constant 48 : i32
      %add3A_653 = vector.broadcast %add3A_652 : i32 to vector<16xi32>
      %add3A_654 = arith.addi %add3A_624, %add3A_653 : vector<16xi32>
      %mul3A_655 = arith.constant 16 : i32
      %mul3A_656 = arith.muli %scan3A_604, %mul3A_655 : i32
      %add3A_657 = arith.constant 1536 : i32
      %add3A_658 = arith.addi %add3A_657, %mul3A_656 : i32
      %swap3A_659 = arith.index_cast %add3A_658 : i32 to index
      %swap3A_660 = tpu.vector_load %arg9[%swap3A_659] {strides = array<i32>} : memref<4096xi32, #tpu.memory_space<vmem>>, vector<16xi32>,
      tpu.vector_store %arg9[%swap3A_659], %add3A_654 {strides = array<i32>} : memref<4096xi32, #tpu.memory_space<vmem>>, vector<16xi32>,
      %add3A_661 = arith.constant 64 : i32
      %add3A_662 = vector.broadcast %add3A_661 : i32 to vector<16xi32>
      %add3A_663 = arith.addi %add3A_624, %add3A_662 : vector<16xi32>
      %mul3A_664 = arith.constant 16 : i32
      %mul3A_665 = arith.muli %scan3A_604, %mul3A_664 : i32
      %add3A_666 = arith.constant 2048 : i32
      %add3A_667 = arith.addi %add3A_666, %mul3A_665 : i32
      %swap3A_668 = arith.index_cast %add3A_667 : i32 to index
      %swap3A_669 = tpu.vector_load %arg9[%swap3A_668] {strides = array<i32>} : memref<4096xi32, #tpu.memory_space<vmem>>, vector<16xi32>,
      tpu.vector_store %arg9[%swap3A_668], %add3A_663 {strides = array<i32>} : memref<4096xi32, #tpu.memory_space<vmem>>, vector<16xi32>,
      %add3A_670 = arith.constant 80 : i32
      %add3A_671 = vector.broadcast %add3A_670 : i32 to vector<16xi32>
      %add3A_672 = arith.addi %add3A_624, %add3A_671 : vector<16xi32>
      %mul3A_673 = arith.constant 16 : i32
      %mul3A_674 = arith.muli %scan3A_604, %mul3A_673 : i32
      %add3A_675 = arith.constant 2560 : i32
      %add3A_676 = arith.addi %add3A_675, %mul3A_674 : i32
      %swap3A_677 = arith.index_cast %add3A_676 : i32 to index
      %swap3A_678 = tpu.vector_load %arg9[%swap3A_677] {strides = array<i32>} : memref<4096xi32, #tpu.memory_space<vmem>>, vector<16xi32>,
      tpu.vector_store %arg9[%swap3A_677], %add3A_672 {strides = array<i32>} : memref<4096xi32, #tpu.memory_space<vmem>>, vector<16xi32>,
      %add3A_679 = arith.constant 96 : i32
      %add3A_680 = vector.broadcast %add3A_679 : i32 to vector<16xi32>
      %add3A_681 = arith.addi %add3A_624, %add3A_680 : vector<16xi32>
      %mul3A_682 = arith.constant 16 : i32
      %mul3A_683 = arith.muli %scan3A_604, %mul3A_682 : i32
      %add3A_684 = arith.constant 3072 : i32
      %add3A_685 = arith.addi %add3A_684, %mul3A_683 : i32
      %swap3A_686 = arith.index_cast %add3A_685 : i32 to index
      %swap3A_687 = tpu.vector_load %arg9[%swap3A_686] {strides = array<i32>} : memref<4096xi32, #tpu.memory_space<vmem>>, vector<16xi32>,
      tpu.vector_store %arg9[%swap3A_686], %add3A_681 {strides = array<i32>} : memref<4096xi32, #tpu.memory_space<vmem>>, vector<16xi32>,
      %add3A_688 = arith.constant 112 : i32
      %add3A_689 = vector.broadcast %add3A_688 : i32 to vector<16xi32>
      %add3A_690 = arith.addi %add3A_624, %add3A_689 : vector<16xi32>
      %mul3A_691 = arith.constant 16 : i32
      %mul3A_692 = arith.muli %scan3A_604, %mul3A_691 : i32
      %add3A_693 = arith.constant 3584 : i32
      %add3A_694 = arith.addi %add3A_693, %mul3A_692 : i32
      %swap3A_695 = arith.index_cast %add3A_694 : i32 to index
      %swap3A_696 = tpu.vector_load %arg9[%swap3A_695] {strides = array<i32>} : memref<4096xi32, #tpu.memory_space<vmem>>, vector<16xi32>,
      tpu.vector_store %arg9[%swap3A_695], %add3A_690 {strides = array<i32>} : memref<4096xi32, #tpu.memory_space<vmem>>, vector<16xi32>,
    }
    %scan3A_7 = arith.constant 32 : i32
    %dma_start3A = arith.constant 0 : i32
    %dma_start3A_8 = arith.constant 0 : i32
    %dma_start3A_9 = tpu.memref_slice %arg11[%dma_start3A, %dma_start3A_8] : memref<4096x8xf32, #tpu.memory_space<vmem>> -> memref<128x8xf32, #tpu.memory_space<vmem>>
    %dma_start3A_10 = arith.constant 0 : i32
    %dma_start3A_11 = tpu.memref_slice %arg9[%dma_start3A_10] : memref<4096xi32, #tpu.memory_space<vmem>> -> memref<128xi32, #tpu.memory_space<vmem>>
    %dma_start3A_12 = arith.constant 0 : i32
    %dma_start3A_13 = arith.constant 0 : i32
    %dma_start3A_14 = tpu.memref_slice %arg3[%dma_start3A_12, %dma_start3A_13] : memref<1000000x8xf32, #tpu.memory_space<hbm>> -> memref<1000000x8xf32, #tpu.memory_space<hbm>>
    tpu.enqueue_indirect_dma source(%dma_start3A_14 : memref<1000000x8xf32, #tpu.memory_space<hbm>>) target(%dma_start3A_9 : memref<128x8xf32, #tpu.memory_space<vmem>>) offsets(%dma_start3A_11 : memref<128xi32, #tpu.memory_space<vmem>>) semaphore(%arg16 : memref<!tpu.dma_semaphore, #tpu.memory_space<semaphore_mem>>)
    %dma_start3A_15 = arith.constant 128 : i32
    %dma_start3A_16 = arith.constant 0 : i32
    %dma_start3A_17 = tpu.memref_slice %arg11[%dma_start3A_15, %dma_start3A_16] : memref<4096x8xf32, #tpu.memory_space<vmem>> -> memref<128x8xf32, #tpu.memory_space<vmem>>
    %dma_start3A_18 = arith.constant 128 : i32
    %dma_start3A_19 = tpu.memref_slice %arg9[%dma_start3A_18] : memref<4096xi32, #tpu.memory_space<vmem>> -> memref<128xi32, #tpu.memory_space<vmem>>
    %dma_start3A_20 = arith.constant 0 : i32
    %dma_start3A_21 = arith.constant 0 : i32
    %dma_start3A_22 = tpu.memref_slice %arg3[%dma_start3A_20, %dma_start3A_21] : memref<1000000x8xf32, #tpu.memory_space<hbm>> -> memref<1000000x8xf32, #tpu.memory_space<hbm>>
    tpu.enqueue_indirect_dma source(%dma_start3A_22 : memref<1000000x8xf32, #tpu.memory_space<hbm>>) target(%dma_start3A_17 : memref<128x8xf32, #tpu.memory_space<vmem>>) offsets(%dma_start3A_19 : memref<128xi32, #tpu.memory_space<vmem>>) semaphore(%arg16 : memref<!tpu.dma_semaphore, #tpu.memory_space<semaphore_mem>>)
    %dma_start3A_23 = arith.constant 256 : i32
    %dma_start3A_24 = arith.constant 0 : i32
    %dma_start3A_25 = tpu.memref_slice %arg11[%dma_start3A_23, %dma_start3A_24] : memref<4096x8xf32, #tpu.memory_space<vmem>> -> memref<128x8xf32, #tpu.memory_space<vmem>>
    %dma_start3A_26 = arith.constant 256 : i32
    %dma_start3A_27 = tpu.memref_slice %arg9[%dma_start3A_26] : memref<4096xi32, #tpu.memory_space<vmem>> -> memref<128xi32, #tpu.memory_space<vmem>>
    %dma_start3A_28 = arith.constant 0 : i32
    %dma_start3A_29 = arith.constant 0 : i32
    %dma_start3A_30 = tpu.memref_slice %arg3[%dma_start3A_28, %dma_start3A_29] : memref<1000000x8xf32, #tpu.memory_space<hbm>> -> memref<1000000x8xf32, #tpu.memory_space<hbm>>
    tpu.enqueue_indirect_dma source(%dma_start3A_30 : memref<1000000x8xf32, #tpu.memory_space<hbm>>) target(%dma_start3A_25 : memref<128x8xf32, #tpu.memory_space<vmem>>) offsets(%dma_start3A_27 : memref<128xi32, #tpu.memory_space<vmem>>) semaphore(%arg16 : memref<!tpu.dma_semaphore, #tpu.memory_space<semaphore_mem>>)
    %dma_start3A_31 = arith.constant 384 : i32
    %dma_start3A_32 = arith.constant 0 : i32
    %dma_start3A_33 = tpu.memref_slice %arg11[%dma_start3A_31, %dma_start3A_32] : memref<4096x8xf32, #tpu.memory_space<vmem>> -> memref<128x8xf32, #tpu.memory_space<vmem>>
    %dma_start3A_34 = arith.constant 384 : i32
    %dma_start3A_35 = tpu.memref_slice %arg9[%dma_start3A_34] : memref<4096xi32, #tpu.memory_space<vmem>> -> memref<128xi32, #tpu.memory_space<vmem>>
    %dma_start3A_36 = arith.constant 0 : i32
    %dma_start3A_37 = arith.constant 0 : i32
    %dma_start3A_38 = tpu.memref_slice %arg3[%dma_start3A_36, %dma_start3A_37] : memref<1000000x8xf32, #tpu.memory_space<hbm>> -> memref<1000000x8xf32, #tpu.memory_space<hbm>>
    tpu.enqueue_indirect_dma source(%dma_start3A_38 : memref<1000000x8xf32, #tpu.memory_space<hbm>>) target(%dma_start3A_33 : memref<128x8xf32, #tpu.memory_space<vmem>>) offsets(%dma_start3A_35 : memref<128xi32, #tpu.memory_space<vmem>>) semaphore(%arg16 : memref<!tpu.dma_semaphore, #tpu.memory_space<semaphore_mem>>)
    %dma_start3A_39 = arith.constant 512 : i32
    %dma_start3A_40 = arith.constant 0 : i32
    %dma_start3A_41 = tpu.memref_slice %arg11[%dma_start3A_39, %dma_start3A_40] : memref<4096x8xf32, #tpu.memory_space<vmem>> -> memref<128x8xf32, #tpu.memory_space<vmem>>
    %dma_start3A_42 = arith.constant 512 : i32
    %dma_start3A_43 = tpu.memref_slice %arg9[%dma_start3A_42] : memref<4096xi32, #tpu.memory_space<vmem>> -> memref<128xi32, #tpu.memory_space<vmem>>
    %dma_start3A_44 = arith.constant 0 : i32
    %dma_start3A_45 = arith.constant 0 : i32
    %dma_start3A_46 = tpu.memref_slice %arg3[%dma_start3A_44, %dma_start3A_45] : memref<1000000x8xf32, #tpu.memory_space<hbm>> -> memref<1000000x8xf32, #tpu.memory_space<hbm>>
    tpu.enqueue_indirect_dma source(%dma_start3A_46 : memref<1000000x8xf32, #tpu.memory_space<hbm>>) target(%dma_start3A_41 : memref<128x8xf32, #tpu.memory_space<vmem>>) offsets(%dma_start3A_43 : memref<128xi32, #tpu.memory_space<vmem>>) semaphore(%arg16 : memref<!tpu.dma_semaphore, #tpu.memory_space<semaphore_mem>>)
    %dma_start3A_47 = arith.constant 640 : i32
    %dma_start3A_48 = arith.constant 0 : i32
    %dma_start3A_49 = tpu.memref_slice %arg11[%dma_start3A_47, %dma_start3A_48] : memref<4096x8xf32, #tpu.memory_space<vmem>> -> memref<128x8xf32, #tpu.memory_space<vmem>>
    %dma_start3A_50 = arith.constant 640 : i32
    %dma_start3A_51 = tpu.memref_slice %arg9[%dma_start3A_50] : memref<4096xi32, #tpu.memory_space<vmem>> -> memref<128xi32, #tpu.memory_space<vmem>>
    %dma_start3A_52 = arith.constant 0 : i32
    %dma_start3A_53 = arith.constant 0 : i32
    %dma_start3A_54 = tpu.memref_slice %arg3[%dma_start3A_52, %dma_start3A_53] : memref<1000000x8xf32, #tpu.memory_space<hbm>> -> memref<1000000x8xf32, #tpu.memory_space<hbm>>
    tpu.enqueue_indirect_dma source(%dma_start3A_54 : memref<1000000x8xf32, #tpu.memory_space<hbm>>) target(%dma_start3A_49 : memref<128x8xf32, #tpu.memory_space<vmem>>) offsets(%dma_start3A_51 : memref<128xi32, #tpu.memory_space<vmem>>) semaphore(%arg16 : memref<!tpu.dma_semaphore, #tpu.memory_space<semaphore_mem>>)
    %dma_start3A_55 = arith.constant 768 : i32
    %dma_start3A_56 = arith.constant 0 : i32
    %dma_start3A_57 = tpu.memref_slice %arg11[%dma_start3A_55, %dma_start3A_56] : memref<4096x8xf32, #tpu.memory_space<vmem>> -> memref<128x8xf32, #tpu.memory_space<vmem>>
    %dma_start3A_58 = arith.constant 768 : i32
    %dma_start3A_59 = tpu.memref_slice %arg9[%dma_start3A_58] : memref<4096xi32, #tpu.memory_space<vmem>> -> memref<128xi32, #tpu.memory_space<vmem>>
    %dma_start3A_60 = arith.constant 0 : i32
    %dma_start3A_61 = arith.constant 0 : i32
    %dma_start3A_62 = tpu.memref_slice %arg3[%dma_start3A_60, %dma_start3A_61] : memref<1000000x8xf32, #tpu.memory_space<hbm>> -> memref<1000000x8xf32, #tpu.memory_space<hbm>>
    tpu.enqueue_indirect_dma source(%dma_start3A_62 : memref<1000000x8xf32, #tpu.memory_space<hbm>>) target(%dma_start3A_57 : memref<128x8xf32, #tpu.memory_space<vmem>>) offsets(%dma_start3A_59 : memref<128xi32, #tpu.memory_space<vmem>>) semaphore(%arg16 : memref<!tpu.dma_semaphore, #tpu.memory_space<semaphore_mem>>)
    %dma_start3A_63 = arith.constant 896 : i32
    %dma_start3A_64 = arith.constant 0 : i32
    %dma_start3A_65 = tpu.memref_slice %arg11[%dma_start3A_63, %dma_start3A_64] : memref<4096x8xf32, #tpu.memory_space<vmem>> -> memref<128x8xf32, #tpu.memory_space<vmem>>
    %dma_start3A_66 = arith.constant 896 : i32
    %dma_start3A_67 = tpu.memref_slice %arg9[%dma_start3A_66] : memref<4096xi32, #tpu.memory_space<vmem>> -> memref<128xi32, #tpu.memory_space<vmem>>
    %dma_start3A_68 = arith.constant 0 : i32
    %dma_start3A_69 = arith.constant 0 : i32
    %dma_start3A_70 = tpu.memref_slice %arg3[%dma_start3A_68, %dma_start3A_69] : memref<1000000x8xf32, #tpu.memory_space<hbm>> -> memref<1000000x8xf32, #tpu.memory_space<hbm>>
    tpu.enqueue_indirect_dma source(%dma_start3A_70 : memref<1000000x8xf32, #tpu.memory_space<hbm>>) target(%dma_start3A_65 : memref<128x8xf32, #tpu.memory_space<vmem>>) offsets(%dma_start3A_67 : memref<128xi32, #tpu.memory_space<vmem>>) semaphore(%arg16 : memref<!tpu.dma_semaphore, #tpu.memory_space<semaphore_mem>>)
    %dma_start3A_71 = arith.constant 1024 : i32
    %dma_start3A_72 = arith.constant 0 : i32
    %dma_start3A_73 = tpu.memref_slice %arg11[%dma_start3A_71, %dma_start3A_72] : memref<4096x8xf32, #tpu.memory_space<vmem>> -> memref<128x8xf32, #tpu.memory_space<vmem>>
    %dma_start3A_74 = arith.constant 1024 : i32
    %dma_start3A_75 = tpu.memref_slice %arg9[%dma_start3A_74] : memref<4096xi32, #tpu.memory_space<vmem>> -> memref<128xi32, #tpu.memory_space<vmem>>
    %dma_start3A_76 = arith.constant 0 : i32
    %dma_start3A_77 = arith.constant 0 : i32
    %dma_start3A_78 = tpu.memref_slice %arg3[%dma_start3A_76, %dma_start3A_77] : memref<1000000x8xf32, #tpu.memory_space<hbm>> -> memref<1000000x8xf32, #tpu.memory_space<hbm>>
    tpu.enqueue_indirect_dma source(%dma_start3A_78 : memref<1000000x8xf32, #tpu.memory_space<hbm>>) target(%dma_start3A_73 : memref<128x8xf32, #tpu.memory_space<vmem>>) offsets(%dma_start3A_75 : memref<128xi32, #tpu.memory_space<vmem>>) semaphore(%arg16 : memref<!tpu.dma_semaphore, #tpu.memory_space<semaphore_mem>>)
    %dma_start3A_79 = arith.constant 1152 : i32
    %dma_start3A_80 = arith.constant 0 : i32
    %dma_start3A_81 = tpu.memref_slice %arg11[%dma_start3A_79, %dma_start3A_80] : memref<4096x8xf32, #tpu.memory_space<vmem>> -> memref<128x8xf32, #tpu.memory_space<vmem>>
    %dma_start3A_82 = arith.constant 1152 : i32
    %dma_start3A_83 = tpu.memref_slice %arg9[%dma_start3A_82] : memref<4096xi32, #tpu.memory_space<vmem>> -> memref<128xi32, #tpu.memory_space<vmem>>
    %dma_start3A_84 = arith.constant 0 : i32
    %dma_start3A_85 = arith.constant 0 : i32
    %dma_start3A_86 = tpu.memref_slice %arg3[%dma_start3A_84, %dma_start3A_85] : memref<1000000x8xf32, #tpu.memory_space<hbm>> -> memref<1000000x8xf32, #tpu.memory_space<hbm>>
    tpu.enqueue_indirect_dma source(%dma_start3A_86 : memref<1000000x8xf32, #tpu.memory_space<hbm>>) target(%dma_start3A_81 : memref<128x8xf32, #tpu.memory_space<vmem>>) offsets(%dma_start3A_83 : memref<128xi32, #tpu.memory_space<vmem>>) semaphore(%arg16 : memref<!tpu.dma_semaphore, #tpu.memory_space<semaphore_mem>>)
    %dma_start3A_87 = arith.constant 1280 : i32
    %dma_start3A_88 = arith.constant 0 : i32
    %dma_start3A_89 = tpu.memref_slice %arg11[%dma_start3A_87, %dma_start3A_88] : memref<4096x8xf32, #tpu.memory_space<vmem>> -> memref<128x8xf32, #tpu.memory_space<vmem>>
    %dma_start3A_90 = arith.constant 1280 : i32
    %dma_start3A_91 = tpu.memref_slice %arg9[%dma_start3A_90] : memref<4096xi32, #tpu.memory_space<vmem>> -> memref<128xi32, #tpu.memory_space<vmem>>
    %dma_start3A_92 = arith.constant 0 : i32
    %dma_start3A_93 = arith.constant 0 : i32
    %dma_start3A_94 = tpu.memref_slice %arg3[%dma_start3A_92, %dma_start3A_93] : memref<1000000x8xf32, #tpu.memory_space<hbm>> -> memref<1000000x8xf32, #tpu.memory_space<hbm>>
    tpu.enqueue_indirect_dma source(%dma_start3A_94 : memref<1000000x8xf32, #tpu.memory_space<hbm>>) target(%dma_start3A_89 : memref<128x8xf32, #tpu.memory_space<vmem>>) offsets(%dma_start3A_91 : memref<128xi32, #tpu.memory_space<vmem>>) semaphore(%arg16 : memref<!tpu.dma_semaphore, #tpu.memory_space<semaphore_mem>>)
    %dma_start3A_95 = arith.constant 1408 : i32
    %dma_start3A_96 = arith.constant 0 : i32
    %dma_start3A_97 = tpu.memref_slice %arg11[%dma_start3A_95, %dma_start3A_96] : memref<4096x8xf32, #tpu.memory_space<vmem>> -> memref<128x8xf32, #tpu.memory_space<vmem>>
    %dma_start3A_98 = arith.constant 1408 : i32
    %dma_start3A_99 = tpu.memref_slice %arg9[%dma_start3A_98] : memref<4096xi32, #tpu.memory_space<vmem>> -> memref<128xi32, #tpu.memory_space<vmem>>
    %dma_start3A_100 = arith.constant 0 : i32
    %dma_start3A_101 = arith.constant 0 : i32
    %dma_start3A_102 = tpu.memref_slice %arg3[%dma_start3A_100, %dma_start3A_101] : memref<1000000x8xf32, #tpu.memory_space<hbm>> -> memref<1000000x8xf32, #tpu.memory_space<hbm>>
    tpu.enqueue_indirect_dma source(%dma_start3A_102 : memref<1000000x8xf32, #tpu.memory_space<hbm>>) target(%dma_start3A_97 : memref<128x8xf32, #tpu.memory_space<vmem>>) offsets(%dma_start3A_99 : memref<128xi32, #tpu.memory_space<vmem>>) semaphore(%arg16 : memref<!tpu.dma_semaphore, #tpu.memory_space<semaphore_mem>>)
    %dma_start3A_103 = arith.constant 1536 : i32
    %dma_start3A_104 = arith.constant 0 : i32
    %dma_start3A_105 = tpu.memref_slice %arg11[%dma_start3A_103, %dma_start3A_104] : memref<4096x8xf32, #tpu.memory_space<vmem>> -> memref<128x8xf32, #tpu.memory_space<vmem>>
    %dma_start3A_106 = arith.constant 1536 : i32
    %dma_start3A_107 = tpu.memref_slice %arg9[%dma_start3A_106] : memref<4096xi32, #tpu.memory_space<vmem>> -> memref<128xi32, #tpu.memory_space<vmem>>
    %dma_start3A_108 = arith.constant 0 : i32
    %dma_start3A_109 = arith.constant 0 : i32
    %dma_start3A_110 = tpu.memref_slice %arg3[%dma_start3A_108, %dma_start3A_109] : memref<1000000x8xf32, #tpu.memory_space<hbm>> -> memref<1000000x8xf32, #tpu.memory_space<hbm>>
    tpu.enqueue_indirect_dma source(%dma_start3A_110 : memref<1000000x8xf32, #tpu.memory_space<hbm>>) target(%dma_start3A_105 : memref<128x8xf32, #tpu.memory_space<vmem>>) offsets(%dma_start3A_107 : memref<128xi32, #tpu.memory_space<vmem>>) semaphore(%arg16 : memref<!tpu.dma_semaphore, #tpu.memory_space<semaphore_mem>>)
    %dma_start3A_111 = arith.constant 1664 : i32
    %dma_start3A_112 = arith.constant 0 : i32
    %dma_start3A_113 = tpu.memref_slice %arg11[%dma_start3A_111, %dma_start3A_112] : memref<4096x8xf32, #tpu.memory_space<vmem>> -> memref<128x8xf32, #tpu.memory_space<vmem>>
    %dma_start3A_114 = arith.constant 1664 : i32
    %dma_start3A_115 = tpu.memref_slice %arg9[%dma_start3A_114] : memref<4096xi32, #tpu.memory_space<vmem>> -> memref<128xi32, #tpu.memory_space<vmem>>
    %dma_start3A_116 = arith.constant 0 : i32
    %dma_start3A_117 = arith.constant 0 : i32
    %dma_start3A_118 = tpu.memref_slice %arg3[%dma_start3A_116, %dma_start3A_117] : memref<1000000x8xf32, #tpu.memory_space<hbm>> -> memref<1000000x8xf32, #tpu.memory_space<hbm>>
    tpu.enqueue_indirect_dma source(%dma_start3A_118 : memref<1000000x8xf32, #tpu.memory_space<hbm>>) target(%dma_start3A_113 : memref<128x8xf32, #tpu.memory_space<vmem>>) offsets(%dma_start3A_115 : memref<128xi32, #tpu.memory_space<vmem>>) semaphore(%arg16 : memref<!tpu.dma_semaphore, #tpu.memory_space<semaphore_mem>>)
    %dma_start3A_119 = arith.constant 1792 : i32
    %dma_start3A_120 = arith.constant 0 : i32
    %dma_start3A_121 = tpu.memref_slice %arg11[%dma_start3A_119, %dma_start3A_120] : memref<4096x8xf32, #tpu.memory_space<vmem>> -> memref<128x8xf32, #tpu.memory_space<vmem>>
    %dma_start3A_122 = arith.constant 1792 : i32
    %dma_start3A_123 = tpu.memref_slice %arg9[%dma_start3A_122] : memref<4096xi32, #tpu.memory_space<vmem>> -> memref<128xi32, #tpu.memory_space<vmem>>
    %dma_start3A_124 = arith.constant 0 : i32
    %dma_start3A_125 = arith.constant 0 : i32
    %dma_start3A_126 = tpu.memref_slice %arg3[%dma_start3A_124, %dma_start3A_125] : memref<1000000x8xf32, #tpu.memory_space<hbm>> -> memref<1000000x8xf32, #tpu.memory_space<hbm>>
    tpu.enqueue_indirect_dma source(%dma_start3A_126 : memref<1000000x8xf32, #tpu.memory_space<hbm>>) target(%dma_start3A_121 : memref<128x8xf32, #tpu.memory_space<vmem>>) offsets(%dma_start3A_123 : memref<128xi32, #tpu.memory_space<vmem>>) semaphore(%arg16 : memref<!tpu.dma_semaphore, #tpu.memory_space<semaphore_mem>>)
    %dma_start3A_127 = arith.constant 1920 : i32
    %dma_start3A_128 = arith.constant 0 : i32
    %dma_start3A_129 = tpu.memref_slice %arg11[%dma_start3A_127, %dma_start3A_128] : memref<4096x8xf32, #tpu.memory_space<vmem>> -> memref<128x8xf32, #tpu.memory_space<vmem>>
    %dma_start3A_130 = arith.constant 1920 : i32
    %dma_start3A_131 = tpu.memref_slice %arg9[%dma_start3A_130] : memref<4096xi32, #tpu.memory_space<vmem>> -> memref<128xi32, #tpu.memory_space<vmem>>
    %dma_start3A_132 = arith.constant 0 : i32
    %dma_start3A_133 = arith.constant 0 : i32
    %dma_start3A_134 = tpu.memref_slice %arg3[%dma_start3A_132, %dma_start3A_133] : memref<1000000x8xf32, #tpu.memory_space<hbm>> -> memref<1000000x8xf32, #tpu.memory_space<hbm>>
    tpu.enqueue_indirect_dma source(%dma_start3A_134 : memref<1000000x8xf32, #tpu.memory_space<hbm>>) target(%dma_start3A_129 : memref<128x8xf32, #tpu.memory_space<vmem>>) offsets(%dma_start3A_131 : memref<128xi32, #tpu.memory_space<vmem>>) semaphore(%arg16 : memref<!tpu.dma_semaphore, #tpu.memory_space<semaphore_mem>>)
    %dma_start3A_135 = arith.constant 2048 : i32
    %dma_start3A_136 = arith.constant 0 : i32
    %dma_start3A_137 = tpu.memref_slice %arg11[%dma_start3A_135, %dma_start3A_136] : memref<4096x8xf32, #tpu.memory_space<vmem>> -> memref<128x8xf32, #tpu.memory_space<vmem>>
    %dma_start3A_138 = arith.constant 2048 : i32
    %dma_start3A_139 = tpu.memref_slice %arg9[%dma_start3A_138] : memref<4096xi32, #tpu.memory_space<vmem>> -> memref<128xi32, #tpu.memory_space<vmem>>
    %dma_start3A_140 = arith.constant 0 : i32
    %dma_start3A_141 = arith.constant 0 : i32
    %dma_start3A_142 = tpu.memref_slice %arg3[%dma_start3A_140, %dma_start3A_141] : memref<1000000x8xf32, #tpu.memory_space<hbm>> -> memref<1000000x8xf32, #tpu.memory_space<hbm>>
    tpu.enqueue_indirect_dma source(%dma_start3A_142 : memref<1000000x8xf32, #tpu.memory_space<hbm>>) target(%dma_start3A_137 : memref<128x8xf32, #tpu.memory_space<vmem>>) offsets(%dma_start3A_139 : memref<128xi32, #tpu.memory_space<vmem>>) semaphore(%arg16 : memref<!tpu.dma_semaphore, #tpu.memory_space<semaphore_mem>>)
    %dma_start3A_143 = arith.constant 2176 : i32
    %dma_start3A_144 = arith.constant 0 : i32
    %dma_start3A_145 = tpu.memref_slice %arg11[%dma_start3A_143, %dma_start3A_144] : memref<4096x8xf32, #tpu.memory_space<vmem>> -> memref<128x8xf32, #tpu.memory_space<vmem>>
    %dma_start3A_146 = arith.constant 2176 : i32
    %dma_start3A_147 = tpu.memref_slice %arg9[%dma_start3A_146] : memref<4096xi32, #tpu.memory_space<vmem>> -> memref<128xi32, #tpu.memory_space<vmem>>
    %dma_start3A_148 = arith.constant 0 : i32
    %dma_start3A_149 = arith.constant 0 : i32
    %dma_start3A_150 = tpu.memref_slice %arg3[%dma_start3A_148, %dma_start3A_149] : memref<1000000x8xf32, #tpu.memory_space<hbm>> -> memref<1000000x8xf32, #tpu.memory_space<hbm>>
    tpu.enqueue_indirect_dma source(%dma_start3A_150 : memref<1000000x8xf32, #tpu.memory_space<hbm>>) target(%dma_start3A_145 : memref<128x8xf32, #tpu.memory_space<vmem>>) offsets(%dma_start3A_147 : memref<128xi32, #tpu.memory_space<vmem>>) semaphore(%arg16 : memref<!tpu.dma_semaphore, #tpu.memory_space<semaphore_mem>>)
    %dma_start3A_151 = arith.constant 2304 : i32
    %dma_start3A_152 = arith.constant 0 : i32
    %dma_start3A_153 = tpu.memref_slice %arg11[%dma_start3A_151, %dma_start3A_152] : memref<4096x8xf32, #tpu.memory_space<vmem>> -> memref<128x8xf32, #tpu.memory_space<vmem>>
    %dma_start3A_154 = arith.constant 2304 : i32
    %dma_start3A_155 = tpu.memref_slice %arg9[%dma_start3A_154] : memref<4096xi32, #tpu.memory_space<vmem>> -> memref<128xi32, #tpu.memory_space<vmem>>
    %dma_start3A_156 = arith.constant 0 : i32
    %dma_start3A_157 = arith.constant 0 : i32
    %dma_start3A_158 = tpu.memref_slice %arg3[%dma_start3A_156, %dma_start3A_157] : memref<1000000x8xf32, #tpu.memory_space<hbm>> -> memref<1000000x8xf32, #tpu.memory_space<hbm>>
    tpu.enqueue_indirect_dma source(%dma_start3A_158 : memref<1000000x8xf32, #tpu.memory_space<hbm>>) target(%dma_start3A_153 : memref<128x8xf32, #tpu.memory_space<vmem>>) offsets(%dma_start3A_155 : memref<128xi32, #tpu.memory_space<vmem>>) semaphore(%arg16 : memref<!tpu.dma_semaphore, #tpu.memory_space<semaphore_mem>>)
    %dma_start3A_159 = arith.constant 2432 : i32
    %dma_start3A_160 = arith.constant 0 : i32
    %dma_start3A_161 = tpu.memref_slice %arg11[%dma_start3A_159, %dma_start3A_160] : memref<4096x8xf32, #tpu.memory_space<vmem>> -> memref<128x8xf32, #tpu.memory_space<vmem>>
    %dma_start3A_162 = arith.constant 2432 : i32
    %dma_start3A_163 = tpu.memref_slice %arg9[%dma_start3A_162] : memref<4096xi32, #tpu.memory_space<vmem>> -> memref<128xi32, #tpu.memory_space<vmem>>
    %dma_start3A_164 = arith.constant 0 : i32
    %dma_start3A_165 = arith.constant 0 : i32
    %dma_start3A_166 = tpu.memref_slice %arg3[%dma_start3A_164, %dma_start3A_165] : memref<1000000x8xf32, #tpu.memory_space<hbm>> -> memref<1000000x8xf32, #tpu.memory_space<hbm>>
    tpu.enqueue_indirect_dma source(%dma_start3A_166 : memref<1000000x8xf32, #tpu.memory_space<hbm>>) target(%dma_start3A_161 : memref<128x8xf32, #tpu.memory_space<vmem>>) offsets(%dma_start3A_163 : memref<128xi32, #tpu.memory_space<vmem>>) semaphore(%arg16 : memref<!tpu.dma_semaphore, #tpu.memory_space<semaphore_mem>>)
    %dma_start3A_167 = arith.constant 2560 : i32
    %dma_start3A_168 = arith.constant 0 : i32
    %dma_start3A_169 = tpu.memref_slice %arg11[%dma_start3A_167, %dma_start3A_168] : memref<4096x8xf32, #tpu.memory_space<vmem>> -> memref<128x8xf32, #tpu.memory_space<vmem>>
    %dma_start3A_170 = arith.constant 2560 : i32
    %dma_start3A_171 = tpu.memref_slice %arg9[%dma_start3A_170] : memref<4096xi32, #tpu.memory_space<vmem>> -> memref<128xi32, #tpu.memory_space<vmem>>
    %dma_start3A_172 = arith.constant 0 : i32
    %dma_start3A_173 = arith.constant 0 : i32
    %dma_start3A_174 = tpu.memref_slice %arg3[%dma_start3A_172, %dma_start3A_173] : memref<1000000x8xf32, #tpu.memory_space<hbm>> -> memref<1000000x8xf32, #tpu.memory_space<hbm>>
    tpu.enqueue_indirect_dma source(%dma_start3A_174 : memref<1000000x8xf32, #tpu.memory_space<hbm>>) target(%dma_start3A_169 : memref<128x8xf32, #tpu.memory_space<vmem>>) offsets(%dma_start3A_171 : memref<128xi32, #tpu.memory_space<vmem>>) semaphore(%arg16 : memref<!tpu.dma_semaphore, #tpu.memory_space<semaphore_mem>>)
    %dma_start3A_175 = arith.constant 2688 : i32
    %dma_start3A_176 = arith.constant 0 : i32
    %dma_start3A_177 = tpu.memref_slice %arg11[%dma_start3A_175, %dma_start3A_176] : memref<4096x8xf32, #tpu.memory_space<vmem>> -> memref<128x8xf32, #tpu.memory_space<vmem>>
    %dma_start3A_178 = arith.constant 2688 : i32
    %dma_start3A_179 = tpu.memref_slice %arg9[%dma_start3A_178] : memref<4096xi32, #tpu.memory_space<vmem>> -> memref<128xi32, #tpu.memory_space<vmem>>
    %dma_start3A_180 = arith.constant 0 : i32
    %dma_start3A_181 = arith.constant 0 : i32
    %dma_start3A_182 = tpu.memref_slice %arg3[%dma_start3A_180, %dma_start3A_181] : memref<1000000x8xf32, #tpu.memory_space<hbm>> -> memref<1000000x8xf32, #tpu.memory_space<hbm>>
    tpu.enqueue_indirect_dma source(%dma_start3A_182 : memref<1000000x8xf32, #tpu.memory_space<hbm>>) target(%dma_start3A_177 : memref<128x8xf32, #tpu.memory_space<vmem>>) offsets(%dma_start3A_179 : memref<128xi32, #tpu.memory_space<vmem>>) semaphore(%arg16 : memref<!tpu.dma_semaphore, #tpu.memory_space<semaphore_mem>>)
    %dma_start3A_183 = arith.constant 2816 : i32
    %dma_start3A_184 = arith.constant 0 : i32
    %dma_start3A_185 = tpu.memref_slice %arg11[%dma_start3A_183, %dma_start3A_184] : memref<4096x8xf32, #tpu.memory_space<vmem>> -> memref<128x8xf32, #tpu.memory_space<vmem>>
    %dma_start3A_186 = arith.constant 2816 : i32
    %dma_start3A_187 = tpu.memref_slice %arg9[%dma_start3A_186] : memref<4096xi32, #tpu.memory_space<vmem>> -> memref<128xi32, #tpu.memory_space<vmem>>
    %dma_start3A_188 = arith.constant 0 : i32
    %dma_start3A_189 = arith.constant 0 : i32
    %dma_start3A_190 = tpu.memref_slice %arg3[%dma_start3A_188, %dma_start3A_189] : memref<1000000x8xf32, #tpu.memory_space<hbm>> -> memref<1000000x8xf32, #tpu.memory_space<hbm>>
    tpu.enqueue_indirect_dma source(%dma_start3A_190 : memref<1000000x8xf32, #tpu.memory_space<hbm>>) target(%dma_start3A_185 : memref<128x8xf32, #tpu.memory_space<vmem>>) offsets(%dma_start3A_187 : memref<128xi32, #tpu.memory_space<vmem>>) semaphore(%arg16 : memref<!tpu.dma_semaphore, #tpu.memory_space<semaphore_mem>>)
    %dma_start3A_191 = arith.constant 2944 : i32
    %dma_start3A_192 = arith.constant 0 : i32
    %dma_start3A_193 = tpu.memref_slice %arg11[%dma_start3A_191, %dma_start3A_192] : memref<4096x8xf32, #tpu.memory_space<vmem>> -> memref<128x8xf32, #tpu.memory_space<vmem>>
    %dma_start3A_194 = arith.constant 2944 : i32
    %dma_start3A_195 = tpu.memref_slice %arg9[%dma_start3A_194] : memref<4096xi32, #tpu.memory_space<vmem>> -> memref<128xi32, #tpu.memory_space<vmem>>
    %dma_start3A_196 = arith.constant 0 : i32
    %dma_start3A_197 = arith.constant 0 : i32
    %dma_start3A_198 = tpu.memref_slice %arg3[%dma_start3A_196, %dma_start3A_197] : memref<1000000x8xf32, #tpu.memory_space<hbm>> -> memref<1000000x8xf32, #tpu.memory_space<hbm>>
    tpu.enqueue_indirect_dma source(%dma_start3A_198 : memref<1000000x8xf32, #tpu.memory_space<hbm>>) target(%dma_start3A_193 : memref<128x8xf32, #tpu.memory_space<vmem>>) offsets(%dma_start3A_195 : memref<128xi32, #tpu.memory_space<vmem>>) semaphore(%arg16 : memref<!tpu.dma_semaphore, #tpu.memory_space<semaphore_mem>>)
    %dma_start3A_199 = arith.constant 3072 : i32
    %dma_start3A_200 = arith.constant 0 : i32
    %dma_start3A_201 = tpu.memref_slice %arg11[%dma_start3A_199, %dma_start3A_200] : memref<4096x8xf32, #tpu.memory_space<vmem>> -> memref<128x8xf32, #tpu.memory_space<vmem>>
    %dma_start3A_202 = arith.constant 3072 : i32
    %dma_start3A_203 = tpu.memref_slice %arg9[%dma_start3A_202] : memref<4096xi32, #tpu.memory_space<vmem>> -> memref<128xi32, #tpu.memory_space<vmem>>
    %dma_start3A_204 = arith.constant 0 : i32
    %dma_start3A_205 = arith.constant 0 : i32
    %dma_start3A_206 = tpu.memref_slice %arg3[%dma_start3A_204, %dma_start3A_205] : memref<1000000x8xf32, #tpu.memory_space<hbm>> -> memref<1000000x8xf32, #tpu.memory_space<hbm>>
    tpu.enqueue_indirect_dma source(%dma_start3A_206 : memref<1000000x8xf32, #tpu.memory_space<hbm>>) target(%dma_start3A_201 : memref<128x8xf32, #tpu.memory_space<vmem>>) offsets(%dma_start3A_203 : memref<128xi32, #tpu.memory_space<vmem>>) semaphore(%arg16 : memref<!tpu.dma_semaphore, #tpu.memory_space<semaphore_mem>>)
    %dma_start3A_207 = arith.constant 3200 : i32
    %dma_start3A_208 = arith.constant 0 : i32
    %dma_start3A_209 = tpu.memref_slice %arg11[%dma_start3A_207, %dma_start3A_208] : memref<4096x8xf32, #tpu.memory_space<vmem>> -> memref<128x8xf32, #tpu.memory_space<vmem>>
    %dma_start3A_210 = arith.constant 3200 : i32
    %dma_start3A_211 = tpu.memref_slice %arg9[%dma_start3A_210] : memref<4096xi32, #tpu.memory_space<vmem>> -> memref<128xi32, #tpu.memory_space<vmem>>
    %dma_start3A_212 = arith.constant 0 : i32
    %dma_start3A_213 = arith.constant 0 : i32
    %dma_start3A_214 = tpu.memref_slice %arg3[%dma_start3A_212, %dma_start3A_213] : memref<1000000x8xf32, #tpu.memory_space<hbm>> -> memref<1000000x8xf32, #tpu.memory_space<hbm>>
    tpu.enqueue_indirect_dma source(%dma_start3A_214 : memref<1000000x8xf32, #tpu.memory_space<hbm>>) target(%dma_start3A_209 : memref<128x8xf32, #tpu.memory_space<vmem>>) offsets(%dma_start3A_211 : memref<128xi32, #tpu.memory_space<vmem>>) semaphore(%arg16 : memref<!tpu.dma_semaphore, #tpu.memory_space<semaphore_mem>>)
    %dma_start3A_215 = arith.constant 3328 : i32
    %dma_start3A_216 = arith.constant 0 : i32
    %dma_start3A_217 = tpu.memref_slice %arg11[%dma_start3A_215, %dma_start3A_216] : memref<4096x8xf32, #tpu.memory_space<vmem>> -> memref<128x8xf32, #tpu.memory_space<vmem>>
    %dma_start3A_218 = arith.constant 3328 : i32
    %dma_start3A_219 = tpu.memref_slice %arg9[%dma_start3A_218] : memref<4096xi32, #tpu.memory_space<vmem>> -> memref<128xi32, #tpu.memory_space<vmem>>
    %dma_start3A_220 = arith.constant 0 : i32
    %dma_start3A_221 = arith.constant 0 : i32
    %dma_start3A_222 = tpu.memref_slice %arg3[%dma_start3A_220, %dma_start3A_221] : memref<1000000x8xf32, #tpu.memory_space<hbm>> -> memref<1000000x8xf32, #tpu.memory_space<hbm>>
    tpu.enqueue_indirect_dma source(%dma_start3A_222 : memref<1000000x8xf32, #tpu.memory_space<hbm>>) target(%dma_start3A_217 : memref<128x8xf32, #tpu.memory_space<vmem>>) offsets(%dma_start3A_219 : memref<128xi32, #tpu.memory_space<vmem>>) semaphore(%arg16 : memref<!tpu.dma_semaphore, #tpu.memory_space<semaphore_mem>>)
    %dma_start3A_223 = arith.constant 3456 : i32
    %dma_start3A_224 = arith.constant 0 : i32
    %dma_start3A_225 = tpu.memref_slice %arg11[%dma_start3A_223, %dma_start3A_224] : memref<4096x8xf32, #tpu.memory_space<vmem>> -> memref<128x8xf32, #tpu.memory_space<vmem>>
    %dma_start3A_226 = arith.constant 3456 : i32
    %dma_start3A_227 = tpu.memref_slice %arg9[%dma_start3A_226] : memref<4096xi32, #tpu.memory_space<vmem>> -> memref<128xi32, #tpu.memory_space<vmem>>
    %dma_start3A_228 = arith.constant 0 : i32
    %dma_start3A_229 = arith.constant 0 : i32
    %dma_start3A_230 = tpu.memref_slice %arg3[%dma_start3A_228, %dma_start3A_229] : memref<1000000x8xf32, #tpu.memory_space<hbm>> -> memref<1000000x8xf32, #tpu.memory_space<hbm>>
    tpu.enqueue_indirect_dma source(%dma_start3A_230 : memref<1000000x8xf32, #tpu.memory_space<hbm>>) target(%dma_start3A_225 : memref<128x8xf32, #tpu.memory_space<vmem>>) offsets(%dma_start3A_227 : memref<128xi32, #tpu.memory_space<vmem>>) semaphore(%arg16 : memref<!tpu.dma_semaphore, #tpu.memory_space<semaphore_mem>>)
    %dma_start3A_231 = arith.constant 3584 : i32
    %dma_start3A_232 = arith.constant 0 : i32
    %dma_start3A_233 = tpu.memref_slice %arg11[%dma_start3A_231, %dma_start3A_232] : memref<4096x8xf32, #tpu.memory_space<vmem>> -> memref<128x8xf32, #tpu.memory_space<vmem>>
    %dma_start3A_234 = arith.constant 3584 : i32
    %dma_start3A_235 = tpu.memref_slice %arg9[%dma_start3A_234] : memref<4096xi32, #tpu.memory_space<vmem>> -> memref<128xi32, #tpu.memory_space<vmem>>
    %dma_start3A_236 = arith.constant 0 : i32
    %dma_start3A_237 = arith.constant 0 : i32
    %dma_start3A_238 = tpu.memref_slice %arg3[%dma_start3A_236, %dma_start3A_237] : memref<1000000x8xf32, #tpu.memory_space<hbm>> -> memref<1000000x8xf32, #tpu.memory_space<hbm>>
    tpu.enqueue_indirect_dma source(%dma_start3A_238 : memref<1000000x8xf32, #tpu.memory_space<hbm>>) target(%dma_start3A_233 : memref<128x8xf32, #tpu.memory_space<vmem>>) offsets(%dma_start3A_235 : memref<128xi32, #tpu.memory_space<vmem>>) semaphore(%arg16 : memref<!tpu.dma_semaphore, #tpu.memory_space<semaphore_mem>>)
    %dma_start3A_239 = arith.constant 3712 : i32
    %dma_start3A_240 = arith.constant 0 : i32
    %dma_start3A_241 = tpu.memref_slice %arg11[%dma_start3A_239, %dma_start3A_240] : memref<4096x8xf32, #tpu.memory_space<vmem>> -> memref<128x8xf32, #tpu.memory_space<vmem>>
    %dma_start3A_242 = arith.constant 3712 : i32
    %dma_start3A_243 = tpu.memref_slice %arg9[%dma_start3A_242] : memref<4096xi32, #tpu.memory_space<vmem>> -> memref<128xi32, #tpu.memory_space<vmem>>
    %dma_start3A_244 = arith.constant 0 : i32
    %dma_start3A_245 = arith.constant 0 : i32
    %dma_start3A_246 = tpu.memref_slice %arg3[%dma_start3A_244, %dma_start3A_245] : memref<1000000x8xf32, #tpu.memory_space<hbm>> -> memref<1000000x8xf32, #tpu.memory_space<hbm>>
    tpu.enqueue_indirect_dma source(%dma_start3A_246 : memref<1000000x8xf32, #tpu.memory_space<hbm>>) target(%dma_start3A_241 : memref<128x8xf32, #tpu.memory_space<vmem>>) offsets(%dma_start3A_243 : memref<128xi32, #tpu.memory_space<vmem>>) semaphore(%arg16 : memref<!tpu.dma_semaphore, #tpu.memory_space<semaphore_mem>>)
    %dma_start3A_247 = arith.constant 3840 : i32
    %dma_start3A_248 = arith.constant 0 : i32
    %dma_start3A_249 = tpu.memref_slice %arg11[%dma_start3A_247, %dma_start3A_248] : memref<4096x8xf32, #tpu.memory_space<vmem>> -> memref<128x8xf32, #tpu.memory_space<vmem>>
    %dma_start3A_250 = arith.constant 3840 : i32
    %dma_start3A_251 = tpu.memref_slice %arg9[%dma_start3A_250] : memref<4096xi32, #tpu.memory_space<vmem>> -> memref<128xi32, #tpu.memory_space<vmem>>
    %dma_start3A_252 = arith.constant 0 : i32
    %dma_start3A_253 = arith.constant 0 : i32
    %dma_start3A_254 = tpu.memref_slice %arg3[%dma_start3A_252, %dma_start3A_253] : memref<1000000x8xf32, #tpu.memory_space<hbm>> -> memref<1000000x8xf32, #tpu.memory_space<hbm>>
    tpu.enqueue_indirect_dma source(%dma_start3A_254 : memref<1000000x8xf32, #tpu.memory_space<hbm>>) target(%dma_start3A_249 : memref<128x8xf32, #tpu.memory_space<vmem>>) offsets(%dma_start3A_251 : memref<128xi32, #tpu.memory_space<vmem>>) semaphore(%arg16 : memref<!tpu.dma_semaphore, #tpu.memory_space<semaphore_mem>>)
    %dma_start3A_255 = arith.constant 3968 : i32
    %dma_start3A_256 = arith.constant 0 : i32
    %dma_start3A_257 = tpu.memref_slice %arg11[%dma_start3A_255, %dma_start3A_256] : memref<4096x8xf32, #tpu.memory_space<vmem>> -> memref<128x8xf32, #tpu.memory_space<vmem>>
    %dma_start3A_258 = arith.constant 3968 : i32
    %dma_start3A_259 = tpu.memref_slice %arg9[%dma_start3A_258] : memref<4096xi32, #tpu.memory_space<vmem>> -> memref<128xi32, #tpu.memory_space<vmem>>
    %dma_start3A_260 = arith.constant 0 : i32
    %dma_start3A_261 = arith.constant 0 : i32
    %dma_start3A_262 = tpu.memref_slice %arg3[%dma_start3A_260, %dma_start3A_261] : memref<1000000x8xf32, #tpu.memory_space<hbm>> -> memref<1000000x8xf32, #tpu.memory_space<hbm>>
    tpu.enqueue_indirect_dma source(%dma_start3A_262 : memref<1000000x8xf32, #tpu.memory_space<hbm>>) target(%dma_start3A_257 : memref<128x8xf32, #tpu.memory_space<vmem>>) offsets(%dma_start3A_259 : memref<128xi32, #tpu.memory_space<vmem>>) semaphore(%arg16 : memref<!tpu.dma_semaphore, #tpu.memory_space<semaphore_mem>>)
    %dma_start3A_263 = arith.constant 0 : i32
    %dma_start3A_264 = arith.constant 0 : i32
    %dma_start3A_265 = tpu.memref_slice %arg12[%dma_start3A_263, %dma_start3A_264] : memref<512x8xf32, #tpu.memory_space<vmem>> -> memref<128x8xf32, #tpu.memory_space<vmem>>
    %dma_start3A_266 = arith.constant 0 : i32
    %dma_start3A_267 = tpu.memref_slice %arg10[%dma_start3A_266] : memref<512xi32, #tpu.memory_space<vmem>> -> memref<128xi32, #tpu.memory_space<vmem>>
    %dma_start3A_268 = arith.constant 0 : i32
    %dma_start3A_269 = arith.constant 0 : i32
    %dma_start3A_270 = tpu.memref_slice %arg4[%dma_start3A_268, %dma_start3A_269] : memref<125000x8xf32, #tpu.memory_space<hbm>> -> memref<125000x8xf32, #tpu.memory_space<hbm>>
    tpu.enqueue_indirect_dma source(%dma_start3A_270 : memref<125000x8xf32, #tpu.memory_space<hbm>>) target(%dma_start3A_265 : memref<128x8xf32, #tpu.memory_space<vmem>>) offsets(%dma_start3A_267 : memref<128xi32, #tpu.memory_space<vmem>>) semaphore(%arg16 : memref<!tpu.dma_semaphore, #tpu.memory_space<semaphore_mem>>)
    %dma_start3A_271 = arith.constant 128 : i32
    %dma_start3A_272 = arith.constant 0 : i32
    %dma_start3A_273 = tpu.memref_slice %arg12[%dma_start3A_271, %dma_start3A_272] : memref<512x8xf32, #tpu.memory_space<vmem>> -> memref<128x8xf32, #tpu.memory_space<vmem>>
    %dma_start3A_274 = arith.constant 128 : i32
    %dma_start3A_275 = tpu.memref_slice %arg10[%dma_start3A_274] : memref<512xi32, #tpu.memory_space<vmem>> -> memref<128xi32, #tpu.memory_space<vmem>>
    %dma_start3A_276 = arith.constant 0 : i32
    %dma_start3A_277 = arith.constant 0 : i32
    %dma_start3A_278 = tpu.memref_slice %arg4[%dma_start3A_276, %dma_start3A_277] : memref<125000x8xf32, #tpu.memory_space<hbm>> -> memref<125000x8xf32, #tpu.memory_space<hbm>>
    tpu.enqueue_indirect_dma source(%dma_start3A_278 : memref<125000x8xf32, #tpu.memory_space<hbm>>) target(%dma_start3A_273 : memref<128x8xf32, #tpu.memory_space<vmem>>) offsets(%dma_start3A_275 : memref<128xi32, #tpu.memory_space<vmem>>) semaphore(%arg16 : memref<!tpu.dma_semaphore, #tpu.memory_space<semaphore_mem>>)
    %dma_start3A_279 = arith.constant 256 : i32
    %dma_start3A_280 = arith.constant 0 : i32
    %dma_start3A_281 = tpu.memref_slice %arg12[%dma_start3A_279, %dma_start3A_280] : memref<512x8xf32, #tpu.memory_space<vmem>> -> memref<128x8xf32, #tpu.memory_space<vmem>>
    %dma_start3A_282 = arith.constant 256 : i32
    %dma_start3A_283 = tpu.memref_slice %arg10[%dma_start3A_282] : memref<512xi32, #tpu.memory_space<vmem>> -> memref<128xi32, #tpu.memory_space<vmem>>
    %dma_start3A_284 = arith.constant 0 : i32
    %dma_start3A_285 = arith.constant 0 : i32
    %dma_start3A_286 = tpu.memref_slice %arg4[%dma_start3A_284, %dma_start3A_285] : memref<125000x8xf32, #tpu.memory_space<hbm>> -> memref<125000x8xf32, #tpu.memory_space<hbm>>
    tpu.enqueue_indirect_dma source(%dma_start3A_286 : memref<125000x8xf32, #tpu.memory_space<hbm>>) target(%dma_start3A_281 : memref<128x8xf32, #tpu.memory_space<vmem>>) offsets(%dma_start3A_283 : memref<128xi32, #tpu.memory_space<vmem>>) semaphore(%arg16 : memref<!tpu.dma_semaphore, #tpu.memory_space<semaphore_mem>>)
    %dma_start3A_287 = arith.constant 384 : i32
    %dma_start3A_288 = arith.constant 0 : i32
    %dma_start3A_289 = tpu.memref_slice %arg12[%dma_start3A_287, %dma_start3A_288] : memref<512x8xf32, #tpu.memory_space<vmem>> -> memref<128x8xf32, #tpu.memory_space<vmem>>
    %dma_start3A_290 = arith.constant 384 : i32
    %dma_start3A_291 = tpu.memref_slice %arg10[%dma_start3A_290] : memref<512xi32, #tpu.memory_space<vmem>> -> memref<128xi32, #tpu.memory_space<vmem>>
    %dma_start3A_292 = arith.constant 0 : i32
    %dma_start3A_293 = arith.constant 0 : i32
    %dma_start3A_294 = tpu.memref_slice %arg4[%dma_start3A_292, %dma_start3A_293] : memref<125000x8xf32, #tpu.memory_space<hbm>> -> memref<125000x8xf32, #tpu.memory_space<hbm>>
    tpu.enqueue_indirect_dma source(%dma_start3A_294 : memref<125000x8xf32, #tpu.memory_space<hbm>>) target(%dma_start3A_289 : memref<128x8xf32, #tpu.memory_space<vmem>>) offsets(%dma_start3A_291 : memref<128xi32, #tpu.memory_space<vmem>>) semaphore(%arg16 : memref<!tpu.dma_semaphore, #tpu.memory_space<semaphore_mem>>)
    %dma_wait3A = arith.constant 0 : i32
    %dma_wait3A_295 = arith.constant 0 : i32
    %dma_wait3A_296 = tpu.memref_slice %arg11[%dma_wait3A, %dma_wait3A_295] : memref<4096x8xf32, #tpu.memory_space<vmem>> -> memref<128x8xf32, #tpu.memory_space<vmem>>
    %dma_wait3A_297 = arith.constant 0 : i32
    %dma_wait3A_298 = tpu.memref_slice %arg9[%dma_wait3A_297] : memref<4096xi32, #tpu.memory_space<vmem>> -> memref<128xi32, #tpu.memory_space<vmem>>
    %dma_wait3A_299 = arith.constant 0 : i32
    %dma_wait3A_300 = arith.constant 0 : i32
    %dma_wait3A_301 = tpu.memref_slice %arg3[%dma_wait3A_299, %dma_wait3A_300] : memref<1000000x8xf32, #tpu.memory_space<hbm>> -> memref<1000000x8xf32, #tpu.memory_space<hbm>>
    tpu.wait_indirect_dma semaphore(%arg16 : memref<!tpu.dma_semaphore, #tpu.memory_space<semaphore_mem>>) src(%dma_wait3A_301 : memref<1000000x8xf32, #tpu.memory_space<hbm>>) dst(%dma_wait3A_296 : memref<128x8xf32, #tpu.memory_space<vmem>>)
    %dma_wait3A_302 = arith.constant 128 : i32
    %dma_wait3A_303 = arith.constant 0 : i32
    %dma_wait3A_304 = tpu.memref_slice %arg11[%dma_wait3A_302, %dma_wait3A_303] : memref<4096x8xf32, #tpu.memory_space<vmem>> -> memref<128x8xf32, #tpu.memory_space<vmem>>
    %dma_wait3A_305 = arith.constant 128 : i32
    %dma_wait3A_306 = tpu.memref_slice %arg9[%dma_wait3A_305] : memref<4096xi32, #tpu.memory_space<vmem>> -> memref<128xi32, #tpu.memory_space<vmem>>
    %dma_wait3A_307 = arith.constant 0 : i32
    %dma_wait3A_308 = arith.constant 0 : i32
    %dma_wait3A_309 = tpu.memref_slice %arg3[%dma_wait3A_307, %dma_wait3A_308] : memref<1000000x8xf32, #tpu.memory_space<hbm>> -> memref<1000000x8xf32, #tpu.memory_space<hbm>>
    tpu.wait_indirect_dma semaphore(%arg16 : memref<!tpu.dma_semaphore, #tpu.memory_space<semaphore_mem>>) src(%dma_wait3A_309 : memref<1000000x8xf32, #tpu.memory_space<hbm>>) dst(%dma_wait3A_304 : memref<128x8xf32, #tpu.memory_space<vmem>>)
    %dma_wait3A_310 = arith.constant 256 : i32
    %dma_wait3A_311 = arith.constant 0 : i32
    %dma_wait3A_312 = tpu.memref_slice %arg11[%dma_wait3A_310, %dma_wait3A_311] : memref<4096x8xf32, #tpu.memory_space<vmem>> -> memref<128x8xf32, #tpu.memory_space<vmem>>
    %dma_wait3A_313 = arith.constant 256 : i32
    %dma_wait3A_314 = tpu.memref_slice %arg9[%dma_wait3A_313] : memref<4096xi32, #tpu.memory_space<vmem>> -> memref<128xi32, #tpu.memory_space<vmem>>
    %dma_wait3A_315 = arith.constant 0 : i32
    %dma_wait3A_316 = arith.constant 0 : i32
    %dma_wait3A_317 = tpu.memref_slice %arg3[%dma_wait3A_315, %dma_wait3A_316] : memref<1000000x8xf32, #tpu.memory_space<hbm>> -> memref<1000000x8xf32, #tpu.memory_space<hbm>>
    tpu.wait_indirect_dma semaphore(%arg16 : memref<!tpu.dma_semaphore, #tpu.memory_space<semaphore_mem>>) src(%dma_wait3A_317 : memref<1000000x8xf32, #tpu.memory_space<hbm>>) dst(%dma_wait3A_312 : memref<128x8xf32, #tpu.memory_space<vmem>>)
    %dma_wait3A_318 = arith.constant 384 : i32
    %dma_wait3A_319 = arith.constant 0 : i32
    %dma_wait3A_320 = tpu.memref_slice %arg11[%dma_wait3A_318, %dma_wait3A_319] : memref<4096x8xf32, #tpu.memory_space<vmem>> -> memref<128x8xf32, #tpu.memory_space<vmem>>
    %dma_wait3A_321 = arith.constant 384 : i32
    %dma_wait3A_322 = tpu.memref_slice %arg9[%dma_wait3A_321] : memref<4096xi32, #tpu.memory_space<vmem>> -> memref<128xi32, #tpu.memory_space<vmem>>
    %dma_wait3A_323 = arith.constant 0 : i32
    %dma_wait3A_324 = arith.constant 0 : i32
    %dma_wait3A_325 = tpu.memref_slice %arg3[%dma_wait3A_323, %dma_wait3A_324] : memref<1000000x8xf32, #tpu.memory_space<hbm>> -> memref<1000000x8xf32, #tpu.memory_space<hbm>>
    tpu.wait_indirect_dma semaphore(%arg16 : memref<!tpu.dma_semaphore, #tpu.memory_space<semaphore_mem>>) src(%dma_wait3A_325 : memref<1000000x8xf32, #tpu.memory_space<hbm>>) dst(%dma_wait3A_320 : memref<128x8xf32, #tpu.memory_space<vmem>>)
    %dma_wait3A_326 = arith.constant 512 : i32
    %dma_wait3A_327 = arith.constant 0 : i32
    %dma_wait3A_328 = tpu.memref_slice %arg11[%dma_wait3A_326, %dma_wait3A_327] : memref<4096x8xf32, #tpu.memory_space<vmem>> -> memref<128x8xf32, #tpu.memory_space<vmem>>
    %dma_wait3A_329 = arith.constant 512 : i32
    %dma_wait3A_330 = tpu.memref_slice %arg9[%dma_wait3A_329] : memref<4096xi32, #tpu.memory_space<vmem>> -> memref<128xi32, #tpu.memory_space<vmem>>
    %dma_wait3A_331 = arith.constant 0 : i32
    %dma_wait3A_332 = arith.constant 0 : i32
    %dma_wait3A_333 = tpu.memref_slice %arg3[%dma_wait3A_331, %dma_wait3A_332] : memref<1000000x8xf32, #tpu.memory_space<hbm>> -> memref<1000000x8xf32, #tpu.memory_space<hbm>>
    tpu.wait_indirect_dma semaphore(%arg16 : memref<!tpu.dma_semaphore, #tpu.memory_space<semaphore_mem>>) src(%dma_wait3A_333 : memref<1000000x8xf32, #tpu.memory_space<hbm>>) dst(%dma_wait3A_328 : memref<128x8xf32, #tpu.memory_space<vmem>>)
    %dma_wait3A_334 = arith.constant 640 : i32
    %dma_wait3A_335 = arith.constant 0 : i32
    %dma_wait3A_336 = tpu.memref_slice %arg11[%dma_wait3A_334, %dma_wait3A_335] : memref<4096x8xf32, #tpu.memory_space<vmem>> -> memref<128x8xf32, #tpu.memory_space<vmem>>
    %dma_wait3A_337 = arith.constant 640 : i32
    %dma_wait3A_338 = tpu.memref_slice %arg9[%dma_wait3A_337] : memref<4096xi32, #tpu.memory_space<vmem>> -> memref<128xi32, #tpu.memory_space<vmem>>
    %dma_wait3A_339 = arith.constant 0 : i32
    %dma_wait3A_340 = arith.constant 0 : i32
    %dma_wait3A_341 = tpu.memref_slice %arg3[%dma_wait3A_339, %dma_wait3A_340] : memref<1000000x8xf32, #tpu.memory_space<hbm>> -> memref<1000000x8xf32, #tpu.memory_space<hbm>>
    tpu.wait_indirect_dma semaphore(%arg16 : memref<!tpu.dma_semaphore, #tpu.memory_space<semaphore_mem>>) src(%dma_wait3A_341 : memref<1000000x8xf32, #tpu.memory_space<hbm>>) dst(%dma_wait3A_336 : memref<128x8xf32, #tpu.memory_space<vmem>>)
    %dma_wait3A_342 = arith.constant 768 : i32
    %dma_wait3A_343 = arith.constant 0 : i32
    %dma_wait3A_344 = tpu.memref_slice %arg11[%dma_wait3A_342, %dma_wait3A_343] : memref<4096x8xf32, #tpu.memory_space<vmem>> -> memref<128x8xf32, #tpu.memory_space<vmem>>
    %dma_wait3A_345 = arith.constant 768 : i32
    %dma_wait3A_346 = tpu.memref_slice %arg9[%dma_wait3A_345] : memref<4096xi32, #tpu.memory_space<vmem>> -> memref<128xi32, #tpu.memory_space<vmem>>
    %dma_wait3A_347 = arith.constant 0 : i32
    %dma_wait3A_348 = arith.constant 0 : i32
    %dma_wait3A_349 = tpu.memref_slice %arg3[%dma_wait3A_347, %dma_wait3A_348] : memref<1000000x8xf32, #tpu.memory_space<hbm>> -> memref<1000000x8xf32, #tpu.memory_space<hbm>>
    tpu.wait_indirect_dma semaphore(%arg16 : memref<!tpu.dma_semaphore, #tpu.memory_space<semaphore_mem>>) src(%dma_wait3A_349 : memref<1000000x8xf32, #tpu.memory_space<hbm>>) dst(%dma_wait3A_344 : memref<128x8xf32, #tpu.memory_space<vmem>>)
    %dma_wait3A_350 = arith.constant 896 : i32
    %dma_wait3A_351 = arith.constant 0 : i32
    %dma_wait3A_352 = tpu.memref_slice %arg11[%dma_wait3A_350, %dma_wait3A_351] : memref<4096x8xf32, #tpu.memory_space<vmem>> -> memref<128x8xf32, #tpu.memory_space<vmem>>
    %dma_wait3A_353 = arith.constant 896 : i32
    %dma_wait3A_354 = tpu.memref_slice %arg9[%dma_wait3A_353] : memref<4096xi32, #tpu.memory_space<vmem>> -> memref<128xi32, #tpu.memory_space<vmem>>
    %dma_wait3A_355 = arith.constant 0 : i32
    %dma_wait3A_356 = arith.constant 0 : i32
    %dma_wait3A_357 = tpu.memref_slice %arg3[%dma_wait3A_355, %dma_wait3A_356] : memref<1000000x8xf32, #tpu.memory_space<hbm>> -> memref<1000000x8xf32, #tpu.memory_space<hbm>>
    tpu.wait_indirect_dma semaphore(%arg16 : memref<!tpu.dma_semaphore, #tpu.memory_space<semaphore_mem>>) src(%dma_wait3A_357 : memref<1000000x8xf32, #tpu.memory_space<hbm>>) dst(%dma_wait3A_352 : memref<128x8xf32, #tpu.memory_space<vmem>>)
    %dma_wait3A_358 = arith.constant 1024 : i32
    %dma_wait3A_359 = arith.constant 0 : i32
    %dma_wait3A_360 = tpu.memref_slice %arg11[%dma_wait3A_358, %dma_wait3A_359] : memref<4096x8xf32, #tpu.memory_space<vmem>> -> memref<128x8xf32, #tpu.memory_space<vmem>>
    %dma_wait3A_361 = arith.constant 1024 : i32
    %dma_wait3A_362 = tpu.memref_slice %arg9[%dma_wait3A_361] : memref<4096xi32, #tpu.memory_space<vmem>> -> memref<128xi32, #tpu.memory_space<vmem>>
    %dma_wait3A_363 = arith.constant 0 : i32
    %dma_wait3A_364 = arith.constant 0 : i32
    %dma_wait3A_365 = tpu.memref_slice %arg3[%dma_wait3A_363, %dma_wait3A_364] : memref<1000000x8xf32, #tpu.memory_space<hbm>> -> memref<1000000x8xf32, #tpu.memory_space<hbm>>
    tpu.wait_indirect_dma semaphore(%arg16 : memref<!tpu.dma_semaphore, #tpu.memory_space<semaphore_mem>>) src(%dma_wait3A_365 : memref<1000000x8xf32, #tpu.memory_space<hbm>>) dst(%dma_wait3A_360 : memref<128x8xf32, #tpu.memory_space<vmem>>)
    %dma_wait3A_366 = arith.constant 1152 : i32
    %dma_wait3A_367 = arith.constant 0 : i32
    %dma_wait3A_368 = tpu.memref_slice %arg11[%dma_wait3A_366, %dma_wait3A_367] : memref<4096x8xf32, #tpu.memory_space<vmem>> -> memref<128x8xf32, #tpu.memory_space<vmem>>
    %dma_wait3A_369 = arith.constant 1152 : i32
    %dma_wait3A_370 = tpu.memref_slice %arg9[%dma_wait3A_369] : memref<4096xi32, #tpu.memory_space<vmem>> -> memref<128xi32, #tpu.memory_space<vmem>>
    %dma_wait3A_371 = arith.constant 0 : i32
    %dma_wait3A_372 = arith.constant 0 : i32
    %dma_wait3A_373 = tpu.memref_slice %arg3[%dma_wait3A_371, %dma_wait3A_372] : memref<1000000x8xf32, #tpu.memory_space<hbm>> -> memref<1000000x8xf32, #tpu.memory_space<hbm>>
    tpu.wait_indirect_dma semaphore(%arg16 : memref<!tpu.dma_semaphore, #tpu.memory_space<semaphore_mem>>) src(%dma_wait3A_373 : memref<1000000x8xf32, #tpu.memory_space<hbm>>) dst(%dma_wait3A_368 : memref<128x8xf32, #tpu.memory_space<vmem>>)
    %dma_wait3A_374 = arith.constant 1280 : i32
    %dma_wait3A_375 = arith.constant 0 : i32
    %dma_wait3A_376 = tpu.memref_slice %arg11[%dma_wait3A_374, %dma_wait3A_375] : memref<4096x8xf32, #tpu.memory_space<vmem>> -> memref<128x8xf32, #tpu.memory_space<vmem>>
    %dma_wait3A_377 = arith.constant 1280 : i32
    %dma_wait3A_378 = tpu.memref_slice %arg9[%dma_wait3A_377] : memref<4096xi32, #tpu.memory_space<vmem>> -> memref<128xi32, #tpu.memory_space<vmem>>
    %dma_wait3A_379 = arith.constant 0 : i32
    %dma_wait3A_380 = arith.constant 0 : i32
    %dma_wait3A_381 = tpu.memref_slice %arg3[%dma_wait3A_379, %dma_wait3A_380] : memref<1000000x8xf32, #tpu.memory_space<hbm>> -> memref<1000000x8xf32, #tpu.memory_space<hbm>>
    tpu.wait_indirect_dma semaphore(%arg16 : memref<!tpu.dma_semaphore, #tpu.memory_space<semaphore_mem>>) src(%dma_wait3A_381 : memref<1000000x8xf32, #tpu.memory_space<hbm>>) dst(%dma_wait3A_376 : memref<128x8xf32, #tpu.memory_space<vmem>>)
    %dma_wait3A_382 = arith.constant 1408 : i32
    %dma_wait3A_383 = arith.constant 0 : i32
    %dma_wait3A_384 = tpu.memref_slice %arg11[%dma_wait3A_382, %dma_wait3A_383] : memref<4096x8xf32, #tpu.memory_space<vmem>> -> memref<128x8xf32, #tpu.memory_space<vmem>>
    %dma_wait3A_385 = arith.constant 1408 : i32
    %dma_wait3A_386 = tpu.memref_slice %arg9[%dma_wait3A_385] : memref<4096xi32, #tpu.memory_space<vmem>> -> memref<128xi32, #tpu.memory_space<vmem>>
    %dma_wait3A_387 = arith.constant 0 : i32
    %dma_wait3A_388 = arith.constant 0 : i32
    %dma_wait3A_389 = tpu.memref_slice %arg3[%dma_wait3A_387, %dma_wait3A_388] : memref<1000000x8xf32, #tpu.memory_space<hbm>> -> memref<1000000x8xf32, #tpu.memory_space<hbm>>
    tpu.wait_indirect_dma semaphore(%arg16 : memref<!tpu.dma_semaphore, #tpu.memory_space<semaphore_mem>>) src(%dma_wait3A_389 : memref<1000000x8xf32, #tpu.memory_space<hbm>>) dst(%dma_wait3A_384 : memref<128x8xf32, #tpu.memory_space<vmem>>)
    %dma_wait3A_390 = arith.constant 1536 : i32
    %dma_wait3A_391 = arith.constant 0 : i32
    %dma_wait3A_392 = tpu.memref_slice %arg11[%dma_wait3A_390, %dma_wait3A_391] : memref<4096x8xf32, #tpu.memory_space<vmem>> -> memref<128x8xf32, #tpu.memory_space<vmem>>
    %dma_wait3A_393 = arith.constant 1536 : i32
    %dma_wait3A_394 = tpu.memref_slice %arg9[%dma_wait3A_393] : memref<4096xi32, #tpu.memory_space<vmem>> -> memref<128xi32, #tpu.memory_space<vmem>>
    %dma_wait3A_395 = arith.constant 0 : i32
    %dma_wait3A_396 = arith.constant 0 : i32
    %dma_wait3A_397 = tpu.memref_slice %arg3[%dma_wait3A_395, %dma_wait3A_396] : memref<1000000x8xf32, #tpu.memory_space<hbm>> -> memref<1000000x8xf32, #tpu.memory_space<hbm>>
    tpu.wait_indirect_dma semaphore(%arg16 : memref<!tpu.dma_semaphore, #tpu.memory_space<semaphore_mem>>) src(%dma_wait3A_397 : memref<1000000x8xf32, #tpu.memory_space<hbm>>) dst(%dma_wait3A_392 : memref<128x8xf32, #tpu.memory_space<vmem>>)
    %dma_wait3A_398 = arith.constant 1664 : i32
    %dma_wait3A_399 = arith.constant 0 : i32
    %dma_wait3A_400 = tpu.memref_slice %arg11[%dma_wait3A_398, %dma_wait3A_399] : memref<4096x8xf32, #tpu.memory_space<vmem>> -> memref<128x8xf32, #tpu.memory_space<vmem>>
    %dma_wait3A_401 = arith.constant 1664 : i32
    %dma_wait3A_402 = tpu.memref_slice %arg9[%dma_wait3A_401] : memref<4096xi32, #tpu.memory_space<vmem>> -> memref<128xi32, #tpu.memory_space<vmem>>
    %dma_wait3A_403 = arith.constant 0 : i32
    %dma_wait3A_404 = arith.constant 0 : i32
    %dma_wait3A_405 = tpu.memref_slice %arg3[%dma_wait3A_403, %dma_wait3A_404] : memref<1000000x8xf32, #tpu.memory_space<hbm>> -> memref<1000000x8xf32, #tpu.memory_space<hbm>>
    tpu.wait_indirect_dma semaphore(%arg16 : memref<!tpu.dma_semaphore, #tpu.memory_space<semaphore_mem>>) src(%dma_wait3A_405 : memref<1000000x8xf32, #tpu.memory_space<hbm>>) dst(%dma_wait3A_400 : memref<128x8xf32, #tpu.memory_space<vmem>>)
    %dma_wait3A_406 = arith.constant 1792 : i32
    %dma_wait3A_407 = arith.constant 0 : i32
    %dma_wait3A_408 = tpu.memref_slice %arg11[%dma_wait3A_406, %dma_wait3A_407] : memref<4096x8xf32, #tpu.memory_space<vmem>> -> memref<128x8xf32, #tpu.memory_space<vmem>>
    %dma_wait3A_409 = arith.constant 1792 : i32
    %dma_wait3A_410 = tpu.memref_slice %arg9[%dma_wait3A_409] : memref<4096xi32, #tpu.memory_space<vmem>> -> memref<128xi32, #tpu.memory_space<vmem>>
    %dma_wait3A_411 = arith.constant 0 : i32
    %dma_wait3A_412 = arith.constant 0 : i32
    %dma_wait3A_413 = tpu.memref_slice %arg3[%dma_wait3A_411, %dma_wait3A_412] : memref<1000000x8xf32, #tpu.memory_space<hbm>> -> memref<1000000x8xf32, #tpu.memory_space<hbm>>
    tpu.wait_indirect_dma semaphore(%arg16 : memref<!tpu.dma_semaphore, #tpu.memory_space<semaphore_mem>>) src(%dma_wait3A_413 : memref<1000000x8xf32, #tpu.memory_space<hbm>>) dst(%dma_wait3A_408 : memref<128x8xf32, #tpu.memory_space<vmem>>)
    %dma_wait3A_414 = arith.constant 1920 : i32
    %dma_wait3A_415 = arith.constant 0 : i32
    %dma_wait3A_416 = tpu.memref_slice %arg11[%dma_wait3A_414, %dma_wait3A_415] : memref<4096x8xf32, #tpu.memory_space<vmem>> -> memref<128x8xf32, #tpu.memory_space<vmem>>
    %dma_wait3A_417 = arith.constant 1920 : i32
    %dma_wait3A_418 = tpu.memref_slice %arg9[%dma_wait3A_417] : memref<4096xi32, #tpu.memory_space<vmem>> -> memref<128xi32, #tpu.memory_space<vmem>>
    %dma_wait3A_419 = arith.constant 0 : i32
    %dma_wait3A_420 = arith.constant 0 : i32
    %dma_wait3A_421 = tpu.memref_slice %arg3[%dma_wait3A_419, %dma_wait3A_420] : memref<1000000x8xf32, #tpu.memory_space<hbm>> -> memref<1000000x8xf32, #tpu.memory_space<hbm>>
    tpu.wait_indirect_dma semaphore(%arg16 : memref<!tpu.dma_semaphore, #tpu.memory_space<semaphore_mem>>) src(%dma_wait3A_421 : memref<1000000x8xf32, #tpu.memory_space<hbm>>) dst(%dma_wait3A_416 : memref<128x8xf32, #tpu.memory_space<vmem>>)
    %dma_wait3A_422 = arith.constant 2048 : i32
    %dma_wait3A_423 = arith.constant 0 : i32
    %dma_wait3A_424 = tpu.memref_slice %arg11[%dma_wait3A_422, %dma_wait3A_423] : memref<4096x8xf32, #tpu.memory_space<vmem>> -> memref<128x8xf32, #tpu.memory_space<vmem>>
    %dma_wait3A_425 = arith.constant 2048 : i32
    %dma_wait3A_426 = tpu.memref_slice %arg9[%dma_wait3A_425] : memref<4096xi32, #tpu.memory_space<vmem>> -> memref<128xi32, #tpu.memory_space<vmem>>
    %dma_wait3A_427 = arith.constant 0 : i32
    %dma_wait3A_428 = arith.constant 0 : i32
    %dma_wait3A_429 = tpu.memref_slice %arg3[%dma_wait3A_427, %dma_wait3A_428] : memref<1000000x8xf32, #tpu.memory_space<hbm>> -> memref<1000000x8xf32, #tpu.memory_space<hbm>>
    tpu.wait_indirect_dma semaphore(%arg16 : memref<!tpu.dma_semaphore, #tpu.memory_space<semaphore_mem>>) src(%dma_wait3A_429 : memref<1000000x8xf32, #tpu.memory_space<hbm>>) dst(%dma_wait3A_424 : memref<128x8xf32, #tpu.memory_space<vmem>>)
    %dma_wait3A_430 = arith.constant 2176 : i32
    %dma_wait3A_431 = arith.constant 0 : i32
    %dma_wait3A_432 = tpu.memref_slice %arg11[%dma_wait3A_430, %dma_wait3A_431] : memref<4096x8xf32, #tpu.memory_space<vmem>> -> memref<128x8xf32, #tpu.memory_space<vmem>>
    %dma_wait3A_433 = arith.constant 2176 : i32
    %dma_wait3A_434 = tpu.memref_slice %arg9[%dma_wait3A_433] : memref<4096xi32, #tpu.memory_space<vmem>> -> memref<128xi32, #tpu.memory_space<vmem>>
    %dma_wait3A_435 = arith.constant 0 : i32
    %dma_wait3A_436 = arith.constant 0 : i32
    %dma_wait3A_437 = tpu.memref_slice %arg3[%dma_wait3A_435, %dma_wait3A_436] : memref<1000000x8xf32, #tpu.memory_space<hbm>> -> memref<1000000x8xf32, #tpu.memory_space<hbm>>
    tpu.wait_indirect_dma semaphore(%arg16 : memref<!tpu.dma_semaphore, #tpu.memory_space<semaphore_mem>>) src(%dma_wait3A_437 : memref<1000000x8xf32, #tpu.memory_space<hbm>>) dst(%dma_wait3A_432 : memref<128x8xf32, #tpu.memory_space<vmem>>)
    %dma_wait3A_438 = arith.constant 2304 : i32
    %dma_wait3A_439 = arith.constant 0 : i32
    %dma_wait3A_440 = tpu.memref_slice %arg11[%dma_wait3A_438, %dma_wait3A_439] : memref<4096x8xf32, #tpu.memory_space<vmem>> -> memref<128x8xf32, #tpu.memory_space<vmem>>
    %dma_wait3A_441 = arith.constant 2304 : i32
    %dma_wait3A_442 = tpu.memref_slice %arg9[%dma_wait3A_441] : memref<4096xi32, #tpu.memory_space<vmem>> -> memref<128xi32, #tpu.memory_space<vmem>>
    %dma_wait3A_443 = arith.constant 0 : i32
    %dma_wait3A_444 = arith.constant 0 : i32
    %dma_wait3A_445 = tpu.memref_slice %arg3[%dma_wait3A_443, %dma_wait3A_444] : memref<1000000x8xf32, #tpu.memory_space<hbm>> -> memref<1000000x8xf32, #tpu.memory_space<hbm>>
    tpu.wait_indirect_dma semaphore(%arg16 : memref<!tpu.dma_semaphore, #tpu.memory_space<semaphore_mem>>) src(%dma_wait3A_445 : memref<1000000x8xf32, #tpu.memory_space<hbm>>) dst(%dma_wait3A_440 : memref<128x8xf32, #tpu.memory_space<vmem>>)
    %dma_wait3A_446 = arith.constant 2432 : i32
    %dma_wait3A_447 = arith.constant 0 : i32
    %dma_wait3A_448 = tpu.memref_slice %arg11[%dma_wait3A_446, %dma_wait3A_447] : memref<4096x8xf32, #tpu.memory_space<vmem>> -> memref<128x8xf32, #tpu.memory_space<vmem>>
    %dma_wait3A_449 = arith.constant 2432 : i32
    %dma_wait3A_450 = tpu.memref_slice %arg9[%dma_wait3A_449] : memref<4096xi32, #tpu.memory_space<vmem>> -> memref<128xi32, #tpu.memory_space<vmem>>
    %dma_wait3A_451 = arith.constant 0 : i32
    %dma_wait3A_452 = arith.constant 0 : i32
    %dma_wait3A_453 = tpu.memref_slice %arg3[%dma_wait3A_451, %dma_wait3A_452] : memref<1000000x8xf32, #tpu.memory_space<hbm>> -> memref<1000000x8xf32, #tpu.memory_space<hbm>>
    tpu.wait_indirect_dma semaphore(%arg16 : memref<!tpu.dma_semaphore, #tpu.memory_space<semaphore_mem>>) src(%dma_wait3A_453 : memref<1000000x8xf32, #tpu.memory_space<hbm>>) dst(%dma_wait3A_448 : memref<128x8xf32, #tpu.memory_space<vmem>>)
    %dma_wait3A_454 = arith.constant 2560 : i32
    %dma_wait3A_455 = arith.constant 0 : i32
    %dma_wait3A_456 = tpu.memref_slice %arg11[%dma_wait3A_454, %dma_wait3A_455] : memref<4096x8xf32, #tpu.memory_space<vmem>> -> memref<128x8xf32, #tpu.memory_space<vmem>>
    %dma_wait3A_457 = arith.constant 2560 : i32
    %dma_wait3A_458 = tpu.memref_slice %arg9[%dma_wait3A_457] : memref<4096xi32, #tpu.memory_space<vmem>> -> memref<128xi32, #tpu.memory_space<vmem>>
    %dma_wait3A_459 = arith.constant 0 : i32
    %dma_wait3A_460 = arith.constant 0 : i32
    %dma_wait3A_461 = tpu.memref_slice %arg3[%dma_wait3A_459, %dma_wait3A_460] : memref<1000000x8xf32, #tpu.memory_space<hbm>> -> memref<1000000x8xf32, #tpu.memory_space<hbm>>
    tpu.wait_indirect_dma semaphore(%arg16 : memref<!tpu.dma_semaphore, #tpu.memory_space<semaphore_mem>>) src(%dma_wait3A_461 : memref<1000000x8xf32, #tpu.memory_space<hbm>>) dst(%dma_wait3A_456 : memref<128x8xf32, #tpu.memory_space<vmem>>)
    %dma_wait3A_462 = arith.constant 2688 : i32
    %dma_wait3A_463 = arith.constant 0 : i32
    %dma_wait3A_464 = tpu.memref_slice %arg11[%dma_wait3A_462, %dma_wait3A_463] : memref<4096x8xf32, #tpu.memory_space<vmem>> -> memref<128x8xf32, #tpu.memory_space<vmem>>
    %dma_wait3A_465 = arith.constant 2688 : i32
    %dma_wait3A_466 = tpu.memref_slice %arg9[%dma_wait3A_465] : memref<4096xi32, #tpu.memory_space<vmem>> -> memref<128xi32, #tpu.memory_space<vmem>>
    %dma_wait3A_467 = arith.constant 0 : i32
    %dma_wait3A_468 = arith.constant 0 : i32
    %dma_wait3A_469 = tpu.memref_slice %arg3[%dma_wait3A_467, %dma_wait3A_468] : memref<1000000x8xf32, #tpu.memory_space<hbm>> -> memref<1000000x8xf32, #tpu.memory_space<hbm>>
    tpu.wait_indirect_dma semaphore(%arg16 : memref<!tpu.dma_semaphore, #tpu.memory_space<semaphore_mem>>) src(%dma_wait3A_469 : memref<1000000x8xf32, #tpu.memory_space<hbm>>) dst(%dma_wait3A_464 : memref<128x8xf32, #tpu.memory_space<vmem>>)
    %dma_wait3A_470 = arith.constant 2816 : i32
    %dma_wait3A_471 = arith.constant 0 : i32
    %dma_wait3A_472 = tpu.memref_slice %arg11[%dma_wait3A_470, %dma_wait3A_471] : memref<4096x8xf32, #tpu.memory_space<vmem>> -> memref<128x8xf32, #tpu.memory_space<vmem>>
    %dma_wait3A_473 = arith.constant 2816 : i32
    %dma_wait3A_474 = tpu.memref_slice %arg9[%dma_wait3A_473] : memref<4096xi32, #tpu.memory_space<vmem>> -> memref<128xi32, #tpu.memory_space<vmem>>
    %dma_wait3A_475 = arith.constant 0 : i32
    %dma_wait3A_476 = arith.constant 0 : i32
    %dma_wait3A_477 = tpu.memref_slice %arg3[%dma_wait3A_475, %dma_wait3A_476] : memref<1000000x8xf32, #tpu.memory_space<hbm>> -> memref<1000000x8xf32, #tpu.memory_space<hbm>>
    tpu.wait_indirect_dma semaphore(%arg16 : memref<!tpu.dma_semaphore, #tpu.memory_space<semaphore_mem>>) src(%dma_wait3A_477 : memref<1000000x8xf32, #tpu.memory_space<hbm>>) dst(%dma_wait3A_472 : memref<128x8xf32, #tpu.memory_space<vmem>>)
    %dma_wait3A_478 = arith.constant 2944 : i32
    %dma_wait3A_479 = arith.constant 0 : i32
    %dma_wait3A_480 = tpu.memref_slice %arg11[%dma_wait3A_478, %dma_wait3A_479] : memref<4096x8xf32, #tpu.memory_space<vmem>> -> memref<128x8xf32, #tpu.memory_space<vmem>>
    %dma_wait3A_481 = arith.constant 2944 : i32
    %dma_wait3A_482 = tpu.memref_slice %arg9[%dma_wait3A_481] : memref<4096xi32, #tpu.memory_space<vmem>> -> memref<128xi32, #tpu.memory_space<vmem>>
    %dma_wait3A_483 = arith.constant 0 : i32
    %dma_wait3A_484 = arith.constant 0 : i32
    %dma_wait3A_485 = tpu.memref_slice %arg3[%dma_wait3A_483, %dma_wait3A_484] : memref<1000000x8xf32, #tpu.memory_space<hbm>> -> memref<1000000x8xf32, #tpu.memory_space<hbm>>
    tpu.wait_indirect_dma semaphore(%arg16 : memref<!tpu.dma_semaphore, #tpu.memory_space<semaphore_mem>>) src(%dma_wait3A_485 : memref<1000000x8xf32, #tpu.memory_space<hbm>>) dst(%dma_wait3A_480 : memref<128x8xf32, #tpu.memory_space<vmem>>)
    %dma_wait3A_486 = arith.constant 3072 : i32
    %dma_wait3A_487 = arith.constant 0 : i32
    %dma_wait3A_488 = tpu.memref_slice %arg11[%dma_wait3A_486, %dma_wait3A_487] : memref<4096x8xf32, #tpu.memory_space<vmem>> -> memref<128x8xf32, #tpu.memory_space<vmem>>
    %dma_wait3A_489 = arith.constant 3072 : i32
    %dma_wait3A_490 = tpu.memref_slice %arg9[%dma_wait3A_489] : memref<4096xi32, #tpu.memory_space<vmem>> -> memref<128xi32, #tpu.memory_space<vmem>>
    %dma_wait3A_491 = arith.constant 0 : i32
    %dma_wait3A_492 = arith.constant 0 : i32
    %dma_wait3A_493 = tpu.memref_slice %arg3[%dma_wait3A_491, %dma_wait3A_492] : memref<1000000x8xf32, #tpu.memory_space<hbm>> -> memref<1000000x8xf32, #tpu.memory_space<hbm>>
    tpu.wait_indirect_dma semaphore(%arg16 : memref<!tpu.dma_semaphore, #tpu.memory_space<semaphore_mem>>) src(%dma_wait3A_493 : memref<1000000x8xf32, #tpu.memory_space<hbm>>) dst(%dma_wait3A_488 : memref<128x8xf32, #tpu.memory_space<vmem>>)
    %dma_wait3A_494 = arith.constant 3200 : i32
    %dma_wait3A_495 = arith.constant 0 : i32
    %dma_wait3A_496 = tpu.memref_slice %arg11[%dma_wait3A_494, %dma_wait3A_495] : memref<4096x8xf32, #tpu.memory_space<vmem>> -> memref<128x8xf32, #tpu.memory_space<vmem>>
    %dma_wait3A_497 = arith.constant 3200 : i32
    %dma_wait3A_498 = tpu.memref_slice %arg9[%dma_wait3A_497] : memref<4096xi32, #tpu.memory_space<vmem>> -> memref<128xi32, #tpu.memory_space<vmem>>
    %dma_wait3A_499 = arith.constant 0 : i32
    %dma_wait3A_500 = arith.constant 0 : i32
    %dma_wait3A_501 = tpu.memref_slice %arg3[%dma_wait3A_499, %dma_wait3A_500] : memref<1000000x8xf32, #tpu.memory_space<hbm>> -> memref<1000000x8xf32, #tpu.memory_space<hbm>>
    tpu.wait_indirect_dma semaphore(%arg16 : memref<!tpu.dma_semaphore, #tpu.memory_space<semaphore_mem>>) src(%dma_wait3A_501 : memref<1000000x8xf32, #tpu.memory_space<hbm>>) dst(%dma_wait3A_496 : memref<128x8xf32, #tpu.memory_space<vmem>>)
    %dma_wait3A_502 = arith.constant 3328 : i32
    %dma_wait3A_503 = arith.constant 0 : i32
    %dma_wait3A_504 = tpu.memref_slice %arg11[%dma_wait3A_502, %dma_wait3A_503] : memref<4096x8xf32, #tpu.memory_space<vmem>> -> memref<128x8xf32, #tpu.memory_space<vmem>>
    %dma_wait3A_505 = arith.constant 3328 : i32
    %dma_wait3A_506 = tpu.memref_slice %arg9[%dma_wait3A_505] : memref<4096xi32, #tpu.memory_space<vmem>> -> memref<128xi32, #tpu.memory_space<vmem>>
    %dma_wait3A_507 = arith.constant 0 : i32
    %dma_wait3A_508 = arith.constant 0 : i32
    %dma_wait3A_509 = tpu.memref_slice %arg3[%dma_wait3A_507, %dma_wait3A_508] : memref<1000000x8xf32, #tpu.memory_space<hbm>> -> memref<1000000x8xf32, #tpu.memory_space<hbm>>
    tpu.wait_indirect_dma semaphore(%arg16 : memref<!tpu.dma_semaphore, #tpu.memory_space<semaphore_mem>>) src(%dma_wait3A_509 : memref<1000000x8xf32, #tpu.memory_space<hbm>>) dst(%dma_wait3A_504 : memref<128x8xf32, #tpu.memory_space<vmem>>)
    %dma_wait3A_510 = arith.constant 3456 : i32
    %dma_wait3A_511 = arith.constant 0 : i32
    %dma_wait3A_512 = tpu.memref_slice %arg11[%dma_wait3A_510, %dma_wait3A_511] : memref<4096x8xf32, #tpu.memory_space<vmem>> -> memref<128x8xf32, #tpu.memory_space<vmem>>
    %dma_wait3A_513 = arith.constant 3456 : i32
    %dma_wait3A_514 = tpu.memref_slice %arg9[%dma_wait3A_513] : memref<4096xi32, #tpu.memory_space<vmem>> -> memref<128xi32, #tpu.memory_space<vmem>>
    %dma_wait3A_515 = arith.constant 0 : i32
    %dma_wait3A_516 = arith.constant 0 : i32
    %dma_wait3A_517 = tpu.memref_slice %arg3[%dma_wait3A_515, %dma_wait3A_516] : memref<1000000x8xf32, #tpu.memory_space<hbm>> -> memref<1000000x8xf32, #tpu.memory_space<hbm>>
    tpu.wait_indirect_dma semaphore(%arg16 : memref<!tpu.dma_semaphore, #tpu.memory_space<semaphore_mem>>) src(%dma_wait3A_517 : memref<1000000x8xf32, #tpu.memory_space<hbm>>) dst(%dma_wait3A_512 : memref<128x8xf32, #tpu.memory_space<vmem>>)
    %dma_wait3A_518 = arith.constant 3584 : i32
    %dma_wait3A_519 = arith.constant 0 : i32
    %dma_wait3A_520 = tpu.memref_slice %arg11[%dma_wait3A_518, %dma_wait3A_519] : memref<4096x8xf32, #tpu.memory_space<vmem>> -> memref<128x8xf32, #tpu.memory_space<vmem>>
    %dma_wait3A_521 = arith.constant 3584 : i32
    %dma_wait3A_522 = tpu.memref_slice %arg9[%dma_wait3A_521] : memref<4096xi32, #tpu.memory_space<vmem>> -> memref<128xi32, #tpu.memory_space<vmem>>
    %dma_wait3A_523 = arith.constant 0 : i32
    %dma_wait3A_524 = arith.constant 0 : i32
    %dma_wait3A_525 = tpu.memref_slice %arg3[%dma_wait3A_523, %dma_wait3A_524] : memref<1000000x8xf32, #tpu.memory_space<hbm>> -> memref<1000000x8xf32, #tpu.memory_space<hbm>>
    tpu.wait_indirect_dma semaphore(%arg16 : memref<!tpu.dma_semaphore, #tpu.memory_space<semaphore_mem>>) src(%dma_wait3A_525 : memref<1000000x8xf32, #tpu.memory_space<hbm>>) dst(%dma_wait3A_520 : memref<128x8xf32, #tpu.memory_space<vmem>>)
    %dma_wait3A_526 = arith.constant 3712 : i32
    %dma_wait3A_527 = arith.constant 0 : i32
    %dma_wait3A_528 = tpu.memref_slice %arg11[%dma_wait3A_526, %dma_wait3A_527] : memref<4096x8xf32, #tpu.memory_space<vmem>> -> memref<128x8xf32, #tpu.memory_space<vmem>>
    %dma_wait3A_529 = arith.constant 3712 : i32
    %dma_wait3A_530 = tpu.memref_slice %arg9[%dma_wait3A_529] : memref<4096xi32, #tpu.memory_space<vmem>> -> memref<128xi32, #tpu.memory_space<vmem>>
    %dma_wait3A_531 = arith.constant 0 : i32
    %dma_wait3A_532 = arith.constant 0 : i32
    %dma_wait3A_533 = tpu.memref_slice %arg3[%dma_wait3A_531, %dma_wait3A_532] : memref<1000000x8xf32, #tpu.memory_space<hbm>> -> memref<1000000x8xf32, #tpu.memory_space<hbm>>
    tpu.wait_indirect_dma semaphore(%arg16 : memref<!tpu.dma_semaphore, #tpu.memory_space<semaphore_mem>>) src(%dma_wait3A_533 : memref<1000000x8xf32, #tpu.memory_space<hbm>>) dst(%dma_wait3A_528 : memref<128x8xf32, #tpu.memory_space<vmem>>)
    %dma_wait3A_534 = arith.constant 3840 : i32
    %dma_wait3A_535 = arith.constant 0 : i32
    %dma_wait3A_536 = tpu.memref_slice %arg11[%dma_wait3A_534, %dma_wait3A_535] : memref<4096x8xf32, #tpu.memory_space<vmem>> -> memref<128x8xf32, #tpu.memory_space<vmem>>
    %dma_wait3A_537 = arith.constant 3840 : i32
    %dma_wait3A_538 = tpu.memref_slice %arg9[%dma_wait3A_537] : memref<4096xi32, #tpu.memory_space<vmem>> -> memref<128xi32, #tpu.memory_space<vmem>>
    %dma_wait3A_539 = arith.constant 0 : i32
    %dma_wait3A_540 = arith.constant 0 : i32
    %dma_wait3A_541 = tpu.memref_slice %arg3[%dma_wait3A_539, %dma_wait3A_540] : memref<1000000x8xf32, #tpu.memory_space<hbm>> -> memref<1000000x8xf32, #tpu.memory_space<hbm>>
    tpu.wait_indirect_dma semaphore(%arg16 : memref<!tpu.dma_semaphore, #tpu.memory_space<semaphore_mem>>) src(%dma_wait3A_541 : memref<1000000x8xf32, #tpu.memory_space<hbm>>) dst(%dma_wait3A_536 : memref<128x8xf32, #tpu.memory_space<vmem>>)
    %dma_wait3A_542 = arith.constant 3968 : i32
    %dma_wait3A_543 = arith.constant 0 : i32
    %dma_wait3A_544 = tpu.memref_slice %arg11[%dma_wait3A_542, %dma_wait3A_543] : memref<4096x8xf32, #tpu.memory_space<vmem>> -> memref<128x8xf32, #tpu.memory_space<vmem>>
    %dma_wait3A_545 = arith.constant 3968 : i32
    %dma_wait3A_546 = tpu.memref_slice %arg9[%dma_wait3A_545] : memref<4096xi32, #tpu.memory_space<vmem>> -> memref<128xi32, #tpu.memory_space<vmem>>
    %dma_wait3A_547 = arith.constant 0 : i32
    %dma_wait3A_548 = arith.constant 0 : i32
    %dma_wait3A_549 = tpu.memref_slice %arg3[%dma_wait3A_547, %dma_wait3A_548] : memref<1000000x8xf32, #tpu.memory_space<hbm>> -> memref<1000000x8xf32, #tpu.memory_space<hbm>>
    tpu.wait_indirect_dma semaphore(%arg16 : memref<!tpu.dma_semaphore, #tpu.memory_space<semaphore_mem>>) src(%dma_wait3A_549 : memref<1000000x8xf32, #tpu.memory_space<hbm>>) dst(%dma_wait3A_544 : memref<128x8xf32, #tpu.memory_space<vmem>>)
    %dma_wait3A_550 = arith.constant 0 : i32
    %dma_wait3A_551 = arith.constant 0 : i32
    %dma_wait3A_552 = tpu.memref_slice %arg12[%dma_wait3A_550, %dma_wait3A_551] : memref<512x8xf32, #tpu.memory_space<vmem>> -> memref<128x8xf32, #tpu.memory_space<vmem>>
    %dma_wait3A_553 = arith.constant 0 : i32
    %dma_wait3A_554 = tpu.memref_slice %arg10[%dma_wait3A_553] : memref<512xi32, #tpu.memory_space<vmem>> -> memref<128xi32, #tpu.memory_space<vmem>>
    %dma_wait3A_555 = arith.constant 0 : i32
    %dma_wait3A_556 = arith.constant 0 : i32
    %dma_wait3A_557 = tpu.memref_slice %arg4[%dma_wait3A_555, %dma_wait3A_556] : memref<125000x8xf32, #tpu.memory_space<hbm>> -> memref<125000x8xf32, #tpu.memory_space<hbm>>
    tpu.wait_indirect_dma semaphore(%arg16 : memref<!tpu.dma_semaphore, #tpu.memory_space<semaphore_mem>>) src(%dma_wait3A_557 : memref<125000x8xf32, #tpu.memory_space<hbm>>) dst(%dma_wait3A_552 : memref<128x8xf32, #tpu.memory_space<vmem>>)
    %dma_wait3A_558 = arith.constant 128 : i32
    %dma_wait3A_559 = arith.constant 0 : i32
    %dma_wait3A_560 = tpu.memref_slice %arg12[%dma_wait3A_558, %dma_wait3A_559] : memref<512x8xf32, #tpu.memory_space<vmem>> -> memref<128x8xf32, #tpu.memory_space<vmem>>
    %dma_wait3A_561 = arith.constant 128 : i32
    %dma_wait3A_562 = tpu.memref_slice %arg10[%dma_wait3A_561] : memref<512xi32, #tpu.memory_space<vmem>> -> memref<128xi32, #tpu.memory_space<vmem>>
    %dma_wait3A_563 = arith.constant 0 : i32
    %dma_wait3A_564 = arith.constant 0 : i32
    %dma_wait3A_565 = tpu.memref_slice %arg4[%dma_wait3A_563, %dma_wait3A_564] : memref<125000x8xf32, #tpu.memory_space<hbm>> -> memref<125000x8xf32, #tpu.memory_space<hbm>>
    tpu.wait_indirect_dma semaphore(%arg16 : memref<!tpu.dma_semaphore, #tpu.memory_space<semaphore_mem>>) src(%dma_wait3A_565 : memref<125000x8xf32, #tpu.memory_space<hbm>>) dst(%dma_wait3A_560 : memref<128x8xf32, #tpu.memory_space<vmem>>)
    %dma_wait3A_566 = arith.constant 256 : i32
    %dma_wait3A_567 = arith.constant 0 : i32
    %dma_wait3A_568 = tpu.memref_slice %arg12[%dma_wait3A_566, %dma_wait3A_567] : memref<512x8xf32, #tpu.memory_space<vmem>> -> memref<128x8xf32, #tpu.memory_space<vmem>>
    %dma_wait3A_569 = arith.constant 256 : i32
    %dma_wait3A_570 = tpu.memref_slice %arg10[%dma_wait3A_569] : memref<512xi32, #tpu.memory_space<vmem>> -> memref<128xi32, #tpu.memory_space<vmem>>
    %dma_wait3A_571 = arith.constant 0 : i32
    %dma_wait3A_572 = arith.constant 0 : i32
    %dma_wait3A_573 = tpu.memref_slice %arg4[%dma_wait3A_571, %dma_wait3A_572] : memref<125000x8xf32, #tpu.memory_space<hbm>> -> memref<125000x8xf32, #tpu.memory_space<hbm>>
    tpu.wait_indirect_dma semaphore(%arg16 : memref<!tpu.dma_semaphore, #tpu.memory_space<semaphore_mem>>) src(%dma_wait3A_573 : memref<125000x8xf32, #tpu.memory_space<hbm>>) dst(%dma_wait3A_568 : memref<128x8xf32, #tpu.memory_space<vmem>>)
    %dma_wait3A_574 = arith.constant 384 : i32
    %dma_wait3A_575 = arith.constant 0 : i32
    %dma_wait3A_576 = tpu.memref_slice %arg12[%dma_wait3A_574, %dma_wait3A_575] : memref<512x8xf32, #tpu.memory_space<vmem>> -> memref<128x8xf32, #tpu.memory_space<vmem>>
    %dma_wait3A_577 = arith.constant 384 : i32
    %dma_wait3A_578 = tpu.memref_slice %arg10[%dma_wait3A_577] : memref<512xi32, #tpu.memory_space<vmem>> -> memref<128xi32, #tpu.memory_space<vmem>>
    %dma_wait3A_579 = arith.constant 0 : i32
    %dma_wait3A_580 = arith.constant 0 : i32
    %dma_wait3A_581 = tpu.memref_slice %arg4[%dma_wait3A_579, %dma_wait3A_580] : memref<125000x8xf32, #tpu.memory_space<hbm>> -> memref<125000x8xf32, #tpu.memory_space<hbm>>
    tpu.wait_indirect_dma semaphore(%arg16 : memref<!tpu.dma_semaphore, #tpu.memory_space<semaphore_mem>>) src(%dma_wait3A_581 : memref<125000x8xf32, #tpu.memory_space<hbm>>) dst(%dma_wait3A_576 : memref<128x8xf32, #tpu.memory_space<vmem>>)
    %scan3A_582 = arith.constant 0 : i32
    %scan3A_583 = arith.constant 0 : i32
    %scan3A_584 = arith.constant 32 : i32
    %scan3A_585 = arith.addi %scan3A_583, %scan3A_584 : i32
    %scan3A_586 = arith.constant 1 : i32
    scf.for %scan3A_604 = %scan3A_583 to %scan3A_585 step %scan3A_586  : i32 {
      %mul3A_605 = arith.constant 16 : i32
      %mul3A_606 = arith.muli %scan3A_604, %mul3A_605 : i32
      %mul3A_607 = arith.constant 16 : i32
      %mul3A_608 = arith.muli %scan3A_604, %mul3A_607 : i32
      %add3A_609 = vector.broadcast %mul3A_608 : i32 to vector<16xi32>
      %add3A_610 = arith.addi %add3A_609, %iota3A : vector<16xi32>
      %get3A = arith.index_cast %mul3A_606 : i32 to index
      %get3A_611 = tpu.vector_load %arg8[%get3A] {strides = array<i32>} : memref<512xi32, #tpu.memory_space<vmem>>, vector<16xi32>,
      %and3A = arith.constant 7 : i32
      %and3A_612 = vector.broadcast %and3A : i32 to vector<16xi32>
      %and3A_613 = arith.andi %get3A_611, %and3A_612 : vector<16xi32>
      %ge3A = arith.constant 999936 : i32
      %ge3A_614 = vector.broadcast %ge3A : i32 to vector<16xi32>
      %ge3A_615 = arith.cmpi sge, %get3A_611, %ge3A_614 : vector<16xi32>
      %sub3A = arith.constant 999936 : i32
      %sub3A_616 = vector.broadcast %sub3A : i32 to vector<16xi32>
      %sub3A_617 = arith.subi %get3A_611, %sub3A_616 : vector<16xi32>
      %max3A = arith.constant 0 : i32
      %max3A_618 = vector.broadcast %max3A : i32 to vector<16xi32>
      %max3A_619 = arith.maxsi %sub3A_617, %max3A_618 : vector<16xi32>
      %gather3A = tpu.vector_load_idx %arg12[%add3A_610, %and3A_613] : memref<512x8xf32, #tpu.memory_space<vmem>>[vector<16xi32>, vector<16xi32>], vector<16xf32>,
      %swap3A = arith.index_cast %mul3A_606 : i32 to index
      %swap3A_620 = tpu.vector_load %arg15[%swap3A] {strides = array<i32>} : memref<512xf32, #tpu.memory_space<vmem>>, vector<16xf32>,
      tpu.vector_store %arg15[%swap3A], %gather3A {strides = array<i32>} : memref<512xf32, #tpu.memory_space<vmem>>, vector<16xf32>,
      %add3A_621 = arith.constant 0 : i32
      %add3A_622 = vector.broadcast %add3A_621 : i32 to vector<16xi32>
      %add3A_623 = arith.addi %add3A_622, %add3A_610 : vector<16xi32>
      %mul3A_624 = arith.constant 16 : i32
      %mul3A_625 = arith.muli %scan3A_604, %mul3A_624 : i32
      %add3A_626 = arith.constant 0 : i32
      %add3A_627 = arith.addi %add3A_626, %mul3A_625 : i32
      %broadcast_in_dim3A = arith.constant 0 : i32
      %broadcast_in_dim3A_628 = vector.broadcast %broadcast_in_dim3A : i32 to vector<16xi32>
      %gather3A_629 = tpu.vector_load_idx %arg11[%add3A_623, %and3A_613] : memref<4096x8xf32, #tpu.memory_space<vmem>>[vector<16xi32>, vector<16xi32>], vector<16xf32>,
      %gather3A_630 = tpu.vector_load_idx %arg13[%max3A_619, %broadcast_in_dim3A_628] : memref<64x8xf32, #tpu.memory_space<vmem>>[vector<16xi32>, vector<16xi32>], vector<16xf32>,
      %select_n3A = arith.select %ge3A_615, %gather3A_630, %gather3A_629 : vector<16xi1>, vector<16xf32>
      %swap3A_631 = arith.index_cast %add3A_627 : i32 to index
      %swap3A_632 = tpu.vector_load %arg14[%swap3A_631] {strides = array<i32>} : memref<4096xf32, #tpu.memory_space<vmem>>, vector<16xf32>,
      tpu.vector_store %arg14[%swap3A_631], %select_n3A {strides = array<i32>} : memref<4096xf32, #tpu.memory_space<vmem>>, vector<16xf32>,
      %add3A_633 = arith.constant 512 : i32
      %add3A_634 = vector.broadcast %add3A_633 : i32 to vector<16xi32>
      %add3A_635 = arith.addi %add3A_634, %add3A_610 : vector<16xi32>
      %mul3A_636 = arith.constant 16 : i32
      %mul3A_637 = arith.muli %scan3A_604, %mul3A_636 : i32
      %add3A_638 = arith.constant 512 : i32
      %add3A_639 = arith.addi %add3A_638, %mul3A_637 : i32
      %broadcast_in_dim3A_640 = arith.constant 1 : i32
      %broadcast_in_dim3A_641 = vector.broadcast %broadcast_in_dim3A_640 : i32 to vector<16xi32>
      %gather3A_642 = tpu.vector_load_idx %arg11[%add3A_635, %and3A_613] : memref<4096x8xf32, #tpu.memory_space<vmem>>[vector<16xi32>, vector<16xi32>], vector<16xf32>,
      %gather3A_643 = tpu.vector_load_idx %arg13[%max3A_619, %broadcast_in_dim3A_641] : memref<64x8xf32, #tpu.memory_space<vmem>>[vector<16xi32>, vector<16xi32>], vector<16xf32>,
      %select_n3A_644 = arith.select %ge3A_615, %gather3A_643, %gather3A_642 : vector<16xi1>, vector<16xf32>
      %swap3A_645 = arith.index_cast %add3A_639 : i32 to index
      %swap3A_646 = tpu.vector_load %arg14[%swap3A_645] {strides = array<i32>} : memref<4096xf32, #tpu.memory_space<vmem>>, vector<16xf32>,
      tpu.vector_store %arg14[%swap3A_645], %select_n3A_644 {strides = array<i32>} : memref<4096xf32, #tpu.memory_space<vmem>>, vector<16xf32>,
      %add3A_647 = arith.constant 1024 : i32
      %add3A_648 = vector.broadcast %add3A_647 : i32 to vector<16xi32>
      %add3A_649 = arith.addi %add3A_648, %add3A_610 : vector<16xi32>
      %mul3A_650 = arith.constant 16 : i32
      %mul3A_651 = arith.muli %scan3A_604, %mul3A_650 : i32
      %add3A_652 = arith.constant 1024 : i32
      %add3A_653 = arith.addi %add3A_652, %mul3A_651 : i32
      %broadcast_in_dim3A_654 = arith.constant 2 : i32
      %broadcast_in_dim3A_655 = vector.broadcast %broadcast_in_dim3A_654 : i32 to vector<16xi32>
      %gather3A_656 = tpu.vector_load_idx %arg11[%add3A_649, %and3A_613] : memref<4096x8xf32, #tpu.memory_space<vmem>>[vector<16xi32>, vector<16xi32>], vector<16xf32>,
      %gather3A_657 = tpu.vector_load_idx %arg13[%max3A_619, %broadcast_in_dim3A_655] : memref<64x8xf32, #tpu.memory_space<vmem>>[vector<16xi32>, vector<16xi32>], vector<16xf32>,
      %select_n3A_658 = arith.select %ge3A_615, %gather3A_657, %gather3A_656 : vector<16xi1>, vector<16xf32>
      %swap3A_659 = arith.index_cast %add3A_653 : i32 to index
      %swap3A_660 = tpu.vector_load %arg14[%swap3A_659] {strides = array<i32>} : memref<4096xf32, #tpu.memory_space<vmem>>, vector<16xf32>,
      tpu.vector_store %arg14[%swap3A_659], %select_n3A_658 {strides = array<i32>} : memref<4096xf32, #tpu.memory_space<vmem>>, vector<16xf32>,
      %add3A_661 = arith.constant 1536 : i32
      %add3A_662 = vector.broadcast %add3A_661 : i32 to vector<16xi32>
      %add3A_663 = arith.addi %add3A_662, %add3A_610 : vector<16xi32>
      %mul3A_664 = arith.constant 16 : i32
      %mul3A_665 = arith.muli %scan3A_604, %mul3A_664 : i32
      %add3A_666 = arith.constant 1536 : i32
      %add3A_667 = arith.addi %add3A_666, %mul3A_665 : i32
      %broadcast_in_dim3A_668 = arith.constant 3 : i32
      %broadcast_in_dim3A_669 = vector.broadcast %broadcast_in_dim3A_668 : i32 to vector<16xi32>
      %gather3A_670 = tpu.vector_load_idx %arg11[%add3A_663, %and3A_613] : memref<4096x8xf32, #tpu.memory_space<vmem>>[vector<16xi32>, vector<16xi32>], vector<16xf32>,
      %gather3A_671 = tpu.vector_load_idx %arg13[%max3A_619, %broadcast_in_dim3A_669] : memref<64x8xf32, #tpu.memory_space<vmem>>[vector<16xi32>, vector<16xi32>], vector<16xf32>,
      %select_n3A_672 = arith.select %ge3A_615, %gather3A_671, %gather3A_670 : vector<16xi1>, vector<16xf32>
      %swap3A_673 = arith.index_cast %add3A_667 : i32 to index
      %swap3A_674 = tpu.vector_load %arg14[%swap3A_673] {strides = array<i32>} : memref<4096xf32, #tpu.memory_space<vmem>>, vector<16xf32>,
      tpu.vector_store %arg14[%swap3A_673], %select_n3A_672 {strides = array<i32>} : memref<4096xf32, #tpu.memory_space<vmem>>, vector<16xf32>,
      %add3A_675 = arith.constant 2048 : i32
      %add3A_676 = vector.broadcast %add3A_675 : i32 to vector<16xi32>
      %add3A_677 = arith.addi %add3A_676, %add3A_610 : vector<16xi32>
      %mul3A_678 = arith.constant 16 : i32
      %mul3A_679 = arith.muli %scan3A_604, %mul3A_678 : i32
      %add3A_680 = arith.constant 2048 : i32
      %add3A_681 = arith.addi %add3A_680, %mul3A_679 : i32
      %broadcast_in_dim3A_682 = arith.constant 4 : i32
      %broadcast_in_dim3A_683 = vector.broadcast %broadcast_in_dim3A_682 : i32 to vector<16xi32>
      %gather3A_684 = tpu.vector_load_idx %arg11[%add3A_677, %and3A_613] : memref<4096x8xf32, #tpu.memory_space<vmem>>[vector<16xi32>, vector<16xi32>], vector<16xf32>,
      %gather3A_685 = tpu.vector_load_idx %arg13[%max3A_619, %broadcast_in_dim3A_683] : memref<64x8xf32, #tpu.memory_space<vmem>>[vector<16xi32>, vector<16xi32>], vector<16xf32>,
      %select_n3A_686 = arith.select %ge3A_615, %gather3A_685, %gather3A_684 : vector<16xi1>, vector<16xf32>
      %swap3A_687 = arith.index_cast %add3A_681 : i32 to index
      %swap3A_688 = tpu.vector_load %arg14[%swap3A_687] {strides = array<i32>} : memref<4096xf32, #tpu.memory_space<vmem>>, vector<16xf32>,
      tpu.vector_store %arg14[%swap3A_687], %select_n3A_686 {strides = array<i32>} : memref<4096xf32, #tpu.memory_space<vmem>>, vector<16xf32>,
      %add3A_689 = arith.constant 2560 : i32
      %add3A_690 = vector.broadcast %add3A_689 : i32 to vector<16xi32>
      %add3A_691 = arith.addi %add3A_690, %add3A_610 : vector<16xi32>
      %mul3A_692 = arith.constant 16 : i32
      %mul3A_693 = arith.muli %scan3A_604, %mul3A_692 : i32
      %add3A_694 = arith.constant 2560 : i32
      %add3A_695 = arith.addi %add3A_694, %mul3A_693 : i32
      %broadcast_in_dim3A_696 = arith.constant 5 : i32
      %broadcast_in_dim3A_697 = vector.broadcast %broadcast_in_dim3A_696 : i32 to vector<16xi32>
      %gather3A_698 = tpu.vector_load_idx %arg11[%add3A_691, %and3A_613] : memref<4096x8xf32, #tpu.memory_space<vmem>>[vector<16xi32>, vector<16xi32>], vector<16xf32>,
      %gather3A_699 = tpu.vector_load_idx %arg13[%max3A_619, %broadcast_in_dim3A_697] : memref<64x8xf32, #tpu.memory_space<vmem>>[vector<16xi32>, vector<16xi32>], vector<16xf32>,
      %select_n3A_700 = arith.select %ge3A_615, %gather3A_699, %gather3A_698 : vector<16xi1>, vector<16xf32>
      %swap3A_701 = arith.index_cast %add3A_695 : i32 to index
      %swap3A_702 = tpu.vector_load %arg14[%swap3A_701] {strides = array<i32>} : memref<4096xf32, #tpu.memory_space<vmem>>, vector<16xf32>,
      tpu.vector_store %arg14[%swap3A_701], %select_n3A_700 {strides = array<i32>} : memref<4096xf32, #tpu.memory_space<vmem>>, vector<16xf32>,
      %add3A_703 = arith.constant 3072 : i32
      %add3A_704 = vector.broadcast %add3A_703 : i32 to vector<16xi32>
      %add3A_705 = arith.addi %add3A_704, %add3A_610 : vector<16xi32>
      %mul3A_706 = arith.constant 16 : i32
      %mul3A_707 = arith.muli %scan3A_604, %mul3A_706 : i32
      %add3A_708 = arith.constant 3072 : i32
      %add3A_709 = arith.addi %add3A_708, %mul3A_707 : i32
      %broadcast_in_dim3A_710 = arith.constant 6 : i32
      %broadcast_in_dim3A_711 = vector.broadcast %broadcast_in_dim3A_710 : i32 to vector<16xi32>
      %gather3A_712 = tpu.vector_load_idx %arg11[%add3A_705, %and3A_613] : memref<4096x8xf32, #tpu.memory_space<vmem>>[vector<16xi32>, vector<16xi32>], vector<16xf32>,
      %gather3A_713 = tpu.vector_load_idx %arg13[%max3A_619, %broadcast_in_dim3A_711] : memref<64x8xf32, #tpu.memory_space<vmem>>[vector<16xi32>, vector<16xi32>], vector<16xf32>,
      %select_n3A_714 = arith.select %ge3A_615, %gather3A_713, %gather3A_712 : vector<16xi1>, vector<16xf32>
      %swap3A_715 = arith.index_cast %add3A_709 : i32 to index
      %swap3A_716 = tpu.vector_load %arg14[%swap3A_715] {strides = array<i32>} : memref<4096xf32, #tpu.memory_space<vmem>>, vector<16xf32>,
      tpu.vector_store %arg14[%swap3A_715], %select_n3A_714 {strides = array<i32>} : memref<4096xf32, #tpu.memory_space<vmem>>, vector<16xf32>,
      %add3A_717 = arith.constant 3584 : i32
      %add3A_718 = vector.broadcast %add3A_717 : i32 to vector<16xi32>
      %add3A_719 = arith.addi %add3A_718, %add3A_610 : vector<16xi32>
      %mul3A_720 = arith.constant 16 : i32
      %mul3A_721 = arith.muli %scan3A_604, %mul3A_720 : i32
      %add3A_722 = arith.constant 3584 : i32
      %add3A_723 = arith.addi %add3A_722, %mul3A_721 : i32
      %broadcast_in_dim3A_724 = arith.constant 7 : i32
      %broadcast_in_dim3A_725 = vector.broadcast %broadcast_in_dim3A_724 : i32 to vector<16xi32>
      %gather3A_726 = tpu.vector_load_idx %arg11[%add3A_719, %and3A_613] : memref<4096x8xf32, #tpu.memory_space<vmem>>[vector<16xi32>, vector<16xi32>], vector<16xf32>,
      %gather3A_727 = tpu.vector_load_idx %arg13[%max3A_619, %broadcast_in_dim3A_725] : memref<64x8xf32, #tpu.memory_space<vmem>>[vector<16xi32>, vector<16xi32>], vector<16xf32>,
      %select_n3A_728 = arith.select %ge3A_615, %gather3A_727, %gather3A_726 : vector<16xi1>, vector<16xf32>
      %swap3A_729 = arith.index_cast %add3A_723 : i32 to index
      %swap3A_730 = tpu.vector_load %arg14[%swap3A_729] {strides = array<i32>} : memref<4096xf32, #tpu.memory_space<vmem>>, vector<16xf32>,
      tpu.vector_store %arg14[%swap3A_729], %select_n3A_728 {strides = array<i32>} : memref<4096xf32, #tpu.memory_space<vmem>>, vector<16xf32>,
    }
    %scan3A_587 = arith.constant 32 : i32
    %add3A_588 = arith.constant 0 : i32
    %add3A_589 = arith.addi %add3A_588, %mul3A_2 : i32
    "tpu.region"() ({
      %run_scoped3A = tpu.sem_alloc : memref<!tpu.dma_semaphore, #tpu.memory_space<semaphore_mem>>
      %dma_start3A_604 = arith.constant 0 : i32
      %dma_start3A_605 = tpu.memref_slice %arg14[%dma_start3A_604] : memref<4096xf32, #tpu.memory_space<vmem>> -> memref<512xf32, #tpu.memory_space<vmem>>
      %dma_start3A_606 = tpu.memref_slice %arg6[%add3A_589] : memref<131072xf32, #tpu.memory_space<hbm>> -> memref<512xf32, #tpu.memory_space<hbm>>
      %dma_start3A_607 = tpu.memref_slice %arg6[%add3A_589] : memref<131072xf32, #tpu.memory_space<hbm>> -> memref<512xf32, #tpu.memory_space<hbm>>
      %dma_start3A_608 = arith.constant 0 : i32
      %dma_start3A_609 = tpu.memref_slice %arg14[%dma_start3A_608] : memref<4096xf32, #tpu.memory_space<vmem>> -> memref<512xf32, #tpu.memory_space<vmem>>
      tpu.enqueue_dma source(%dma_start3A_609 : memref<512xf32, #tpu.memory_space<vmem>>) target(%dma_start3A_607 : memref<512xf32, #tpu.memory_space<hbm>>) target_semaphore(%run_scoped3A : memref<!tpu.dma_semaphore, #tpu.memory_space<semaphore_mem>>)
      %dma_wait3A_610 = arith.constant 0 : i32
      %dma_wait3A_611 = tpu.memref_slice %arg14[%dma_wait3A_610] : memref<4096xf32, #tpu.memory_space<vmem>> -> memref<512xf32, #tpu.memory_space<vmem>>
      %dma_wait3A_612 = tpu.memref_slice %arg6[%add3A_589] : memref<131072xf32, #tpu.memory_space<hbm>> -> memref<512xf32, #tpu.memory_space<hbm>>
      %dma_wait3A_613 = tpu.memref_slice %arg6[%add3A_589] : memref<131072xf32, #tpu.memory_space<hbm>> -> memref<512xf32, #tpu.memory_space<hbm>>
      %dma_wait3A_614 = arith.constant 0 : i32
      %dma_wait3A_615 = tpu.memref_slice %arg14[%dma_wait3A_614] : memref<4096xf32, #tpu.memory_space<vmem>> -> memref<512xf32, #tpu.memory_space<vmem>>
      tpu.wait_dma2 semaphore(%run_scoped3A : memref<!tpu.dma_semaphore, #tpu.memory_space<semaphore_mem>>) src(%dma_wait3A_615 : memref<512xf32, #tpu.memory_space<vmem>>) dst(%dma_wait3A_613 : memref<512xf32, #tpu.memory_space<hbm>>)
      tpu.yield
    }) : () -> ()
    %add3A_590 = arith.constant 16384 : i32
    %add3A_591 = arith.addi %add3A_590, %mul3A_2 : i32
    "tpu.region"() ({
      %run_scoped3A = tpu.sem_alloc : memref<!tpu.dma_semaphore, #tpu.memory_space<semaphore_mem>>
      %dma_start3A_604 = arith.constant 512 : i32
      %dma_start3A_605 = tpu.memref_slice %arg14[%dma_start3A_604] : memref<4096xf32, #tpu.memory_space<vmem>> -> memref<512xf32, #tpu.memory_space<vmem>>
      %dma_start3A_606 = tpu.memref_slice %arg6[%add3A_591] : memref<131072xf32, #tpu.memory_space<hbm>> -> memref<512xf32, #tpu.memory_space<hbm>>
      %dma_start3A_607 = tpu.memref_slice %arg6[%add3A_591] : memref<131072xf32, #tpu.memory_space<hbm>> -> memref<512xf32, #tpu.memory_space<hbm>>
      %dma_start3A_608 = arith.constant 512 : i32
      %dma_start3A_609 = tpu.memref_slice %arg14[%dma_start3A_608] : memref<4096xf32, #tpu.memory_space<vmem>> -> memref<512xf32, #tpu.memory_space<vmem>>
      tpu.enqueue_dma source(%dma_start3A_609 : memref<512xf32, #tpu.memory_space<vmem>>) target(%dma_start3A_607 : memref<512xf32, #tpu.memory_space<hbm>>) target_semaphore(%run_scoped3A : memref<!tpu.dma_semaphore, #tpu.memory_space<semaphore_mem>>)
      %dma_wait3A_610 = arith.constant 512 : i32
      %dma_wait3A_611 = tpu.memref_slice %arg14[%dma_wait3A_610] : memref<4096xf32, #tpu.memory_space<vmem>> -> memref<512xf32, #tpu.memory_space<vmem>>
      %dma_wait3A_612 = tpu.memref_slice %arg6[%add3A_591] : memref<131072xf32, #tpu.memory_space<hbm>> -> memref<512xf32, #tpu.memory_space<hbm>>
      %dma_wait3A_613 = tpu.memref_slice %arg6[%add3A_591] : memref<131072xf32, #tpu.memory_space<hbm>> -> memref<512xf32, #tpu.memory_space<hbm>>
      %dma_wait3A_614 = arith.constant 512 : i32
      %dma_wait3A_615 = tpu.memref_slice %arg14[%dma_wait3A_614] : memref<4096xf32, #tpu.memory_space<vmem>> -> memref<512xf32, #tpu.memory_space<vmem>>
      tpu.wait_dma2 semaphore(%run_scoped3A : memref<!tpu.dma_semaphore, #tpu.memory_space<semaphore_mem>>) src(%dma_wait3A_615 : memref<512xf32, #tpu.memory_space<vmem>>) dst(%dma_wait3A_613 : memref<512xf32, #tpu.memory_space<hbm>>)
      tpu.yield
    }) : () -> ()
    %add3A_592 = arith.constant 32768 : i32
    %add3A_593 = arith.addi %add3A_592, %mul3A_2 : i32
    "tpu.region"() ({
      %run_scoped3A = tpu.sem_alloc : memref<!tpu.dma_semaphore, #tpu.memory_space<semaphore_mem>>
      %dma_start3A_604 = arith.constant 1024 : i32
      %dma_start3A_605 = tpu.memref_slice %arg14[%dma_start3A_604] : memref<4096xf32, #tpu.memory_space<vmem>> -> memref<512xf32, #tpu.memory_space<vmem>>
      %dma_start3A_606 = tpu.memref_slice %arg6[%add3A_593] : memref<131072xf32, #tpu.memory_space<hbm>> -> memref<512xf32, #tpu.memory_space<hbm>>
      %dma_start3A_607 = tpu.memref_slice %arg6[%add3A_593] : memref<131072xf32, #tpu.memory_space<hbm>> -> memref<512xf32, #tpu.memory_space<hbm>>
      %dma_start3A_608 = arith.constant 1024 : i32
      %dma_start3A_609 = tpu.memref_slice %arg14[%dma_start3A_608] : memref<4096xf32, #tpu.memory_space<vmem>> -> memref<512xf32, #tpu.memory_space<vmem>>
      tpu.enqueue_dma source(%dma_start3A_609 : memref<512xf32, #tpu.memory_space<vmem>>) target(%dma_start3A_607 : memref<512xf32, #tpu.memory_space<hbm>>) target_semaphore(%run_scoped3A : memref<!tpu.dma_semaphore, #tpu.memory_space<semaphore_mem>>)
      %dma_wait3A_610 = arith.constant 1024 : i32
      %dma_wait3A_611 = tpu.memref_slice %arg14[%dma_wait3A_610] : memref<4096xf32, #tpu.memory_space<vmem>> -> memref<512xf32, #tpu.memory_space<vmem>>
      %dma_wait3A_612 = tpu.memref_slice %arg6[%add3A_593] : memref<131072xf32, #tpu.memory_space<hbm>> -> memref<512xf32, #tpu.memory_space<hbm>>
      %dma_wait3A_613 = tpu.memref_slice %arg6[%add3A_593] : memref<131072xf32, #tpu.memory_space<hbm>> -> memref<512xf32, #tpu.memory_space<hbm>>
      %dma_wait3A_614 = arith.constant 1024 : i32
      %dma_wait3A_615 = tpu.memref_slice %arg14[%dma_wait3A_614] : memref<4096xf32, #tpu.memory_space<vmem>> -> memref<512xf32, #tpu.memory_space<vmem>>
      tpu.wait_dma2 semaphore(%run_scoped3A : memref<!tpu.dma_semaphore, #tpu.memory_space<semaphore_mem>>) src(%dma_wait3A_615 : memref<512xf32, #tpu.memory_space<vmem>>) dst(%dma_wait3A_613 : memref<512xf32, #tpu.memory_space<hbm>>)
      tpu.yield
    }) : () -> ()
    %add3A_594 = arith.constant 49152 : i32
    %add3A_595 = arith.addi %add3A_594, %mul3A_2 : i32
    "tpu.region"() ({
      %run_scoped3A = tpu.sem_alloc : memref<!tpu.dma_semaphore, #tpu.memory_space<semaphore_mem>>
      %dma_start3A_604 = arith.constant 1536 : i32
      %dma_start3A_605 = tpu.memref_slice %arg14[%dma_start3A_604] : memref<4096xf32, #tpu.memory_space<vmem>> -> memref<512xf32, #tpu.memory_space<vmem>>
      %dma_start3A_606 = tpu.memref_slice %arg6[%add3A_595] : memref<131072xf32, #tpu.memory_space<hbm>> -> memref<512xf32, #tpu.memory_space<hbm>>
      %dma_start3A_607 = tpu.memref_slice %arg6[%add3A_595] : memref<131072xf32, #tpu.memory_space<hbm>> -> memref<512xf32, #tpu.memory_space<hbm>>
      %dma_start3A_608 = arith.constant 1536 : i32
      %dma_start3A_609 = tpu.memref_slice %arg14[%dma_start3A_608] : memref<4096xf32, #tpu.memory_space<vmem>> -> memref<512xf32, #tpu.memory_space<vmem>>
      tpu.enqueue_dma source(%dma_start3A_609 : memref<512xf32, #tpu.memory_space<vmem>>) target(%dma_start3A_607 : memref<512xf32, #tpu.memory_space<hbm>>) target_semaphore(%run_scoped3A : memref<!tpu.dma_semaphore, #tpu.memory_space<semaphore_mem>>)
      %dma_wait3A_610 = arith.constant 1536 : i32
      %dma_wait3A_611 = tpu.memref_slice %arg14[%dma_wait3A_610] : memref<4096xf32, #tpu.memory_space<vmem>> -> memref<512xf32, #tpu.memory_space<vmem>>
      %dma_wait3A_612 = tpu.memref_slice %arg6[%add3A_595] : memref<131072xf32, #tpu.memory_space<hbm>> -> memref<512xf32, #tpu.memory_space<hbm>>
      %dma_wait3A_613 = tpu.memref_slice %arg6[%add3A_595] : memref<131072xf32, #tpu.memory_space<hbm>> -> memref<512xf32, #tpu.memory_space<hbm>>
      %dma_wait3A_614 = arith.constant 1536 : i32
      %dma_wait3A_615 = tpu.memref_slice %arg14[%dma_wait3A_614] : memref<4096xf32, #tpu.memory_space<vmem>> -> memref<512xf32, #tpu.memory_space<vmem>>
      tpu.wait_dma2 semaphore(%run_scoped3A : memref<!tpu.dma_semaphore, #tpu.memory_space<semaphore_mem>>) src(%dma_wait3A_615 : memref<512xf32, #tpu.memory_space<vmem>>) dst(%dma_wait3A_613 : memref<512xf32, #tpu.memory_space<hbm>>)
      tpu.yield
    }) : () -> ()
    %add3A_596 = arith.constant 65536 : i32
    %add3A_597 = arith.addi %add3A_596, %mul3A_2 : i32
    "tpu.region"() ({
      %run_scoped3A = tpu.sem_alloc : memref<!tpu.dma_semaphore, #tpu.memory_space<semaphore_mem>>
      %dma_start3A_604 = arith.constant 2048 : i32
      %dma_start3A_605 = tpu.memref_slice %arg14[%dma_start3A_604] : memref<4096xf32, #tpu.memory_space<vmem>> -> memref<512xf32, #tpu.memory_space<vmem>>
      %dma_start3A_606 = tpu.memref_slice %arg6[%add3A_597] : memref<131072xf32, #tpu.memory_space<hbm>> -> memref<512xf32, #tpu.memory_space<hbm>>
      %dma_start3A_607 = tpu.memref_slice %arg6[%add3A_597] : memref<131072xf32, #tpu.memory_space<hbm>> -> memref<512xf32, #tpu.memory_space<hbm>>
      %dma_start3A_608 = arith.constant 2048 : i32
      %dma_start3A_609 = tpu.memref_slice %arg14[%dma_start3A_608] : memref<4096xf32, #tpu.memory_space<vmem>> -> memref<512xf32, #tpu.memory_space<vmem>>
      tpu.enqueue_dma source(%dma_start3A_609 : memref<512xf32, #tpu.memory_space<vmem>>) target(%dma_start3A_607 : memref<512xf32, #tpu.memory_space<hbm>>) target_semaphore(%run_scoped3A : memref<!tpu.dma_semaphore, #tpu.memory_space<semaphore_mem>>)
      %dma_wait3A_610 = arith.constant 2048 : i32
      %dma_wait3A_611 = tpu.memref_slice %arg14[%dma_wait3A_610] : memref<4096xf32, #tpu.memory_space<vmem>> -> memref<512xf32, #tpu.memory_space<vmem>>
      %dma_wait3A_612 = tpu.memref_slice %arg6[%add3A_597] : memref<131072xf32, #tpu.memory_space<hbm>> -> memref<512xf32, #tpu.memory_space<hbm>>
      %dma_wait3A_613 = tpu.memref_slice %arg6[%add3A_597] : memref<131072xf32, #tpu.memory_space<hbm>> -> memref<512xf32, #tpu.memory_space<hbm>>
      %dma_wait3A_614 = arith.constant 2048 : i32
      %dma_wait3A_615 = tpu.memref_slice %arg14[%dma_wait3A_614] : memref<4096xf32, #tpu.memory_space<vmem>> -> memref<512xf32, #tpu.memory_space<vmem>>
      tpu.wait_dma2 semaphore(%run_scoped3A : memref<!tpu.dma_semaphore, #tpu.memory_space<semaphore_mem>>) src(%dma_wait3A_615 : memref<512xf32, #tpu.memory_space<vmem>>) dst(%dma_wait3A_613 : memref<512xf32, #tpu.memory_space<hbm>>)
      tpu.yield
    }) : () -> ()
    %add3A_598 = arith.constant 81920 : i32
    %add3A_599 = arith.addi %add3A_598, %mul3A_2 : i32
    "tpu.region"() ({
      %run_scoped3A = tpu.sem_alloc : memref<!tpu.dma_semaphore, #tpu.memory_space<semaphore_mem>>
      %dma_start3A_604 = arith.constant 2560 : i32
      %dma_start3A_605 = tpu.memref_slice %arg14[%dma_start3A_604] : memref<4096xf32, #tpu.memory_space<vmem>> -> memref<512xf32, #tpu.memory_space<vmem>>
      %dma_start3A_606 = tpu.memref_slice %arg6[%add3A_599] : memref<131072xf32, #tpu.memory_space<hbm>> -> memref<512xf32, #tpu.memory_space<hbm>>
      %dma_start3A_607 = tpu.memref_slice %arg6[%add3A_599] : memref<131072xf32, #tpu.memory_space<hbm>> -> memref<512xf32, #tpu.memory_space<hbm>>
      %dma_start3A_608 = arith.constant 2560 : i32
      %dma_start3A_609 = tpu.memref_slice %arg14[%dma_start3A_608] : memref<4096xf32, #tpu.memory_space<vmem>> -> memref<512xf32, #tpu.memory_space<vmem>>
      tpu.enqueue_dma source(%dma_start3A_609 : memref<512xf32, #tpu.memory_space<vmem>>) target(%dma_start3A_607 : memref<512xf32, #tpu.memory_space<hbm>>) target_semaphore(%run_scoped3A : memref<!tpu.dma_semaphore, #tpu.memory_space<semaphore_mem>>)
      %dma_wait3A_610 = arith.constant 2560 : i32
      %dma_wait3A_611 = tpu.memref_slice %arg14[%dma_wait3A_610] : memref<4096xf32, #tpu.memory_space<vmem>> -> memref<512xf32, #tpu.memory_space<vmem>>
      %dma_wait3A_612 = tpu.memref_slice %arg6[%add3A_599] : memref<131072xf32, #tpu.memory_space<hbm>> -> memref<512xf32, #tpu.memory_space<hbm>>
      %dma_wait3A_613 = tpu.memref_slice %arg6[%add3A_599] : memref<131072xf32, #tpu.memory_space<hbm>> -> memref<512xf32, #tpu.memory_space<hbm>>
      %dma_wait3A_614 = arith.constant 2560 : i32
      %dma_wait3A_615 = tpu.memref_slice %arg14[%dma_wait3A_614] : memref<4096xf32, #tpu.memory_space<vmem>> -> memref<512xf32, #tpu.memory_space<vmem>>
      tpu.wait_dma2 semaphore(%run_scoped3A : memref<!tpu.dma_semaphore, #tpu.memory_space<semaphore_mem>>) src(%dma_wait3A_615 : memref<512xf32, #tpu.memory_space<vmem>>) dst(%dma_wait3A_613 : memref<512xf32, #tpu.memory_space<hbm>>)
      tpu.yield
    }) : () -> ()
    %add3A_600 = arith.constant 98304 : i32
    %add3A_601 = arith.addi %add3A_600, %mul3A_2 : i32
    "tpu.region"() ({
      %run_scoped3A = tpu.sem_alloc : memref<!tpu.dma_semaphore, #tpu.memory_space<semaphore_mem>>
      %dma_start3A_604 = arith.constant 3072 : i32
      %dma_start3A_605 = tpu.memref_slice %arg14[%dma_start3A_604] : memref<4096xf32, #tpu.memory_space<vmem>> -> memref<512xf32, #tpu.memory_space<vmem>>
      %dma_start3A_606 = tpu.memref_slice %arg6[%add3A_601] : memref<131072xf32, #tpu.memory_space<hbm>> -> memref<512xf32, #tpu.memory_space<hbm>>
      %dma_start3A_607 = tpu.memref_slice %arg6[%add3A_601] : memref<131072xf32, #tpu.memory_space<hbm>> -> memref<512xf32, #tpu.memory_space<hbm>>
      %dma_start3A_608 = arith.constant 3072 : i32
      %dma_start3A_609 = tpu.memref_slice %arg14[%dma_start3A_608] : memref<4096xf32, #tpu.memory_space<vmem>> -> memref<512xf32, #tpu.memory_space<vmem>>
      tpu.enqueue_dma source(%dma_start3A_609 : memref<512xf32, #tpu.memory_space<vmem>>) target(%dma_start3A_607 : memref<512xf32, #tpu.memory_space<hbm>>) target_semaphore(%run_scoped3A : memref<!tpu.dma_semaphore, #tpu.memory_space<semaphore_mem>>)
      %dma_wait3A_610 = arith.constant 3072 : i32
      %dma_wait3A_611 = tpu.memref_slice %arg14[%dma_wait3A_610] : memref<4096xf32, #tpu.memory_space<vmem>> -> memref<512xf32, #tpu.memory_space<vmem>>
      %dma_wait3A_612 = tpu.memref_slice %arg6[%add3A_601] : memref<131072xf32, #tpu.memory_space<hbm>> -> memref<512xf32, #tpu.memory_space<hbm>>
      %dma_wait3A_613 = tpu.memref_slice %arg6[%add3A_601] : memref<131072xf32, #tpu.memory_space<hbm>> -> memref<512xf32, #tpu.memory_space<hbm>>
      %dma_wait3A_614 = arith.constant 3072 : i32
      %dma_wait3A_615 = tpu.memref_slice %arg14[%dma_wait3A_614] : memref<4096xf32, #tpu.memory_space<vmem>> -> memref<512xf32, #tpu.memory_space<vmem>>
      tpu.wait_dma2 semaphore(%run_scoped3A : memref<!tpu.dma_semaphore, #tpu.memory_space<semaphore_mem>>) src(%dma_wait3A_615 : memref<512xf32, #tpu.memory_space<vmem>>) dst(%dma_wait3A_613 : memref<512xf32, #tpu.memory_space<hbm>>)
      tpu.yield
    }) : () -> ()
    %add3A_602 = arith.constant 114688 : i32
    %add3A_603 = arith.addi %add3A_602, %mul3A_2 : i32
    "tpu.region"() ({
      %run_scoped3A = tpu.sem_alloc : memref<!tpu.dma_semaphore, #tpu.memory_space<semaphore_mem>>
      %dma_start3A_604 = arith.constant 3584 : i32
      %dma_start3A_605 = tpu.memref_slice %arg14[%dma_start3A_604] : memref<4096xf32, #tpu.memory_space<vmem>> -> memref<512xf32, #tpu.memory_space<vmem>>
      %dma_start3A_606 = tpu.memref_slice %arg6[%add3A_603] : memref<131072xf32, #tpu.memory_space<hbm>> -> memref<512xf32, #tpu.memory_space<hbm>>
      %dma_start3A_607 = tpu.memref_slice %arg6[%add3A_603] : memref<131072xf32, #tpu.memory_space<hbm>> -> memref<512xf32, #tpu.memory_space<hbm>>
      %dma_start3A_608 = arith.constant 3584 : i32
      %dma_start3A_609 = tpu.memref_slice %arg14[%dma_start3A_608] : memref<4096xf32, #tpu.memory_space<vmem>> -> memref<512xf32, #tpu.memory_space<vmem>>
      tpu.enqueue_dma source(%dma_start3A_609 : memref<512xf32, #tpu.memory_space<vmem>>) target(%dma_start3A_607 : memref<512xf32, #tpu.memory_space<hbm>>) target_semaphore(%run_scoped3A : memref<!tpu.dma_semaphore, #tpu.memory_space<semaphore_mem>>)
      %dma_wait3A_610 = arith.constant 3584 : i32
      %dma_wait3A_611 = tpu.memref_slice %arg14[%dma_wait3A_610] : memref<4096xf32, #tpu.memory_space<vmem>> -> memref<512xf32, #tpu.memory_space<vmem>>
      %dma_wait3A_612 = tpu.memref_slice %arg6[%add3A_603] : memref<131072xf32, #tpu.memory_space<hbm>> -> memref<512xf32, #tpu.memory_space<hbm>>
      %dma_wait3A_613 = tpu.memref_slice %arg6[%add3A_603] : memref<131072xf32, #tpu.memory_space<hbm>> -> memref<512xf32, #tpu.memory_space<hbm>>
      %dma_wait3A_614 = arith.constant 3584 : i32
      %dma_wait3A_615 = tpu.memref_slice %arg14[%dma_wait3A_614] : memref<4096xf32, #tpu.memory_space<vmem>> -> memref<512xf32, #tpu.memory_space<vmem>>
      tpu.wait_dma2 semaphore(%run_scoped3A : memref<!tpu.dma_semaphore, #tpu.memory_space<semaphore_mem>>) src(%dma_wait3A_615 : memref<512xf32, #tpu.memory_space<vmem>>) dst(%dma_wait3A_613 : memref<512xf32, #tpu.memory_space<hbm>>)
      tpu.yield
    }) : () -> ()
    "tpu.region"() ({
      %run_scoped3A = tpu.sem_alloc : memref<!tpu.dma_semaphore, #tpu.memory_space<semaphore_mem>>
      %dma_start3A_604 = tpu.memref_slice %arg7[%mul3A_2] : memref<16384xf32, #tpu.memory_space<hbm>> -> memref<512xf32, #tpu.memory_space<hbm>>
      %dma_start3A_605 = tpu.memref_slice %arg7[%mul3A_2] : memref<16384xf32, #tpu.memory_space<hbm>> -> memref<512xf32, #tpu.memory_space<hbm>>
      tpu.enqueue_dma source(%arg15 : memref<512xf32, #tpu.memory_space<vmem>>) target(%dma_start3A_605 : memref<512xf32, #tpu.memory_space<hbm>>) target_semaphore(%run_scoped3A : memref<!tpu.dma_semaphore, #tpu.memory_space<semaphore_mem>>)
      %dma_wait3A_606 = tpu.memref_slice %arg7[%mul3A_2] : memref<16384xf32, #tpu.memory_space<hbm>> -> memref<512xf32, #tpu.memory_space<hbm>>
      %dma_wait3A_607 = tpu.memref_slice %arg7[%mul3A_2] : memref<16384xf32, #tpu.memory_space<hbm>> -> memref<512xf32, #tpu.memory_space<hbm>>
      tpu.wait_dma2 semaphore(%run_scoped3A : memref<!tpu.dma_semaphore, #tpu.memory_space<semaphore_mem>>) src(%arg15 : memref<512xf32, #tpu.memory_space<vmem>>) dst(%dma_wait3A_607 : memref<512xf32, #tpu.memory_space<hbm>>)
      tpu.yield
    }) : () -> ()
    return
  }
}

#map = affine_map<(d0, d1) -> (0)>
module attributes {stable_mosaic.version = 14 : i64} {
  func.func @_sc_cat_body(%arg0: i32, %arg1: i32, %arg2: memref<16384xi32, #tpu.memory_space<hbm>>, %arg3: memref<2944xf32, #tpu.memory_space<hbm>>, %arg4: memref<368xf32, #tpu.memory_space<hbm>>, %arg5: memref<131072xf32, #tpu.memory_space<hbm>>, %arg6: memref<16384xf32, #tpu.memory_space<hbm>>, %arg7: memref<512xi32, #tpu.memory_space<vmem>>, %arg8: memref<2944xf32, #tpu.memory_space<vmem>>, %arg9: memref<368xf32, #tpu.memory_space<vmem>>, %arg10: memref<4096xf32, #tpu.memory_space<vmem>>, %arg11: memref<512xf32, #tpu.memory_space<vmem>>) attributes {dimension_semantics = [#tpu.dimension_semantics<core_parallel>, #tpu.dimension_semantics<subcore_parallel>], iteration_bounds = array<i64: 2, 16>, scalar_prefetch = 0 : i64, scratch_operands = 5 : i64, tpu.core_type = #tpu.core_type<sc_vector_subcore>, window_params = [{transform_indices = #map}, {transform_indices = #map}, {transform_indices = #map}, {transform_indices = #map}, {transform_indices = #map}]} {
    %mul3A = arith.constant 2 : i32
    %mul3A_0 = arith.muli %arg1, %mul3A : i32
    %add3A = arith.addi %mul3A_0, %arg0 : i32
    %mul3A_1 = arith.constant 512 : i32
    %mul3A_2 = arith.muli %add3A, %mul3A_1 : i32
    "tpu.region"() ({
      %run_scoped3A = tpu.sem_alloc : memref<!tpu.dma_semaphore, #tpu.memory_space<semaphore_mem>>
      %dma_start3A = tpu.memref_slice %arg2[%mul3A_2] : memref<16384xi32, #tpu.memory_space<hbm>> -> memref<512xi32, #tpu.memory_space<hbm>>
      %dma_start3A_24 = tpu.memref_slice %arg2[%mul3A_2] : memref<16384xi32, #tpu.memory_space<hbm>> -> memref<512xi32, #tpu.memory_space<hbm>>
      tpu.enqueue_dma source(%dma_start3A_24 : memref<512xi32, #tpu.memory_space<hbm>>) target(%arg7 : memref<512xi32, #tpu.memory_space<vmem>>) target_semaphore(%run_scoped3A : memref<!tpu.dma_semaphore, #tpu.memory_space<semaphore_mem>>)
      %dma_wait3A = tpu.memref_slice %arg2[%mul3A_2] : memref<16384xi32, #tpu.memory_space<hbm>> -> memref<512xi32, #tpu.memory_space<hbm>>
      %dma_wait3A_25 = tpu.memref_slice %arg2[%mul3A_2] : memref<16384xi32, #tpu.memory_space<hbm>> -> memref<512xi32, #tpu.memory_space<hbm>>
      tpu.wait_dma2 semaphore(%run_scoped3A : memref<!tpu.dma_semaphore, #tpu.memory_space<semaphore_mem>>) src(%dma_wait3A_25 : memref<512xi32, #tpu.memory_space<hbm>>) dst(%arg7 : memref<512xi32, #tpu.memory_space<vmem>>)
      tpu.yield
    }) : () -> ()
    "tpu.region"() ({
      %run_scoped3A = tpu.sem_alloc : memref<!tpu.dma_semaphore, #tpu.memory_space<semaphore_mem>>
      tpu.enqueue_dma source(%arg3 : memref<2944xf32, #tpu.memory_space<hbm>>) target(%arg8 : memref<2944xf32, #tpu.memory_space<vmem>>) target_semaphore(%run_scoped3A : memref<!tpu.dma_semaphore, #tpu.memory_space<semaphore_mem>>)
      tpu.wait_dma2 semaphore(%run_scoped3A : memref<!tpu.dma_semaphore, #tpu.memory_space<semaphore_mem>>) src(%arg3 : memref<2944xf32, #tpu.memory_space<hbm>>) dst(%arg8 : memref<2944xf32, #tpu.memory_space<vmem>>)
      tpu.yield
    }) : () -> ()
    "tpu.region"() ({
      %run_scoped3A = tpu.sem_alloc : memref<!tpu.dma_semaphore, #tpu.memory_space<semaphore_mem>>
      tpu.enqueue_dma source(%arg4 : memref<368xf32, #tpu.memory_space<hbm>>) target(%arg9 : memref<368xf32, #tpu.memory_space<vmem>>) target_semaphore(%run_scoped3A : memref<!tpu.dma_semaphore, #tpu.memory_space<semaphore_mem>>)
      tpu.wait_dma2 semaphore(%run_scoped3A : memref<!tpu.dma_semaphore, #tpu.memory_space<semaphore_mem>>) src(%arg4 : memref<368xf32, #tpu.memory_space<hbm>>) dst(%arg9 : memref<368xf32, #tpu.memory_space<vmem>>)
      tpu.yield
    }) : () -> ()
    %scan3A = arith.constant 0 : i32
    %scan3A_3 = arith.constant 0 : i32
    %scan3A_4 = arith.constant 32 : i32
    %scan3A_5 = arith.addi %scan3A_3, %scan3A_4 : i32
    %scan3A_6 = arith.constant 1 : i32
    scf.for %scan3A_24 = %scan3A_3 to %scan3A_5 step %scan3A_6  : i32 {
      %mul3A_25 = arith.constant 16 : i32
      %mul3A_26 = arith.muli %scan3A_24, %mul3A_25 : i32
      %get3A = arith.index_cast %mul3A_26 : i32 to index
      %get3A_27 = tpu.vector_load %arg7[%get3A] {strides = array<i32>} : memref<512xi32, #tpu.memory_space<vmem>>, vector<16xi32>,
      %gather3A = tpu.vector_load_idx %arg9[%get3A_27] : memref<368xf32, #tpu.memory_space<vmem>>[vector<16xi32>], vector<16xf32>,
      %swap3A = arith.index_cast %mul3A_26 : i32 to index
      %swap3A_28 = tpu.vector_load %arg11[%swap3A] {strides = array<i32>} : memref<512xf32, #tpu.memory_space<vmem>>, vector<16xf32>,
      tpu.vector_store %arg11[%swap3A], %gather3A {strides = array<i32>} : memref<512xf32, #tpu.memory_space<vmem>>, vector<16xf32>,
      %add3A_29 = arith.constant 0 : i32
      %add3A_30 = vector.broadcast %add3A_29 : i32 to vector<16xi32>
      %add3A_31 = arith.addi %add3A_30, %get3A_27 : vector<16xi32>
      %gather3A_32 = tpu.vector_load_idx %arg8[%add3A_31] : memref<2944xf32, #tpu.memory_space<vmem>>[vector<16xi32>], vector<16xf32>,
      %mul3A_33 = arith.constant 16 : i32
      %mul3A_34 = arith.muli %scan3A_24, %mul3A_33 : i32
      %add3A_35 = arith.constant 0 : i32
      %add3A_36 = arith.addi %add3A_35, %mul3A_34 : i32
      %swap3A_37 = arith.index_cast %add3A_36 : i32 to index
      %swap3A_38 = tpu.vector_load %arg10[%swap3A_37] {strides = array<i32>} : memref<4096xf32, #tpu.memory_space<vmem>>, vector<16xf32>,
      tpu.vector_store %arg10[%swap3A_37], %gather3A_32 {strides = array<i32>} : memref<4096xf32, #tpu.memory_space<vmem>>, vector<16xf32>,
      %add3A_39 = arith.constant 368 : i32
      %add3A_40 = vector.broadcast %add3A_39 : i32 to vector<16xi32>
      %add3A_41 = arith.addi %add3A_40, %get3A_27 : vector<16xi32>
      %gather3A_42 = tpu.vector_load_idx %arg8[%add3A_41] : memref<2944xf32, #tpu.memory_space<vmem>>[vector<16xi32>], vector<16xf32>,
      %mul3A_43 = arith.constant 16 : i32
      %mul3A_44 = arith.muli %scan3A_24, %mul3A_43 : i32
      %add3A_45 = arith.constant 512 : i32
      %add3A_46 = arith.addi %add3A_45, %mul3A_44 : i32
      %swap3A_47 = arith.index_cast %add3A_46 : i32 to index
      %swap3A_48 = tpu.vector_load %arg10[%swap3A_47] {strides = array<i32>} : memref<4096xf32, #tpu.memory_space<vmem>>, vector<16xf32>,
      tpu.vector_store %arg10[%swap3A_47], %gather3A_42 {strides = array<i32>} : memref<4096xf32, #tpu.memory_space<vmem>>, vector<16xf32>,
      %add3A_49 = arith.constant 736 : i32
      %add3A_50 = vector.broadcast %add3A_49 : i32 to vector<16xi32>
      %add3A_51 = arith.addi %add3A_50, %get3A_27 : vector<16xi32>
      %gather3A_52 = tpu.vector_load_idx %arg8[%add3A_51] : memref<2944xf32, #tpu.memory_space<vmem>>[vector<16xi32>], vector<16xf32>,
      %mul3A_53 = arith.constant 16 : i32
      %mul3A_54 = arith.muli %scan3A_24, %mul3A_53 : i32
      %add3A_55 = arith.constant 1024 : i32
      %add3A_56 = arith.addi %add3A_55, %mul3A_54 : i32
      %swap3A_57 = arith.index_cast %add3A_56 : i32 to index
      %swap3A_58 = tpu.vector_load %arg10[%swap3A_57] {strides = array<i32>} : memref<4096xf32, #tpu.memory_space<vmem>>, vector<16xf32>,
      tpu.vector_store %arg10[%swap3A_57], %gather3A_52 {strides = array<i32>} : memref<4096xf32, #tpu.memory_space<vmem>>, vector<16xf32>,
      %add3A_59 = arith.constant 1104 : i32
      %add3A_60 = vector.broadcast %add3A_59 : i32 to vector<16xi32>
      %add3A_61 = arith.addi %add3A_60, %get3A_27 : vector<16xi32>
      %gather3A_62 = tpu.vector_load_idx %arg8[%add3A_61] : memref<2944xf32, #tpu.memory_space<vmem>>[vector<16xi32>], vector<16xf32>,
      %mul3A_63 = arith.constant 16 : i32
      %mul3A_64 = arith.muli %scan3A_24, %mul3A_63 : i32
      %add3A_65 = arith.constant 1536 : i32
      %add3A_66 = arith.addi %add3A_65, %mul3A_64 : i32
      %swap3A_67 = arith.index_cast %add3A_66 : i32 to index
      %swap3A_68 = tpu.vector_load %arg10[%swap3A_67] {strides = array<i32>} : memref<4096xf32, #tpu.memory_space<vmem>>, vector<16xf32>,
      tpu.vector_store %arg10[%swap3A_67], %gather3A_62 {strides = array<i32>} : memref<4096xf32, #tpu.memory_space<vmem>>, vector<16xf32>,
      %add3A_69 = arith.constant 1472 : i32
      %add3A_70 = vector.broadcast %add3A_69 : i32 to vector<16xi32>
      %add3A_71 = arith.addi %add3A_70, %get3A_27 : vector<16xi32>
      %gather3A_72 = tpu.vector_load_idx %arg8[%add3A_71] : memref<2944xf32, #tpu.memory_space<vmem>>[vector<16xi32>], vector<16xf32>,
      %mul3A_73 = arith.constant 16 : i32
      %mul3A_74 = arith.muli %scan3A_24, %mul3A_73 : i32
      %add3A_75 = arith.constant 2048 : i32
      %add3A_76 = arith.addi %add3A_75, %mul3A_74 : i32
      %swap3A_77 = arith.index_cast %add3A_76 : i32 to index
      %swap3A_78 = tpu.vector_load %arg10[%swap3A_77] {strides = array<i32>} : memref<4096xf32, #tpu.memory_space<vmem>>, vector<16xf32>,
      tpu.vector_store %arg10[%swap3A_77], %gather3A_72 {strides = array<i32>} : memref<4096xf32, #tpu.memory_space<vmem>>, vector<16xf32>,
      %add3A_79 = arith.constant 1840 : i32
      %add3A_80 = vector.broadcast %add3A_79 : i32 to vector<16xi32>
      %add3A_81 = arith.addi %add3A_80, %get3A_27 : vector<16xi32>
      %gather3A_82 = tpu.vector_load_idx %arg8[%add3A_81] : memref<2944xf32, #tpu.memory_space<vmem>>[vector<16xi32>], vector<16xf32>,
      %mul3A_83 = arith.constant 16 : i32
      %mul3A_84 = arith.muli %scan3A_24, %mul3A_83 : i32
      %add3A_85 = arith.constant 2560 : i32
      %add3A_86 = arith.addi %add3A_85, %mul3A_84 : i32
      %swap3A_87 = arith.index_cast %add3A_86 : i32 to index
      %swap3A_88 = tpu.vector_load %arg10[%swap3A_87] {strides = array<i32>} : memref<4096xf32, #tpu.memory_space<vmem>>, vector<16xf32>,
      tpu.vector_store %arg10[%swap3A_87], %gather3A_82 {strides = array<i32>} : memref<4096xf32, #tpu.memory_space<vmem>>, vector<16xf32>,
      %add3A_89 = arith.constant 2208 : i32
      %add3A_90 = vector.broadcast %add3A_89 : i32 to vector<16xi32>
      %add3A_91 = arith.addi %add3A_90, %get3A_27 : vector<16xi32>
      %gather3A_92 = tpu.vector_load_idx %arg8[%add3A_91] : memref<2944xf32, #tpu.memory_space<vmem>>[vector<16xi32>], vector<16xf32>,
      %mul3A_93 = arith.constant 16 : i32
      %mul3A_94 = arith.muli %scan3A_24, %mul3A_93 : i32
      %add3A_95 = arith.constant 3072 : i32
      %add3A_96 = arith.addi %add3A_95, %mul3A_94 : i32
      %swap3A_97 = arith.index_cast %add3A_96 : i32 to index
      %swap3A_98 = tpu.vector_load %arg10[%swap3A_97] {strides = array<i32>} : memref<4096xf32, #tpu.memory_space<vmem>>, vector<16xf32>,
      tpu.vector_store %arg10[%swap3A_97], %gather3A_92 {strides = array<i32>} : memref<4096xf32, #tpu.memory_space<vmem>>, vector<16xf32>,
      %add3A_99 = arith.constant 2576 : i32
      %add3A_100 = vector.broadcast %add3A_99 : i32 to vector<16xi32>
      %add3A_101 = arith.addi %add3A_100, %get3A_27 : vector<16xi32>
      %gather3A_102 = tpu.vector_load_idx %arg8[%add3A_101] : memref<2944xf32, #tpu.memory_space<vmem>>[vector<16xi32>], vector<16xf32>,
      %mul3A_103 = arith.constant 16 : i32
      %mul3A_104 = arith.muli %scan3A_24, %mul3A_103 : i32
      %add3A_105 = arith.constant 3584 : i32
      %add3A_106 = arith.addi %add3A_105, %mul3A_104 : i32
      %swap3A_107 = arith.index_cast %add3A_106 : i32 to index
      %swap3A_108 = tpu.vector_load %arg10[%swap3A_107] {strides = array<i32>} : memref<4096xf32, #tpu.memory_space<vmem>>, vector<16xf32>,
      tpu.vector_store %arg10[%swap3A_107], %gather3A_102 {strides = array<i32>} : memref<4096xf32, #tpu.memory_space<vmem>>, vector<16xf32>,
    }
    %scan3A_7 = arith.constant 32 : i32
    %add3A_8 = arith.constant 0 : i32
    %add3A_9 = arith.addi %add3A_8, %mul3A_2 : i32
    "tpu.region"() ({
      %run_scoped3A = tpu.sem_alloc : memref<!tpu.dma_semaphore, #tpu.memory_space<semaphore_mem>>
      %dma_start3A = arith.constant 0 : i32
      %dma_start3A_24 = tpu.memref_slice %arg10[%dma_start3A] : memref<4096xf32, #tpu.memory_space<vmem>> -> memref<512xf32, #tpu.memory_space<vmem>>
      %dma_start3A_25 = tpu.memref_slice %arg5[%add3A_9] : memref<131072xf32, #tpu.memory_space<hbm>> -> memref<512xf32, #tpu.memory_space<hbm>>
      %dma_start3A_26 = tpu.memref_slice %arg5[%add3A_9] : memref<131072xf32, #tpu.memory_space<hbm>> -> memref<512xf32, #tpu.memory_space<hbm>>
      %dma_start3A_27 = arith.constant 0 : i32
      %dma_start3A_28 = tpu.memref_slice %arg10[%dma_start3A_27] : memref<4096xf32, #tpu.memory_space<vmem>> -> memref<512xf32, #tpu.memory_space<vmem>>
      tpu.enqueue_dma source(%dma_start3A_28 : memref<512xf32, #tpu.memory_space<vmem>>) target(%dma_start3A_26 : memref<512xf32, #tpu.memory_space<hbm>>) target_semaphore(%run_scoped3A : memref<!tpu.dma_semaphore, #tpu.memory_space<semaphore_mem>>)
      %dma_wait3A = arith.constant 0 : i32
      %dma_wait3A_29 = tpu.memref_slice %arg10[%dma_wait3A] : memref<4096xf32, #tpu.memory_space<vmem>> -> memref<512xf32, #tpu.memory_space<vmem>>
      %dma_wait3A_30 = tpu.memref_slice %arg5[%add3A_9] : memref<131072xf32, #tpu.memory_space<hbm>> -> memref<512xf32, #tpu.memory_space<hbm>>
      %dma_wait3A_31 = tpu.memref_slice %arg5[%add3A_9] : memref<131072xf32, #tpu.memory_space<hbm>> -> memref<512xf32, #tpu.memory_space<hbm>>
      %dma_wait3A_32 = arith.constant 0 : i32
      %dma_wait3A_33 = tpu.memref_slice %arg10[%dma_wait3A_32] : memref<4096xf32, #tpu.memory_space<vmem>> -> memref<512xf32, #tpu.memory_space<vmem>>
      tpu.wait_dma2 semaphore(%run_scoped3A : memref<!tpu.dma_semaphore, #tpu.memory_space<semaphore_mem>>) src(%dma_wait3A_33 : memref<512xf32, #tpu.memory_space<vmem>>) dst(%dma_wait3A_31 : memref<512xf32, #tpu.memory_space<hbm>>)
      tpu.yield
    }) : () -> ()
    %add3A_10 = arith.constant 16384 : i32
    %add3A_11 = arith.addi %add3A_10, %mul3A_2 : i32
    "tpu.region"() ({
      %run_scoped3A = tpu.sem_alloc : memref<!tpu.dma_semaphore, #tpu.memory_space<semaphore_mem>>
      %dma_start3A = arith.constant 512 : i32
      %dma_start3A_24 = tpu.memref_slice %arg10[%dma_start3A] : memref<4096xf32, #tpu.memory_space<vmem>> -> memref<512xf32, #tpu.memory_space<vmem>>
      %dma_start3A_25 = tpu.memref_slice %arg5[%add3A_11] : memref<131072xf32, #tpu.memory_space<hbm>> -> memref<512xf32, #tpu.memory_space<hbm>>
      %dma_start3A_26 = tpu.memref_slice %arg5[%add3A_11] : memref<131072xf32, #tpu.memory_space<hbm>> -> memref<512xf32, #tpu.memory_space<hbm>>
      %dma_start3A_27 = arith.constant 512 : i32
      %dma_start3A_28 = tpu.memref_slice %arg10[%dma_start3A_27] : memref<4096xf32, #tpu.memory_space<vmem>> -> memref<512xf32, #tpu.memory_space<vmem>>
      tpu.enqueue_dma source(%dma_start3A_28 : memref<512xf32, #tpu.memory_space<vmem>>) target(%dma_start3A_26 : memref<512xf32, #tpu.memory_space<hbm>>) target_semaphore(%run_scoped3A : memref<!tpu.dma_semaphore, #tpu.memory_space<semaphore_mem>>)
      %dma_wait3A = arith.constant 512 : i32
      %dma_wait3A_29 = tpu.memref_slice %arg10[%dma_wait3A] : memref<4096xf32, #tpu.memory_space<vmem>> -> memref<512xf32, #tpu.memory_space<vmem>>
      %dma_wait3A_30 = tpu.memref_slice %arg5[%add3A_11] : memref<131072xf32, #tpu.memory_space<hbm>> -> memref<512xf32, #tpu.memory_space<hbm>>
      %dma_wait3A_31 = tpu.memref_slice %arg5[%add3A_11] : memref<131072xf32, #tpu.memory_space<hbm>> -> memref<512xf32, #tpu.memory_space<hbm>>
      %dma_wait3A_32 = arith.constant 512 : i32
      %dma_wait3A_33 = tpu.memref_slice %arg10[%dma_wait3A_32] : memref<4096xf32, #tpu.memory_space<vmem>> -> memref<512xf32, #tpu.memory_space<vmem>>
      tpu.wait_dma2 semaphore(%run_scoped3A : memref<!tpu.dma_semaphore, #tpu.memory_space<semaphore_mem>>) src(%dma_wait3A_33 : memref<512xf32, #tpu.memory_space<vmem>>) dst(%dma_wait3A_31 : memref<512xf32, #tpu.memory_space<hbm>>)
      tpu.yield
    }) : () -> ()
    %add3A_12 = arith.constant 32768 : i32
    %add3A_13 = arith.addi %add3A_12, %mul3A_2 : i32
    "tpu.region"() ({
      %run_scoped3A = tpu.sem_alloc : memref<!tpu.dma_semaphore, #tpu.memory_space<semaphore_mem>>
      %dma_start3A = arith.constant 1024 : i32
      %dma_start3A_24 = tpu.memref_slice %arg10[%dma_start3A] : memref<4096xf32, #tpu.memory_space<vmem>> -> memref<512xf32, #tpu.memory_space<vmem>>
      %dma_start3A_25 = tpu.memref_slice %arg5[%add3A_13] : memref<131072xf32, #tpu.memory_space<hbm>> -> memref<512xf32, #tpu.memory_space<hbm>>
      %dma_start3A_26 = tpu.memref_slice %arg5[%add3A_13] : memref<131072xf32, #tpu.memory_space<hbm>> -> memref<512xf32, #tpu.memory_space<hbm>>
      %dma_start3A_27 = arith.constant 1024 : i32
      %dma_start3A_28 = tpu.memref_slice %arg10[%dma_start3A_27] : memref<4096xf32, #tpu.memory_space<vmem>> -> memref<512xf32, #tpu.memory_space<vmem>>
      tpu.enqueue_dma source(%dma_start3A_28 : memref<512xf32, #tpu.memory_space<vmem>>) target(%dma_start3A_26 : memref<512xf32, #tpu.memory_space<hbm>>) target_semaphore(%run_scoped3A : memref<!tpu.dma_semaphore, #tpu.memory_space<semaphore_mem>>)
      %dma_wait3A = arith.constant 1024 : i32
      %dma_wait3A_29 = tpu.memref_slice %arg10[%dma_wait3A] : memref<4096xf32, #tpu.memory_space<vmem>> -> memref<512xf32, #tpu.memory_space<vmem>>
      %dma_wait3A_30 = tpu.memref_slice %arg5[%add3A_13] : memref<131072xf32, #tpu.memory_space<hbm>> -> memref<512xf32, #tpu.memory_space<hbm>>
      %dma_wait3A_31 = tpu.memref_slice %arg5[%add3A_13] : memref<131072xf32, #tpu.memory_space<hbm>> -> memref<512xf32, #tpu.memory_space<hbm>>
      %dma_wait3A_32 = arith.constant 1024 : i32
      %dma_wait3A_33 = tpu.memref_slice %arg10[%dma_wait3A_32] : memref<4096xf32, #tpu.memory_space<vmem>> -> memref<512xf32, #tpu.memory_space<vmem>>
      tpu.wait_dma2 semaphore(%run_scoped3A : memref<!tpu.dma_semaphore, #tpu.memory_space<semaphore_mem>>) src(%dma_wait3A_33 : memref<512xf32, #tpu.memory_space<vmem>>) dst(%dma_wait3A_31 : memref<512xf32, #tpu.memory_space<hbm>>)
      tpu.yield
    }) : () -> ()
    %add3A_14 = arith.constant 49152 : i32
    %add3A_15 = arith.addi %add3A_14, %mul3A_2 : i32
    "tpu.region"() ({
      %run_scoped3A = tpu.sem_alloc : memref<!tpu.dma_semaphore, #tpu.memory_space<semaphore_mem>>
      %dma_start3A = arith.constant 1536 : i32
      %dma_start3A_24 = tpu.memref_slice %arg10[%dma_start3A] : memref<4096xf32, #tpu.memory_space<vmem>> -> memref<512xf32, #tpu.memory_space<vmem>>
      %dma_start3A_25 = tpu.memref_slice %arg5[%add3A_15] : memref<131072xf32, #tpu.memory_space<hbm>> -> memref<512xf32, #tpu.memory_space<hbm>>
      %dma_start3A_26 = tpu.memref_slice %arg5[%add3A_15] : memref<131072xf32, #tpu.memory_space<hbm>> -> memref<512xf32, #tpu.memory_space<hbm>>
      %dma_start3A_27 = arith.constant 1536 : i32
      %dma_start3A_28 = tpu.memref_slice %arg10[%dma_start3A_27] : memref<4096xf32, #tpu.memory_space<vmem>> -> memref<512xf32, #tpu.memory_space<vmem>>
      tpu.enqueue_dma source(%dma_start3A_28 : memref<512xf32, #tpu.memory_space<vmem>>) target(%dma_start3A_26 : memref<512xf32, #tpu.memory_space<hbm>>) target_semaphore(%run_scoped3A : memref<!tpu.dma_semaphore, #tpu.memory_space<semaphore_mem>>)
      %dma_wait3A = arith.constant 1536 : i32
      %dma_wait3A_29 = tpu.memref_slice %arg10[%dma_wait3A] : memref<4096xf32, #tpu.memory_space<vmem>> -> memref<512xf32, #tpu.memory_space<vmem>>
      %dma_wait3A_30 = tpu.memref_slice %arg5[%add3A_15] : memref<131072xf32, #tpu.memory_space<hbm>> -> memref<512xf32, #tpu.memory_space<hbm>>
      %dma_wait3A_31 = tpu.memref_slice %arg5[%add3A_15] : memref<131072xf32, #tpu.memory_space<hbm>> -> memref<512xf32, #tpu.memory_space<hbm>>
      %dma_wait3A_32 = arith.constant 1536 : i32
      %dma_wait3A_33 = tpu.memref_slice %arg10[%dma_wait3A_32] : memref<4096xf32, #tpu.memory_space<vmem>> -> memref<512xf32, #tpu.memory_space<vmem>>
      tpu.wait_dma2 semaphore(%run_scoped3A : memref<!tpu.dma_semaphore, #tpu.memory_space<semaphore_mem>>) src(%dma_wait3A_33 : memref<512xf32, #tpu.memory_space<vmem>>) dst(%dma_wait3A_31 : memref<512xf32, #tpu.memory_space<hbm>>)
      tpu.yield
    }) : () -> ()
    %add3A_16 = arith.constant 65536 : i32
    %add3A_17 = arith.addi %add3A_16, %mul3A_2 : i32
    "tpu.region"() ({
      %run_scoped3A = tpu.sem_alloc : memref<!tpu.dma_semaphore, #tpu.memory_space<semaphore_mem>>
      %dma_start3A = arith.constant 2048 : i32
      %dma_start3A_24 = tpu.memref_slice %arg10[%dma_start3A] : memref<4096xf32, #tpu.memory_space<vmem>> -> memref<512xf32, #tpu.memory_space<vmem>>
      %dma_start3A_25 = tpu.memref_slice %arg5[%add3A_17] : memref<131072xf32, #tpu.memory_space<hbm>> -> memref<512xf32, #tpu.memory_space<hbm>>
      %dma_start3A_26 = tpu.memref_slice %arg5[%add3A_17] : memref<131072xf32, #tpu.memory_space<hbm>> -> memref<512xf32, #tpu.memory_space<hbm>>
      %dma_start3A_27 = arith.constant 2048 : i32
      %dma_start3A_28 = tpu.memref_slice %arg10[%dma_start3A_27] : memref<4096xf32, #tpu.memory_space<vmem>> -> memref<512xf32, #tpu.memory_space<vmem>>
      tpu.enqueue_dma source(%dma_start3A_28 : memref<512xf32, #tpu.memory_space<vmem>>) target(%dma_start3A_26 : memref<512xf32, #tpu.memory_space<hbm>>) target_semaphore(%run_scoped3A : memref<!tpu.dma_semaphore, #tpu.memory_space<semaphore_mem>>)
      %dma_wait3A = arith.constant 2048 : i32
      %dma_wait3A_29 = tpu.memref_slice %arg10[%dma_wait3A] : memref<4096xf32, #tpu.memory_space<vmem>> -> memref<512xf32, #tpu.memory_space<vmem>>
      %dma_wait3A_30 = tpu.memref_slice %arg5[%add3A_17] : memref<131072xf32, #tpu.memory_space<hbm>> -> memref<512xf32, #tpu.memory_space<hbm>>
      %dma_wait3A_31 = tpu.memref_slice %arg5[%add3A_17] : memref<131072xf32, #tpu.memory_space<hbm>> -> memref<512xf32, #tpu.memory_space<hbm>>
      %dma_wait3A_32 = arith.constant 2048 : i32
      %dma_wait3A_33 = tpu.memref_slice %arg10[%dma_wait3A_32] : memref<4096xf32, #tpu.memory_space<vmem>> -> memref<512xf32, #tpu.memory_space<vmem>>
      tpu.wait_dma2 semaphore(%run_scoped3A : memref<!tpu.dma_semaphore, #tpu.memory_space<semaphore_mem>>) src(%dma_wait3A_33 : memref<512xf32, #tpu.memory_space<vmem>>) dst(%dma_wait3A_31 : memref<512xf32, #tpu.memory_space<hbm>>)
      tpu.yield
    }) : () -> ()
    %add3A_18 = arith.constant 81920 : i32
    %add3A_19 = arith.addi %add3A_18, %mul3A_2 : i32
    "tpu.region"() ({
      %run_scoped3A = tpu.sem_alloc : memref<!tpu.dma_semaphore, #tpu.memory_space<semaphore_mem>>
      %dma_start3A = arith.constant 2560 : i32
      %dma_start3A_24 = tpu.memref_slice %arg10[%dma_start3A] : memref<4096xf32, #tpu.memory_space<vmem>> -> memref<512xf32, #tpu.memory_space<vmem>>
      %dma_start3A_25 = tpu.memref_slice %arg5[%add3A_19] : memref<131072xf32, #tpu.memory_space<hbm>> -> memref<512xf32, #tpu.memory_space<hbm>>
      %dma_start3A_26 = tpu.memref_slice %arg5[%add3A_19] : memref<131072xf32, #tpu.memory_space<hbm>> -> memref<512xf32, #tpu.memory_space<hbm>>
      %dma_start3A_27 = arith.constant 2560 : i32
      %dma_start3A_28 = tpu.memref_slice %arg10[%dma_start3A_27] : memref<4096xf32, #tpu.memory_space<vmem>> -> memref<512xf32, #tpu.memory_space<vmem>>
      tpu.enqueue_dma source(%dma_start3A_28 : memref<512xf32, #tpu.memory_space<vmem>>) target(%dma_start3A_26 : memref<512xf32, #tpu.memory_space<hbm>>) target_semaphore(%run_scoped3A : memref<!tpu.dma_semaphore, #tpu.memory_space<semaphore_mem>>)
      %dma_wait3A = arith.constant 2560 : i32
      %dma_wait3A_29 = tpu.memref_slice %arg10[%dma_wait3A] : memref<4096xf32, #tpu.memory_space<vmem>> -> memref<512xf32, #tpu.memory_space<vmem>>
      %dma_wait3A_30 = tpu.memref_slice %arg5[%add3A_19] : memref<131072xf32, #tpu.memory_space<hbm>> -> memref<512xf32, #tpu.memory_space<hbm>>
      %dma_wait3A_31 = tpu.memref_slice %arg5[%add3A_19] : memref<131072xf32, #tpu.memory_space<hbm>> -> memref<512xf32, #tpu.memory_space<hbm>>
      %dma_wait3A_32 = arith.constant 2560 : i32
      %dma_wait3A_33 = tpu.memref_slice %arg10[%dma_wait3A_32] : memref<4096xf32, #tpu.memory_space<vmem>> -> memref<512xf32, #tpu.memory_space<vmem>>
      tpu.wait_dma2 semaphore(%run_scoped3A : memref<!tpu.dma_semaphore, #tpu.memory_space<semaphore_mem>>) src(%dma_wait3A_33 : memref<512xf32, #tpu.memory_space<vmem>>) dst(%dma_wait3A_31 : memref<512xf32, #tpu.memory_space<hbm>>)
      tpu.yield
    }) : () -> ()
    %add3A_20 = arith.constant 98304 : i32
    %add3A_21 = arith.addi %add3A_20, %mul3A_2 : i32
    "tpu.region"() ({
      %run_scoped3A = tpu.sem_alloc : memref<!tpu.dma_semaphore, #tpu.memory_space<semaphore_mem>>
      %dma_start3A = arith.constant 3072 : i32
      %dma_start3A_24 = tpu.memref_slice %arg10[%dma_start3A] : memref<4096xf32, #tpu.memory_space<vmem>> -> memref<512xf32, #tpu.memory_space<vmem>>
      %dma_start3A_25 = tpu.memref_slice %arg5[%add3A_21] : memref<131072xf32, #tpu.memory_space<hbm>> -> memref<512xf32, #tpu.memory_space<hbm>>
      %dma_start3A_26 = tpu.memref_slice %arg5[%add3A_21] : memref<131072xf32, #tpu.memory_space<hbm>> -> memref<512xf32, #tpu.memory_space<hbm>>
      %dma_start3A_27 = arith.constant 3072 : i32
      %dma_start3A_28 = tpu.memref_slice %arg10[%dma_start3A_27] : memref<4096xf32, #tpu.memory_space<vmem>> -> memref<512xf32, #tpu.memory_space<vmem>>
      tpu.enqueue_dma source(%dma_start3A_28 : memref<512xf32, #tpu.memory_space<vmem>>) target(%dma_start3A_26 : memref<512xf32, #tpu.memory_space<hbm>>) target_semaphore(%run_scoped3A : memref<!tpu.dma_semaphore, #tpu.memory_space<semaphore_mem>>)
      %dma_wait3A = arith.constant 3072 : i32
      %dma_wait3A_29 = tpu.memref_slice %arg10[%dma_wait3A] : memref<4096xf32, #tpu.memory_space<vmem>> -> memref<512xf32, #tpu.memory_space<vmem>>
      %dma_wait3A_30 = tpu.memref_slice %arg5[%add3A_21] : memref<131072xf32, #tpu.memory_space<hbm>> -> memref<512xf32, #tpu.memory_space<hbm>>
      %dma_wait3A_31 = tpu.memref_slice %arg5[%add3A_21] : memref<131072xf32, #tpu.memory_space<hbm>> -> memref<512xf32, #tpu.memory_space<hbm>>
      %dma_wait3A_32 = arith.constant 3072 : i32
      %dma_wait3A_33 = tpu.memref_slice %arg10[%dma_wait3A_32] : memref<4096xf32, #tpu.memory_space<vmem>> -> memref<512xf32, #tpu.memory_space<vmem>>
      tpu.wait_dma2 semaphore(%run_scoped3A : memref<!tpu.dma_semaphore, #tpu.memory_space<semaphore_mem>>) src(%dma_wait3A_33 : memref<512xf32, #tpu.memory_space<vmem>>) dst(%dma_wait3A_31 : memref<512xf32, #tpu.memory_space<hbm>>)
      tpu.yield
    }) : () -> ()
    %add3A_22 = arith.constant 114688 : i32
    %add3A_23 = arith.addi %add3A_22, %mul3A_2 : i32
    "tpu.region"() ({
      %run_scoped3A = tpu.sem_alloc : memref<!tpu.dma_semaphore, #tpu.memory_space<semaphore_mem>>
      %dma_start3A = arith.constant 3584 : i32
      %dma_start3A_24 = tpu.memref_slice %arg10[%dma_start3A] : memref<4096xf32, #tpu.memory_space<vmem>> -> memref<512xf32, #tpu.memory_space<vmem>>
      %dma_start3A_25 = tpu.memref_slice %arg5[%add3A_23] : memref<131072xf32, #tpu.memory_space<hbm>> -> memref<512xf32, #tpu.memory_space<hbm>>
      %dma_start3A_26 = tpu.memref_slice %arg5[%add3A_23] : memref<131072xf32, #tpu.memory_space<hbm>> -> memref<512xf32, #tpu.memory_space<hbm>>
      %dma_start3A_27 = arith.constant 3584 : i32
      %dma_start3A_28 = tpu.memref_slice %arg10[%dma_start3A_27] : memref<4096xf32, #tpu.memory_space<vmem>> -> memref<512xf32, #tpu.memory_space<vmem>>
      tpu.enqueue_dma source(%dma_start3A_28 : memref<512xf32, #tpu.memory_space<vmem>>) target(%dma_start3A_26 : memref<512xf32, #tpu.memory_space<hbm>>) target_semaphore(%run_scoped3A : memref<!tpu.dma_semaphore, #tpu.memory_space<semaphore_mem>>)
      %dma_wait3A = arith.constant 3584 : i32
      %dma_wait3A_29 = tpu.memref_slice %arg10[%dma_wait3A] : memref<4096xf32, #tpu.memory_space<vmem>> -> memref<512xf32, #tpu.memory_space<vmem>>
      %dma_wait3A_30 = tpu.memref_slice %arg5[%add3A_23] : memref<131072xf32, #tpu.memory_space<hbm>> -> memref<512xf32, #tpu.memory_space<hbm>>
      %dma_wait3A_31 = tpu.memref_slice %arg5[%add3A_23] : memref<131072xf32, #tpu.memory_space<hbm>> -> memref<512xf32, #tpu.memory_space<hbm>>
      %dma_wait3A_32 = arith.constant 3584 : i32
      %dma_wait3A_33 = tpu.memref_slice %arg10[%dma_wait3A_32] : memref<4096xf32, #tpu.memory_space<vmem>> -> memref<512xf32, #tpu.memory_space<vmem>>
      tpu.wait_dma2 semaphore(%run_scoped3A : memref<!tpu.dma_semaphore, #tpu.memory_space<semaphore_mem>>) src(%dma_wait3A_33 : memref<512xf32, #tpu.memory_space<vmem>>) dst(%dma_wait3A_31 : memref<512xf32, #tpu.memory_space<hbm>>)
      tpu.yield
    }) : () -> ()
    "tpu.region"() ({
      %run_scoped3A = tpu.sem_alloc : memref<!tpu.dma_semaphore, #tpu.memory_space<semaphore_mem>>
      %dma_start3A = tpu.memref_slice %arg6[%mul3A_2] : memref<16384xf32, #tpu.memory_space<hbm>> -> memref<512xf32, #tpu.memory_space<hbm>>
      %dma_start3A_24 = tpu.memref_slice %arg6[%mul3A_2] : memref<16384xf32, #tpu.memory_space<hbm>> -> memref<512xf32, #tpu.memory_space<hbm>>
      tpu.enqueue_dma source(%arg11 : memref<512xf32, #tpu.memory_space<vmem>>) target(%dma_start3A_24 : memref<512xf32, #tpu.memory_space<hbm>>) target_semaphore(%run_scoped3A : memref<!tpu.dma_semaphore, #tpu.memory_space<semaphore_mem>>)
      %dma_wait3A = tpu.memref_slice %arg6[%mul3A_2] : memref<16384xf32, #tpu.memory_space<hbm>> -> memref<512xf32, #tpu.memory_space<hbm>>
      %dma_wait3A_25 = tpu.memref_slice %arg6[%mul3A_2] : memref<16384xf32, #tpu.memory_space<hbm>> -> memref<512xf32, #tpu.memory_space<hbm>>
      tpu.wait_dma2 semaphore(%run_scoped3A : memref<!tpu.dma_semaphore, #tpu.memory_space<semaphore_mem>>) src(%arg11 : memref<512xf32, #tpu.memory_space<vmem>>) dst(%dma_wait3A_25 : memref<512xf32, #tpu.memory_space<hbm>>)
      tpu.yield
    }) : () -> ()
    return
  }
}

module attributes {stable_mosaic.version = 14 : i64} {
  func.func @_mlp_body(%arg0: i32, %arg1: memref<2048x512xf32, #tpu.memory_space<vmem>>, %arg2: memref<16x512xf32, #tpu.memory_space<vmem>>, %arg3: memref<1x16xf32, #tpu.memory_space<vmem>>, %arg4: memref<8x16xf32, #tpu.memory_space<vmem>>, %arg5: memref<1x8xf32, #tpu.memory_space<vmem>>, %arg6: memref<8x2048xf32, #tpu.memory_space<vmem>>) attributes {dimension_semantics = [#tpu.dimension_semantics<arbitrary>], iteration_bounds = array<i64: 8>, scalar_prefetch = 0 : i64, scratch_operands = 0 : i64, tpu.core_type = #tpu.core_type<tc>, window_params = [{transform_indices = @transform_0, window_bounds = array<i64: 2048, 512>}, {pipeline_mode = #tpu.pipeline_mode<synchronous>, transform_indices = @transform_1, window_bounds = array<i64: 16, 512>}, {pipeline_mode = #tpu.pipeline_mode<synchronous>, transform_indices = @transform_2, window_bounds = array<i64: 1, 16>}, {pipeline_mode = #tpu.pipeline_mode<synchronous>, transform_indices = @transform_3, window_bounds = array<i64: 8, 16>}, {pipeline_mode = #tpu.pipeline_mode<synchronous>, transform_indices = @transform_4, window_bounds = array<i64: 1, 8>}, {transform_indices = @transform_5, window_bounds = array<i64: 8, 2048>}]} {
    %get3A = arith.constant 0 : index
    %get3A_0 = arith.constant 0 : index
    %get3A_1 = vector.load %arg1[%get3A, %get3A_0] : memref<2048x512xf32, #tpu.memory_space<vmem>>, vector<2048x512xf32>
    %get3A_2 = arith.constant 0 : index
    %get3A_3 = arith.constant 0 : index
    %get3A_4 = vector.load %arg2[%get3A_2, %get3A_3] : memref<16x512xf32, #tpu.memory_space<vmem>>, vector<16x512xf32>
    %dot_general3A = arith.constant dense<0.000000e+00> : vector<2048x16xf32>
    %dot_general3A_5 = tpu.matmul %get3A_1, %get3A_4, %dot_general3A {dimension_numbers = #tpu.dot_dimension_numbers<[1], [1], [0], [0], [0, 0, 1, 0], [], []>, transpose_lhs_hint = false} : vector<2048x512xf32>, vector<16x512xf32>, vector<2048x16xf32> -> vector<2048x16xf32>
    %get3A_6 = arith.constant 0 : index
    %get3A_7 = arith.constant 0 : index
    %get3A_8 = vector.load %arg3[%get3A_6, %get3A_7] : memref<1x16xf32, #tpu.memory_space<vmem>>, vector<1x16xf32>
    %add3A = vector.broadcast %get3A_8 : vector<1x16xf32> to vector<2048x16xf32>
    %add3A_9 = arith.addf %dot_general3A_5, %add3A : vector<2048x16xf32>
    %max3A = arith.constant 0.000000e+00 : f32
    %max3A_10 = vector.broadcast %max3A : f32 to vector<2048x16xf32>
    %max3A_11 = arith.maximumf %add3A_9, %max3A_10 : vector<2048x16xf32>
    %get3A_12 = arith.constant 0 : index
    %get3A_13 = arith.constant 0 : index
    %get3A_14 = vector.load %arg4[%get3A_12, %get3A_13] : memref<8x16xf32, #tpu.memory_space<vmem>>, vector<8x16xf32>
    %dot_general3A_15 = arith.constant dense<0.000000e+00> : vector<2048x8xf32>
    %dot_general3A_16 = tpu.matmul %max3A_11, %get3A_14, %dot_general3A_15 {dimension_numbers = #tpu.dot_dimension_numbers<[1], [1], [0], [0], [0, 0, 1, 0], [], []>, transpose_lhs_hint = false} : vector<2048x16xf32>, vector<8x16xf32>, vector<2048x8xf32> -> vector<2048x8xf32>
    %get3A_17 = arith.constant 0 : index
    %get3A_18 = arith.constant 0 : index
    %get3A_19 = vector.load %arg5[%get3A_17, %get3A_18] : memref<1x8xf32, #tpu.memory_space<vmem>>, vector<1x8xf32>
    %add3A_20 = vector.broadcast %get3A_19 : vector<1x8xf32> to vector<2048x8xf32>
    %add3A_21 = arith.addf %dot_general3A_16, %add3A_20 : vector<2048x8xf32>
    %transpose3A = tpu.transpose %add3A_21, [1, 0] : vector<2048x8xf32> -> vector<8x2048xf32>
    %swap3A = arith.constant 0 : index
    %swap3A_22 = arith.constant 0 : index
    %swap3A_23 = vector.load %arg6[%swap3A, %swap3A_22] : memref<8x2048xf32, #tpu.memory_space<vmem>>, vector<8x2048xf32>
    tpu.vector_store %arg6[%swap3A, %swap3A_22], %transpose3A {strides = array<i32>} : memref<8x2048xf32, #tpu.memory_space<vmem>>, vector<8x2048xf32>,
    return
  }
  func.func @transform_0(%arg0: i32) -> (i32, i32) {
    %c0_i32 = arith.constant 0 : i32
    %c0_i32_0 = arith.constant 0 : i32
    return %arg0, %c0_i32 : i32, i32
  }
  func.func @transform_1(%arg0: i32) -> (i32, i32) {
    %c0_i32 = arith.constant 0 : i32
    %c0_i32_0 = arith.constant 0 : i32
    %c0_i32_1 = arith.constant 0 : i32
    return %c0_i32, %c0_i32_0 : i32, i32
  }
  func.func @transform_2(%arg0: i32) -> (i32, i32) {
    %c0_i32 = arith.constant 0 : i32
    %c0_i32_0 = arith.constant 0 : i32
    %c0_i32_1 = arith.constant 0 : i32
    return %c0_i32, %c0_i32_0 : i32, i32
  }
  func.func @transform_3(%arg0: i32) -> (i32, i32) {
    %c0_i32 = arith.constant 0 : i32
    %c0_i32_0 = arith.constant 0 : i32
    %c0_i32_1 = arith.constant 0 : i32
    return %c0_i32, %c0_i32_0 : i32, i32
  }
  func.func @transform_4(%arg0: i32) -> (i32, i32) {
    %c0_i32 = arith.constant 0 : i32
    %c0_i32_0 = arith.constant 0 : i32
    %c0_i32_1 = arith.constant 0 : i32
    return %c0_i32, %c0_i32_0 : i32, i32
  }
  func.func @transform_5(%arg0: i32) -> (i32, i32) {
    %c0_i32 = arith.constant 0 : i32
    %c0_i32_0 = arith.constant 0 : i32
    return %c0_i32, %arg0 : i32, i32
  }
}

module attributes {stable_mosaic.version = 14 : i64} {
  func.func @_copy_body(%arg0: i32, %arg1: memref<8x16384xf32, #tpu.memory_space<vmem>>, %arg2: memref<1x16384xf32, #tpu.memory_space<vmem>>, %arg3: memref<1024x128xf32, #tpu.memory_space<vmem>>, %arg4: memref<16384xf32, #tpu.memory_space<vmem>>) attributes {dimension_semantics = [#tpu.dimension_semantics<arbitrary>], iteration_bounds = array<i64: 62>, scalar_prefetch = 0 : i64, scratch_operands = 0 : i64, tpu.core_type = #tpu.core_type<tc>, window_params = [{transform_indices = @transform_0, window_bounds = array<i64: 8, 16384>}, {transform_indices = @transform_1, window_bounds = array<i64: 1, 16384>}, {transform_indices = @transform_2, window_bounds = array<i64: 1024, 128>}, {transform_indices = @transform_3, window_bounds = array<i64: 16384>}]} {
    %get3A = arith.constant 0 : index
    %get3A_0 = arith.constant 0 : index
    %get3A_1 = vector.load %arg1[%get3A, %get3A_0] : memref<8x16384xf32, #tpu.memory_space<vmem>>, vector<8x128xf32>
    %swap3A = arith.constant 0 : index
    %swap3A_2 = arith.constant 0 : index
    %swap3A_3 = vector.load %arg3[%swap3A, %swap3A_2] : memref<1024x128xf32, #tpu.memory_space<vmem>>, vector<8x128xf32>
    tpu.vector_store %arg3[%swap3A, %swap3A_2], %get3A_1 {strides = array<i32>} : memref<1024x128xf32, #tpu.memory_space<vmem>>, vector<8x128xf32>,
    %get3A_4 = arith.constant 0 : index
    %get3A_5 = arith.constant 128 : index
    %get3A_6 = vector.load %arg1[%get3A_4, %get3A_5] : memref<8x16384xf32, #tpu.memory_space<vmem>>, vector<8x128xf32>
    %swap3A_7 = arith.constant 8 : index
    %swap3A_8 = arith.constant 0 : index
    %swap3A_9 = vector.load %arg3[%swap3A_7, %swap3A_8] : memref<1024x128xf32, #tpu.memory_space<vmem>>, vector<8x128xf32>
    tpu.vector_store %arg3[%swap3A_7, %swap3A_8], %get3A_6 {strides = array<i32>} : memref<1024x128xf32, #tpu.memory_space<vmem>>, vector<8x128xf32>,
    %get3A_10 = arith.constant 0 : index
    %get3A_11 = arith.constant 256 : index
    %get3A_12 = vector.load %arg1[%get3A_10, %get3A_11] : memref<8x16384xf32, #tpu.memory_space<vmem>>, vector<8x128xf32>
    %swap3A_13 = arith.constant 16 : index
    %swap3A_14 = arith.constant 0 : index
    %swap3A_15 = vector.load %arg3[%swap3A_13, %swap3A_14] : memref<1024x128xf32, #tpu.memory_space<vmem>>, vector<8x128xf32>
    tpu.vector_store %arg3[%swap3A_13, %swap3A_14], %get3A_12 {strides = array<i32>} : memref<1024x128xf32, #tpu.memory_space<vmem>>, vector<8x128xf32>,
    %get3A_16 = arith.constant 0 : index
    %get3A_17 = arith.constant 384 : index
    %get3A_18 = vector.load %arg1[%get3A_16, %get3A_17] : memref<8x16384xf32, #tpu.memory_space<vmem>>, vector<8x128xf32>
    %swap3A_19 = arith.constant 24 : index
    %swap3A_20 = arith.constant 0 : index
    %swap3A_21 = vector.load %arg3[%swap3A_19, %swap3A_20] : memref<1024x128xf32, #tpu.memory_space<vmem>>, vector<8x128xf32>
    tpu.vector_store %arg3[%swap3A_19, %swap3A_20], %get3A_18 {strides = array<i32>} : memref<1024x128xf32, #tpu.memory_space<vmem>>, vector<8x128xf32>,
    %get3A_22 = arith.constant 0 : index
    %get3A_23 = arith.constant 512 : index
    %get3A_24 = vector.load %arg1[%get3A_22, %get3A_23] : memref<8x16384xf32, #tpu.memory_space<vmem>>, vector<8x128xf32>
    %swap3A_25 = arith.constant 32 : index
    %swap3A_26 = arith.constant 0 : index
    %swap3A_27 = vector.load %arg3[%swap3A_25, %swap3A_26] : memref<1024x128xf32, #tpu.memory_space<vmem>>, vector<8x128xf32>
    tpu.vector_store %arg3[%swap3A_25, %swap3A_26], %get3A_24 {strides = array<i32>} : memref<1024x128xf32, #tpu.memory_space<vmem>>, vector<8x128xf32>,
    %get3A_28 = arith.constant 0 : index
    %get3A_29 = arith.constant 640 : index
    %get3A_30 = vector.load %arg1[%get3A_28, %get3A_29] : memref<8x16384xf32, #tpu.memory_space<vmem>>, vector<8x128xf32>
    %swap3A_31 = arith.constant 40 : index
    %swap3A_32 = arith.constant 0 : index
    %swap3A_33 = vector.load %arg3[%swap3A_31, %swap3A_32] : memref<1024x128xf32, #tpu.memory_space<vmem>>, vector<8x128xf32>
    tpu.vector_store %arg3[%swap3A_31, %swap3A_32], %get3A_30 {strides = array<i32>} : memref<1024x128xf32, #tpu.memory_space<vmem>>, vector<8x128xf32>,
    %get3A_34 = arith.constant 0 : index
    %get3A_35 = arith.constant 768 : index
    %get3A_36 = vector.load %arg1[%get3A_34, %get3A_35] : memref<8x16384xf32, #tpu.memory_space<vmem>>, vector<8x128xf32>
    %swap3A_37 = arith.constant 48 : index
    %swap3A_38 = arith.constant 0 : index
    %swap3A_39 = vector.load %arg3[%swap3A_37, %swap3A_38] : memref<1024x128xf32, #tpu.memory_space<vmem>>, vector<8x128xf32>
    tpu.vector_store %arg3[%swap3A_37, %swap3A_38], %get3A_36 {strides = array<i32>} : memref<1024x128xf32, #tpu.memory_space<vmem>>, vector<8x128xf32>,
    %get3A_40 = arith.constant 0 : index
    %get3A_41 = arith.constant 896 : index
    %get3A_42 = vector.load %arg1[%get3A_40, %get3A_41] : memref<8x16384xf32, #tpu.memory_space<vmem>>, vector<8x128xf32>
    %swap3A_43 = arith.constant 56 : index
    %swap3A_44 = arith.constant 0 : index
    %swap3A_45 = vector.load %arg3[%swap3A_43, %swap3A_44] : memref<1024x128xf32, #tpu.memory_space<vmem>>, vector<8x128xf32>
    tpu.vector_store %arg3[%swap3A_43, %swap3A_44], %get3A_42 {strides = array<i32>} : memref<1024x128xf32, #tpu.memory_space<vmem>>, vector<8x128xf32>,
    %get3A_46 = arith.constant 0 : index
    %get3A_47 = arith.constant 1024 : index
    %get3A_48 = vector.load %arg1[%get3A_46, %get3A_47] : memref<8x16384xf32, #tpu.memory_space<vmem>>, vector<8x128xf32>
    %swap3A_49 = arith.constant 64 : index
    %swap3A_50 = arith.constant 0 : index
    %swap3A_51 = vector.load %arg3[%swap3A_49, %swap3A_50] : memref<1024x128xf32, #tpu.memory_space<vmem>>, vector<8x128xf32>
    tpu.vector_store %arg3[%swap3A_49, %swap3A_50], %get3A_48 {strides = array<i32>} : memref<1024x128xf32, #tpu.memory_space<vmem>>, vector<8x128xf32>,
    %get3A_52 = arith.constant 0 : index
    %get3A_53 = arith.constant 1152 : index
    %get3A_54 = vector.load %arg1[%get3A_52, %get3A_53] : memref<8x16384xf32, #tpu.memory_space<vmem>>, vector<8x128xf32>
    %swap3A_55 = arith.constant 72 : index
    %swap3A_56 = arith.constant 0 : index
    %swap3A_57 = vector.load %arg3[%swap3A_55, %swap3A_56] : memref<1024x128xf32, #tpu.memory_space<vmem>>, vector<8x128xf32>
    tpu.vector_store %arg3[%swap3A_55, %swap3A_56], %get3A_54 {strides = array<i32>} : memref<1024x128xf32, #tpu.memory_space<vmem>>, vector<8x128xf32>,
    %get3A_58 = arith.constant 0 : index
    %get3A_59 = arith.constant 1280 : index
    %get3A_60 = vector.load %arg1[%get3A_58, %get3A_59] : memref<8x16384xf32, #tpu.memory_space<vmem>>, vector<8x128xf32>
    %swap3A_61 = arith.constant 80 : index
    %swap3A_62 = arith.constant 0 : index
    %swap3A_63 = vector.load %arg3[%swap3A_61, %swap3A_62] : memref<1024x128xf32, #tpu.memory_space<vmem>>, vector<8x128xf32>
    tpu.vector_store %arg3[%swap3A_61, %swap3A_62], %get3A_60 {strides = array<i32>} : memref<1024x128xf32, #tpu.memory_space<vmem>>, vector<8x128xf32>,
    %get3A_64 = arith.constant 0 : index
    %get3A_65 = arith.constant 1408 : index
    %get3A_66 = vector.load %arg1[%get3A_64, %get3A_65] : memref<8x16384xf32, #tpu.memory_space<vmem>>, vector<8x128xf32>
    %swap3A_67 = arith.constant 88 : index
    %swap3A_68 = arith.constant 0 : index
    %swap3A_69 = vector.load %arg3[%swap3A_67, %swap3A_68] : memref<1024x128xf32, #tpu.memory_space<vmem>>, vector<8x128xf32>
    tpu.vector_store %arg3[%swap3A_67, %swap3A_68], %get3A_66 {strides = array<i32>} : memref<1024x128xf32, #tpu.memory_space<vmem>>, vector<8x128xf32>,
    %get3A_70 = arith.constant 0 : index
    %get3A_71 = arith.constant 1536 : index
    %get3A_72 = vector.load %arg1[%get3A_70, %get3A_71] : memref<8x16384xf32, #tpu.memory_space<vmem>>, vector<8x128xf32>
    %swap3A_73 = arith.constant 96 : index
    %swap3A_74 = arith.constant 0 : index
    %swap3A_75 = vector.load %arg3[%swap3A_73, %swap3A_74] : memref<1024x128xf32, #tpu.memory_space<vmem>>, vector<8x128xf32>
    tpu.vector_store %arg3[%swap3A_73, %swap3A_74], %get3A_72 {strides = array<i32>} : memref<1024x128xf32, #tpu.memory_space<vmem>>, vector<8x128xf32>,
    %get3A_76 = arith.constant 0 : index
    %get3A_77 = arith.constant 1664 : index
    %get3A_78 = vector.load %arg1[%get3A_76, %get3A_77] : memref<8x16384xf32, #tpu.memory_space<vmem>>, vector<8x128xf32>
    %swap3A_79 = arith.constant 104 : index
    %swap3A_80 = arith.constant 0 : index
    %swap3A_81 = vector.load %arg3[%swap3A_79, %swap3A_80] : memref<1024x128xf32, #tpu.memory_space<vmem>>, vector<8x128xf32>
    tpu.vector_store %arg3[%swap3A_79, %swap3A_80], %get3A_78 {strides = array<i32>} : memref<1024x128xf32, #tpu.memory_space<vmem>>, vector<8x128xf32>,
    %get3A_82 = arith.constant 0 : index
    %get3A_83 = arith.constant 1792 : index
    %get3A_84 = vector.load %arg1[%get3A_82, %get3A_83] : memref<8x16384xf32, #tpu.memory_space<vmem>>, vector<8x128xf32>
    %swap3A_85 = arith.constant 112 : index
    %swap3A_86 = arith.constant 0 : index
    %swap3A_87 = vector.load %arg3[%swap3A_85, %swap3A_86] : memref<1024x128xf32, #tpu.memory_space<vmem>>, vector<8x128xf32>
    tpu.vector_store %arg3[%swap3A_85, %swap3A_86], %get3A_84 {strides = array<i32>} : memref<1024x128xf32, #tpu.memory_space<vmem>>, vector<8x128xf32>,
    %get3A_88 = arith.constant 0 : index
    %get3A_89 = arith.constant 1920 : index
    %get3A_90 = vector.load %arg1[%get3A_88, %get3A_89] : memref<8x16384xf32, #tpu.memory_space<vmem>>, vector<8x128xf32>
    %swap3A_91 = arith.constant 120 : index
    %swap3A_92 = arith.constant 0 : index
    %swap3A_93 = vector.load %arg3[%swap3A_91, %swap3A_92] : memref<1024x128xf32, #tpu.memory_space<vmem>>, vector<8x128xf32>
    tpu.vector_store %arg3[%swap3A_91, %swap3A_92], %get3A_90 {strides = array<i32>} : memref<1024x128xf32, #tpu.memory_space<vmem>>, vector<8x128xf32>,
    %get3A_94 = arith.constant 0 : index
    %get3A_95 = arith.constant 2048 : index
    %get3A_96 = vector.load %arg1[%get3A_94, %get3A_95] : memref<8x16384xf32, #tpu.memory_space<vmem>>, vector<8x128xf32>
    %swap3A_97 = arith.constant 128 : index
    %swap3A_98 = arith.constant 0 : index
    %swap3A_99 = vector.load %arg3[%swap3A_97, %swap3A_98] : memref<1024x128xf32, #tpu.memory_space<vmem>>, vector<8x128xf32>
    tpu.vector_store %arg3[%swap3A_97, %swap3A_98], %get3A_96 {strides = array<i32>} : memref<1024x128xf32, #tpu.memory_space<vmem>>, vector<8x128xf32>,
    %get3A_100 = arith.constant 0 : index
    %get3A_101 = arith.constant 2176 : index
    %get3A_102 = vector.load %arg1[%get3A_100, %get3A_101] : memref<8x16384xf32, #tpu.memory_space<vmem>>, vector<8x128xf32>
    %swap3A_103 = arith.constant 136 : index
    %swap3A_104 = arith.constant 0 : index
    %swap3A_105 = vector.load %arg3[%swap3A_103, %swap3A_104] : memref<1024x128xf32, #tpu.memory_space<vmem>>, vector<8x128xf32>
    tpu.vector_store %arg3[%swap3A_103, %swap3A_104], %get3A_102 {strides = array<i32>} : memref<1024x128xf32, #tpu.memory_space<vmem>>, vector<8x128xf32>,
    %get3A_106 = arith.constant 0 : index
    %get3A_107 = arith.constant 2304 : index
    %get3A_108 = vector.load %arg1[%get3A_106, %get3A_107] : memref<8x16384xf32, #tpu.memory_space<vmem>>, vector<8x128xf32>
    %swap3A_109 = arith.constant 144 : index
    %swap3A_110 = arith.constant 0 : index
    %swap3A_111 = vector.load %arg3[%swap3A_109, %swap3A_110] : memref<1024x128xf32, #tpu.memory_space<vmem>>, vector<8x128xf32>
    tpu.vector_store %arg3[%swap3A_109, %swap3A_110], %get3A_108 {strides = array<i32>} : memref<1024x128xf32, #tpu.memory_space<vmem>>, vector<8x128xf32>,
    %get3A_112 = arith.constant 0 : index
    %get3A_113 = arith.constant 2432 : index
    %get3A_114 = vector.load %arg1[%get3A_112, %get3A_113] : memref<8x16384xf32, #tpu.memory_space<vmem>>, vector<8x128xf32>
    %swap3A_115 = arith.constant 152 : index
    %swap3A_116 = arith.constant 0 : index
    %swap3A_117 = vector.load %arg3[%swap3A_115, %swap3A_116] : memref<1024x128xf32, #tpu.memory_space<vmem>>, vector<8x128xf32>
    tpu.vector_store %arg3[%swap3A_115, %swap3A_116], %get3A_114 {strides = array<i32>} : memref<1024x128xf32, #tpu.memory_space<vmem>>, vector<8x128xf32>,
    %get3A_118 = arith.constant 0 : index
    %get3A_119 = arith.constant 2560 : index
    %get3A_120 = vector.load %arg1[%get3A_118, %get3A_119] : memref<8x16384xf32, #tpu.memory_space<vmem>>, vector<8x128xf32>
    %swap3A_121 = arith.constant 160 : index
    %swap3A_122 = arith.constant 0 : index
    %swap3A_123 = vector.load %arg3[%swap3A_121, %swap3A_122] : memref<1024x128xf32, #tpu.memory_space<vmem>>, vector<8x128xf32>
    tpu.vector_store %arg3[%swap3A_121, %swap3A_122], %get3A_120 {strides = array<i32>} : memref<1024x128xf32, #tpu.memory_space<vmem>>, vector<8x128xf32>,
    %get3A_124 = arith.constant 0 : index
    %get3A_125 = arith.constant 2688 : index
    %get3A_126 = vector.load %arg1[%get3A_124, %get3A_125] : memref<8x16384xf32, #tpu.memory_space<vmem>>, vector<8x128xf32>
    %swap3A_127 = arith.constant 168 : index
    %swap3A_128 = arith.constant 0 : index
    %swap3A_129 = vector.load %arg3[%swap3A_127, %swap3A_128] : memref<1024x128xf32, #tpu.memory_space<vmem>>, vector<8x128xf32>
    tpu.vector_store %arg3[%swap3A_127, %swap3A_128], %get3A_126 {strides = array<i32>} : memref<1024x128xf32, #tpu.memory_space<vmem>>, vector<8x128xf32>,
    %get3A_130 = arith.constant 0 : index
    %get3A_131 = arith.constant 2816 : index
    %get3A_132 = vector.load %arg1[%get3A_130, %get3A_131] : memref<8x16384xf32, #tpu.memory_space<vmem>>, vector<8x128xf32>
    %swap3A_133 = arith.constant 176 : index
    %swap3A_134 = arith.constant 0 : index
    %swap3A_135 = vector.load %arg3[%swap3A_133, %swap3A_134] : memref<1024x128xf32, #tpu.memory_space<vmem>>, vector<8x128xf32>
    tpu.vector_store %arg3[%swap3A_133, %swap3A_134], %get3A_132 {strides = array<i32>} : memref<1024x128xf32, #tpu.memory_space<vmem>>, vector<8x128xf32>,
    %get3A_136 = arith.constant 0 : index
    %get3A_137 = arith.constant 2944 : index
    %get3A_138 = vector.load %arg1[%get3A_136, %get3A_137] : memref<8x16384xf32, #tpu.memory_space<vmem>>, vector<8x128xf32>
    %swap3A_139 = arith.constant 184 : index
    %swap3A_140 = arith.constant 0 : index
    %swap3A_141 = vector.load %arg3[%swap3A_139, %swap3A_140] : memref<1024x128xf32, #tpu.memory_space<vmem>>, vector<8x128xf32>
    tpu.vector_store %arg3[%swap3A_139, %swap3A_140], %get3A_138 {strides = array<i32>} : memref<1024x128xf32, #tpu.memory_space<vmem>>, vector<8x128xf32>,
    %get3A_142 = arith.constant 0 : index
    %get3A_143 = arith.constant 3072 : index
    %get3A_144 = vector.load %arg1[%get3A_142, %get3A_143] : memref<8x16384xf32, #tpu.memory_space<vmem>>, vector<8x128xf32>
    %swap3A_145 = arith.constant 192 : index
    %swap3A_146 = arith.constant 0 : index
    %swap3A_147 = vector.load %arg3[%swap3A_145, %swap3A_146] : memref<1024x128xf32, #tpu.memory_space<vmem>>, vector<8x128xf32>
    tpu.vector_store %arg3[%swap3A_145, %swap3A_146], %get3A_144 {strides = array<i32>} : memref<1024x128xf32, #tpu.memory_space<vmem>>, vector<8x128xf32>,
    %get3A_148 = arith.constant 0 : index
    %get3A_149 = arith.constant 3200 : index
    %get3A_150 = vector.load %arg1[%get3A_148, %get3A_149] : memref<8x16384xf32, #tpu.memory_space<vmem>>, vector<8x128xf32>
    %swap3A_151 = arith.constant 200 : index
    %swap3A_152 = arith.constant 0 : index
    %swap3A_153 = vector.load %arg3[%swap3A_151, %swap3A_152] : memref<1024x128xf32, #tpu.memory_space<vmem>>, vector<8x128xf32>
    tpu.vector_store %arg3[%swap3A_151, %swap3A_152], %get3A_150 {strides = array<i32>} : memref<1024x128xf32, #tpu.memory_space<vmem>>, vector<8x128xf32>,
    %get3A_154 = arith.constant 0 : index
    %get3A_155 = arith.constant 3328 : index
    %get3A_156 = vector.load %arg1[%get3A_154, %get3A_155] : memref<8x16384xf32, #tpu.memory_space<vmem>>, vector<8x128xf32>
    %swap3A_157 = arith.constant 208 : index
    %swap3A_158 = arith.constant 0 : index
    %swap3A_159 = vector.load %arg3[%swap3A_157, %swap3A_158] : memref<1024x128xf32, #tpu.memory_space<vmem>>, vector<8x128xf32>
    tpu.vector_store %arg3[%swap3A_157, %swap3A_158], %get3A_156 {strides = array<i32>} : memref<1024x128xf32, #tpu.memory_space<vmem>>, vector<8x128xf32>,
    %get3A_160 = arith.constant 0 : index
    %get3A_161 = arith.constant 3456 : index
    %get3A_162 = vector.load %arg1[%get3A_160, %get3A_161] : memref<8x16384xf32, #tpu.memory_space<vmem>>, vector<8x128xf32>
    %swap3A_163 = arith.constant 216 : index
    %swap3A_164 = arith.constant 0 : index
    %swap3A_165 = vector.load %arg3[%swap3A_163, %swap3A_164] : memref<1024x128xf32, #tpu.memory_space<vmem>>, vector<8x128xf32>
    tpu.vector_store %arg3[%swap3A_163, %swap3A_164], %get3A_162 {strides = array<i32>} : memref<1024x128xf32, #tpu.memory_space<vmem>>, vector<8x128xf32>,
    %get3A_166 = arith.constant 0 : index
    %get3A_167 = arith.constant 3584 : index
    %get3A_168 = vector.load %arg1[%get3A_166, %get3A_167] : memref<8x16384xf32, #tpu.memory_space<vmem>>, vector<8x128xf32>
    %swap3A_169 = arith.constant 224 : index
    %swap3A_170 = arith.constant 0 : index
    %swap3A_171 = vector.load %arg3[%swap3A_169, %swap3A_170] : memref<1024x128xf32, #tpu.memory_space<vmem>>, vector<8x128xf32>
    tpu.vector_store %arg3[%swap3A_169, %swap3A_170], %get3A_168 {strides = array<i32>} : memref<1024x128xf32, #tpu.memory_space<vmem>>, vector<8x128xf32>,
    %get3A_172 = arith.constant 0 : index
    %get3A_173 = arith.constant 3712 : index
    %get3A_174 = vector.load %arg1[%get3A_172, %get3A_173] : memref<8x16384xf32, #tpu.memory_space<vmem>>, vector<8x128xf32>
    %swap3A_175 = arith.constant 232 : index
    %swap3A_176 = arith.constant 0 : index
    %swap3A_177 = vector.load %arg3[%swap3A_175, %swap3A_176] : memref<1024x128xf32, #tpu.memory_space<vmem>>, vector<8x128xf32>
    tpu.vector_store %arg3[%swap3A_175, %swap3A_176], %get3A_174 {strides = array<i32>} : memref<1024x128xf32, #tpu.memory_space<vmem>>, vector<8x128xf32>,
    %get3A_178 = arith.constant 0 : index
    %get3A_179 = arith.constant 3840 : index
    %get3A_180 = vector.load %arg1[%get3A_178, %get3A_179] : memref<8x16384xf32, #tpu.memory_space<vmem>>, vector<8x128xf32>
    %swap3A_181 = arith.constant 240 : index
    %swap3A_182 = arith.constant 0 : index
    %swap3A_183 = vector.load %arg3[%swap3A_181, %swap3A_182] : memref<1024x128xf32, #tpu.memory_space<vmem>>, vector<8x128xf32>
    tpu.vector_store %arg3[%swap3A_181, %swap3A_182], %get3A_180 {strides = array<i32>} : memref<1024x128xf32, #tpu.memory_space<vmem>>, vector<8x128xf32>,
    %get3A_184 = arith.constant 0 : index
    %get3A_185 = arith.constant 3968 : index
    %get3A_186 = vector.load %arg1[%get3A_184, %get3A_185] : memref<8x16384xf32, #tpu.memory_space<vmem>>, vector<8x128xf32>
    %swap3A_187 = arith.constant 248 : index
    %swap3A_188 = arith.constant 0 : index
    %swap3A_189 = vector.load %arg3[%swap3A_187, %swap3A_188] : memref<1024x128xf32, #tpu.memory_space<vmem>>, vector<8x128xf32>
    tpu.vector_store %arg3[%swap3A_187, %swap3A_188], %get3A_186 {strides = array<i32>} : memref<1024x128xf32, #tpu.memory_space<vmem>>, vector<8x128xf32>,
    %get3A_190 = arith.constant 0 : index
    %get3A_191 = arith.constant 4096 : index
    %get3A_192 = vector.load %arg1[%get3A_190, %get3A_191] : memref<8x16384xf32, #tpu.memory_space<vmem>>, vector<8x128xf32>
    %swap3A_193 = arith.constant 256 : index
    %swap3A_194 = arith.constant 0 : index
    %swap3A_195 = vector.load %arg3[%swap3A_193, %swap3A_194] : memref<1024x128xf32, #tpu.memory_space<vmem>>, vector<8x128xf32>
    tpu.vector_store %arg3[%swap3A_193, %swap3A_194], %get3A_192 {strides = array<i32>} : memref<1024x128xf32, #tpu.memory_space<vmem>>, vector<8x128xf32>,
    %get3A_196 = arith.constant 0 : index
    %get3A_197 = arith.constant 4224 : index
    %get3A_198 = vector.load %arg1[%get3A_196, %get3A_197] : memref<8x16384xf32, #tpu.memory_space<vmem>>, vector<8x128xf32>
    %swap3A_199 = arith.constant 264 : index
    %swap3A_200 = arith.constant 0 : index
    %swap3A_201 = vector.load %arg3[%swap3A_199, %swap3A_200] : memref<1024x128xf32, #tpu.memory_space<vmem>>, vector<8x128xf32>
    tpu.vector_store %arg3[%swap3A_199, %swap3A_200], %get3A_198 {strides = array<i32>} : memref<1024x128xf32, #tpu.memory_space<vmem>>, vector<8x128xf32>,
    %get3A_202 = arith.constant 0 : index
    %get3A_203 = arith.constant 4352 : index
    %get3A_204 = vector.load %arg1[%get3A_202, %get3A_203] : memref<8x16384xf32, #tpu.memory_space<vmem>>, vector<8x128xf32>
    %swap3A_205 = arith.constant 272 : index
    %swap3A_206 = arith.constant 0 : index
    %swap3A_207 = vector.load %arg3[%swap3A_205, %swap3A_206] : memref<1024x128xf32, #tpu.memory_space<vmem>>, vector<8x128xf32>
    tpu.vector_store %arg3[%swap3A_205, %swap3A_206], %get3A_204 {strides = array<i32>} : memref<1024x128xf32, #tpu.memory_space<vmem>>, vector<8x128xf32>,
    %get3A_208 = arith.constant 0 : index
    %get3A_209 = arith.constant 4480 : index
    %get3A_210 = vector.load %arg1[%get3A_208, %get3A_209] : memref<8x16384xf32, #tpu.memory_space<vmem>>, vector<8x128xf32>
    %swap3A_211 = arith.constant 280 : index
    %swap3A_212 = arith.constant 0 : index
    %swap3A_213 = vector.load %arg3[%swap3A_211, %swap3A_212] : memref<1024x128xf32, #tpu.memory_space<vmem>>, vector<8x128xf32>
    tpu.vector_store %arg3[%swap3A_211, %swap3A_212], %get3A_210 {strides = array<i32>} : memref<1024x128xf32, #tpu.memory_space<vmem>>, vector<8x128xf32>,
    %get3A_214 = arith.constant 0 : index
    %get3A_215 = arith.constant 4608 : index
    %get3A_216 = vector.load %arg1[%get3A_214, %get3A_215] : memref<8x16384xf32, #tpu.memory_space<vmem>>, vector<8x128xf32>
    %swap3A_217 = arith.constant 288 : index
    %swap3A_218 = arith.constant 0 : index
    %swap3A_219 = vector.load %arg3[%swap3A_217, %swap3A_218] : memref<1024x128xf32, #tpu.memory_space<vmem>>, vector<8x128xf32>
    tpu.vector_store %arg3[%swap3A_217, %swap3A_218], %get3A_216 {strides = array<i32>} : memref<1024x128xf32, #tpu.memory_space<vmem>>, vector<8x128xf32>,
    %get3A_220 = arith.constant 0 : index
    %get3A_221 = arith.constant 4736 : index
    %get3A_222 = vector.load %arg1[%get3A_220, %get3A_221] : memref<8x16384xf32, #tpu.memory_space<vmem>>, vector<8x128xf32>
    %swap3A_223 = arith.constant 296 : index
    %swap3A_224 = arith.constant 0 : index
    %swap3A_225 = vector.load %arg3[%swap3A_223, %swap3A_224] : memref<1024x128xf32, #tpu.memory_space<vmem>>, vector<8x128xf32>
    tpu.vector_store %arg3[%swap3A_223, %swap3A_224], %get3A_222 {strides = array<i32>} : memref<1024x128xf32, #tpu.memory_space<vmem>>, vector<8x128xf32>,
    %get3A_226 = arith.constant 0 : index
    %get3A_227 = arith.constant 4864 : index
    %get3A_228 = vector.load %arg1[%get3A_226, %get3A_227] : memref<8x16384xf32, #tpu.memory_space<vmem>>, vector<8x128xf32>
    %swap3A_229 = arith.constant 304 : index
    %swap3A_230 = arith.constant 0 : index
    %swap3A_231 = vector.load %arg3[%swap3A_229, %swap3A_230] : memref<1024x128xf32, #tpu.memory_space<vmem>>, vector<8x128xf32>
    tpu.vector_store %arg3[%swap3A_229, %swap3A_230], %get3A_228 {strides = array<i32>} : memref<1024x128xf32, #tpu.memory_space<vmem>>, vector<8x128xf32>,
    %get3A_232 = arith.constant 0 : index
    %get3A_233 = arith.constant 4992 : index
    %get3A_234 = vector.load %arg1[%get3A_232, %get3A_233] : memref<8x16384xf32, #tpu.memory_space<vmem>>, vector<8x128xf32>
    %swap3A_235 = arith.constant 312 : index
    %swap3A_236 = arith.constant 0 : index
    %swap3A_237 = vector.load %arg3[%swap3A_235, %swap3A_236] : memref<1024x128xf32, #tpu.memory_space<vmem>>, vector<8x128xf32>
    tpu.vector_store %arg3[%swap3A_235, %swap3A_236], %get3A_234 {strides = array<i32>} : memref<1024x128xf32, #tpu.memory_space<vmem>>, vector<8x128xf32>,
    %get3A_238 = arith.constant 0 : index
    %get3A_239 = arith.constant 5120 : index
    %get3A_240 = vector.load %arg1[%get3A_238, %get3A_239] : memref<8x16384xf32, #tpu.memory_space<vmem>>, vector<8x128xf32>
    %swap3A_241 = arith.constant 320 : index
    %swap3A_242 = arith.constant 0 : index
    %swap3A_243 = vector.load %arg3[%swap3A_241, %swap3A_242] : memref<1024x128xf32, #tpu.memory_space<vmem>>, vector<8x128xf32>
    tpu.vector_store %arg3[%swap3A_241, %swap3A_242], %get3A_240 {strides = array<i32>} : memref<1024x128xf32, #tpu.memory_space<vmem>>, vector<8x128xf32>,
    %get3A_244 = arith.constant 0 : index
    %get3A_245 = arith.constant 5248 : index
    %get3A_246 = vector.load %arg1[%get3A_244, %get3A_245] : memref<8x16384xf32, #tpu.memory_space<vmem>>, vector<8x128xf32>
    %swap3A_247 = arith.constant 328 : index
    %swap3A_248 = arith.constant 0 : index
    %swap3A_249 = vector.load %arg3[%swap3A_247, %swap3A_248] : memref<1024x128xf32, #tpu.memory_space<vmem>>, vector<8x128xf32>
    tpu.vector_store %arg3[%swap3A_247, %swap3A_248], %get3A_246 {strides = array<i32>} : memref<1024x128xf32, #tpu.memory_space<vmem>>, vector<8x128xf32>,
    %get3A_250 = arith.constant 0 : index
    %get3A_251 = arith.constant 5376 : index
    %get3A_252 = vector.load %arg1[%get3A_250, %get3A_251] : memref<8x16384xf32, #tpu.memory_space<vmem>>, vector<8x128xf32>
    %swap3A_253 = arith.constant 336 : index
    %swap3A_254 = arith.constant 0 : index
    %swap3A_255 = vector.load %arg3[%swap3A_253, %swap3A_254] : memref<1024x128xf32, #tpu.memory_space<vmem>>, vector<8x128xf32>
    tpu.vector_store %arg3[%swap3A_253, %swap3A_254], %get3A_252 {strides = array<i32>} : memref<1024x128xf32, #tpu.memory_space<vmem>>, vector<8x128xf32>,
    %get3A_256 = arith.constant 0 : index
    %get3A_257 = arith.constant 5504 : index
    %get3A_258 = vector.load %arg1[%get3A_256, %get3A_257] : memref<8x16384xf32, #tpu.memory_space<vmem>>, vector<8x128xf32>
    %swap3A_259 = arith.constant 344 : index
    %swap3A_260 = arith.constant 0 : index
    %swap3A_261 = vector.load %arg3[%swap3A_259, %swap3A_260] : memref<1024x128xf32, #tpu.memory_space<vmem>>, vector<8x128xf32>
    tpu.vector_store %arg3[%swap3A_259, %swap3A_260], %get3A_258 {strides = array<i32>} : memref<1024x128xf32, #tpu.memory_space<vmem>>, vector<8x128xf32>,
    %get3A_262 = arith.constant 0 : index
    %get3A_263 = arith.constant 5632 : index
    %get3A_264 = vector.load %arg1[%get3A_262, %get3A_263] : memref<8x16384xf32, #tpu.memory_space<vmem>>, vector<8x128xf32>
    %swap3A_265 = arith.constant 352 : index
    %swap3A_266 = arith.constant 0 : index
    %swap3A_267 = vector.load %arg3[%swap3A_265, %swap3A_266] : memref<1024x128xf32, #tpu.memory_space<vmem>>, vector<8x128xf32>
    tpu.vector_store %arg3[%swap3A_265, %swap3A_266], %get3A_264 {strides = array<i32>} : memref<1024x128xf32, #tpu.memory_space<vmem>>, vector<8x128xf32>,
    %get3A_268 = arith.constant 0 : index
    %get3A_269 = arith.constant 5760 : index
    %get3A_270 = vector.load %arg1[%get3A_268, %get3A_269] : memref<8x16384xf32, #tpu.memory_space<vmem>>, vector<8x128xf32>
    %swap3A_271 = arith.constant 360 : index
    %swap3A_272 = arith.constant 0 : index
    %swap3A_273 = vector.load %arg3[%swap3A_271, %swap3A_272] : memref<1024x128xf32, #tpu.memory_space<vmem>>, vector<8x128xf32>
    tpu.vector_store %arg3[%swap3A_271, %swap3A_272], %get3A_270 {strides = array<i32>} : memref<1024x128xf32, #tpu.memory_space<vmem>>, vector<8x128xf32>,
    %get3A_274 = arith.constant 0 : index
    %get3A_275 = arith.constant 5888 : index
    %get3A_276 = vector.load %arg1[%get3A_274, %get3A_275] : memref<8x16384xf32, #tpu.memory_space<vmem>>, vector<8x128xf32>
    %swap3A_277 = arith.constant 368 : index
    %swap3A_278 = arith.constant 0 : index
    %swap3A_279 = vector.load %arg3[%swap3A_277, %swap3A_278] : memref<1024x128xf32, #tpu.memory_space<vmem>>, vector<8x128xf32>
    tpu.vector_store %arg3[%swap3A_277, %swap3A_278], %get3A_276 {strides = array<i32>} : memref<1024x128xf32, #tpu.memory_space<vmem>>, vector<8x128xf32>,
    %get3A_280 = arith.constant 0 : index
    %get3A_281 = arith.constant 6016 : index
    %get3A_282 = vector.load %arg1[%get3A_280, %get3A_281] : memref<8x16384xf32, #tpu.memory_space<vmem>>, vector<8x128xf32>
    %swap3A_283 = arith.constant 376 : index
    %swap3A_284 = arith.constant 0 : index
    %swap3A_285 = vector.load %arg3[%swap3A_283, %swap3A_284] : memref<1024x128xf32, #tpu.memory_space<vmem>>, vector<8x128xf32>
    tpu.vector_store %arg3[%swap3A_283, %swap3A_284], %get3A_282 {strides = array<i32>} : memref<1024x128xf32, #tpu.memory_space<vmem>>, vector<8x128xf32>,
    %get3A_286 = arith.constant 0 : index
    %get3A_287 = arith.constant 6144 : index
    %get3A_288 = vector.load %arg1[%get3A_286, %get3A_287] : memref<8x16384xf32, #tpu.memory_space<vmem>>, vector<8x128xf32>
    %swap3A_289 = arith.constant 384 : index
    %swap3A_290 = arith.constant 0 : index
    %swap3A_291 = vector.load %arg3[%swap3A_289, %swap3A_290] : memref<1024x128xf32, #tpu.memory_space<vmem>>, vector<8x128xf32>
    tpu.vector_store %arg3[%swap3A_289, %swap3A_290], %get3A_288 {strides = array<i32>} : memref<1024x128xf32, #tpu.memory_space<vmem>>, vector<8x128xf32>,
    %get3A_292 = arith.constant 0 : index
    %get3A_293 = arith.constant 6272 : index
    %get3A_294 = vector.load %arg1[%get3A_292, %get3A_293] : memref<8x16384xf32, #tpu.memory_space<vmem>>, vector<8x128xf32>
    %swap3A_295 = arith.constant 392 : index
    %swap3A_296 = arith.constant 0 : index
    %swap3A_297 = vector.load %arg3[%swap3A_295, %swap3A_296] : memref<1024x128xf32, #tpu.memory_space<vmem>>, vector<8x128xf32>
    tpu.vector_store %arg3[%swap3A_295, %swap3A_296], %get3A_294 {strides = array<i32>} : memref<1024x128xf32, #tpu.memory_space<vmem>>, vector<8x128xf32>,
    %get3A_298 = arith.constant 0 : index
    %get3A_299 = arith.constant 6400 : index
    %get3A_300 = vector.load %arg1[%get3A_298, %get3A_299] : memref<8x16384xf32, #tpu.memory_space<vmem>>, vector<8x128xf32>
    %swap3A_301 = arith.constant 400 : index
    %swap3A_302 = arith.constant 0 : index
    %swap3A_303 = vector.load %arg3[%swap3A_301, %swap3A_302] : memref<1024x128xf32, #tpu.memory_space<vmem>>, vector<8x128xf32>
    tpu.vector_store %arg3[%swap3A_301, %swap3A_302], %get3A_300 {strides = array<i32>} : memref<1024x128xf32, #tpu.memory_space<vmem>>, vector<8x128xf32>,
    %get3A_304 = arith.constant 0 : index
    %get3A_305 = arith.constant 6528 : index
    %get3A_306 = vector.load %arg1[%get3A_304, %get3A_305] : memref<8x16384xf32, #tpu.memory_space<vmem>>, vector<8x128xf32>
    %swap3A_307 = arith.constant 408 : index
    %swap3A_308 = arith.constant 0 : index
    %swap3A_309 = vector.load %arg3[%swap3A_307, %swap3A_308] : memref<1024x128xf32, #tpu.memory_space<vmem>>, vector<8x128xf32>
    tpu.vector_store %arg3[%swap3A_307, %swap3A_308], %get3A_306 {strides = array<i32>} : memref<1024x128xf32, #tpu.memory_space<vmem>>, vector<8x128xf32>,
    %get3A_310 = arith.constant 0 : index
    %get3A_311 = arith.constant 6656 : index
    %get3A_312 = vector.load %arg1[%get3A_310, %get3A_311] : memref<8x16384xf32, #tpu.memory_space<vmem>>, vector<8x128xf32>
    %swap3A_313 = arith.constant 416 : index
    %swap3A_314 = arith.constant 0 : index
    %swap3A_315 = vector.load %arg3[%swap3A_313, %swap3A_314] : memref<1024x128xf32, #tpu.memory_space<vmem>>, vector<8x128xf32>
    tpu.vector_store %arg3[%swap3A_313, %swap3A_314], %get3A_312 {strides = array<i32>} : memref<1024x128xf32, #tpu.memory_space<vmem>>, vector<8x128xf32>,
    %get3A_316 = arith.constant 0 : index
    %get3A_317 = arith.constant 6784 : index
    %get3A_318 = vector.load %arg1[%get3A_316, %get3A_317] : memref<8x16384xf32, #tpu.memory_space<vmem>>, vector<8x128xf32>
    %swap3A_319 = arith.constant 424 : index
    %swap3A_320 = arith.constant 0 : index
    %swap3A_321 = vector.load %arg3[%swap3A_319, %swap3A_320] : memref<1024x128xf32, #tpu.memory_space<vmem>>, vector<8x128xf32>
    tpu.vector_store %arg3[%swap3A_319, %swap3A_320], %get3A_318 {strides = array<i32>} : memref<1024x128xf32, #tpu.memory_space<vmem>>, vector<8x128xf32>,
    %get3A_322 = arith.constant 0 : index
    %get3A_323 = arith.constant 6912 : index
    %get3A_324 = vector.load %arg1[%get3A_322, %get3A_323] : memref<8x16384xf32, #tpu.memory_space<vmem>>, vector<8x128xf32>
    %swap3A_325 = arith.constant 432 : index
    %swap3A_326 = arith.constant 0 : index
    %swap3A_327 = vector.load %arg3[%swap3A_325, %swap3A_326] : memref<1024x128xf32, #tpu.memory_space<vmem>>, vector<8x128xf32>
    tpu.vector_store %arg3[%swap3A_325, %swap3A_326], %get3A_324 {strides = array<i32>} : memref<1024x128xf32, #tpu.memory_space<vmem>>, vector<8x128xf32>,
    %get3A_328 = arith.constant 0 : index
    %get3A_329 = arith.constant 7040 : index
    %get3A_330 = vector.load %arg1[%get3A_328, %get3A_329] : memref<8x16384xf32, #tpu.memory_space<vmem>>, vector<8x128xf32>
    %swap3A_331 = arith.constant 440 : index
    %swap3A_332 = arith.constant 0 : index
    %swap3A_333 = vector.load %arg3[%swap3A_331, %swap3A_332] : memref<1024x128xf32, #tpu.memory_space<vmem>>, vector<8x128xf32>
    tpu.vector_store %arg3[%swap3A_331, %swap3A_332], %get3A_330 {strides = array<i32>} : memref<1024x128xf32, #tpu.memory_space<vmem>>, vector<8x128xf32>,
    %get3A_334 = arith.constant 0 : index
    %get3A_335 = arith.constant 7168 : index
    %get3A_336 = vector.load %arg1[%get3A_334, %get3A_335] : memref<8x16384xf32, #tpu.memory_space<vmem>>, vector<8x128xf32>
    %swap3A_337 = arith.constant 448 : index
    %swap3A_338 = arith.constant 0 : index
    %swap3A_339 = vector.load %arg3[%swap3A_337, %swap3A_338] : memref<1024x128xf32, #tpu.memory_space<vmem>>, vector<8x128xf32>
    tpu.vector_store %arg3[%swap3A_337, %swap3A_338], %get3A_336 {strides = array<i32>} : memref<1024x128xf32, #tpu.memory_space<vmem>>, vector<8x128xf32>,
    %get3A_340 = arith.constant 0 : index
    %get3A_341 = arith.constant 7296 : index
    %get3A_342 = vector.load %arg1[%get3A_340, %get3A_341] : memref<8x16384xf32, #tpu.memory_space<vmem>>, vector<8x128xf32>
    %swap3A_343 = arith.constant 456 : index
    %swap3A_344 = arith.constant 0 : index
    %swap3A_345 = vector.load %arg3[%swap3A_343, %swap3A_344] : memref<1024x128xf32, #tpu.memory_space<vmem>>, vector<8x128xf32>
    tpu.vector_store %arg3[%swap3A_343, %swap3A_344], %get3A_342 {strides = array<i32>} : memref<1024x128xf32, #tpu.memory_space<vmem>>, vector<8x128xf32>,
    %get3A_346 = arith.constant 0 : index
    %get3A_347 = arith.constant 7424 : index
    %get3A_348 = vector.load %arg1[%get3A_346, %get3A_347] : memref<8x16384xf32, #tpu.memory_space<vmem>>, vector<8x128xf32>
    %swap3A_349 = arith.constant 464 : index
    %swap3A_350 = arith.constant 0 : index
    %swap3A_351 = vector.load %arg3[%swap3A_349, %swap3A_350] : memref<1024x128xf32, #tpu.memory_space<vmem>>, vector<8x128xf32>
    tpu.vector_store %arg3[%swap3A_349, %swap3A_350], %get3A_348 {strides = array<i32>} : memref<1024x128xf32, #tpu.memory_space<vmem>>, vector<8x128xf32>,
    %get3A_352 = arith.constant 0 : index
    %get3A_353 = arith.constant 7552 : index
    %get3A_354 = vector.load %arg1[%get3A_352, %get3A_353] : memref<8x16384xf32, #tpu.memory_space<vmem>>, vector<8x128xf32>
    %swap3A_355 = arith.constant 472 : index
    %swap3A_356 = arith.constant 0 : index
    %swap3A_357 = vector.load %arg3[%swap3A_355, %swap3A_356] : memref<1024x128xf32, #tpu.memory_space<vmem>>, vector<8x128xf32>
    tpu.vector_store %arg3[%swap3A_355, %swap3A_356], %get3A_354 {strides = array<i32>} : memref<1024x128xf32, #tpu.memory_space<vmem>>, vector<8x128xf32>,
    %get3A_358 = arith.constant 0 : index
    %get3A_359 = arith.constant 7680 : index
    %get3A_360 = vector.load %arg1[%get3A_358, %get3A_359] : memref<8x16384xf32, #tpu.memory_space<vmem>>, vector<8x128xf32>
    %swap3A_361 = arith.constant 480 : index
    %swap3A_362 = arith.constant 0 : index
    %swap3A_363 = vector.load %arg3[%swap3A_361, %swap3A_362] : memref<1024x128xf32, #tpu.memory_space<vmem>>, vector<8x128xf32>
    tpu.vector_store %arg3[%swap3A_361, %swap3A_362], %get3A_360 {strides = array<i32>} : memref<1024x128xf32, #tpu.memory_space<vmem>>, vector<8x128xf32>,
    %get3A_364 = arith.constant 0 : index
    %get3A_365 = arith.constant 7808 : index
    %get3A_366 = vector.load %arg1[%get3A_364, %get3A_365] : memref<8x16384xf32, #tpu.memory_space<vmem>>, vector<8x128xf32>
    %swap3A_367 = arith.constant 488 : index
    %swap3A_368 = arith.constant 0 : index
    %swap3A_369 = vector.load %arg3[%swap3A_367, %swap3A_368] : memref<1024x128xf32, #tpu.memory_space<vmem>>, vector<8x128xf32>
    tpu.vector_store %arg3[%swap3A_367, %swap3A_368], %get3A_366 {strides = array<i32>} : memref<1024x128xf32, #tpu.memory_space<vmem>>, vector<8x128xf32>,
    %get3A_370 = arith.constant 0 : index
    %get3A_371 = arith.constant 7936 : index
    %get3A_372 = vector.load %arg1[%get3A_370, %get3A_371] : memref<8x16384xf32, #tpu.memory_space<vmem>>, vector<8x128xf32>
    %swap3A_373 = arith.constant 496 : index
    %swap3A_374 = arith.constant 0 : index
    %swap3A_375 = vector.load %arg3[%swap3A_373, %swap3A_374] : memref<1024x128xf32, #tpu.memory_space<vmem>>, vector<8x128xf32>
    tpu.vector_store %arg3[%swap3A_373, %swap3A_374], %get3A_372 {strides = array<i32>} : memref<1024x128xf32, #tpu.memory_space<vmem>>, vector<8x128xf32>,
    %get3A_376 = arith.constant 0 : index
    %get3A_377 = arith.constant 8064 : index
    %get3A_378 = vector.load %arg1[%get3A_376, %get3A_377] : memref<8x16384xf32, #tpu.memory_space<vmem>>, vector<8x128xf32>
    %swap3A_379 = arith.constant 504 : index
    %swap3A_380 = arith.constant 0 : index
    %swap3A_381 = vector.load %arg3[%swap3A_379, %swap3A_380] : memref<1024x128xf32, #tpu.memory_space<vmem>>, vector<8x128xf32>
    tpu.vector_store %arg3[%swap3A_379, %swap3A_380], %get3A_378 {strides = array<i32>} : memref<1024x128xf32, #tpu.memory_space<vmem>>, vector<8x128xf32>,
    %get3A_382 = arith.constant 0 : index
    %get3A_383 = arith.constant 8192 : index
    %get3A_384 = vector.load %arg1[%get3A_382, %get3A_383] : memref<8x16384xf32, #tpu.memory_space<vmem>>, vector<8x128xf32>
    %swap3A_385 = arith.constant 512 : index
    %swap3A_386 = arith.constant 0 : index
    %swap3A_387 = vector.load %arg3[%swap3A_385, %swap3A_386] : memref<1024x128xf32, #tpu.memory_space<vmem>>, vector<8x128xf32>
    tpu.vector_store %arg3[%swap3A_385, %swap3A_386], %get3A_384 {strides = array<i32>} : memref<1024x128xf32, #tpu.memory_space<vmem>>, vector<8x128xf32>,
    %get3A_388 = arith.constant 0 : index
    %get3A_389 = arith.constant 8320 : index
    %get3A_390 = vector.load %arg1[%get3A_388, %get3A_389] : memref<8x16384xf32, #tpu.memory_space<vmem>>, vector<8x128xf32>
    %swap3A_391 = arith.constant 520 : index
    %swap3A_392 = arith.constant 0 : index
    %swap3A_393 = vector.load %arg3[%swap3A_391, %swap3A_392] : memref<1024x128xf32, #tpu.memory_space<vmem>>, vector<8x128xf32>
    tpu.vector_store %arg3[%swap3A_391, %swap3A_392], %get3A_390 {strides = array<i32>} : memref<1024x128xf32, #tpu.memory_space<vmem>>, vector<8x128xf32>,
    %get3A_394 = arith.constant 0 : index
    %get3A_395 = arith.constant 8448 : index
    %get3A_396 = vector.load %arg1[%get3A_394, %get3A_395] : memref<8x16384xf32, #tpu.memory_space<vmem>>, vector<8x128xf32>
    %swap3A_397 = arith.constant 528 : index
    %swap3A_398 = arith.constant 0 : index
    %swap3A_399 = vector.load %arg3[%swap3A_397, %swap3A_398] : memref<1024x128xf32, #tpu.memory_space<vmem>>, vector<8x128xf32>
    tpu.vector_store %arg3[%swap3A_397, %swap3A_398], %get3A_396 {strides = array<i32>} : memref<1024x128xf32, #tpu.memory_space<vmem>>, vector<8x128xf32>,
    %get3A_400 = arith.constant 0 : index
    %get3A_401 = arith.constant 8576 : index
    %get3A_402 = vector.load %arg1[%get3A_400, %get3A_401] : memref<8x16384xf32, #tpu.memory_space<vmem>>, vector<8x128xf32>
    %swap3A_403 = arith.constant 536 : index
    %swap3A_404 = arith.constant 0 : index
    %swap3A_405 = vector.load %arg3[%swap3A_403, %swap3A_404] : memref<1024x128xf32, #tpu.memory_space<vmem>>, vector<8x128xf32>
    tpu.vector_store %arg3[%swap3A_403, %swap3A_404], %get3A_402 {strides = array<i32>} : memref<1024x128xf32, #tpu.memory_space<vmem>>, vector<8x128xf32>,
    %get3A_406 = arith.constant 0 : index
    %get3A_407 = arith.constant 8704 : index
    %get3A_408 = vector.load %arg1[%get3A_406, %get3A_407] : memref<8x16384xf32, #tpu.memory_space<vmem>>, vector<8x128xf32>
    %swap3A_409 = arith.constant 544 : index
    %swap3A_410 = arith.constant 0 : index
    %swap3A_411 = vector.load %arg3[%swap3A_409, %swap3A_410] : memref<1024x128xf32, #tpu.memory_space<vmem>>, vector<8x128xf32>
    tpu.vector_store %arg3[%swap3A_409, %swap3A_410], %get3A_408 {strides = array<i32>} : memref<1024x128xf32, #tpu.memory_space<vmem>>, vector<8x128xf32>,
    %get3A_412 = arith.constant 0 : index
    %get3A_413 = arith.constant 8832 : index
    %get3A_414 = vector.load %arg1[%get3A_412, %get3A_413] : memref<8x16384xf32, #tpu.memory_space<vmem>>, vector<8x128xf32>
    %swap3A_415 = arith.constant 552 : index
    %swap3A_416 = arith.constant 0 : index
    %swap3A_417 = vector.load %arg3[%swap3A_415, %swap3A_416] : memref<1024x128xf32, #tpu.memory_space<vmem>>, vector<8x128xf32>
    tpu.vector_store %arg3[%swap3A_415, %swap3A_416], %get3A_414 {strides = array<i32>} : memref<1024x128xf32, #tpu.memory_space<vmem>>, vector<8x128xf32>,
    %get3A_418 = arith.constant 0 : index
    %get3A_419 = arith.constant 8960 : index
    %get3A_420 = vector.load %arg1[%get3A_418, %get3A_419] : memref<8x16384xf32, #tpu.memory_space<vmem>>, vector<8x128xf32>
    %swap3A_421 = arith.constant 560 : index
    %swap3A_422 = arith.constant 0 : index
    %swap3A_423 = vector.load %arg3[%swap3A_421, %swap3A_422] : memref<1024x128xf32, #tpu.memory_space<vmem>>, vector<8x128xf32>
    tpu.vector_store %arg3[%swap3A_421, %swap3A_422], %get3A_420 {strides = array<i32>} : memref<1024x128xf32, #tpu.memory_space<vmem>>, vector<8x128xf32>,
    %get3A_424 = arith.constant 0 : index
    %get3A_425 = arith.constant 9088 : index
    %get3A_426 = vector.load %arg1[%get3A_424, %get3A_425] : memref<8x16384xf32, #tpu.memory_space<vmem>>, vector<8x128xf32>
    %swap3A_427 = arith.constant 568 : index
    %swap3A_428 = arith.constant 0 : index
    %swap3A_429 = vector.load %arg3[%swap3A_427, %swap3A_428] : memref<1024x128xf32, #tpu.memory_space<vmem>>, vector<8x128xf32>
    tpu.vector_store %arg3[%swap3A_427, %swap3A_428], %get3A_426 {strides = array<i32>} : memref<1024x128xf32, #tpu.memory_space<vmem>>, vector<8x128xf32>,
    %get3A_430 = arith.constant 0 : index
    %get3A_431 = arith.constant 9216 : index
    %get3A_432 = vector.load %arg1[%get3A_430, %get3A_431] : memref<8x16384xf32, #tpu.memory_space<vmem>>, vector<8x128xf32>
    %swap3A_433 = arith.constant 576 : index
    %swap3A_434 = arith.constant 0 : index
    %swap3A_435 = vector.load %arg3[%swap3A_433, %swap3A_434] : memref<1024x128xf32, #tpu.memory_space<vmem>>, vector<8x128xf32>
    tpu.vector_store %arg3[%swap3A_433, %swap3A_434], %get3A_432 {strides = array<i32>} : memref<1024x128xf32, #tpu.memory_space<vmem>>, vector<8x128xf32>,
    %get3A_436 = arith.constant 0 : index
    %get3A_437 = arith.constant 9344 : index
    %get3A_438 = vector.load %arg1[%get3A_436, %get3A_437] : memref<8x16384xf32, #tpu.memory_space<vmem>>, vector<8x128xf32>
    %swap3A_439 = arith.constant 584 : index
    %swap3A_440 = arith.constant 0 : index
    %swap3A_441 = vector.load %arg3[%swap3A_439, %swap3A_440] : memref<1024x128xf32, #tpu.memory_space<vmem>>, vector<8x128xf32>
    tpu.vector_store %arg3[%swap3A_439, %swap3A_440], %get3A_438 {strides = array<i32>} : memref<1024x128xf32, #tpu.memory_space<vmem>>, vector<8x128xf32>,
    %get3A_442 = arith.constant 0 : index
    %get3A_443 = arith.constant 9472 : index
    %get3A_444 = vector.load %arg1[%get3A_442, %get3A_443] : memref<8x16384xf32, #tpu.memory_space<vmem>>, vector<8x128xf32>
    %swap3A_445 = arith.constant 592 : index
    %swap3A_446 = arith.constant 0 : index
    %swap3A_447 = vector.load %arg3[%swap3A_445, %swap3A_446] : memref<1024x128xf32, #tpu.memory_space<vmem>>, vector<8x128xf32>
    tpu.vector_store %arg3[%swap3A_445, %swap3A_446], %get3A_444 {strides = array<i32>} : memref<1024x128xf32, #tpu.memory_space<vmem>>, vector<8x128xf32>,
    %get3A_448 = arith.constant 0 : index
    %get3A_449 = arith.constant 9600 : index
    %get3A_450 = vector.load %arg1[%get3A_448, %get3A_449] : memref<8x16384xf32, #tpu.memory_space<vmem>>, vector<8x128xf32>
    %swap3A_451 = arith.constant 600 : index
    %swap3A_452 = arith.constant 0 : index
    %swap3A_453 = vector.load %arg3[%swap3A_451, %swap3A_452] : memref<1024x128xf32, #tpu.memory_space<vmem>>, vector<8x128xf32>
    tpu.vector_store %arg3[%swap3A_451, %swap3A_452], %get3A_450 {strides = array<i32>} : memref<1024x128xf32, #tpu.memory_space<vmem>>, vector<8x128xf32>,
    %get3A_454 = arith.constant 0 : index
    %get3A_455 = arith.constant 9728 : index
    %get3A_456 = vector.load %arg1[%get3A_454, %get3A_455] : memref<8x16384xf32, #tpu.memory_space<vmem>>, vector<8x128xf32>
    %swap3A_457 = arith.constant 608 : index
    %swap3A_458 = arith.constant 0 : index
    %swap3A_459 = vector.load %arg3[%swap3A_457, %swap3A_458] : memref<1024x128xf32, #tpu.memory_space<vmem>>, vector<8x128xf32>
    tpu.vector_store %arg3[%swap3A_457, %swap3A_458], %get3A_456 {strides = array<i32>} : memref<1024x128xf32, #tpu.memory_space<vmem>>, vector<8x128xf32>,
    %get3A_460 = arith.constant 0 : index
    %get3A_461 = arith.constant 9856 : index
    %get3A_462 = vector.load %arg1[%get3A_460, %get3A_461] : memref<8x16384xf32, #tpu.memory_space<vmem>>, vector<8x128xf32>
    %swap3A_463 = arith.constant 616 : index
    %swap3A_464 = arith.constant 0 : index
    %swap3A_465 = vector.load %arg3[%swap3A_463, %swap3A_464] : memref<1024x128xf32, #tpu.memory_space<vmem>>, vector<8x128xf32>
    tpu.vector_store %arg3[%swap3A_463, %swap3A_464], %get3A_462 {strides = array<i32>} : memref<1024x128xf32, #tpu.memory_space<vmem>>, vector<8x128xf32>,
    %get3A_466 = arith.constant 0 : index
    %get3A_467 = arith.constant 9984 : index
    %get3A_468 = vector.load %arg1[%get3A_466, %get3A_467] : memref<8x16384xf32, #tpu.memory_space<vmem>>, vector<8x128xf32>
    %swap3A_469 = arith.constant 624 : index
    %swap3A_470 = arith.constant 0 : index
    %swap3A_471 = vector.load %arg3[%swap3A_469, %swap3A_470] : memref<1024x128xf32, #tpu.memory_space<vmem>>, vector<8x128xf32>
    tpu.vector_store %arg3[%swap3A_469, %swap3A_470], %get3A_468 {strides = array<i32>} : memref<1024x128xf32, #tpu.memory_space<vmem>>, vector<8x128xf32>,
    %get3A_472 = arith.constant 0 : index
    %get3A_473 = arith.constant 10112 : index
    %get3A_474 = vector.load %arg1[%get3A_472, %get3A_473] : memref<8x16384xf32, #tpu.memory_space<vmem>>, vector<8x128xf32>
    %swap3A_475 = arith.constant 632 : index
    %swap3A_476 = arith.constant 0 : index
    %swap3A_477 = vector.load %arg3[%swap3A_475, %swap3A_476] : memref<1024x128xf32, #tpu.memory_space<vmem>>, vector<8x128xf32>
    tpu.vector_store %arg3[%swap3A_475, %swap3A_476], %get3A_474 {strides = array<i32>} : memref<1024x128xf32, #tpu.memory_space<vmem>>, vector<8x128xf32>,
    %get3A_478 = arith.constant 0 : index
    %get3A_479 = arith.constant 10240 : index
    %get3A_480 = vector.load %arg1[%get3A_478, %get3A_479] : memref<8x16384xf32, #tpu.memory_space<vmem>>, vector<8x128xf32>
    %swap3A_481 = arith.constant 640 : index
    %swap3A_482 = arith.constant 0 : index
    %swap3A_483 = vector.load %arg3[%swap3A_481, %swap3A_482] : memref<1024x128xf32, #tpu.memory_space<vmem>>, vector<8x128xf32>
    tpu.vector_store %arg3[%swap3A_481, %swap3A_482], %get3A_480 {strides = array<i32>} : memref<1024x128xf32, #tpu.memory_space<vmem>>, vector<8x128xf32>,
    %get3A_484 = arith.constant 0 : index
    %get3A_485 = arith.constant 10368 : index
    %get3A_486 = vector.load %arg1[%get3A_484, %get3A_485] : memref<8x16384xf32, #tpu.memory_space<vmem>>, vector<8x128xf32>
    %swap3A_487 = arith.constant 648 : index
    %swap3A_488 = arith.constant 0 : index
    %swap3A_489 = vector.load %arg3[%swap3A_487, %swap3A_488] : memref<1024x128xf32, #tpu.memory_space<vmem>>, vector<8x128xf32>
    tpu.vector_store %arg3[%swap3A_487, %swap3A_488], %get3A_486 {strides = array<i32>} : memref<1024x128xf32, #tpu.memory_space<vmem>>, vector<8x128xf32>,
    %get3A_490 = arith.constant 0 : index
    %get3A_491 = arith.constant 10496 : index
    %get3A_492 = vector.load %arg1[%get3A_490, %get3A_491] : memref<8x16384xf32, #tpu.memory_space<vmem>>, vector<8x128xf32>
    %swap3A_493 = arith.constant 656 : index
    %swap3A_494 = arith.constant 0 : index
    %swap3A_495 = vector.load %arg3[%swap3A_493, %swap3A_494] : memref<1024x128xf32, #tpu.memory_space<vmem>>, vector<8x128xf32>
    tpu.vector_store %arg3[%swap3A_493, %swap3A_494], %get3A_492 {strides = array<i32>} : memref<1024x128xf32, #tpu.memory_space<vmem>>, vector<8x128xf32>,
    %get3A_496 = arith.constant 0 : index
    %get3A_497 = arith.constant 10624 : index
    %get3A_498 = vector.load %arg1[%get3A_496, %get3A_497] : memref<8x16384xf32, #tpu.memory_space<vmem>>, vector<8x128xf32>
    %swap3A_499 = arith.constant 664 : index
    %swap3A_500 = arith.constant 0 : index
    %swap3A_501 = vector.load %arg3[%swap3A_499, %swap3A_500] : memref<1024x128xf32, #tpu.memory_space<vmem>>, vector<8x128xf32>
    tpu.vector_store %arg3[%swap3A_499, %swap3A_500], %get3A_498 {strides = array<i32>} : memref<1024x128xf32, #tpu.memory_space<vmem>>, vector<8x128xf32>,
    %get3A_502 = arith.constant 0 : index
    %get3A_503 = arith.constant 10752 : index
    %get3A_504 = vector.load %arg1[%get3A_502, %get3A_503] : memref<8x16384xf32, #tpu.memory_space<vmem>>, vector<8x128xf32>
    %swap3A_505 = arith.constant 672 : index
    %swap3A_506 = arith.constant 0 : index
    %swap3A_507 = vector.load %arg3[%swap3A_505, %swap3A_506] : memref<1024x128xf32, #tpu.memory_space<vmem>>, vector<8x128xf32>
    tpu.vector_store %arg3[%swap3A_505, %swap3A_506], %get3A_504 {strides = array<i32>} : memref<1024x128xf32, #tpu.memory_space<vmem>>, vector<8x128xf32>,
    %get3A_508 = arith.constant 0 : index
    %get3A_509 = arith.constant 10880 : index
    %get3A_510 = vector.load %arg1[%get3A_508, %get3A_509] : memref<8x16384xf32, #tpu.memory_space<vmem>>, vector<8x128xf32>
    %swap3A_511 = arith.constant 680 : index
    %swap3A_512 = arith.constant 0 : index
    %swap3A_513 = vector.load %arg3[%swap3A_511, %swap3A_512] : memref<1024x128xf32, #tpu.memory_space<vmem>>, vector<8x128xf32>
    tpu.vector_store %arg3[%swap3A_511, %swap3A_512], %get3A_510 {strides = array<i32>} : memref<1024x128xf32, #tpu.memory_space<vmem>>, vector<8x128xf32>,
    %get3A_514 = arith.constant 0 : index
    %get3A_515 = arith.constant 11008 : index
    %get3A_516 = vector.load %arg1[%get3A_514, %get3A_515] : memref<8x16384xf32, #tpu.memory_space<vmem>>, vector<8x128xf32>
    %swap3A_517 = arith.constant 688 : index
    %swap3A_518 = arith.constant 0 : index
    %swap3A_519 = vector.load %arg3[%swap3A_517, %swap3A_518] : memref<1024x128xf32, #tpu.memory_space<vmem>>, vector<8x128xf32>
    tpu.vector_store %arg3[%swap3A_517, %swap3A_518], %get3A_516 {strides = array<i32>} : memref<1024x128xf32, #tpu.memory_space<vmem>>, vector<8x128xf32>,
    %get3A_520 = arith.constant 0 : index
    %get3A_521 = arith.constant 11136 : index
    %get3A_522 = vector.load %arg1[%get3A_520, %get3A_521] : memref<8x16384xf32, #tpu.memory_space<vmem>>, vector<8x128xf32>
    %swap3A_523 = arith.constant 696 : index
    %swap3A_524 = arith.constant 0 : index
    %swap3A_525 = vector.load %arg3[%swap3A_523, %swap3A_524] : memref<1024x128xf32, #tpu.memory_space<vmem>>, vector<8x128xf32>
    tpu.vector_store %arg3[%swap3A_523, %swap3A_524], %get3A_522 {strides = array<i32>} : memref<1024x128xf32, #tpu.memory_space<vmem>>, vector<8x128xf32>,
    %get3A_526 = arith.constant 0 : index
    %get3A_527 = arith.constant 11264 : index
    %get3A_528 = vector.load %arg1[%get3A_526, %get3A_527] : memref<8x16384xf32, #tpu.memory_space<vmem>>, vector<8x128xf32>
    %swap3A_529 = arith.constant 704 : index
    %swap3A_530 = arith.constant 0 : index
    %swap3A_531 = vector.load %arg3[%swap3A_529, %swap3A_530] : memref<1024x128xf32, #tpu.memory_space<vmem>>, vector<8x128xf32>
    tpu.vector_store %arg3[%swap3A_529, %swap3A_530], %get3A_528 {strides = array<i32>} : memref<1024x128xf32, #tpu.memory_space<vmem>>, vector<8x128xf32>,
    %get3A_532 = arith.constant 0 : index
    %get3A_533 = arith.constant 11392 : index
    %get3A_534 = vector.load %arg1[%get3A_532, %get3A_533] : memref<8x16384xf32, #tpu.memory_space<vmem>>, vector<8x128xf32>
    %swap3A_535 = arith.constant 712 : index
    %swap3A_536 = arith.constant 0 : index
    %swap3A_537 = vector.load %arg3[%swap3A_535, %swap3A_536] : memref<1024x128xf32, #tpu.memory_space<vmem>>, vector<8x128xf32>
    tpu.vector_store %arg3[%swap3A_535, %swap3A_536], %get3A_534 {strides = array<i32>} : memref<1024x128xf32, #tpu.memory_space<vmem>>, vector<8x128xf32>,
    %get3A_538 = arith.constant 0 : index
    %get3A_539 = arith.constant 11520 : index
    %get3A_540 = vector.load %arg1[%get3A_538, %get3A_539] : memref<8x16384xf32, #tpu.memory_space<vmem>>, vector<8x128xf32>
    %swap3A_541 = arith.constant 720 : index
    %swap3A_542 = arith.constant 0 : index
    %swap3A_543 = vector.load %arg3[%swap3A_541, %swap3A_542] : memref<1024x128xf32, #tpu.memory_space<vmem>>, vector<8x128xf32>
    tpu.vector_store %arg3[%swap3A_541, %swap3A_542], %get3A_540 {strides = array<i32>} : memref<1024x128xf32, #tpu.memory_space<vmem>>, vector<8x128xf32>,
    %get3A_544 = arith.constant 0 : index
    %get3A_545 = arith.constant 11648 : index
    %get3A_546 = vector.load %arg1[%get3A_544, %get3A_545] : memref<8x16384xf32, #tpu.memory_space<vmem>>, vector<8x128xf32>
    %swap3A_547 = arith.constant 728 : index
    %swap3A_548 = arith.constant 0 : index
    %swap3A_549 = vector.load %arg3[%swap3A_547, %swap3A_548] : memref<1024x128xf32, #tpu.memory_space<vmem>>, vector<8x128xf32>
    tpu.vector_store %arg3[%swap3A_547, %swap3A_548], %get3A_546 {strides = array<i32>} : memref<1024x128xf32, #tpu.memory_space<vmem>>, vector<8x128xf32>,
    %get3A_550 = arith.constant 0 : index
    %get3A_551 = arith.constant 11776 : index
    %get3A_552 = vector.load %arg1[%get3A_550, %get3A_551] : memref<8x16384xf32, #tpu.memory_space<vmem>>, vector<8x128xf32>
    %swap3A_553 = arith.constant 736 : index
    %swap3A_554 = arith.constant 0 : index
    %swap3A_555 = vector.load %arg3[%swap3A_553, %swap3A_554] : memref<1024x128xf32, #tpu.memory_space<vmem>>, vector<8x128xf32>
    tpu.vector_store %arg3[%swap3A_553, %swap3A_554], %get3A_552 {strides = array<i32>} : memref<1024x128xf32, #tpu.memory_space<vmem>>, vector<8x128xf32>,
    %get3A_556 = arith.constant 0 : index
    %get3A_557 = arith.constant 11904 : index
    %get3A_558 = vector.load %arg1[%get3A_556, %get3A_557] : memref<8x16384xf32, #tpu.memory_space<vmem>>, vector<8x128xf32>
    %swap3A_559 = arith.constant 744 : index
    %swap3A_560 = arith.constant 0 : index
    %swap3A_561 = vector.load %arg3[%swap3A_559, %swap3A_560] : memref<1024x128xf32, #tpu.memory_space<vmem>>, vector<8x128xf32>
    tpu.vector_store %arg3[%swap3A_559, %swap3A_560], %get3A_558 {strides = array<i32>} : memref<1024x128xf32, #tpu.memory_space<vmem>>, vector<8x128xf32>,
    %get3A_562 = arith.constant 0 : index
    %get3A_563 = arith.constant 12032 : index
    %get3A_564 = vector.load %arg1[%get3A_562, %get3A_563] : memref<8x16384xf32, #tpu.memory_space<vmem>>, vector<8x128xf32>
    %swap3A_565 = arith.constant 752 : index
    %swap3A_566 = arith.constant 0 : index
    %swap3A_567 = vector.load %arg3[%swap3A_565, %swap3A_566] : memref<1024x128xf32, #tpu.memory_space<vmem>>, vector<8x128xf32>
    tpu.vector_store %arg3[%swap3A_565, %swap3A_566], %get3A_564 {strides = array<i32>} : memref<1024x128xf32, #tpu.memory_space<vmem>>, vector<8x128xf32>,
    %get3A_568 = arith.constant 0 : index
    %get3A_569 = arith.constant 12160 : index
    %get3A_570 = vector.load %arg1[%get3A_568, %get3A_569] : memref<8x16384xf32, #tpu.memory_space<vmem>>, vector<8x128xf32>
    %swap3A_571 = arith.constant 760 : index
    %swap3A_572 = arith.constant 0 : index
    %swap3A_573 = vector.load %arg3[%swap3A_571, %swap3A_572] : memref<1024x128xf32, #tpu.memory_space<vmem>>, vector<8x128xf32>
    tpu.vector_store %arg3[%swap3A_571, %swap3A_572], %get3A_570 {strides = array<i32>} : memref<1024x128xf32, #tpu.memory_space<vmem>>, vector<8x128xf32>,
    %get3A_574 = arith.constant 0 : index
    %get3A_575 = arith.constant 12288 : index
    %get3A_576 = vector.load %arg1[%get3A_574, %get3A_575] : memref<8x16384xf32, #tpu.memory_space<vmem>>, vector<8x128xf32>
    %swap3A_577 = arith.constant 768 : index
    %swap3A_578 = arith.constant 0 : index
    %swap3A_579 = vector.load %arg3[%swap3A_577, %swap3A_578] : memref<1024x128xf32, #tpu.memory_space<vmem>>, vector<8x128xf32>
    tpu.vector_store %arg3[%swap3A_577, %swap3A_578], %get3A_576 {strides = array<i32>} : memref<1024x128xf32, #tpu.memory_space<vmem>>, vector<8x128xf32>,
    %get3A_580 = arith.constant 0 : index
    %get3A_581 = arith.constant 12416 : index
    %get3A_582 = vector.load %arg1[%get3A_580, %get3A_581] : memref<8x16384xf32, #tpu.memory_space<vmem>>, vector<8x128xf32>
    %swap3A_583 = arith.constant 776 : index
    %swap3A_584 = arith.constant 0 : index
    %swap3A_585 = vector.load %arg3[%swap3A_583, %swap3A_584] : memref<1024x128xf32, #tpu.memory_space<vmem>>, vector<8x128xf32>
    tpu.vector_store %arg3[%swap3A_583, %swap3A_584], %get3A_582 {strides = array<i32>} : memref<1024x128xf32, #tpu.memory_space<vmem>>, vector<8x128xf32>,
    %get3A_586 = arith.constant 0 : index
    %get3A_587 = arith.constant 12544 : index
    %get3A_588 = vector.load %arg1[%get3A_586, %get3A_587] : memref<8x16384xf32, #tpu.memory_space<vmem>>, vector<8x128xf32>
    %swap3A_589 = arith.constant 784 : index
    %swap3A_590 = arith.constant 0 : index
    %swap3A_591 = vector.load %arg3[%swap3A_589, %swap3A_590] : memref<1024x128xf32, #tpu.memory_space<vmem>>, vector<8x128xf32>
    tpu.vector_store %arg3[%swap3A_589, %swap3A_590], %get3A_588 {strides = array<i32>} : memref<1024x128xf32, #tpu.memory_space<vmem>>, vector<8x128xf32>,
    %get3A_592 = arith.constant 0 : index
    %get3A_593 = arith.constant 12672 : index
    %get3A_594 = vector.load %arg1[%get3A_592, %get3A_593] : memref<8x16384xf32, #tpu.memory_space<vmem>>, vector<8x128xf32>
    %swap3A_595 = arith.constant 792 : index
    %swap3A_596 = arith.constant 0 : index
    %swap3A_597 = vector.load %arg3[%swap3A_595, %swap3A_596] : memref<1024x128xf32, #tpu.memory_space<vmem>>, vector<8x128xf32>
    tpu.vector_store %arg3[%swap3A_595, %swap3A_596], %get3A_594 {strides = array<i32>} : memref<1024x128xf32, #tpu.memory_space<vmem>>, vector<8x128xf32>,
    %get3A_598 = arith.constant 0 : index
    %get3A_599 = arith.constant 12800 : index
    %get3A_600 = vector.load %arg1[%get3A_598, %get3A_599] : memref<8x16384xf32, #tpu.memory_space<vmem>>, vector<8x128xf32>
    %swap3A_601 = arith.constant 800 : index
    %swap3A_602 = arith.constant 0 : index
    %swap3A_603 = vector.load %arg3[%swap3A_601, %swap3A_602] : memref<1024x128xf32, #tpu.memory_space<vmem>>, vector<8x128xf32>
    tpu.vector_store %arg3[%swap3A_601, %swap3A_602], %get3A_600 {strides = array<i32>} : memref<1024x128xf32, #tpu.memory_space<vmem>>, vector<8x128xf32>,
    %get3A_604 = arith.constant 0 : index
    %get3A_605 = arith.constant 12928 : index
    %get3A_606 = vector.load %arg1[%get3A_604, %get3A_605] : memref<8x16384xf32, #tpu.memory_space<vmem>>, vector<8x128xf32>
    %swap3A_607 = arith.constant 808 : index
    %swap3A_608 = arith.constant 0 : index
    %swap3A_609 = vector.load %arg3[%swap3A_607, %swap3A_608] : memref<1024x128xf32, #tpu.memory_space<vmem>>, vector<8x128xf32>
    tpu.vector_store %arg3[%swap3A_607, %swap3A_608], %get3A_606 {strides = array<i32>} : memref<1024x128xf32, #tpu.memory_space<vmem>>, vector<8x128xf32>,
    %get3A_610 = arith.constant 0 : index
    %get3A_611 = arith.constant 13056 : index
    %get3A_612 = vector.load %arg1[%get3A_610, %get3A_611] : memref<8x16384xf32, #tpu.memory_space<vmem>>, vector<8x128xf32>
    %swap3A_613 = arith.constant 816 : index
    %swap3A_614 = arith.constant 0 : index
    %swap3A_615 = vector.load %arg3[%swap3A_613, %swap3A_614] : memref<1024x128xf32, #tpu.memory_space<vmem>>, vector<8x128xf32>
    tpu.vector_store %arg3[%swap3A_613, %swap3A_614], %get3A_612 {strides = array<i32>} : memref<1024x128xf32, #tpu.memory_space<vmem>>, vector<8x128xf32>,
    %get3A_616 = arith.constant 0 : index
    %get3A_617 = arith.constant 13184 : index
    %get3A_618 = vector.load %arg1[%get3A_616, %get3A_617] : memref<8x16384xf32, #tpu.memory_space<vmem>>, vector<8x128xf32>
    %swap3A_619 = arith.constant 824 : index
    %swap3A_620 = arith.constant 0 : index
    %swap3A_621 = vector.load %arg3[%swap3A_619, %swap3A_620] : memref<1024x128xf32, #tpu.memory_space<vmem>>, vector<8x128xf32>
    tpu.vector_store %arg3[%swap3A_619, %swap3A_620], %get3A_618 {strides = array<i32>} : memref<1024x128xf32, #tpu.memory_space<vmem>>, vector<8x128xf32>,
    %get3A_622 = arith.constant 0 : index
    %get3A_623 = arith.constant 13312 : index
    %get3A_624 = vector.load %arg1[%get3A_622, %get3A_623] : memref<8x16384xf32, #tpu.memory_space<vmem>>, vector<8x128xf32>
    %swap3A_625 = arith.constant 832 : index
    %swap3A_626 = arith.constant 0 : index
    %swap3A_627 = vector.load %arg3[%swap3A_625, %swap3A_626] : memref<1024x128xf32, #tpu.memory_space<vmem>>, vector<8x128xf32>
    tpu.vector_store %arg3[%swap3A_625, %swap3A_626], %get3A_624 {strides = array<i32>} : memref<1024x128xf32, #tpu.memory_space<vmem>>, vector<8x128xf32>,
    %get3A_628 = arith.constant 0 : index
    %get3A_629 = arith.constant 13440 : index
    %get3A_630 = vector.load %arg1[%get3A_628, %get3A_629] : memref<8x16384xf32, #tpu.memory_space<vmem>>, vector<8x128xf32>
    %swap3A_631 = arith.constant 840 : index
    %swap3A_632 = arith.constant 0 : index
    %swap3A_633 = vector.load %arg3[%swap3A_631, %swap3A_632] : memref<1024x128xf32, #tpu.memory_space<vmem>>, vector<8x128xf32>
    tpu.vector_store %arg3[%swap3A_631, %swap3A_632], %get3A_630 {strides = array<i32>} : memref<1024x128xf32, #tpu.memory_space<vmem>>, vector<8x128xf32>,
    %get3A_634 = arith.constant 0 : index
    %get3A_635 = arith.constant 13568 : index
    %get3A_636 = vector.load %arg1[%get3A_634, %get3A_635] : memref<8x16384xf32, #tpu.memory_space<vmem>>, vector<8x128xf32>
    %swap3A_637 = arith.constant 848 : index
    %swap3A_638 = arith.constant 0 : index
    %swap3A_639 = vector.load %arg3[%swap3A_637, %swap3A_638] : memref<1024x128xf32, #tpu.memory_space<vmem>>, vector<8x128xf32>
    tpu.vector_store %arg3[%swap3A_637, %swap3A_638], %get3A_636 {strides = array<i32>} : memref<1024x128xf32, #tpu.memory_space<vmem>>, vector<8x128xf32>,
    %get3A_640 = arith.constant 0 : index
    %get3A_641 = arith.constant 13696 : index
    %get3A_642 = vector.load %arg1[%get3A_640, %get3A_641] : memref<8x16384xf32, #tpu.memory_space<vmem>>, vector<8x128xf32>
    %swap3A_643 = arith.constant 856 : index
    %swap3A_644 = arith.constant 0 : index
    %swap3A_645 = vector.load %arg3[%swap3A_643, %swap3A_644] : memref<1024x128xf32, #tpu.memory_space<vmem>>, vector<8x128xf32>
    tpu.vector_store %arg3[%swap3A_643, %swap3A_644], %get3A_642 {strides = array<i32>} : memref<1024x128xf32, #tpu.memory_space<vmem>>, vector<8x128xf32>,
    %get3A_646 = arith.constant 0 : index
    %get3A_647 = arith.constant 13824 : index
    %get3A_648 = vector.load %arg1[%get3A_646, %get3A_647] : memref<8x16384xf32, #tpu.memory_space<vmem>>, vector<8x128xf32>
    %swap3A_649 = arith.constant 864 : index
    %swap3A_650 = arith.constant 0 : index
    %swap3A_651 = vector.load %arg3[%swap3A_649, %swap3A_650] : memref<1024x128xf32, #tpu.memory_space<vmem>>, vector<8x128xf32>
    tpu.vector_store %arg3[%swap3A_649, %swap3A_650], %get3A_648 {strides = array<i32>} : memref<1024x128xf32, #tpu.memory_space<vmem>>, vector<8x128xf32>,
    %get3A_652 = arith.constant 0 : index
    %get3A_653 = arith.constant 13952 : index
    %get3A_654 = vector.load %arg1[%get3A_652, %get3A_653] : memref<8x16384xf32, #tpu.memory_space<vmem>>, vector<8x128xf32>
    %swap3A_655 = arith.constant 872 : index
    %swap3A_656 = arith.constant 0 : index
    %swap3A_657 = vector.load %arg3[%swap3A_655, %swap3A_656] : memref<1024x128xf32, #tpu.memory_space<vmem>>, vector<8x128xf32>
    tpu.vector_store %arg3[%swap3A_655, %swap3A_656], %get3A_654 {strides = array<i32>} : memref<1024x128xf32, #tpu.memory_space<vmem>>, vector<8x128xf32>,
    %get3A_658 = arith.constant 0 : index
    %get3A_659 = arith.constant 14080 : index
    %get3A_660 = vector.load %arg1[%get3A_658, %get3A_659] : memref<8x16384xf32, #tpu.memory_space<vmem>>, vector<8x128xf32>
    %swap3A_661 = arith.constant 880 : index
    %swap3A_662 = arith.constant 0 : index
    %swap3A_663 = vector.load %arg3[%swap3A_661, %swap3A_662] : memref<1024x128xf32, #tpu.memory_space<vmem>>, vector<8x128xf32>
    tpu.vector_store %arg3[%swap3A_661, %swap3A_662], %get3A_660 {strides = array<i32>} : memref<1024x128xf32, #tpu.memory_space<vmem>>, vector<8x128xf32>,
    %get3A_664 = arith.constant 0 : index
    %get3A_665 = arith.constant 14208 : index
    %get3A_666 = vector.load %arg1[%get3A_664, %get3A_665] : memref<8x16384xf32, #tpu.memory_space<vmem>>, vector<8x128xf32>
    %swap3A_667 = arith.constant 888 : index
    %swap3A_668 = arith.constant 0 : index
    %swap3A_669 = vector.load %arg3[%swap3A_667, %swap3A_668] : memref<1024x128xf32, #tpu.memory_space<vmem>>, vector<8x128xf32>
    tpu.vector_store %arg3[%swap3A_667, %swap3A_668], %get3A_666 {strides = array<i32>} : memref<1024x128xf32, #tpu.memory_space<vmem>>, vector<8x128xf32>,
    %get3A_670 = arith.constant 0 : index
    %get3A_671 = arith.constant 14336 : index
    %get3A_672 = vector.load %arg1[%get3A_670, %get3A_671] : memref<8x16384xf32, #tpu.memory_space<vmem>>, vector<8x128xf32>
    %swap3A_673 = arith.constant 896 : index
    %swap3A_674 = arith.constant 0 : index
    %swap3A_675 = vector.load %arg3[%swap3A_673, %swap3A_674] : memref<1024x128xf32, #tpu.memory_space<vmem>>, vector<8x128xf32>
    tpu.vector_store %arg3[%swap3A_673, %swap3A_674], %get3A_672 {strides = array<i32>} : memref<1024x128xf32, #tpu.memory_space<vmem>>, vector<8x128xf32>,
    %get3A_676 = arith.constant 0 : index
    %get3A_677 = arith.constant 14464 : index
    %get3A_678 = vector.load %arg1[%get3A_676, %get3A_677] : memref<8x16384xf32, #tpu.memory_space<vmem>>, vector<8x128xf32>
    %swap3A_679 = arith.constant 904 : index
    %swap3A_680 = arith.constant 0 : index
    %swap3A_681 = vector.load %arg3[%swap3A_679, %swap3A_680] : memref<1024x128xf32, #tpu.memory_space<vmem>>, vector<8x128xf32>
    tpu.vector_store %arg3[%swap3A_679, %swap3A_680], %get3A_678 {strides = array<i32>} : memref<1024x128xf32, #tpu.memory_space<vmem>>, vector<8x128xf32>,
    %get3A_682 = arith.constant 0 : index
    %get3A_683 = arith.constant 14592 : index
    %get3A_684 = vector.load %arg1[%get3A_682, %get3A_683] : memref<8x16384xf32, #tpu.memory_space<vmem>>, vector<8x128xf32>
    %swap3A_685 = arith.constant 912 : index
    %swap3A_686 = arith.constant 0 : index
    %swap3A_687 = vector.load %arg3[%swap3A_685, %swap3A_686] : memref<1024x128xf32, #tpu.memory_space<vmem>>, vector<8x128xf32>
    tpu.vector_store %arg3[%swap3A_685, %swap3A_686], %get3A_684 {strides = array<i32>} : memref<1024x128xf32, #tpu.memory_space<vmem>>, vector<8x128xf32>,
    %get3A_688 = arith.constant 0 : index
    %get3A_689 = arith.constant 14720 : index
    %get3A_690 = vector.load %arg1[%get3A_688, %get3A_689] : memref<8x16384xf32, #tpu.memory_space<vmem>>, vector<8x128xf32>
    %swap3A_691 = arith.constant 920 : index
    %swap3A_692 = arith.constant 0 : index
    %swap3A_693 = vector.load %arg3[%swap3A_691, %swap3A_692] : memref<1024x128xf32, #tpu.memory_space<vmem>>, vector<8x128xf32>
    tpu.vector_store %arg3[%swap3A_691, %swap3A_692], %get3A_690 {strides = array<i32>} : memref<1024x128xf32, #tpu.memory_space<vmem>>, vector<8x128xf32>,
    %get3A_694 = arith.constant 0 : index
    %get3A_695 = arith.constant 14848 : index
    %get3A_696 = vector.load %arg1[%get3A_694, %get3A_695] : memref<8x16384xf32, #tpu.memory_space<vmem>>, vector<8x128xf32>
    %swap3A_697 = arith.constant 928 : index
    %swap3A_698 = arith.constant 0 : index
    %swap3A_699 = vector.load %arg3[%swap3A_697, %swap3A_698] : memref<1024x128xf32, #tpu.memory_space<vmem>>, vector<8x128xf32>
    tpu.vector_store %arg3[%swap3A_697, %swap3A_698], %get3A_696 {strides = array<i32>} : memref<1024x128xf32, #tpu.memory_space<vmem>>, vector<8x128xf32>,
    %get3A_700 = arith.constant 0 : index
    %get3A_701 = arith.constant 14976 : index
    %get3A_702 = vector.load %arg1[%get3A_700, %get3A_701] : memref<8x16384xf32, #tpu.memory_space<vmem>>, vector<8x128xf32>
    %swap3A_703 = arith.constant 936 : index
    %swap3A_704 = arith.constant 0 : index
    %swap3A_705 = vector.load %arg3[%swap3A_703, %swap3A_704] : memref<1024x128xf32, #tpu.memory_space<vmem>>, vector<8x128xf32>
    tpu.vector_store %arg3[%swap3A_703, %swap3A_704], %get3A_702 {strides = array<i32>} : memref<1024x128xf32, #tpu.memory_space<vmem>>, vector<8x128xf32>,
    %get3A_706 = arith.constant 0 : index
    %get3A_707 = arith.constant 15104 : index
    %get3A_708 = vector.load %arg1[%get3A_706, %get3A_707] : memref<8x16384xf32, #tpu.memory_space<vmem>>, vector<8x128xf32>
    %swap3A_709 = arith.constant 944 : index
    %swap3A_710 = arith.constant 0 : index
    %swap3A_711 = vector.load %arg3[%swap3A_709, %swap3A_710] : memref<1024x128xf32, #tpu.memory_space<vmem>>, vector<8x128xf32>
    tpu.vector_store %arg3[%swap3A_709, %swap3A_710], %get3A_708 {strides = array<i32>} : memref<1024x128xf32, #tpu.memory_space<vmem>>, vector<8x128xf32>,
    %get3A_712 = arith.constant 0 : index
    %get3A_713 = arith.constant 15232 : index
    %get3A_714 = vector.load %arg1[%get3A_712, %get3A_713] : memref<8x16384xf32, #tpu.memory_space<vmem>>, vector<8x128xf32>
    %swap3A_715 = arith.constant 952 : index
    %swap3A_716 = arith.constant 0 : index
    %swap3A_717 = vector.load %arg3[%swap3A_715, %swap3A_716] : memref<1024x128xf32, #tpu.memory_space<vmem>>, vector<8x128xf32>
    tpu.vector_store %arg3[%swap3A_715, %swap3A_716], %get3A_714 {strides = array<i32>} : memref<1024x128xf32, #tpu.memory_space<vmem>>, vector<8x128xf32>,
    %get3A_718 = arith.constant 0 : index
    %get3A_719 = arith.constant 15360 : index
    %get3A_720 = vector.load %arg1[%get3A_718, %get3A_719] : memref<8x16384xf32, #tpu.memory_space<vmem>>, vector<8x128xf32>
    %swap3A_721 = arith.constant 960 : index
    %swap3A_722 = arith.constant 0 : index
    %swap3A_723 = vector.load %arg3[%swap3A_721, %swap3A_722] : memref<1024x128xf32, #tpu.memory_space<vmem>>, vector<8x128xf32>
    tpu.vector_store %arg3[%swap3A_721, %swap3A_722], %get3A_720 {strides = array<i32>} : memref<1024x128xf32, #tpu.memory_space<vmem>>, vector<8x128xf32>,
    %get3A_724 = arith.constant 0 : index
    %get3A_725 = arith.constant 15488 : index
    %get3A_726 = vector.load %arg1[%get3A_724, %get3A_725] : memref<8x16384xf32, #tpu.memory_space<vmem>>, vector<8x128xf32>
    %swap3A_727 = arith.constant 968 : index
    %swap3A_728 = arith.constant 0 : index
    %swap3A_729 = vector.load %arg3[%swap3A_727, %swap3A_728] : memref<1024x128xf32, #tpu.memory_space<vmem>>, vector<8x128xf32>
    tpu.vector_store %arg3[%swap3A_727, %swap3A_728], %get3A_726 {strides = array<i32>} : memref<1024x128xf32, #tpu.memory_space<vmem>>, vector<8x128xf32>,
    %get3A_730 = arith.constant 0 : index
    %get3A_731 = arith.constant 15616 : index
    %get3A_732 = vector.load %arg1[%get3A_730, %get3A_731] : memref<8x16384xf32, #tpu.memory_space<vmem>>, vector<8x128xf32>
    %swap3A_733 = arith.constant 976 : index
    %swap3A_734 = arith.constant 0 : index
    %swap3A_735 = vector.load %arg3[%swap3A_733, %swap3A_734] : memref<1024x128xf32, #tpu.memory_space<vmem>>, vector<8x128xf32>
    tpu.vector_store %arg3[%swap3A_733, %swap3A_734], %get3A_732 {strides = array<i32>} : memref<1024x128xf32, #tpu.memory_space<vmem>>, vector<8x128xf32>,
    %get3A_736 = arith.constant 0 : index
    %get3A_737 = arith.constant 15744 : index
    %get3A_738 = vector.load %arg1[%get3A_736, %get3A_737] : memref<8x16384xf32, #tpu.memory_space<vmem>>, vector<8x128xf32>
    %swap3A_739 = arith.constant 984 : index
    %swap3A_740 = arith.constant 0 : index
    %swap3A_741 = vector.load %arg3[%swap3A_739, %swap3A_740] : memref<1024x128xf32, #tpu.memory_space<vmem>>, vector<8x128xf32>
    tpu.vector_store %arg3[%swap3A_739, %swap3A_740], %get3A_738 {strides = array<i32>} : memref<1024x128xf32, #tpu.memory_space<vmem>>, vector<8x128xf32>,
    %get3A_742 = arith.constant 0 : index
    %get3A_743 = arith.constant 15872 : index
    %get3A_744 = vector.load %arg1[%get3A_742, %get3A_743] : memref<8x16384xf32, #tpu.memory_space<vmem>>, vector<8x128xf32>
    %swap3A_745 = arith.constant 992 : index
    %swap3A_746 = arith.constant 0 : index
    %swap3A_747 = vector.load %arg3[%swap3A_745, %swap3A_746] : memref<1024x128xf32, #tpu.memory_space<vmem>>, vector<8x128xf32>
    tpu.vector_store %arg3[%swap3A_745, %swap3A_746], %get3A_744 {strides = array<i32>} : memref<1024x128xf32, #tpu.memory_space<vmem>>, vector<8x128xf32>,
    %get3A_748 = arith.constant 0 : index
    %get3A_749 = arith.constant 16000 : index
    %get3A_750 = vector.load %arg1[%get3A_748, %get3A_749] : memref<8x16384xf32, #tpu.memory_space<vmem>>, vector<8x128xf32>
    %swap3A_751 = arith.constant 1000 : index
    %swap3A_752 = arith.constant 0 : index
    %swap3A_753 = vector.load %arg3[%swap3A_751, %swap3A_752] : memref<1024x128xf32, #tpu.memory_space<vmem>>, vector<8x128xf32>
    tpu.vector_store %arg3[%swap3A_751, %swap3A_752], %get3A_750 {strides = array<i32>} : memref<1024x128xf32, #tpu.memory_space<vmem>>, vector<8x128xf32>,
    %get3A_754 = arith.constant 0 : index
    %get3A_755 = arith.constant 16128 : index
    %get3A_756 = vector.load %arg1[%get3A_754, %get3A_755] : memref<8x16384xf32, #tpu.memory_space<vmem>>, vector<8x128xf32>
    %swap3A_757 = arith.constant 1008 : index
    %swap3A_758 = arith.constant 0 : index
    %swap3A_759 = vector.load %arg3[%swap3A_757, %swap3A_758] : memref<1024x128xf32, #tpu.memory_space<vmem>>, vector<8x128xf32>
    tpu.vector_store %arg3[%swap3A_757, %swap3A_758], %get3A_756 {strides = array<i32>} : memref<1024x128xf32, #tpu.memory_space<vmem>>, vector<8x128xf32>,
    %get3A_760 = arith.constant 0 : index
    %get3A_761 = arith.constant 16256 : index
    %get3A_762 = vector.load %arg1[%get3A_760, %get3A_761] : memref<8x16384xf32, #tpu.memory_space<vmem>>, vector<8x128xf32>
    %swap3A_763 = arith.constant 1016 : index
    %swap3A_764 = arith.constant 0 : index
    %swap3A_765 = vector.load %arg3[%swap3A_763, %swap3A_764] : memref<1024x128xf32, #tpu.memory_space<vmem>>, vector<8x128xf32>
    tpu.vector_store %arg3[%swap3A_763, %swap3A_764], %get3A_762 {strides = array<i32>} : memref<1024x128xf32, #tpu.memory_space<vmem>>, vector<8x128xf32>,
    %get3A_766 = arith.constant 0 : index
    %get3A_767 = arith.constant 0 : index
    %get3A_768 = vector.load %arg2[%get3A_766, %get3A_767] : memref<1x16384xf32, #tpu.memory_space<vmem>>, vector<1x16384xf32>
    %get3A_769 = vector.shape_cast %get3A_768 : vector<1x16384xf32> to vector<16384xf32>
    %swap3A_770 = arith.constant 0 : index
    %swap3A_771 = vector.load %arg4[%swap3A_770] : memref<16384xf32, #tpu.memory_space<vmem>>, vector<16384xf32>
    tpu.vector_store %arg4[%swap3A_770], %get3A_769 {strides = array<i32>} : memref<16384xf32, #tpu.memory_space<vmem>>, vector<16384xf32>,
    return
  }
  func.func @transform_0(%arg0: i32) -> (i32, i32) {
    %c0_i32 = arith.constant 0 : i32
    %c0_i32_0 = arith.constant 0 : i32
    return %c0_i32, %arg0 : i32, i32
  }
  func.func @transform_1(%arg0: i32) -> (i32, i32) {
    %c0_i32 = arith.constant 0 : i32
    %c0_i32_0 = arith.constant 0 : i32
    return %c0_i32, %arg0 : i32, i32
  }
  func.func @transform_2(%arg0: i32) -> (i32, i32) {
    %c0_i32 = arith.constant 0 : i32
    %c0_i32_0 = arith.constant 0 : i32
    return %arg0, %c0_i32 : i32, i32
  }
  func.func @transform_3(%arg0: i32) -> i32 {
    %c0_i32 = arith.constant 0 : i32
    return %arg0 : i32
  }
}

module attributes {stable_mosaic.version = 14 : i64} {
  func.func @_combine_body(%arg0: i32, %arg1: memref<1x3xf32, #tpu.memory_space<smem>>, %arg2: memref<8x2048xf32, #tpu.memory_space<vmem>>, %arg3: memref<8x2048xf32, #tpu.memory_space<vmem>>, %arg4: memref<8x2048xf32, #tpu.memory_space<vmem>>, %arg5: memref<8x2048xf32, #tpu.memory_space<vmem>>, %arg6: memref<1x1x2048xf32, #tpu.memory_space<vmem>>, %arg7: memref<1x1x2048xf32, #tpu.memory_space<vmem>>, %arg8: memref<1x1x2048xf32, #tpu.memory_space<vmem>>, %arg9: memref<1x1x2048xf32, #tpu.memory_space<vmem>>) attributes {dimension_semantics = [#tpu.dimension_semantics<arbitrary>], iteration_bounds = array<i64: 8>, scalar_prefetch = 0 : i64, scratch_operands = 0 : i64, tpu.core_type = #tpu.core_type<tc>, window_params = [{transform_indices = @transform_0, window_bounds = array<i64: 1, 3>}, {transform_indices = @transform_1, window_bounds = array<i64: 8, 2048>}, {transform_indices = @transform_2, window_bounds = array<i64: 8, 2048>}, {transform_indices = @transform_3, window_bounds = array<i64: 8, 2048>}, {transform_indices = @transform_4, window_bounds = array<i64: 8, 2048>}, {transform_indices = @transform_5, window_bounds = array<i64: 1, 1, 2048>}, {transform_indices = @transform_6, window_bounds = array<i64: 1, 1, 2048>}, {transform_indices = @transform_7, window_bounds = array<i64: 1, 1, 2048>}, {transform_indices = @transform_8, window_bounds = array<i64: 1, 1, 2048>}]} {
    %get3A = arith.constant 0 : index
    %get3A_0 = arith.constant 0 : index
    %get3A_1 = memref.load %arg1[%get3A, %get3A_0] : memref<1x3xf32, #tpu.memory_space<smem>>
    %get3A_2 = arith.constant 0 : index
    %get3A_3 = arith.constant 1 : index
    %get3A_4 = memref.load %arg1[%get3A_2, %get3A_3] : memref<1x3xf32, #tpu.memory_space<smem>>
    %get3A_5 = arith.constant 0 : index
    %get3A_6 = arith.constant 2 : index
    %get3A_7 = memref.load %arg1[%get3A_5, %get3A_6] : memref<1x3xf32, #tpu.memory_space<smem>>
    %sub3A = arith.constant 1.000000e+00 : f32
    %sub3A_8 = arith.subf %sub3A, %get3A_1 : f32
    %get3A_9 = arith.constant 0 : index
    %get3A_10 = arith.constant 0 : index
    %get3A_11 = vector.load %arg3[%get3A_9, %get3A_10] : memref<8x2048xf32, #tpu.memory_space<vmem>>, vector<8x2048xf32>
    %mul3A = vector.broadcast %sub3A_8 : f32 to vector<8x2048xf32>
    %mul3A_12 = arith.mulf %mul3A, %get3A_11 : vector<8x2048xf32>
    %get3A_13 = arith.constant 0 : index
    %get3A_14 = arith.constant 0 : index
    %get3A_15 = vector.load %arg5[%get3A_13, %get3A_14] : memref<8x2048xf32, #tpu.memory_space<vmem>>, vector<8x2048xf32>
    %get3A_16 = arith.constant 0 : index
    %get3A_17 = arith.constant 0 : index
    %get3A_18 = vector.load %arg4[%get3A_16, %get3A_17] : memref<8x2048xf32, #tpu.memory_space<vmem>>, vector<8x2048xf32>
    %add3A = arith.addf %get3A_15, %get3A_18 : vector<8x2048xf32>
    %mul3A_19 = vector.broadcast %get3A_1 : f32 to vector<8x2048xf32>
    %mul3A_20 = arith.mulf %mul3A_19, %add3A : vector<8x2048xf32>
    %add3A_21 = arith.addf %mul3A_12, %mul3A_20 : vector<8x2048xf32>
    %get3A_22 = arith.constant 0 : index
    %get3A_23 = arith.constant 0 : index
    %get3A_24 = vector.load %arg2[%get3A_22, %get3A_23] : memref<8x2048xf32, #tpu.memory_space<vmem>>, vector<8x2048xf32>
    %mul3A_25 = arith.mulf %get3A_24, %add3A_21 : vector<8x2048xf32>
    %reduce_sum3A = arith.constant dense<0.000000e+00> : vector<2048xf32>
    %reduce_sum3A_26 = vector.multi_reduction <add>, %mul3A_25, %reduce_sum3A [0] : vector<8x2048xf32> to vector<2048xf32>
    %get3A_27 = arith.constant 0 : index
    %get3A_28 = arith.constant 0 : index
    %get3A_29 = arith.constant 0 : index
    %get3A_30 = vector.load %arg6[%get3A_27, %get3A_28, %get3A_29] : memref<1x1x2048xf32, #tpu.memory_space<vmem>>, vector<1x1x2048xf32>
    %get3A_31 = vector.shape_cast %get3A_30 : vector<1x1x2048xf32> to vector<2048xf32>
    %add3A_32 = arith.addf %reduce_sum3A_26, %get3A_31 : vector<2048xf32>
    %get3A_33 = arith.constant 0 : index
    %get3A_34 = arith.constant 0 : index
    %get3A_35 = arith.constant 0 : index
    %get3A_36 = vector.load %arg7[%get3A_33, %get3A_34, %get3A_35] : memref<1x1x2048xf32, #tpu.memory_space<vmem>>, vector<1x1x2048xf32>
    %get3A_37 = vector.shape_cast %get3A_36 : vector<1x1x2048xf32> to vector<2048xf32>
    %add3A_38 = arith.addf %add3A_32, %get3A_37 : vector<2048xf32>
    %get3A_39 = arith.constant 0 : index
    %get3A_40 = arith.constant 0 : index
    %get3A_41 = arith.constant 0 : index
    %get3A_42 = vector.load %arg8[%get3A_39, %get3A_40, %get3A_41] : memref<1x1x2048xf32, #tpu.memory_space<vmem>>, vector<1x1x2048xf32>
    %get3A_43 = vector.shape_cast %get3A_42 : vector<1x1x2048xf32> to vector<2048xf32>
    %add3A_44 = vector.broadcast %get3A_4 : f32 to vector<2048xf32>
    %add3A_45 = arith.addf %add3A_44, %get3A_43 : vector<2048xf32>
    %mul3A_46 = vector.broadcast %get3A_1 : f32 to vector<2048xf32>
    %mul3A_47 = arith.mulf %mul3A_46, %add3A_45 : vector<2048xf32>
    %add3A_48 = arith.addf %add3A_38, %mul3A_47 : vector<2048xf32>
    %add3A_49 = vector.broadcast %get3A_7 : f32 to vector<2048xf32>
    %add3A_50 = arith.addf %add3A_48, %add3A_49 : vector<2048xf32>
    %swap3A = arith.constant 0 : index
    %swap3A_51 = arith.constant 0 : index
    %swap3A_52 = arith.constant 0 : index
    %swap3A_53 = vector.load %arg9[%swap3A, %swap3A_51, %swap3A_52] : memref<1x1x2048xf32, #tpu.memory_space<vmem>>, vector<1x1x2048xf32>
    %swap3A_54 = vector.shape_cast %swap3A_53 : vector<1x1x2048xf32> to vector<2048xf32>
    %swap3A_55 = vector.shape_cast %add3A_50 : vector<2048xf32> to vector<1x1x2048xf32>
    tpu.vector_store %arg9[%swap3A, %swap3A_51, %swap3A_52], %swap3A_55 {strides = array<i32>} : memref<1x1x2048xf32, #tpu.memory_space<vmem>>, vector<1x1x2048xf32>,
    return
  }
  func.func @transform_0(%arg0: i32) -> (i32, i32) {
    %c0_i32 = arith.constant 0 : i32
    %c0_i32_0 = arith.constant 0 : i32
    %c0_i32_1 = arith.constant 0 : i32
    return %c0_i32, %c0_i32_0 : i32, i32
  }
  func.func @transform_1(%arg0: i32) -> (i32, i32) {
    %c0_i32 = arith.constant 0 : i32
    %c0_i32_0 = arith.constant 0 : i32
    return %c0_i32, %arg0 : i32, i32
  }
  func.func @transform_2(%arg0: i32) -> (i32, i32) {
    %c0_i32 = arith.constant 0 : i32
    %c0_i32_0 = arith.constant 0 : i32
    return %c0_i32, %arg0 : i32, i32
  }
  func.func @transform_3(%arg0: i32) -> (i32, i32) {
    %c0_i32 = arith.constant 0 : i32
    %c0_i32_0 = arith.constant 0 : i32
    return %c0_i32, %arg0 : i32, i32
  }
  func.func @transform_4(%arg0: i32) -> (i32, i32) {
    %c0_i32 = arith.constant 0 : i32
    %c0_i32_0 = arith.constant 0 : i32
    return %c0_i32, %arg0 : i32, i32
  }
  func.func @transform_5(%arg0: i32) -> (i32, i32, i32) {
    %c0_i32 = arith.constant 0 : i32
    %c0_i32_0 = arith.constant 0 : i32
    %c0_i32_1 = arith.constant 0 : i32
    return %arg0, %c0_i32, %c0_i32_0 : i32, i32, i32
  }
  func.func @transform_6(%arg0: i32) -> (i32, i32, i32) {
    %c0_i32 = arith.constant 0 : i32
    %c0_i32_0 = arith.constant 0 : i32
    %c0_i32_1 = arith.constant 0 : i32
    return %arg0, %c0_i32, %c0_i32_0 : i32, i32, i32
  }
  func.func @transform_7(%arg0: i32) -> (i32, i32, i32) {
    %c0_i32 = arith.constant 0 : i32
    %c0_i32_0 = arith.constant 0 : i32
    %c0_i32_1 = arith.constant 0 : i32
    return %arg0, %c0_i32, %c0_i32_0 : i32, i32, i32
  }
  func.func @transform_8(%arg0: i32) -> (i32, i32, i32) {
    %c0_i32 = arith.constant 0 : i32
    %c0_i32_0 = arith.constant 0 : i32
    %c0_i32_1 = arith.constant 0 : i32
    return %arg0, %c0_i32, %c0_i32_0 : i32, i32, i32
  }
}

</mosaic_0001>

<sc_bundles>
// kernel: kernel.12.cloned.1.call-start
scs
__scs_entry_jumppad:
0x0: {  	(pc) =	sbr.rel $0x88, $3  }
0x1: {  	(tag) =	ssettag $0x0;
	lr =	simm.s32 $0x1  }
0x2: {  	[smem:$0x3F90] =	sst lr;
	_ =	strace $0xD0000000  }
0x3: {  	_ = 	snop  }
0x4: {  	_ = 	snop  }
0x5: {  	_ = 	snop  }
0x6: {  	_ = 	snop  }
0x7: {  	_ = 	snop  }
__scs_overlays_trampoline_lowered:
0x8: {  	[smem:$0x3F9F] =	sst s0  }
0x9: {  	[smem:$0x3FA0] =	sst s1  }
0xa: {  	[smem:$0x3FA1] =	sst s2  }
0xb: {  	[smem:$0x3FA2] =	sst s3  }
0xc: {  	[smem:$0x3FA3] =	sst s4  }
0xd: {  	[smem:$0x3FA4] =	sst s5  }
0xe: {  	[smem:$0x3FA5] =	sst s6  }
0xf: {  	[smem:$0x3FA6] =	sst s7  }
0x10: {  	[smem:$0x3FA7] =	sst s8  }
0x11: {  	[smem:$0x3FA8] =	sst s9;
	s0 =	simm.s32 @!p0 $0x0  }
0x12: {  	s1 =	sld [smem:$0x3F8E];
	s0 =	simm.s32 @p0 $0x1  }
0x13: {  	[smem:$0x3FA9] =	sst s0;
	s0 =	simm.s32 @!p1 $0x0  }
0x14: {  	s2 =	sld [smem:$0x3F8D];
	s0 =	simm.s32 @p1 $0x1  }
0x15: {  	[smem:$0x3FAA] =	sst s0;
	s0 =	simm.s32 @!p2 $0x0  }
0x16: {  	s3 =	sld [smem:$0x3FDB];
	s0 =	simm.s32 @p2 $0x1  }
0x17: {  	s4 =	simm.s32 $0x1BF5;
	[smem:$0x3FAC] =	sst s0  }
0x18: {  	s0 =	sld [smem:$0x3F8F];
	_ =	swait.ge [sflag:s4], $0x0  }
0x19: {  	s7 =	sld [smem:$0x3F90]  }
0x1a: {  	s8 =	sadd.s32 $0xFFFFE003, lr  }
0x1b: {  	s9 =	sadd.s32 $0xFFFFFEF7, lr;
	s5 =	simm.s32 $0xFFFFFFFF;
	p2 =	slt.u32 s8, $0xFFFFF086  }
0x1c: {  	p1 =	slt.u32 s9, $0xF7A;
	s5 =	simm.s32 @!p2 $0x0  }
0x1d: {  	s5 =	simm.s32 @p1 $0x1;
	p0 =	seq.s32 s7, s2  }
0x1e: {  	s7 =	smul.u32 @!p0 $0xF7A, s2;
	p2 =	seq.s32 @!p0 s5, $0x0  }
0x1f: {  	s9 =	smul.u32 $0xF7A, s1;
	s8 =	simm.s32 @!p0 $0x1BF5;
	p2 =	por !p2, p0  }
0x20: {  	[sflag:s8] =	ssyncset.s32 @!p0 $0xFFFFF086;
	s6 =	sadd.s32 @!p0 s3, s7;
	s7 =	simm.s32 @!p0 $0x108  }
0x21: {  	s3 =	sadd.s32 s3, s9;
	s6 =	sadd.s32 @!p0 $0x88, s6;
	s7 =	simm.s32 @p2 $0x1082  }
0x22: {  	[simem:s7], [sflag:s8] =	dma.local @!p0 [hbm:s6], $0xF7A  }
0x23: {  	s9 =	sor.u32 $0xD0000000, s2;
	s6 =	simm.s32 $0x108;
	_ =	swait.ge @!p0 [sflag:s8], $0x0  }
0x24: {  	s3 =	sadd.s32 $0x88, s3;
	s6 =	simm.s32 @!p1 $0x1082;
	[sflag:s4] =	ssyncset.s32 $0xFFFFF086  }
0x25: {  	[simem:s6], [sflag:s4] =	dma.local [hbm:s3], $0xF7A  }
0x26: {  	[smem:$0x3F90] =	sst s1;
	(tag) =	ssettag s2;
	_ =	strace s9  }
0x27: {  	s1 =	sld [smem:$0x3FA0]  }
0x28: {  	s2 =	sld [smem:$0x3FA1]  }
0x29: {  	s4 =	sld [smem:$0x3FA3]  }
0x2a: {  	p0 =	seq.s32 s5, $0x0;
	s5 =	sld [smem:$0x3FA4]  }
0x2b: {  	s6 =	sld [smem:$0x3FA5]  }
0x2c: {  	s7 =	sld [smem:$0x3FA6]  }
0x2d: {  	s3 =	simm.s32 $0x108;
	s8 =	sld [smem:$0x3FA7]  }
0x2e: {  	s3 =	simm.s32 @!p0 $0x1082;
	s9 =	sld [smem:$0x3FA8]  }
0x2f: {  	lr =	sadd.s32 s0, s3;
	s0 =	sld [smem:$0x3F9F]  }
0x30: {  	s3 =	sld [smem:$0x3FA2]  }
0x31: {  	[smem:$0x3FAB] =	sst s10  }
0x32: {  	s10 =	sld [smem:$0x3FA9];
	_ =	sdelay $0x3  }
0x33: {  	p0 =	seq.s32 s10, $0x1;
	s10 =	sld [smem:$0x3FAB];
	_ =	sdelay $0x3  }
0x34: {  	[smem:$0x3FAB] =	sst s10  }
0x35: {  	s10 =	sld [smem:$0x3FAA];
	_ =	sdelay $0x3  }
0x36: {  	p1 =	seq.s32 s10, $0x1;
	s10 =	sld [smem:$0x3FAB];
	_ =	sdelay $0x3  }
0x37: {  	[smem:$0x3FAB] =	sst s10  }
0x38: {  	s10 =	sld [smem:$0x3FAC]  }
0x39: {  	_ = 	snop;
	(pc) =	sbr.ind lr, $3  }
0x3a: {  	_ = 	snop  }
0x3b: {  	_ = 	snop  }
0x3c: {  	p2 =	seq.s32 s10, $0x1;
	s10 =	sld [smem:$0x3FAB]  }
0x3d: {  	_ =	shalt  }
0x3e: {  	_ =	shalt  }
0x3f: {  	_ =	shalt  }
0x40: {  	_ =	shalt  }
0x41: {  	_ =	shalt  }
0x42: {  	_ =	shalt  }
0x43: {  	_ =	shalt  }
0x44: {  	_ =	shalt  }
0x45: {  	_ =	shalt  }
0x46: {  	_ =	shalt  }
0x47: {  	_ =	shalt  }
0x48: {  	_ =	shalt  }
0x49: {  	_ =	shalt  }
0x4a: {  	_ =	shalt  }
0x4b: {  	_ =	shalt  }
0x4c: {  	_ =	shalt  }
0x4d: {  	_ =	shalt  }
0x4e: {  	_ =	shalt  }
0x4f: {  	_ =	shalt  }
0x50: {  	_ =	shalt  }
0x51: {  	_ =	shalt  }
0x52: {  	_ =	shalt  }
0x53: {  	_ =	shalt  }
0x54: {  	_ =	shalt  }
0x55: {  	_ =	shalt  }
0x56: {  	_ =	shalt  }
0x57: {  	_ =	shalt  }
0x58: {  	_ =	shalt  }
0x59: {  	_ =	shalt  }
0x5a: {  	_ =	shalt  }
0x5b: {  	_ =	shalt  }
0x5c: {  	_ =	shalt  }
0x5d: {  	_ =	shalt  }
0x5e: {  	_ =	shalt  }
0x5f: {  	_ =	shalt  }
0x60: {  	_ =	shalt  }
0x61: {  	_ =	shalt  }
0x62: {  	_ =	shalt  }
0x63: {  	_ =	shalt  }
0x64: {  	_ =	shalt  }
0x65: {  	_ =	shalt  }
0x66: {  	_ =	shalt  }
0x67: {  	_ =	shalt  }
0x68: {  	_ =	shalt  }
0x69: {  	_ =	shalt  }
0x6a: {  	_ =	shalt  }
0x6b: {  	_ =	shalt  }
0x6c: {  	_ =	shalt  }
0x6d: {  	_ =	shalt  }
0x6e: {  	_ =	shalt  }
0x6f: {  	_ =	shalt  }
0x70: {  	_ =	shalt  }
0x71: {  	_ =	shalt  }
0x72: {  	_ =	shalt  }
0x73: {  	_ =	shalt  }
0x74: {  	_ =	shalt  }
0x75: {  	_ =	shalt  }
0x76: {  	_ =	shalt  }
0x77: {  	_ =	shalt  }
0x78: {  	_ =	shalt  }
0x79: {  	_ =	shalt  }
0x7a: {  	_ =	shalt  }
0x7b: {  	_ =	shalt  }
0x7c: {  	_ =	shalt  }
0x7d: {  	_ =	shalt  }
0x7e: {  	_ =	shalt  }
0x7f: {  	_ =	shalt  }
0x80: {  	_ =	shalt  }
0x81: {  	_ =	shalt  }
0x82: {  	_ =	shalt  }
0x83: {  	_ =	shalt  }
0x84: {  	_ =	shalt  }
0x85: {  	_ =	shalt  }
0x86: {  	_ =	shalt  }
0x87: {  	_ =	shalt  }
.Lfunc_end0:
.L_simem_size_0:
called_computation.1_lowered:
.L_overlay_start_0:
0x88: {  	s2 =	sld [smem:$0x3FD9]  }
0x89: {  	s3 =	sld [smem:$0x3FFE];
	_ =	sdelay $0x1  }
0x8a: {  	s1 =	srdreg.scid  }
0x8b: {  	s0 =	sand.u32 $0x1, s1  }
0x8c: {  	s17 =	sshll.u32 s0, $0xA;
	s2 =	sadd.s32 s3, s2  }
0x8d: {  	s2 =	sadd.s32 s2, s17  }
0x8e: {  	[smem:$0x3FB7] =	sst s2  }
0x8f: {  	_ = 	snop  }
0x90: {  	s18 =	sld [smem:$0x3FC9];
	(tm) =	ssettm $0x1  }
0x91: {  	s19 =	sld [smem:$0x3FFB];
	_ =	sdelay $0x3  }
0x92: {  	_ =	strace s19  }
0x93: {  	s2 =	sld [smem:$0x3FFC];
	_ =	sdelay $0x3  }
0x94: {  	_ =	strace s2  }
0x95: {  	s2 =	sld [smem:$0x3FFD];
	_ =	sdelay $0x3  }
0x96: {  	_ =	strace s2  }
0x97: {  	_ =	strace $0x8FFFFFFF  }
0x98: {  	s20 =	sld [smem:$0x3FDB];
	_ =	sdelay $0x1  }
0x99: {  	s4 =	simm.s32 $_scs_section_size  }
0x9a: {  	s5 =	simm.s32 $_size__tile_overlayer_lowered;
	s6 =	simm.s32 $_tile_overlayer_lowered  }
0x9b: {  	s7 =	simm.s32 $0x1BFF;
	s21 =	sshll.u32 s6, $0x1;
	s4 =	sadd.s32 s4, s20  }
0x9c: {  	s22 =	simm.s32 $0x0;
	s5 =	sshll.u32 s5, $0x1;
	s6 =	sadd.s32 s21, s4  }
0x9d: {  	[timem:s22], [sflag:s7] =	dma.local [hbm:s6], s5  }
0x9e: {  	_ =	swait.ge [sflag:s7], s5  }
0x9f: {  	s5 =	ssub.s32 $0x0, s5;
	[sflag:s7] =	ssyncset.done $0x0  }
0xa0: {  	[sflag:s7] =	ssyncadd.s32 s5;
	_ =	sdelay $0x1  }
0xa1: {  	s23 =	simm.s32 $0x1B8B  }
0xa2: {  	_ =	swait.ge [sflag:s23], $0x1  }
0xa3: {  	[sflag:s23] =	ssyncset.done $0x0  }
0xa4: {  	[sflag:s23] =	ssyncadd.s32 $0xFFFFFFFF  }
0xa5: {  	s5 =	sld [smem:$0x0]  }
0xa6: {  	s6 =	sand.u32 $0xFFFFFFFE, s1  }
0xa7: {  	p0 =	sne.s32 s1, s6  }
0xa8: {  	s6 =	sshll.u32 @p0 s6, $0xE  }
0xa9: {  	s6 =	sadd.s32 @p0 $0x11B8D, s6;
	s7 =	sshll.u32 @p0 s5, $0x11  }
0xaa: {  	s6 =	sor.u32 @p0 s7, s6  }
0xab: {  	[sflag:s6] =	ssyncadd.remote.s32 @p0 $0x1;
	_ =	sdelay $0x1  }
0xac: {  	s6 =	simm.s32 @p0 $0x1B8D  }
0xad: {  	_ =	swait.eq @p0 [sflag:s6], $0x1  }
0xae: {  	[sflag:s6] =	ssyncadd.s32 @p0 $0xFFFFFFFF  }
0xaf: {  	s7 =	sshll.u32 @!p0 s1, $0xE  }
0xb0: {  	s7 =	sor.u32 @!p0 $0x4000, s7;
	s6 =	simm.s32 @!p0 $0x1B8D  }
0xb1: {  	s5 =	sshll.u32 @!p0 s5, $0x11;
	s7 =	sadd.s32 @!p0 $0x11B8D, s7;
	_ =	swait.eq @!p0 [sflag:s6], $0x1  }
0xb2: {  	s5 =	sor.u32 @!p0 s5, s7;
	[sflag:s6] =	ssyncadd.s32 @!p0 $0xFFFFFFFF  }
0xb3: {  	s25 =	simm.s32 $0x1B8E;
	s24 =	sld [smem:$0x3FFE];
	[sflag:s5] =	ssyncadd.remote.s32 @!p0 $0x1  }
0xb4: {  	s26 =	simm.s32 $execute0_lowered;
	[smem:$0x3FD2] =	sst s25  }
0xb5: {  	s6 =	sshll.u32 s26, $0x1;
	_ =	strace $0x80000049;
	[dreg:$0x1] =	wrdreg $0xFFFFFFFF  }
0xb6: {  	s28 =	simm.s32 $_size_execute0_lowered;
	s4 =	sadd.s32 s4, s6;
	[dreg:$0x0] =	wrdreg $0x0  }
0xb7: {  	s6 =	sshll.u32 s28, $0x1;
	[dreg:$0x2] =	wrdreg s4  }
0xb8: {  	[dreg:$0x3] =	wrdreg s6  }
0xb9: {  	[dreg:$0x4] =	wrdreg $0xC0  }
0xba: {  	_ =	task [dreg:s22], $0x5FFFF  }
0xbb: {  	[dreg:$0x1] =	wrdreg $0xFFFFFFFF  }
0xbc: {  	[dreg:$0x0] =	wrdreg $0x60  }
0xbd: {  	[dreg:$0x2] =	wrdreg s18  }
0xbe: {  	[dreg:$0x3] =	wrdreg s24  }
0xbf: {  	[dreg:$0x4] =	wrdreg $0xA  }
0xc0: {  	_ =	task.clear_ibuf [dreg:s22], $0x5FFFF;
	_ =	strace $0x90000049  }
0xc1: {  	s29 =	simm.s32 $0xA;
	_ =	strace $0x8000004B  }
0xc2: {  	_ =	swait.ge [sflag:s29], $0x1  }
0xc3: {  	[sflag:s29] =	ssyncadd.s32 $0xFFFFFFFF  }
0xc4: {  	_ =	strace $0x9000004B  }
0xc5: {  	_ =	sfence  }
0xc6: {  	s30 =	sld [smem:$0x0];
	_ =	sdelay $0x2  }
0xc7: {  	s31 =	sshll.u32 s1, $0xD;
	s1 =	sshrl.u32 s1, $0x2  }
0xc8: {  	s4 =	sand.u32 $0x4000, s31;
	s1 =	sadd.s32 s1, s30  }
0xc9: {  	s0 =	sor.u32 s4, s0;
	s1 =	sshll.u32 s1, $0x11  }
0xca: {  	s0 =	sor.u32 s1, s0  }
0xcb: {  	s0 =	sadd.s32 $0x8F2B, s0  }
0xcc: {  	[sflag:s0] =	ssyncadd.remote.s32 $0x1  }
0xcd: {  	_ =	sfence.sel $0xFFFF  }
0xce: {  	[dreg:$0x0] =	wrdreg $0xFFFFFFFF;
	(pc) =	sbr.abs _section_cstart, $3  }
0xcf: {  	[dreg:$0x1] =	wrdreg $0xFFFFFFFF  }
0xd0: {  	_ =	task.clear_ibuf [dreg:s22], $0x2FFFF;
	_ =	strace $0x9FFFFFFF  }
0xd1: {  	(tm) =	ssettm $0x7FFFFFFF  }
tec
execute0_lowered:
.L_overlay_start_1:
0x0: {  	(tag) =	ssettag $0x1  }
0x1: {  	s0 =	rddreg [dreg:$0x0]  }
0x2: {  	s1 =	rddreg [dreg:$0x1];
	s3 =	srdreg.scid  }
0x3: {  	s2 =	simm.s32 $0x0;
	s4 =	stileid.u32;
	s17 =	simm.s32 $0x2  }
0x4: {  	s18 =	simm.s32 $0xA400;
	s19 =	simm.s32 $0x80;
	s21 =	simm.s32 $0x1400  }
0x5: {  	s29 =	simm.s32 $0xB200;
	s30 =	simm.s32 $0xB400;
	s31 =	simm.s32 $0xB600  }
0x6: {  	s7 =	sand.u32 $0x1, s3;
	[smem:$0x7FF] =	sst s2;
	s25 =	sshll.u32 s4, $0x7  }
0x7: {  	s3 =	sadd.s32 $0x11B000, s1;
	s4 =	sadd.s32 $0x20F400, s1;
	s26 =	sshll.u32 s7, $0x6  }
0x8: {  	s5 =	sadd.s32 $0x11AE00, s1;
	_ =	strace $0x8000004A;
	s13 =	sor.u32 s26, s25  }
0x9: {  	v0 =	vlaneseq.u32;
	s28 =	ssub.s32 $0x2, s7;
	s25 =	simm.s32 $0x9400;
	s15 =	sadd.s32 s13, s1  }
0xa: {  	v0 =	vmul.u32 $0x8, v0;
	s11 =	sshrl.u32 s28, $0x1;
	s6 =	sadd.s32 $0x22DE00, s15;
	s7 =	sadd.s32 $0x22E600, s15  }
0xb: {  	s1 =	ssub.s32 s28, s11;
	s8 =	sadd.s32 $0x22EE00, s15;
	s9 =	sadd.s32 $0x22F600, s15  }
0xc: {  	v1 =	vor.u32 $0x7000, v0;
	v2 =	vor.u32 $0x6000, v0;
	s13 =	sadd.s32 s0, s13;
	s10 =	sadd.s32 $0x22FE00, s15;
	s11 =	sadd.s32 $0x230600, s15  }
0xd: {  	v3 =	vor.u32 $0x5000, v0;
	v4 =	vor.u32 $0x4000, v0;
	s0 =	simm.s32 $0x0;
	s12 =	sadd.s32 $0x230E00, s15;
	s14 =	sadd.s32 $0x231600, s15  }
0xe: {  	v5 =	vor.u32 $0x3000, v0;
	v6 =	vor.u32 $0x2000, v0;
	v7 =	vor.u32 $0x1000, v0;
	s15 =	sadd.s32 $0x231E00, s15;
	s16 =	smax.u32 s1, $0x1;
	s1 =	simm.s32 $0x1  }
.LBB2_1:
0xf: {  	[tilespmem:s2], [sflag:$0x2] =	stream.linear.gather [hbm4b:s13+s2], $0x200, $0x38;
	[tilespmem:$0xB800] =	vst v63  }
0x10: {  	_ =	swait.ge [sflag:s17], $0x200  }
0x11: {  	[sflag:s17] =	ssyncset.done $0x0  }
0x12: {  	[sflag:s17] =	ssyncadd.s32 $0xFFFFFE00  }
0x13: {  	[tilespmem:s18], [sflag:$0x2] =	stream.linear.gather [hbm4b:s5+s2], $0x200, $0x38;
	[tilespmem:$0xB800] =	vst v63  }
0x14: {  	_ =	swait.ge [sflag:s17], $0x200  }
0x15: {  	[sflag:s17] =	ssyncset.done $0x0  }
0x16: {  	s22 =	simm.s32 $0x0;
	[sflag:s17] =	ssyncadd.s32 $0xFFFFFE00  }
0x17: {  	v8 =	vld [tilespmem:s22+$0x0];
	_ =	sdelay $0x4  }
0x18: {  	vm0 =	vlt.s32 v8, $0xF41FF  }
0x19: {  	v9 =	vnsel vm0, $0xF41FF, v8  }
0x1a: {  	v10 =	vshrl.u32 v9, $0x3  }
0x1b: {  	s20 =	simm.s32 $0x10;
	s23 =	simm.s32 $0x80;
	v8 =	vshra.s32 v8, $0x3;
	v9 =	vand.u32 $0xFFFFFF80, v9;
	v10 =	vand.u32 $0xF, v10  }
.LBB2_2:
0x1c: {  	p0 =	sne.s32 s23, $0x7C0;
	v11 =	vld [tilespmem:s20+$0x0];
	[tilespmem:s22+$0x1200] =	vst v8;
	v8 =	vor.u32 v9, v10  }
0x1d: {  	[tilespmem:s22+$0x200] =	vst v8;
	v9 =	vor.u32 $0x10, v8;
	v10 =	vor.u32 $0x20, v8;
	v12 =	vor.u32 $0x70, v8  }
0x1e: {  	v13 =	vor.u32 $0x30, v8;
	v14 =	vor.u32 $0x40, v8;
	v15 =	vor.u32 $0x50, v8;
	[tilespmem:s22+$0x1000] =	vst v12  }
0x1f: {  	v12 =	vor.u32 $0x60, v8;
	[tilespmem:s22+$0x400] =	vst v9  }
.Ltmp0:
0x20: {  	[tilespmem:s22+$0x600] =	vst v10;
	(pc) =	sbr.rel @p0 .LBB2_2-.Ltmp0, $4  }
0x21: {  	v8 =	vshra.s32 v11, $0x3;
	vm0 =	vlt.s32 v11, $0xF41FF;
	[tilespmem:s22+$0x800] =	vst v13  }
0x22: {  	v9 =	vnsel vm0, $0xF41FF, v11;
	[tilespmem:s22+$0xA00] =	vst v14  }
0x23: {  	v10 =	vshrl.u32 v9, $0x3;
	[tilespmem:s22+$0xC00] =	vst v15  }
0x24: {  	v9 =	vand.u32 $0xFFFFFF80, v9;
	v10 =	vand.u32 $0xF, v10;
	[tilespmem:s22+$0xE00] =	vst v12;
	s22 =	smov.u32 s20;
	s20 =	sshra.s32 s23, $0x2;
	s23 =	sadd.s32 $0x40, s23  }
0x25: {  	v11 =	vld [tilespmem:s20+$0x0];
	[tilespmem:s22+$0x1200] =	vst v8;
	v8 =	vor.u32 v9, v10  }
0x26: {  	[tilespmem:s22+$0x200] =	vst v8;
	v9 =	vor.u32 $0x70, v8  }
0x27: {  	v10 =	vor.u32 $0x10, v8;
	[tilespmem:s22+$0x1000] =	vst v9  }
0x28: {  	v9 =	vor.u32 $0x20, v8;
	[tilespmem:s22+$0x400] =	vst v10  }
0x29: {  	v10 =	vor.u32 $0x30, v8;
	[tilespmem:s22+$0x600] =	vst v9  }
0x2a: {  	v9 =	vor.u32 $0x40, v8;
	[tilespmem:s22+$0x800] =	vst v10;
	vm0 =	vlt.s32 v11, $0xF41FF  }
0x2b: {  	v10 =	vor.u32 $0x50, v8;
	[tilespmem:s22+$0xA00] =	vst v9;
	v12 =	vnsel vm0, $0xF41FF, v11  }
0x2c: {  	v8 =	vor.u32 $0x60, v8;
	[tilespmem:s22+$0xC00] =	vst v10;
	v9 =	vshrl.u32 v12, $0x3  }
0x2d: {  	[tilespmem:s22+$0xE00] =	vst v8;
	v10 =	vshra.s32 v11, $0x3;
	v11 =	vand.u32 $0xFFFFFF80, v12;
	v9 =	vand.u32 $0xF, v9  }
0x2e: {  	[tilespmem:s20+$0x1200] =	vst v10;
	v8 =	vor.u32 v11, v9  }
0x2f: {  	[tilespmem:s20+$0x200] =	vst v8;
	v9 =	vor.u32 $0x70, v8  }
0x30: {  	v10 =	vor.u32 $0x10, v8;
	[tilespmem:s20+$0x1000] =	vst v9  }
0x31: {  	v9 =	vor.u32 $0x20, v8;
	[tilespmem:s20+$0x400] =	vst v10  }
0x32: {  	v10 =	vor.u32 $0x30, v8;
	[tilespmem:s20+$0x600] =	vst v9  }
0x33: {  	v9 =	vor.u32 $0x40, v8;
	[tilespmem:s20+$0x800] =	vst v10  }
0x34: {  	v10 =	vor.u32 $0x50, v8;
	[tilespmem:s20+$0xA00] =	vst v9  }
0x35: {  	v8 =	vor.u32 $0x60, v8;
	[tilespmem:s20+$0xC00] =	vst v10  }
0x36: {  	s22 =	simm.s32 $0x200;
	[tilespmem:s20+$0xE00] =	vst v8  }
0x37: {  	[tilespmem:s21], [sflag:$0x1] =	stream.indirect.gather [hbm4b:s3+s19], $0x8, s22, s19, $0xb8;
	[tilespmem:$0xB800] =	vst v63  }
0x38: {  	s23 =	simm.s32 $0x280;
	s24 =	simm.s32 $0x1800  }
0x39: {  	[tilespmem:s24], [sflag:$0x1] =	stream.indirect.gather [hbm4b:s3+s19], $0x8, s23, s19, $0xb8;
	[tilespmem:$0xB800] =	vst v63  }
0x3a: {  	s26 =	simm.s32 $0x300;
	s28 =	simm.s32 $0x1C00  }
0x3b: {  	[tilespmem:s28], [sflag:$0x1] =	stream.indirect.gather [hbm4b:s3+s19], $0x8, s26, s19, $0xb8;
	[tilespmem:$0xB800] =	vst v63  }
0x3c: {  	s23 =	simm.s32 $0x380;
	s24 =	simm.s32 $0x2000  }
0x3d: {  	[tilespmem:s24], [sflag:$0x1] =	stream.indirect.gather [hbm4b:s3+s19], $0x8, s23, s19, $0xb8;
	[tilespmem:$0xB800] =	vst v63  }
0x3e: {  	s26 =	simm.s32 $0x400;
	s28 =	simm.s32 $0x2400  }
0x3f: {  	[tilespmem:s28], [sflag:$0x1] =	stream.indirect.gather [hbm4b:s3+s19], $0x8, s26, s19, $0xb8;
	[tilespmem:$0xB800] =	vst v63  }
0x40: {  	s23 =	simm.s32 $0x480;
	s24 =	simm.s32 $0x2800  }
0x41: {  	[tilespmem:s24], [sflag:$0x1] =	stream.indirect.gather [hbm4b:s3+s19], $0x8, s23, s19, $0xb8;
	[tilespmem:$0xB800] =	vst v63  }
0x42: {  	s26 =	simm.s32 $0x500;
	s28 =	simm.s32 $0x2C00  }
0x43: {  	[tilespmem:s28], [sflag:$0x1] =	stream.indirect.gather [hbm4b:s3+s19], $0x8, s26, s19, $0xb8;
	[tilespmem:$0xB800] =	vst v63  }
0x44: {  	s23 =	simm.s32 $0x580;
	s24 =	simm.s32 $0x3000  }
0x45: {  	[tilespmem:s24], [sflag:$0x1] =	stream.indirect.gather [hbm4b:s3+s19], $0x8, s23, s19, $0xb8;
	[tilespmem:$0xB800] =	vst v63  }
0x46: {  	s26 =	simm.s32 $0x600;
	s28 =	simm.s32 $0x3400  }
0x47: {  	[tilespmem:s28], [sflag:$0x1] =	stream.indirect.gather [hbm4b:s3+s19], $0x8, s26, s19, $0xb8;
	[tilespmem:$0xB800] =	vst v63  }
0x48: {  	s23 =	simm.s32 $0x680;
	s24 =	simm.s32 $0x3800  }
0x49: {  	[tilespmem:s24], [sflag:$0x1] =	stream.indirect.gather [hbm4b:s3+s19], $0x8, s23, s19, $0xb8;
	[tilespmem:$0xB800] =	vst v63  }
0x4a: {  	s26 =	simm.s32 $0x700;
	s28 =	simm.s32 $0x3C00  }
0x4b: {  	[tilespmem:s28], [sflag:$0x1] =	stream.indirect.gather [hbm4b:s3+s19], $0x8, s26, s19, $0xb8;
	[tilespmem:$0xB800] =	vst v63  }
0x4c: {  	s23 =	simm.s32 $0x780;
	s24 =	simm.s32 $0x4000  }
0x4d: {  	[tilespmem:s24], [sflag:$0x1] =	stream.indirect.gather [hbm4b:s3+s19], $0x8, s23, s19, $0xb8;
	[tilespmem:$0xB800] =	vst v63  }
0x4e: {  	s26 =	simm.s32 $0x800;
	s28 =	simm.s32 $0x4400  }
0x4f: {  	[tilespmem:s28], [sflag:$0x1] =	stream.indirect.gather [hbm4b:s3+s19], $0x8, s26, s19, $0xb8;
	[tilespmem:$0xB800] =	vst v63  }
0x50: {  	s23 =	simm.s32 $0x880;
	s24 =	simm.s32 $0x4800  }
0x51: {  	[tilespmem:s24], [sflag:$0x1] =	stream.indirect.gather [hbm4b:s3+s19], $0x8, s23, s19, $0xb8;
	[tilespmem:$0xB800] =	vst v63  }
0x52: {  	s26 =	simm.s32 $0x900;
	s28 =	simm.s32 $0x4C00  }
0x53: {  	[tilespmem:s28], [sflag:$0x1] =	stream.indirect.gather [hbm4b:s3+s19], $0x8, s26, s19, $0xb8;
	[tilespmem:$0xB800] =	vst v63  }
0x54: {  	s23 =	simm.s32 $0x980;
	s24 =	simm.s32 $0x5000  }
0x55: {  	[tilespmem:s24], [sflag:$0x1] =	stream.indirect.gather [hbm4b:s3+s19], $0x8, s23, s19, $0xb8;
	[tilespmem:$0xB800] =	vst v63  }
0x56: {  	s26 =	simm.s32 $0xA00;
	s28 =	simm.s32 $0x5400  }
0x57: {  	[tilespmem:s28], [sflag:$0x1] =	stream.indirect.gather [hbm4b:s3+s19], $0x8, s26, s19, $0xb8;
	[tilespmem:$0xB800] =	vst v63  }
0x58: {  	s23 =	simm.s32 $0xA80;
	s24 =	simm.s32 $0x5800  }
0x59: {  	[tilespmem:s24], [sflag:$0x1] =	stream.indirect.gather [hbm4b:s3+s19], $0x8, s23, s19, $0xb8;
	[tilespmem:$0xB800] =	vst v63  }
0x5a: {  	s26 =	simm.s32 $0xB00;
	s28 =	simm.s32 $0x5C00  }
0x5b: {  	[tilespmem:s28], [sflag:$0x1] =	stream.indirect.gather [hbm4b:s3+s19], $0x8, s26, s19, $0xb8;
	[tilespmem:$0xB800] =	vst v63  }
0x5c: {  	s23 =	simm.s32 $0xB80;
	s24 =	simm.s32 $0x6000  }
0x5d: {  	[tilespmem:s24], [sflag:$0x1] =	stream.indirect.gather [hbm4b:s3+s19], $0x8, s23, s19, $0xb8;
	[tilespmem:$0xB800] =	vst v63  }
0x5e: {  	s26 =	simm.s32 $0xC00;
	s28 =	simm.s32 $0x6400  }
0x5f: {  	[tilespmem:s28], [sflag:$0x1] =	stream.indirect.gather [hbm4b:s3+s19], $0x8, s26, s19, $0xb8;
	[tilespmem:$0xB800] =	vst v63  }
0x60: {  	s23 =	simm.s32 $0xC80;
	s24 =	simm.s32 $0x6800  }
0x61: {  	[tilespmem:s24], [sflag:$0x1] =	stream.indirect.gather [hbm4b:s3+s19], $0x8, s23, s19, $0xb8;
	[tilespmem:$0xB800] =	vst v63  }
0x62: {  	s26 =	simm.s32 $0xD00;
	s28 =	simm.s32 $0x6C00  }
0x63: {  	[tilespmem:s28], [sflag:$0x1] =	stream.indirect.gather [hbm4b:s3+s19], $0x8, s26, s19, $0xb8;
	[tilespmem:$0xB800] =	vst v63  }
0x64: {  	s23 =	simm.s32 $0xD80;
	s24 =	simm.s32 $0x7000  }
0x65: {  	[tilespmem:s24], [sflag:$0x1] =	stream.indirect.gather [hbm4b:s3+s19], $0x8, s23, s19, $0xb8;
	[tilespmem:$0xB800] =	vst v63  }
0x66: {  	s26 =	simm.s32 $0xE00;
	s28 =	simm.s32 $0x7400  }
0x67: {  	[tilespmem:s28], [sflag:$0x1] =	stream.indirect.gather [hbm4b:s3+s19], $0x8, s26, s19, $0xb8;
	[tilespmem:$0xB800] =	vst v63  }
0x68: {  	s23 =	simm.s32 $0xE80;
	s24 =	simm.s32 $0x7800  }
0x69: {  	[tilespmem:s24], [sflag:$0x1] =	stream.indirect.gather [hbm4b:s3+s19], $0x8, s23, s19, $0xb8;
	[tilespmem:$0xB800] =	vst v63  }
0x6a: {  	s26 =	simm.s32 $0xF00;
	s28 =	simm.s32 $0x7C00  }
0x6b: {  	[tilespmem:s28], [sflag:$0x1] =	stream.indirect.gather [hbm4b:s3+s19], $0x8, s26, s19, $0xb8;
	[tilespmem:$0xB800] =	vst v63  }
0x6c: {  	s23 =	simm.s32 $0xF80;
	s24 =	simm.s32 $0x8000  }
0x6d: {  	[tilespmem:s24], [sflag:$0x1] =	stream.indirect.gather [hbm4b:s3+s19], $0x8, s23, s19, $0xb8;
	[tilespmem:$0xB800] =	vst v63  }
0x6e: {  	s26 =	simm.s32 $0x1000;
	s28 =	simm.s32 $0x8400  }
0x6f: {  	[tilespmem:s28], [sflag:$0x1] =	stream.indirect.gather [hbm4b:s3+s19], $0x8, s26, s19, $0xb8;
	[tilespmem:$0xB800] =	vst v63  }
0x70: {  	s23 =	simm.s32 $0x1080;
	s24 =	simm.s32 $0x8800  }
0x71: {  	[tilespmem:s24], [sflag:$0x1] =	stream.indirect.gather [hbm4b:s3+s19], $0x8, s23, s19, $0xb8;
	[tilespmem:$0xB800] =	vst v63  }
0x72: {  	s26 =	simm.s32 $0x1100;
	s28 =	simm.s32 $0x8C00  }
0x73: {  	[tilespmem:s28], [sflag:$0x1] =	stream.indirect.gather [hbm4b:s3+s19], $0x8, s26, s19, $0xb8;
	[tilespmem:$0xB800] =	vst v63  }
0x74: {  	s22 =	simm.s32 $0x1180;
	s23 =	simm.s32 $0x9000  }
0x75: {  	[tilespmem:s23], [sflag:$0x1] =	stream.indirect.gather [hbm4b:s3+s19], $0x8, s22, s19, $0xb8;
	[tilespmem:$0xB800] =	vst v63  }
0x76: {  	s24 =	simm.s32 $0x1200  }
0x77: {  	[tilespmem:s25], [sflag:$0x1] =	stream.indirect.gather [hbm4b:s4+s19], $0x8, s24, s19, $0xb8;
	[tilespmem:$0xB800] =	vst v63  }
0x78: {  	s26 =	simm.s32 $0x1280;
	s28 =	simm.s32 $0x9800  }
0x79: {  	[tilespmem:s28], [sflag:$0x1] =	stream.indirect.gather [hbm4b:s4+s19], $0x8, s26, s19, $0xb8;
	[tilespmem:$0xB800] =	vst v63  }
0x7a: {  	s23 =	simm.s32 $0x1300;
	s24 =	simm.s32 $0x9C00  }
0x7b: {  	[tilespmem:s24], [sflag:$0x1] =	stream.indirect.gather [hbm4b:s4+s19], $0x8, s23, s19, $0xb8;
	[tilespmem:$0xB800] =	vst v63  }
0x7c: {  	s26 =	simm.s32 $0x1380;
	s28 =	simm.s32 $0xA000  }
0x7d: {  	[tilespmem:s28], [sflag:$0x1] =	stream.indirect.gather [hbm4b:s4+s19], $0x8, s26, s19, $0xb8;
	[tilespmem:$0xB800] =	vst v63  }
0x7e: {  	_ =	swait.ge [sflag:s1], $0x400  }
0x7f: {  	[sflag:s1] =	ssyncset.done $0x0  }
0x80: {  	[sflag:s1] =	ssyncadd.s32 $0xFFFFFC00  }
0x81: {  	_ =	swait.ge [sflag:s1], $0x400  }
0x82: {  	[sflag:s1] =	ssyncset.done $0x0  }
0x83: {  	[sflag:s1] =	ssyncadd.s32 $0xFFFFFC00  }
0x84: {  	_ =	swait.ge [sflag:s1], $0x400  }
0x85: {  	[sflag:s1] =	ssyncset.done $0x0  }
0x86: {  	[sflag:s1] =	ssyncadd.s32 $0xFFFFFC00  }
0x87: {  	_ =	swait.ge [sflag:s1], $0x400  }
0x88: {  	[sflag:s1] =	ssyncset.done $0x0  }
0x89: {  	[sflag:s1] =	ssyncadd.s32 $0xFFFFFC00  }
0x8a: {  	_ =	swait.ge [sflag:s1], $0x400  }
0x8b: {  	[sflag:s1] =	ssyncset.done $0x0  }
0x8c: {  	[sflag:s1] =	ssyncadd.s32 $0xFFFFFC00  }
0x8d: {  	_ =	swait.ge [sflag:s1], $0x400  }
0x8e: {  	[sflag:s1] =	ssyncset.done $0x0  }
0x8f: {  	[sflag:s1] =	ssyncadd.s32 $0xFFFFFC00  }
0x90: {  	_ =	swait.ge [sflag:s1], $0x400  }
0x91: {  	[sflag:s1] =	ssyncset.done $0x0  }
0x92: {  	[sflag:s1] =	ssyncadd.s32 $0xFFFFFC00  }
0x93: {  	_ =	swait.ge [sflag:s1], $0x400  }
0x94: {  	[sflag:s1] =	ssyncset.done $0x0  }
0x95: {  	[sflag:s1] =	ssyncadd.s32 $0xFFFFFC00  }
0x96: {  	_ =	swait.ge [sflag:s1], $0x400  }
0x97: {  	[sflag:s1] =	ssyncset.done $0x0  }
0x98: {  	[sflag:s1] =	ssyncadd.s32 $0xFFFFFC00  }
0x99: {  	_ =	swait.ge [sflag:s1], $0x400  }
0x9a: {  	[sflag:s1] =	ssyncset.done $0x0  }
0x9b: {  	[sflag:s1] =	ssyncadd.s32 $0xFFFFFC00  }
0x9c: {  	_ =	swait.ge [sflag:s1], $0x400  }
0x9d: {  	[sflag:s1] =	ssyncset.done $0x0  }
0x9e: {  	[sflag:s1] =	ssyncadd.s32 $0xFFFFFC00  }
0x9f: {  	_ =	swait.ge [sflag:s1], $0x400  }
0xa0: {  	[sflag:s1] =	ssyncset.done $0x0  }
0xa1: {  	[sflag:s1] =	ssyncadd.s32 $0xFFFFFC00  }
0xa2: {  	_ =	swait.ge [sflag:s1], $0x400  }
0xa3: {  	[sflag:s1] =	ssyncset.done $0x0  }
0xa4: {  	[sflag:s1] =	ssyncadd.s32 $0xFFFFFC00  }
0xa5: {  	_ =	swait.ge [sflag:s1], $0x400  }
0xa6: {  	[sflag:s1] =	ssyncset.done $0x0  }
0xa7: {  	[sflag:s1] =	ssyncadd.s32 $0xFFFFFC00  }
0xa8: {  	_ =	swait.ge [sflag:s1], $0x400  }
0xa9: {  	[sflag:s1] =	ssyncset.done $0x0  }
0xaa: {  	[sflag:s1] =	ssyncadd.s32 $0xFFFFFC00  }
0xab: {  	_ =	swait.ge [sflag:s1], $0x400  }
0xac: {  	[sflag:s1] =	ssyncset.done $0x0  }
0xad: {  	[sflag:s1] =	ssyncadd.s32 $0xFFFFFC00  }
0xae: {  	_ =	swait.ge [sflag:s1], $0x400  }
0xaf: {  	[sflag:s1] =	ssyncset.done $0x0  }
0xb0: {  	[sflag:s1] =	ssyncadd.s32 $0xFFFFFC00  }
0xb1: {  	_ =	swait.ge [sflag:s1], $0x400  }
0xb2: {  	[sflag:s1] =	ssyncset.done $0x0  }
0xb3: {  	[sflag:s1] =	ssyncadd.s32 $0xFFFFFC00  }
0xb4: {  	_ =	swait.ge [sflag:s1], $0x400  }
0xb5: {  	[sflag:s1] =	ssyncset.done $0x0  }
0xb6: {  	[sflag:s1] =	ssyncadd.s32 $0xFFFFFC00  }
0xb7: {  	_ =	swait.ge [sflag:s1], $0x400  }
0xb8: {  	[sflag:s1] =	ssyncset.done $0x0  }
0xb9: {  	[sflag:s1] =	ssyncadd.s32 $0xFFFFFC00  }
0xba: {  	_ =	swait.ge [sflag:s1], $0x400  }
0xbb: {  	[sflag:s1] =	ssyncset.done $0x0  }
0xbc: {  	[sflag:s1] =	ssyncadd.s32 $0xFFFFFC00  }
0xbd: {  	_ =	swait.ge [sflag:s1], $0x400  }
0xbe: {  	[sflag:s1] =	ssyncset.done $0x0  }
0xbf: {  	[sflag:s1] =	ssyncadd.s32 $0xFFFFFC00  }
0xc0: {  	_ =	swait.ge [sflag:s1], $0x400  }
0xc1: {  	[sflag:s1] =	ssyncset.done $0x0  }
0xc2: {  	[sflag:s1] =	ssyncadd.s32 $0xFFFFFC00  }
0xc3: {  	_ =	swait.ge [sflag:s1], $0x400  }
0xc4: {  	[sflag:s1] =	ssyncset.done $0x0  }
0xc5: {  	[sflag:s1] =	ssyncadd.s32 $0xFFFFFC00  }
0xc6: {  	_ =	swait.ge [sflag:s1], $0x400  }
0xc7: {  	[sflag:s1] =	ssyncset.done $0x0  }
0xc8: {  	[sflag:s1] =	ssyncadd.s32 $0xFFFFFC00  }
0xc9: {  	_ =	swait.ge [sflag:s1], $0x400  }
0xca: {  	[sflag:s1] =	ssyncset.done $0x0  }
0xcb: {  	[sflag:s1] =	ssyncadd.s32 $0xFFFFFC00  }
0xcc: {  	_ =	swait.ge [sflag:s1], $0x400  }
0xcd: {  	[sflag:s1] =	ssyncset.done $0x0  }
0xce: {  	[sflag:s1] =	ssyncadd.s32 $0xFFFFFC00  }
0xcf: {  	_ =	swait.ge [sflag:s1], $0x400  }
0xd0: {  	[sflag:s1] =	ssyncset.done $0x0  }
0xd1: {  	[sflag:s1] =	ssyncadd.s32 $0xFFFFFC00  }
0xd2: {  	_ =	swait.ge [sflag:s1], $0x400  }
0xd3: {  	[sflag:s1] =	ssyncset.done $0x0  }
0xd4: {  	[sflag:s1] =	ssyncadd.s32 $0xFFFFFC00  }
0xd5: {  	_ =	swait.ge [sflag:s1], $0x400  }
0xd6: {  	[sflag:s1] =	ssyncset.done $0x0  }
0xd7: {  	[sflag:s1] =	ssyncadd.s32 $0xFFFFFC00  }
0xd8: {  	_ =	swait.ge [sflag:s1], $0x400  }
0xd9: {  	[sflag:s1] =	ssyncset.done $0x0  }
0xda: {  	[sflag:s1] =	ssyncadd.s32 $0xFFFFFC00  }
0xdb: {  	_ =	swait.ge [sflag:s1], $0x400  }
0xdc: {  	[sflag:s1] =	ssyncset.done $0x0  }
0xdd: {  	[sflag:s1] =	ssyncadd.s32 $0xFFFFFC00  }
0xde: {  	_ =	swait.ge [sflag:s1], $0x400  }
0xdf: {  	[sflag:s1] =	ssyncset.done $0x0  }
0xe0: {  	[sflag:s1] =	ssyncadd.s32 $0xFFFFFC00  }
0xe1: {  	_ =	swait.ge [sflag:s1], $0x400  }
0xe2: {  	[sflag:s1] =	ssyncset.done $0x0  }
0xe3: {  	[sflag:s1] =	ssyncadd.s32 $0xFFFFFC00  }
0xe4: {  	_ =	swait.ge [sflag:s1], $0x400  }
0xe5: {  	[sflag:s1] =	ssyncset.done $0x0  }
0xe6: {  	[sflag:s1] =	ssyncadd.s32 $0xFFFFFC00  }
0xe7: {  	_ =	swait.ge [sflag:s1], $0x400  }
0xe8: {  	[sflag:s1] =	ssyncset.done $0x0  }
0xe9: {  	s20 =	simm.s32 $0x0;
	[sflag:s1] =	ssyncadd.s32 $0xFFFFFC00  }
0xea: {  	v8 =	vld [tilespmem:s20+$0x0];
	_ =	sdelay $0x2  }
0xeb: {  	v9 =	vmov s20  }
0xec: {  	v9 =	vshll.u32 v9, $0x3  }
0xed: {  	v11 =	vor.u32 v0, v9;
	v10 =	vand.u32 $0x7, v8  }
0xee: {  	v11 =	vor.u32 v11, v10;
	_ =	sdelay $0x3  }
0xef: {  	v53 =	vadd.s32 $0xFFF0BE00, v8  }
0xf0: {  	vm0 =	vgt.s32 v53, $0x0;
	v13 =	vld.idx.msk [tilespmem:v11+s25+$0x0], $0xffff  }
0xf1: {  	v12 =	vnsel vm0, $0x0, v53  }
0xf2: {  	v12 =	vshll.u32 v12, $0x3;
	_ =	sdelay $0x1  }
0xf3: {  	s22 =	simm.s32 $0xB600  }
0xf4: {  	[tilespmem:s22+$0x0] =	vst v13  }
0xf5: {  	v11 =	vld.idx.msk [tilespmem:v11+s21+$0x0], $0xffff  }
0xf6: {  	v13 =	vld.idx.msk [tilespmem:v12+s18+$0x0], $0xffff  }
0xf7: {  	v14 =	vadd.s32 v7, v9  }
0xf8: {  	v14 =	vor.u32 v14, v10  }
0xf9: {  	v15 =	vor.u32 $0x1, v12  }
0xfa: {  	vm0 =	vgt.s32 v8, $0xF41FF  }
0xfb: {  	s23 =	simm.s32 $0xAE00;
	v8 =	vsel vm0, v13, v11  }
0xfc: {  	[tilespmem:s23+$0xFFFFF800] =	vst v8  }
0xfd: {  	v8 =	vld.idx.msk [tilespmem:v14+s21+$0x0], $0xffff  }
0xfe: {  	v11 =	vld.idx.msk [tilespmem:v15+s18+$0x0], $0xffff  }
0xff: {  	v54 =	vadd.s32 v6, v9  }
0x100: {  	v13 =	vor.u32 v54, v10  }
0x101: {  	v55 =	vor.u32 $0x2, v12;
	_ =	sdelay $0x1  }
0x102: {  	v8 =	vsel vm0, v11, v8  }
0x103: {  	[tilespmem:s23+$0xFFFFFA00] =	vst v8  }
0x104: {  	v8 =	vld.idx.msk [tilespmem:v13+s21+$0x0], $0xffff  }
0x105: {  	v11 =	vld.idx.msk [tilespmem:v55+s18+$0x0], $0xffff  }
0x106: {  	v56 =	vadd.s32 v5, v9  }
0x107: {  	v13 =	vor.u32 v56, v10  }
0x108: {  	v57 =	vor.u32 $0x3, v12;
	_ =	sdelay $0x1  }
0x109: {  	v8 =	vsel vm0, v11, v8  }
0x10a: {  	[tilespmem:s23+$0xFFFFFC00] =	vst v8  }
0x10b: {  	v8 =	vld.idx.msk [tilespmem:v13+s21+$0x0], $0xffff  }
0x10c: {  	v11 =	vld.idx.msk [tilespmem:v57+s18+$0x0], $0xffff  }
0x10d: {  	v58 =	vadd.s32 v4, v9  }
0x10e: {  	v13 =	vor.u32 v58, v10  }
0x10f: {  	v59 =	vor.u32 $0x4, v12;
	_ =	sdelay $0x1  }
0x110: {  	v8 =	vsel vm0, v11, v8  }
0x111: {  	[tilespmem:s23+$0xFFFFFE00] =	vst v8  }
0x112: {  	v8 =	vld.idx.msk [tilespmem:v13+s21+$0x0], $0xffff  }
0x113: {  	v11 =	vld.idx.msk [tilespmem:v59+s18+$0x0], $0xffff  }
0x114: {  	v60 =	vadd.s32 v3, v9  }
0x115: {  	v13 =	vor.u32 v60, v10  }
0x116: {  	v61 =	vor.u32 $0x5, v12;
	_ =	sdelay $0x1  }
0x117: {  	v8 =	vsel vm0, v11, v8  }
0x118: {  	[tilespmem:s23+$0x0] =	vst v8  }
0x119: {  	v8 =	vld.idx.msk [tilespmem:v13+s21+$0x0], $0xffff  }
0x11a: {  	v11 =	vld.idx.msk [tilespmem:v61+s18+$0x0], $0xffff  }
0x11b: {  	v62 =	vadd.s32 v2, v9  }
0x11c: {  	v13 =	vor.u32 v62, v10  }
0x11d: {  	v63 =	vor.u32 $0x6, v12;
	_ =	sdelay $0x1  }
0x11e: {  	v8 =	vsel vm0, v11, v8  }
0x11f: {  	[tilespmem:s23+$0x200] =	vst v8  }
0x120: {  	v8 =	vld.idx.msk [tilespmem:v13+s21+$0x0], $0xffff  }
0x121: {  	v11 =	vld.idx.msk [tilespmem:v63+s18+$0x0], $0xffff;
	_ =	sdelay $0x3  }
0x122: {  	v9 =	vadd.s32 v1, v9  }
0x123: {  	v11 =	vsel vm0, v11, v8;
	v8 =	vor.u32 v9, v10  }
0x124: {  	v9 =	vor.u32 $0x7, v12;
	_ =	sdelay $0x2  }
0x125: {  	s24 =	simm.s32 $0x10;
	s26 =	simm.s32 $0xAE00;
	[tilespmem:s23+$0x400] =	vst v11  }
.LBB2_4:
0x126: {  	v8 =	vld.idx.msk [tilespmem:v8+s21+$0x0], $0xffff;
	s20 =	sadd.s32 $0x10, s20;
	s22 =	sadd.s32 $0x10, s22;
	s23 =	sadd.s32 $0x10, s23  }
0x127: {  	p0 =	sne.s32 s24, $0x1F0;
	s28 =	smov.u32 s24;
	s24 =	sadd.s32 $0x10, s24;
	v9 =	vld.idx.msk [tilespmem:v9+s18+$0x0], $0xffff  }
0x128: {  	_ =	sdelay $0x4  }
0x129: {  	v8 =	vsel vm0, v9, v8  }
0x12a: {  	[tilespmem:s26+$0x600] =	vst v8;
	s26 =	smov.u32 s23  }
0x12b: {  	v9 =	vld [tilespmem:s20+$0x0];
	_ =	sdelay $0x2  }
0x12c: {  	v8 =	vmov s28  }
0x12d: {  	v10 =	vshll.u32 v8, $0x3  }
0x12e: {  	v12 =	vor.u32 v0, v10;
	v11 =	vand.u32 $0x7, v9;
	v8 =	vadd.s32 $0xFFF0BE00, v9  }
0x12f: {  	v13 =	vadd.s32 v5, v10;
	vm0 =	vgt.s32 v8, $0x0;
	v12 =	vor.u32 v12, v11  }
0x130: {  	v13 =	vor.u32 v13, v11;
	v14 =	vnsel vm0, $0x0, v8;
	v8 =	vadd.s32 v4, v10  }
0x131: {  	v16 =	vadd.s32 v2, v10;
	v15 =	vor.u32 v8, v11;
	v8 =	vadd.s32 v3, v10  }
0x132: {  	v16 =	vor.u32 v16, v11;
	v17 =	vor.u32 v8, v11;
	v8 =	vadd.s32 v1, v10  }
0x133: {  	v8 =	vor.u32 v8, v11  }
0x134: {  	v18 =	vld.idx.msk [tilespmem:v12+s25+$0x0], $0xffff;
	_ =	sdelay $0x2  }
0x135: {  	v14 =	vshll.u32 v14, $0x3;
	_ =	sdelay $0x2  }
0x136: {  	[tilespmem:s22+$0x0] =	vst v18  }
0x137: {  	v12 =	vld.idx.msk [tilespmem:v12+s21+$0x0], $0xffff  }
0x138: {  	v18 =	vld.idx.msk [tilespmem:v14+s18+$0x0], $0xffff;
	_ =	sdelay $0x1  }
0x139: {  	v19 =	vadd.s32 v7, v10  }
0x13a: {  	v19 =	vor.u32 v19, v11;
	v20 =	vor.u32 $0x1, v14  }
0x13b: {  	vm0 =	vgt.s32 v9, $0xF41FF;
	_ =	sdelay $0x1  }
0x13c: {  	v9 =	vsel vm0, v18, v12  }
0x13d: {  	[tilespmem:s23+$0xFFFFF800] =	vst v9  }
0x13e: {  	v9 =	vld.idx.msk [tilespmem:v19+s21+$0x0], $0xffff  }
0x13f: {  	v12 =	vld.idx.msk [tilespmem:v20+s18+$0x0], $0xffff;
	_ =	sdelay $0x1  }
0x140: {  	v10 =	vadd.s32 v6, v10  }
0x141: {  	v10 =	vor.u32 v10, v11;
	v11 =	vor.u32 $0x2, v14;
	_ =	sdelay $0x2  }
0x142: {  	v9 =	vsel vm0, v12, v9  }
0x143: {  	[tilespmem:s23+$0xFFFFFA00] =	vst v9  }
0x144: {  	v9 =	vld.idx.msk [tilespmem:v10+s21+$0x0], $0xffff  }
0x145: {  	v10 =	vld.idx.msk [tilespmem:v11+s18+$0x0], $0xffff;
	_ =	sdelay $0x2  }
0x146: {  	v11 =	vor.u32 $0x3, v14;
	_ =	sdelay $0x2  }
0x147: {  	v9 =	vsel vm0, v10, v9  }
0x148: {  	[tilespmem:s23+$0xFFFFFC00] =	vst v9  }
0x149: {  	v9 =	vld.idx.msk [tilespmem:v13+s21+$0x0], $0xffff  }
0x14a: {  	v10 =	vld.idx.msk [tilespmem:v11+s18+$0x0], $0xffff;
	_ =	sdelay $0x2  }
0x14b: {  	v11 =	vor.u32 $0x4, v14;
	_ =	sdelay $0x2  }
0x14c: {  	v9 =	vsel vm0, v10, v9  }
0x14d: {  	[tilespmem:s23+$0xFFFFFE00] =	vst v9  }
0x14e: {  	v9 =	vld.idx.msk [tilespmem:v15+s21+$0x0], $0xffff  }
0x14f: {  	v10 =	vld.idx.msk [tilespmem:v11+s18+$0x0], $0xffff;
	_ =	sdelay $0x2  }
0x150: {  	v11 =	vor.u32 $0x5, v14;
	_ =	sdelay $0x2  }
0x151: {  	v9 =	vsel vm0, v10, v9  }
0x152: {  	[tilespmem:s23+$0x0] =	vst v9  }
0x153: {  	v9 =	vld.idx.msk [tilespmem:v17+s21+$0x0], $0xffff  }
0x154: {  	v10 =	vld.idx.msk [tilespmem:v11+s18+$0x0], $0xffff;
	_ =	sdelay $0x2  }
0x155: {  	v11 =	vor.u32 $0x6, v14;
	_ =	sdelay $0x2  }
0x156: {  	v9 =	vsel vm0, v10, v9  }
0x157: {  	[tilespmem:s23+$0x200] =	vst v9  }
0x158: {  	v10 =	vld.idx.msk [tilespmem:v16+s21+$0x0], $0xffff  }
0x159: {  	v11 =	vld.idx.msk [tilespmem:v11+s18+$0x0], $0xffff;
	_ =	sdelay $0x2  }
.Ltmp1:
0x15a: {  	v9 =	vor.u32 $0x7, v14;
	(pc) =	sbr.rel @p0 .LBB2_4-.Ltmp1, $3  }
0x15b: {  	_ =	sdelay $0x1  }
0x15c: {  	v10 =	vsel vm0, v11, v10  }
0x15d: {  	[tilespmem:s23+$0x400] =	vst v10  }
0x15e: {  	_ =	sdelay $0x3  }
0x15f: {  	v8 =	vld.idx.msk [tilespmem:v8+s21+$0x0], $0xffff  }
0x160: {  	v9 =	vld.idx.msk [tilespmem:v9+s18+$0x0], $0xffff;
	_ =	sdelay $0x4  }
0x161: {  	v8 =	vsel vm0, v9, v8  }
0x162: {  	s20 =	simm.s32 $0xA600;
	[tilespmem:s26+$0x600] =	vst v8  }
0x163: {  	[hbm4b:s6+s2] =	stream.linear.scatter [tilespmem:s20], [sflag:$0x2], $0x200, $0x38;
	[tilespmem:$0xB800] =	vst v63  }
0x164: {  	_ =	swait.ge [sflag:s17], $0x200  }
0x165: {  	[sflag:s17] =	ssyncset.done $0x0  }
0x166: {  	s22 =	simm.s32 $0xA800;
	[sflag:s17] =	ssyncadd.s32 $0xFFFFFE00  }
0x167: {  	[hbm4b:s7+s2] =	stream.linear.scatter [tilespmem:s22], [sflag:$0x2], $0x200, $0x38;
	[tilespmem:$0xB800] =	vst v63  }
0x168: {  	_ =	swait.ge [sflag:s17], $0x200  }
0x169: {  	[sflag:s17] =	ssyncset.done $0x0  }
0x16a: {  	s23 =	simm.s32 $0xAA00;
	[sflag:s17] =	ssyncadd.s32 $0xFFFFFE00  }
0x16b: {  	[hbm4b:s8+s2] =	stream.linear.scatter [tilespmem:s23], [sflag:$0x2], $0x200, $0x38;
	[tilespmem:$0xB800] =	vst v63  }
0x16c: {  	_ =	swait.ge [sflag:s17], $0x200  }
0x16d: {  	[sflag:s17] =	ssyncset.done $0x0  }
0x16e: {  	s24 =	simm.s32 $0xAC00;
	[sflag:s17] =	ssyncadd.s32 $0xFFFFFE00  }
0x16f: {  	[hbm4b:s9+s2] =	stream.linear.scatter [tilespmem:s24], [sflag:$0x2], $0x200, $0x38;
	[tilespmem:$0xB800] =	vst v63  }
0x170: {  	_ =	swait.ge [sflag:s17], $0x200  }
0x171: {  	[sflag:s17] =	ssyncset.done $0x0  }
0x172: {  	s26 =	simm.s32 $0xAE00;
	[sflag:s17] =	ssyncadd.s32 $0xFFFFFE00  }
0x173: {  	[hbm4b:s10+s2] =	stream.linear.scatter [tilespmem:s26], [sflag:$0x2], $0x200, $0x38;
	[tilespmem:$0xB800] =	vst v63  }
0x174: {  	_ =	swait.ge [sflag:s17], $0x200  }
0x175: {  	[sflag:s17] =	ssyncset.done $0x0  }
0x176: {  	s28 =	simm.s32 $0xB000;
	[sflag:s17] =	ssyncadd.s32 $0xFFFFFE00  }
0x177: {  	[hbm4b:s11+s2] =	stream.linear.scatter [tilespmem:s28], [sflag:$0x2], $0x200, $0x38;
	[tilespmem:$0xB800] =	vst v63  }
0x178: {  	_ =	swait.ge [sflag:s17], $0x200  }
0x179: {  	[sflag:s17] =	ssyncset.done $0x0  }
0x17a: {  	[sflag:s17] =	ssyncadd.s32 $0xFFFFFE00  }
0x17b: {  	[hbm4b:s12+s2] =	stream.linear.scatter [tilespmem:s29], [sflag:$0x2], $0x200, $0x38;
	[tilespmem:$0xB800] =	vst v63  }
0x17c: {  	_ =	swait.ge [sflag:s17], $0x200  }
0x17d: {  	[sflag:s17] =	ssyncset.done $0x0  }
0x17e: {  	[sflag:s17] =	ssyncadd.s32 $0xFFFFFE00  }
0x17f: {  	[hbm4b:s14+s2] =	stream.linear.scatter [tilespmem:s30], [sflag:$0x2], $0x200, $0x38;
	[tilespmem:$0xB800] =	vst v63  }
0x180: {  	s0 =	sadd.s32 $0x1, s0;
	_ =	swait.ge [sflag:s17], $0x200  }
0x181: {  	p0 =	sne.s32 s0, s16;
	[sflag:s17] =	ssyncset.done $0x0  }
.Ltmp2:
0x182: {  	[sflag:s17] =	ssyncadd.s32 $0xFFFFFE00;
	(pc) =	sbr.rel @p0 .LBB2_1-.Ltmp2, $4  }
0x183: {  	[hbm4b:s15+s2] =	stream.linear.scatter [tilespmem:s31], [sflag:$0x2], $0x200, $0x38;
	[tilespmem:$0xB800] =	vst v63  }
0x184: {  	_ =	swait.ge [sflag:s17], $0x200  }
0x185: {  	[sflag:s17] =	ssyncset.done $0x0  }
0x186: {  	[sflag:s17] =	ssyncadd.s32 $0xFFFFFE00  }
0x187: {  	_ =	sfence.sel $0x180000  }
0x188: {  	[bflag:$0x0] =	sbarrier.arrive $0xFFFF  }
0x189: {  	_ =	strace $0x9000004A  }
0x18a: {  	s0 =	stileid.u32;
	[bflag:$0x2] =	sbarrier.arrive $0xFFFF  }
0x18b: {  	p0 =	sne.s32 s0, $0x0;
	s0 =	rddreg [dreg:$0x2]  }
0x18c: {  	s0 =	sadd.s32 @!p0 $0x100000, s0  }
0x18d: {  	[sflag:s0] =	ssyncadd.tile.s32 @!p0 $0x1;
	_ =	shalt  }
.Lfunc_end2:
_tile_overlayer_lowered:
.L_overlay_start_2:
0x18e: {  	(tag) =	ssettag $0x2  }
0x18f: {  	s0 =	rddreg [dreg:$0x0];
	s2 =	stileid.u32  }
0x190: {  	s1 =	rddreg [dreg:$0x1];
	p0 =	sne.s32 s2, $0x0  }
0x191: {  	s3 =	rddreg [dreg:$0x2];
	[bflag:$0x3] =	sbarrier.arrive $0xFFFF;
	s2 =	simm.s32 @!p0 $0x1C02  }
0x192: {  	[timem:s3], [sflag:s2] =	dma.local @!p0 [hbm:s0], s1  }
0x193: {  	s0 =	simm.s32 @!p0 $0x2  }
0x194: {  	_ =	swait.ge @!p0 [sflag:s0], s1  }
0x195: {  	s1 =	ssub.s32 @!p0 $0x0, s1;
	[sflag:s0] =	ssyncset.done @!p0 $0x0  }
0x196: {  	[sflag:s0] =	ssyncadd.s32 @!p0 s1  }
0x197: {  	[bflag:$0x3] =	sbarrier.arrive $0xFFFF  }
0x198: {  	_ =	shalt  }

// kernel: kernel.15.cloned.1.call-start
scs
__scs_entry_jumppad:
0x0: {  	(pc) =	sbr.rel $0x88, $3  }
0x1: {  	(tag) =	ssettag $0x0;
	lr =	simm.s32 $0x1  }
0x2: {  	[smem:$0x3F90] =	sst lr;
	_ =	strace $0xD0000000  }
0x3: {  	_ = 	snop  }
0x4: {  	_ = 	snop  }
0x5: {  	_ = 	snop  }
0x6: {  	_ = 	snop  }
0x7: {  	_ = 	snop  }
__scs_overlays_trampoline_lowered:
0x8: {  	[smem:$0x3F9F] =	sst s0  }
0x9: {  	[smem:$0x3FA0] =	sst s1  }
0xa: {  	[smem:$0x3FA1] =	sst s2  }
0xb: {  	[smem:$0x3FA2] =	sst s3  }
0xc: {  	[smem:$0x3FA3] =	sst s4  }
0xd: {  	[smem:$0x3FA4] =	sst s5  }
0xe: {  	[smem:$0x3FA5] =	sst s6  }
0xf: {  	[smem:$0x3FA6] =	sst s7  }
0x10: {  	[smem:$0x3FA7] =	sst s8  }
0x11: {  	[smem:$0x3FA8] =	sst s9;
	s0 =	simm.s32 @!p0 $0x0  }
0x12: {  	s1 =	sld [smem:$0x3F8E];
	s0 =	simm.s32 @p0 $0x1  }
0x13: {  	[smem:$0x3FA9] =	sst s0;
	s0 =	simm.s32 @!p1 $0x0  }
0x14: {  	s2 =	sld [smem:$0x3F8D];
	s0 =	simm.s32 @p1 $0x1  }
0x15: {  	[smem:$0x3FAA] =	sst s0;
	s0 =	simm.s32 @!p2 $0x0  }
0x16: {  	s3 =	sld [smem:$0x3FDB];
	s0 =	simm.s32 @p2 $0x1  }
0x17: {  	s4 =	simm.s32 $0x1BF5;
	[smem:$0x3FAC] =	sst s0  }
0x18: {  	s0 =	sld [smem:$0x3F8F];
	_ =	swait.ge [sflag:s4], $0x0  }
0x19: {  	s7 =	sld [smem:$0x3F90]  }
0x1a: {  	s8 =	sadd.s32 $0xFFFFE003, lr  }
0x1b: {  	s9 =	sadd.s32 $0xFFFFFEF7, lr;
	s5 =	simm.s32 $0xFFFFFFFF;
	p2 =	slt.u32 s8, $0xFFFFF086  }
0x1c: {  	p1 =	slt.u32 s9, $0xF7A;
	s5 =	simm.s32 @!p2 $0x0  }
0x1d: {  	s5 =	simm.s32 @p1 $0x1;
	p0 =	seq.s32 s7, s2  }
0x1e: {  	s7 =	smul.u32 @!p0 $0xF7A, s2;
	p2 =	seq.s32 @!p0 s5, $0x0  }
0x1f: {  	s9 =	smul.u32 $0xF7A, s1;
	s8 =	simm.s32 @!p0 $0x1BF5;
	p2 =	por !p2, p0  }
0x20: {  	[sflag:s8] =	ssyncset.s32 @!p0 $0xFFFFF086;
	s6 =	sadd.s32 @!p0 s3, s7;
	s7 =	simm.s32 @!p0 $0x108  }
0x21: {  	s3 =	sadd.s32 s3, s9;
	s6 =	sadd.s32 @!p0 $0x88, s6;
	s7 =	simm.s32 @p2 $0x1082  }
0x22: {  	[simem:s7], [sflag:s8] =	dma.local @!p0 [hbm:s6], $0xF7A  }
0x23: {  	s9 =	sor.u32 $0xD0000000, s2;
	s6 =	simm.s32 $0x108;
	_ =	swait.ge @!p0 [sflag:s8], $0x0  }
0x24: {  	s3 =	sadd.s32 $0x88, s3;
	s6 =	simm.s32 @!p1 $0x1082;
	[sflag:s4] =	ssyncset.s32 $0xFFFFF086  }
0x25: {  	[simem:s6], [sflag:s4] =	dma.local [hbm:s3], $0xF7A  }
0x26: {  	[smem:$0x3F90] =	sst s1;
	(tag) =	ssettag s2;
	_ =	strace s9  }
0x27: {  	s1 =	sld [smem:$0x3FA0]  }
0x28: {  	s2 =	sld [smem:$0x3FA1]  }
0x29: {  	s4 =	sld [smem:$0x3FA3]  }
0x2a: {  	p0 =	seq.s32 s5, $0x0;
	s5 =	sld [smem:$0x3FA4]  }
0x2b: {  	s6 =	sld [smem:$0x3FA5]  }
0x2c: {  	s7 =	sld [smem:$0x3FA6]  }
0x2d: {  	s3 =	simm.s32 $0x108;
	s8 =	sld [smem:$0x3FA7]  }
0x2e: {  	s3 =	simm.s32 @!p0 $0x1082;
	s9 =	sld [smem:$0x3FA8]  }
0x2f: {  	lr =	sadd.s32 s0, s3;
	s0 =	sld [smem:$0x3F9F]  }
0x30: {  	s3 =	sld [smem:$0x3FA2]  }
0x31: {  	[smem:$0x3FAB] =	sst s10  }
0x32: {  	s10 =	sld [smem:$0x3FA9];
	_ =	sdelay $0x3  }
0x33: {  	p0 =	seq.s32 s10, $0x1;
	s10 =	sld [smem:$0x3FAB];
	_ =	sdelay $0x3  }
0x34: {  	[smem:$0x3FAB] =	sst s10  }
0x35: {  	s10 =	sld [smem:$0x3FAA];
	_ =	sdelay $0x3  }
0x36: {  	p1 =	seq.s32 s10, $0x1;
	s10 =	sld [smem:$0x3FAB];
	_ =	sdelay $0x3  }
0x37: {  	[smem:$0x3FAB] =	sst s10  }
0x38: {  	s10 =	sld [smem:$0x3FAC]  }
0x39: {  	_ = 	snop;
	(pc) =	sbr.ind lr, $3  }
0x3a: {  	_ = 	snop  }
0x3b: {  	_ = 	snop  }
0x3c: {  	p2 =	seq.s32 s10, $0x1;
	s10 =	sld [smem:$0x3FAB]  }
0x3d: {  	_ =	shalt  }
0x3e: {  	_ =	shalt  }
0x3f: {  	_ =	shalt  }
0x40: {  	_ =	shalt  }
0x41: {  	_ =	shalt  }
0x42: {  	_ =	shalt  }
0x43: {  	_ =	shalt  }
0x44: {  	_ =	shalt  }
0x45: {  	_ =	shalt  }
0x46: {  	_ =	shalt  }
0x47: {  	_ =	shalt  }
0x48: {  	_ =	shalt  }
0x49: {  	_ =	shalt  }
0x4a: {  	_ =	shalt  }
0x4b: {  	_ =	shalt  }
0x4c: {  	_ =	shalt  }
0x4d: {  	_ =	shalt  }
0x4e: {  	_ =	shalt  }
0x4f: {  	_ =	shalt  }
0x50: {  	_ =	shalt  }
0x51: {  	_ =	shalt  }
0x52: {  	_ =	shalt  }
0x53: {  	_ =	shalt  }
0x54: {  	_ =	shalt  }
0x55: {  	_ =	shalt  }
0x56: {  	_ =	shalt  }
0x57: {  	_ =	shalt  }
0x58: {  	_ =	shalt  }
0x59: {  	_ =	shalt  }
0x5a: {  	_ =	shalt  }
0x5b: {  	_ =	shalt  }
0x5c: {  	_ =	shalt  }
0x5d: {  	_ =	shalt  }
0x5e: {  	_ =	shalt  }
0x5f: {  	_ =	shalt  }
0x60: {  	_ =	shalt  }
0x61: {  	_ =	shalt  }
0x62: {  	_ =	shalt  }
0x63: {  	_ =	shalt  }
0x64: {  	_ =	shalt  }
0x65: {  	_ =	shalt  }
0x66: {  	_ =	shalt  }
0x67: {  	_ =	shalt  }
0x68: {  	_ =	shalt  }
0x69: {  	_ =	shalt  }
0x6a: {  	_ =	shalt  }
0x6b: {  	_ =	shalt  }
0x6c: {  	_ =	shalt  }
0x6d: {  	_ =	shalt  }
0x6e: {  	_ =	shalt  }
0x6f: {  	_ =	shalt  }
0x70: {  	_ =	shalt  }
0x71: {  	_ =	shalt  }
0x72: {  	_ =	shalt  }
0x73: {  	_ =	shalt  }
0x74: {  	_ =	shalt  }
0x75: {  	_ =	shalt  }
0x76: {  	_ =	shalt  }
0x77: {  	_ =	shalt  }
0x78: {  	_ =	shalt  }
0x79: {  	_ =	shalt  }
0x7a: {  	_ =	shalt  }
0x7b: {  	_ =	shalt  }
0x7c: {  	_ =	shalt  }
0x7d: {  	_ =	shalt  }
0x7e: {  	_ =	shalt  }
0x7f: {  	_ =	shalt  }
0x80: {  	_ =	shalt  }
0x81: {  	_ =	shalt  }
0x82: {  	_ =	shalt  }
0x83: {  	_ =	shalt  }
0x84: {  	_ =	shalt  }
0x85: {  	_ =	shalt  }
0x86: {  	_ =	shalt  }
0x87: {  	_ =	shalt  }
.Lfunc_end0:
.L_simem_size_0:
called_computation.2_lowered:
.L_overlay_start_0:
0x88: {  	s2 =	sld [smem:$0x3FD9]  }
0x89: {  	s3 =	sld [smem:$0x3FFE];
	_ =	sdelay $0x1  }
0x8a: {  	s1 =	srdreg.scid  }
0x8b: {  	s0 =	sand.u32 $0x1, s1  }
0x8c: {  	s17 =	sshll.u32 s0, $0xA;
	s2 =	sadd.s32 s3, s2  }
0x8d: {  	s2 =	sadd.s32 s2, s17  }
0x8e: {  	[smem:$0x3FB7] =	sst s2  }
0x8f: {  	_ = 	snop  }
0x90: {  	s2 =	sld [smem:$0x3FC8];
	(tm) =	ssettm $0x1  }
0x91: {  	s18 =	sld [smem:$0x3FFB];
	_ =	sdelay $0x3  }
0x92: {  	_ =	strace s18  }
0x93: {  	s3 =	sld [smem:$0x3FFC];
	_ =	sdelay $0x3  }
0x94: {  	_ =	strace s3  }
0x95: {  	s3 =	sld [smem:$0x3FFD];
	_ =	sdelay $0x3  }
0x96: {  	_ =	strace s3  }
0x97: {  	_ =	strace $0x8FFFFFFF  }
0x98: {  	s19 =	sld [smem:$0x3FDB];
	_ =	sdelay $0x1  }
0x99: {  	s4 =	simm.s32 $_scs_section_size  }
0x9a: {  	s5 =	simm.s32 $_size__tile_overlayer_lowered;
	s6 =	simm.s32 $_tile_overlayer_lowered  }
0x9b: {  	s22 =	simm.s32 $0x1BFF;
	s21 =	sshll.u32 s6, $0x1;
	s3 =	sadd.s32 s4, s19  }
0x9c: {  	s7 =	simm.s32 $0x0;
	s20 =	sshll.u32 s5, $0x1;
	s5 =	sadd.s32 s21, s3  }
0x9d: {  	[timem:s7], [sflag:s22] =	dma.local [hbm:s5], s20  }
0x9e: {  	_ =	swait.ge [sflag:s22], s20  }
0x9f: {  	s4 =	ssub.s32 $0x0, s20;
	[sflag:s22] =	ssyncset.done $0x0  }
0xa0: {  	[sflag:s22] =	ssyncadd.s32 s4;
	_ =	sdelay $0x1  }
0xa1: {  	s23 =	simm.s32 $0x1B8B  }
0xa2: {  	_ =	swait.ge [sflag:s23], $0x1  }
0xa3: {  	[sflag:s23] =	ssyncset.done $0x0  }
0xa4: {  	s25 =	simm.s32 $0x1B8E;
	s24 =	sld [smem:$0x3FFE];
	[sflag:s23] =	ssyncadd.s32 $0xFFFFFFFF  }
0xa5: {  	s26 =	simm.s32 $execute0_lowered;
	[smem:$0x3FD2] =	sst s25  }
0xa6: {  	s5 =	sshll.u32 s26, $0x1;
	_ =	strace $0x80000046;
	[dreg:$0x1] =	wrdreg $0xFFFFFFFF  }
0xa7: {  	s28 =	simm.s32 $_size_execute0_lowered;
	s3 =	sadd.s32 s3, s5;
	[dreg:$0x0] =	wrdreg $0x0  }
0xa8: {  	s5 =	sshll.u32 s28, $0x1;
	[dreg:$0x2] =	wrdreg s3  }
0xa9: {  	[dreg:$0x3] =	wrdreg s5  }
0xaa: {  	[dreg:$0x4] =	wrdreg $0xC0  }
0xab: {  	_ =	task [dreg:s7], $0x5FFFF  }
0xac: {  	[dreg:$0x1] =	wrdreg $0xFFFFFFFF  }
0xad: {  	[dreg:$0x0] =	wrdreg $0x60  }
0xae: {  	[dreg:$0x2] =	wrdreg s2  }
0xaf: {  	[dreg:$0x3] =	wrdreg s24  }
0xb0: {  	[dreg:$0x4] =	wrdreg $0xB  }
0xb1: {  	_ =	task.clear_ibuf [dreg:s7], $0x5FFFF;
	_ =	strace $0x90000046  }
0xb2: {  	s29 =	simm.s32 $0xB;
	_ =	strace $0x80000048  }
0xb3: {  	_ =	swait.ge [sflag:s29], $0x1  }
0xb4: {  	[sflag:s29] =	ssyncadd.s32 $0xFFFFFFFF  }
0xb5: {  	_ =	strace $0x90000048  }
0xb6: {  	_ =	sfence  }
0xb7: {  	s30 =	sld [smem:$0x0];
	_ =	sdelay $0x2  }
0xb8: {  	s31 =	sshll.u32 s1, $0xD;
	s1 =	sshrl.u32 s1, $0x2  }
0xb9: {  	s3 =	sand.u32 $0x4000, s31;
	s1 =	sadd.s32 s1, s30  }
0xba: {  	s0 =	sor.u32 s3, s0;
	s1 =	sshll.u32 s1, $0x11  }
0xbb: {  	s0 =	sor.u32 s1, s0  }
0xbc: {  	s0 =	sadd.s32 $0x8F2B, s0  }
0xbd: {  	[sflag:s0] =	ssyncadd.remote.s32 $0x1  }
0xbe: {  	_ =	sfence.sel $0xFFFF  }
0xbf: {  	[dreg:$0x0] =	wrdreg $0xFFFFFFFF;
	(pc) =	sbr.abs _section_cstart, $3  }
0xc0: {  	[dreg:$0x1] =	wrdreg $0xFFFFFFFF  }
0xc1: {  	_ =	task.clear_ibuf [dreg:s7], $0x2FFFF;
	_ =	strace $0x9FFFFFFF  }
0xc2: {  	(tm) =	ssettm $0x7FFFFFFF  }
0xc3: {  	_ =	shalt  }
tec
execute0_lowered:
.L_overlay_start_1:
0x0: {  	(tag) =	ssettag $0x1  }
0x1: {  	s0 =	rddreg [dreg:$0x0]  }
0x2: {  	s1 =	rddreg [dreg:$0x1];
	s2 =	srdreg.scid  }
0x3: {  	s3 =	stileid.u32;
	s17 =	simm.s32 $0x2;
	s18 =	simm.s32 $0xA400  }
0x4: {  	s19 =	simm.s32 $0x80;
	s21 =	simm.s32 $0x1400;
	s25 =	simm.s32 $0x9400  }
0x5: {  	s29 =	simm.s32 $0xB200;
	s30 =	simm.s32 $0xB400;
	s31 =	simm.s32 $0xB600  }
0x6: {  	s7 =	sand.u32 $0x1, s2;
	s2 =	simm.s32 $0x0;
	s3 =	sshll.u32 s3, $0x7  }
0x7: {  	s5 =	sadd.s32 $0x3600, s1;
	s4 =	sshll.u32 s7, $0x6;
	[smem:$0x7FF] =	sst s2  }
0x8: {  	s28 =	ssub.s32 $0x2, s7;
	s13 =	sor.u32 s4, s3;
	_ =	strace $0x80000047  }
0x9: {  	v0 =	vlaneseq.u32;
	s3 =	sadd.s32 $0x3800, s1;
	s4 =	sadd.s32 $0xF7C00, s1;
	s15 =	sadd.s32 s13, s1  }
0xa: {  	v0 =	vmul.u32 $0x8, v0;
	s11 =	sshrl.u32 s28, $0x1;
	s6 =	sadd.s32 $0x116600, s15;
	s7 =	sadd.s32 $0x116E00, s15  }
0xb: {  	s1 =	ssub.s32 s28, s11;
	s8 =	sadd.s32 $0x117600, s15;
	s9 =	sadd.s32 $0x117E00, s15  }
0xc: {  	v1 =	vor.u32 $0x7000, v0;
	v2 =	vor.u32 $0x6000, v0;
	s13 =	sadd.s32 s0, s13;
	s10 =	sadd.s32 $0x118600, s15;
	s11 =	sadd.s32 $0x118E00, s15  }
0xd: {  	v3 =	vor.u32 $0x5000, v0;
	v4 =	vor.u32 $0x4000, v0;
	s0 =	simm.s32 $0x0;
	s12 =	sadd.s32 $0x119600, s15;
	s14 =	sadd.s32 $0x119E00, s15  }
0xe: {  	v5 =	vor.u32 $0x3000, v0;
	v6 =	vor.u32 $0x2000, v0;
	v7 =	vor.u32 $0x1000, v0;
	s15 =	sadd.s32 $0x11A600, s15;
	s16 =	smax.u32 s1, $0x1;
	s1 =	simm.s32 $0x1  }
.LBB2_1:
0xf: {  	[tilespmem:s2], [sflag:$0x2] =	stream.linear.gather [hbm4b:s13+s2], $0x200, $0x38;
	[tilespmem:$0xB800] =	vst v63  }
0x10: {  	_ =	swait.ge [sflag:s17], $0x200  }
0x11: {  	[sflag:s17] =	ssyncset.done $0x0  }
0x12: {  	[sflag:s17] =	ssyncadd.s32 $0xFFFFFE00  }
0x13: {  	[tilespmem:s18], [sflag:$0x2] =	stream.linear.gather [hbm4b:s5+s2], $0x200, $0x38;
	[tilespmem:$0xB800] =	vst v63  }
0x14: {  	_ =	swait.ge [sflag:s17], $0x200  }
0x15: {  	[sflag:s17] =	ssyncset.done $0x0  }
0x16: {  	s22 =	simm.s32 $0x0;
	[sflag:s17] =	ssyncadd.s32 $0xFFFFFE00  }
0x17: {  	v8 =	vld [tilespmem:s22+$0x0];
	_ =	sdelay $0x4  }
0x18: {  	vm0 =	vlt.s32 v8, $0xF41FF  }
0x19: {  	v9 =	vnsel vm0, $0xF41FF, v8  }
0x1a: {  	v10 =	vshrl.u32 v9, $0x3  }
0x1b: {  	s20 =	simm.s32 $0x10;
	s23 =	simm.s32 $0x80;
	v8 =	vshra.s32 v8, $0x3;
	v9 =	vand.u32 $0xFFFFFF80, v9;
	v10 =	vand.u32 $0xF, v10  }
.LBB2_2:
0x1c: {  	p0 =	sne.s32 s23, $0x7C0;
	v11 =	vld [tilespmem:s20+$0x0];
	[tilespmem:s22+$0x1200] =	vst v8;
	v8 =	vor.u32 v9, v10  }
0x1d: {  	[tilespmem:s22+$0x200] =	vst v8;
	v9 =	vor.u32 $0x10, v8;
	v10 =	vor.u32 $0x20, v8;
	v12 =	vor.u32 $0x70, v8  }
0x1e: {  	v13 =	vor.u32 $0x30, v8;
	v14 =	vor.u32 $0x40, v8;
	v15 =	vor.u32 $0x50, v8;
	[tilespmem:s22+$0x1000] =	vst v12  }
0x1f: {  	v12 =	vor.u32 $0x60, v8;
	[tilespmem:s22+$0x400] =	vst v9  }
.Ltmp0:
0x20: {  	[tilespmem:s22+$0x600] =	vst v10;
	(pc) =	sbr.rel @p0 .LBB2_2-.Ltmp0, $4  }
0x21: {  	v8 =	vshra.s32 v11, $0x3;
	vm0 =	vlt.s32 v11, $0xF41FF;
	[tilespmem:s22+$0x800] =	vst v13  }
0x22: {  	v9 =	vnsel vm0, $0xF41FF, v11;
	[tilespmem:s22+$0xA00] =	vst v14  }
0x23: {  	v10 =	vshrl.u32 v9, $0x3;
	[tilespmem:s22+$0xC00] =	vst v15  }
0x24: {  	v9 =	vand.u32 $0xFFFFFF80, v9;
	v10 =	vand.u32 $0xF, v10;
	[tilespmem:s22+$0xE00] =	vst v12;
	s22 =	smov.u32 s20;
	s20 =	sshra.s32 s23, $0x2;
	s23 =	sadd.s32 $0x40, s23  }
0x25: {  	v11 =	vld [tilespmem:s20+$0x0];
	[tilespmem:s22+$0x1200] =	vst v8;
	v8 =	vor.u32 v9, v10  }
0x26: {  	[tilespmem:s22+$0x200] =	vst v8;
	v9 =	vor.u32 $0x70, v8  }
0x27: {  	v10 =	vor.u32 $0x10, v8;
	[tilespmem:s22+$0x1000] =	vst v9  }
0x28: {  	v9 =	vor.u32 $0x20, v8;
	[tilespmem:s22+$0x400] =	vst v10  }
0x29: {  	v10 =	vor.u32 $0x30, v8;
	[tilespmem:s22+$0x600] =	vst v9  }
0x2a: {  	v9 =	vor.u32 $0x40, v8;
	[tilespmem:s22+$0x800] =	vst v10;
	vm0 =	vlt.s32 v11, $0xF41FF  }
0x2b: {  	v10 =	vor.u32 $0x50, v8;
	[tilespmem:s22+$0xA00] =	vst v9;
	v12 =	vnsel vm0, $0xF41FF, v11  }
0x2c: {  	v8 =	vor.u32 $0x60, v8;
	[tilespmem:s22+$0xC00] =	vst v10;
	v9 =	vshrl.u32 v12, $0x3  }
0x2d: {  	[tilespmem:s22+$0xE00] =	vst v8;
	v10 =	vshra.s32 v11, $0x3;
	v11 =	vand.u32 $0xFFFFFF80, v12;
	v9 =	vand.u32 $0xF, v9  }
0x2e: {  	[tilespmem:s20+$0x1200] =	vst v10;
	v8 =	vor.u32 v11, v9  }
0x2f: {  	[tilespmem:s20+$0x200] =	vst v8;
	v9 =	vor.u32 $0x70, v8  }
0x30: {  	v10 =	vor.u32 $0x10, v8;
	[tilespmem:s20+$0x1000] =	vst v9  }
0x31: {  	v9 =	vor.u32 $0x20, v8;
	[tilespmem:s20+$0x400] =	vst v10  }
0x32: {  	v10 =	vor.u32 $0x30, v8;
	[tilespmem:s20+$0x600] =	vst v9  }
0x33: {  	v9 =	vor.u32 $0x40, v8;
	[tilespmem:s20+$0x800] =	vst v10  }
0x34: {  	v10 =	vor.u32 $0x50, v8;
	[tilespmem:s20+$0xA00] =	vst v9  }
0x35: {  	v8 =	vor.u32 $0x60, v8;
	[tilespmem:s20+$0xC00] =	vst v10  }
0x36: {  	s22 =	simm.s32 $0x200;
	[tilespmem:s20+$0xE00] =	vst v8  }
0x37: {  	[tilespmem:s21], [sflag:$0x1] =	stream.indirect.gather [hbm4b:s3+s19], $0x8, s22, s19, $0xb8;
	[tilespmem:$0xB800] =	vst v63  }
0x38: {  	s23 =	simm.s32 $0x280;
	s24 =	simm.s32 $0x1800  }
0x39: {  	[tilespmem:s24], [sflag:$0x1] =	stream.indirect.gather [hbm4b:s3+s19], $0x8, s23, s19, $0xb8;
	[tilespmem:$0xB800] =	vst v63  }
0x3a: {  	s26 =	simm.s32 $0x300;
	s28 =	simm.s32 $0x1C00  }
0x3b: {  	[tilespmem:s28], [sflag:$0x1] =	stream.indirect.gather [hbm4b:s3+s19], $0x8, s26, s19, $0xb8;
	[tilespmem:$0xB800] =	vst v63  }
0x3c: {  	s23 =	simm.s32 $0x380;
	s24 =	simm.s32 $0x2000  }
0x3d: {  	[tilespmem:s24], [sflag:$0x1] =	stream.indirect.gather [hbm4b:s3+s19], $0x8, s23, s19, $0xb8;
	[tilespmem:$0xB800] =	vst v63  }
0x3e: {  	s26 =	simm.s32 $0x400;
	s28 =	simm.s32 $0x2400  }
0x3f: {  	[tilespmem:s28], [sflag:$0x1] =	stream.indirect.gather [hbm4b:s3+s19], $0x8, s26, s19, $0xb8;
	[tilespmem:$0xB800] =	vst v63  }
0x40: {  	s23 =	simm.s32 $0x480;
	s24 =	simm.s32 $0x2800  }
0x41: {  	[tilespmem:s24], [sflag:$0x1] =	stream.indirect.gather [hbm4b:s3+s19], $0x8, s23, s19, $0xb8;
	[tilespmem:$0xB800] =	vst v63  }
0x42: {  	s26 =	simm.s32 $0x500;
	s28 =	simm.s32 $0x2C00  }
0x43: {  	[tilespmem:s28], [sflag:$0x1] =	stream.indirect.gather [hbm4b:s3+s19], $0x8, s26, s19, $0xb8;
	[tilespmem:$0xB800] =	vst v63  }
0x44: {  	s23 =	simm.s32 $0x580;
	s24 =	simm.s32 $0x3000  }
0x45: {  	[tilespmem:s24], [sflag:$0x1] =	stream.indirect.gather [hbm4b:s3+s19], $0x8, s23, s19, $0xb8;
	[tilespmem:$0xB800] =	vst v63  }
0x46: {  	s26 =	simm.s32 $0x600;
	s28 =	simm.s32 $0x3400  }
0x47: {  	[tilespmem:s28], [sflag:$0x1] =	stream.indirect.gather [hbm4b:s3+s19], $0x8, s26, s19, $0xb8;
	[tilespmem:$0xB800] =	vst v63  }
0x48: {  	s23 =	simm.s32 $0x680;
	s24 =	simm.s32 $0x3800  }
0x49: {  	[tilespmem:s24], [sflag:$0x1] =	stream.indirect.gather [hbm4b:s3+s19], $0x8, s23, s19, $0xb8;
	[tilespmem:$0xB800] =	vst v63  }
0x4a: {  	s26 =	simm.s32 $0x700;
	s28 =	simm.s32 $0x3C00  }
0x4b: {  	[tilespmem:s28], [sflag:$0x1] =	stream.indirect.gather [hbm4b:s3+s19], $0x8, s26, s19, $0xb8;
	[tilespmem:$0xB800] =	vst v63  }
0x4c: {  	s23 =	simm.s32 $0x780;
	s24 =	simm.s32 $0x4000  }
0x4d: {  	[tilespmem:s24], [sflag:$0x1] =	stream.indirect.gather [hbm4b:s3+s19], $0x8, s23, s19, $0xb8;
	[tilespmem:$0xB800] =	vst v63  }
0x4e: {  	s26 =	simm.s32 $0x800;
	s28 =	simm.s32 $0x4400  }
0x4f: {  	[tilespmem:s28], [sflag:$0x1] =	stream.indirect.gather [hbm4b:s3+s19], $0x8, s26, s19, $0xb8;
	[tilespmem:$0xB800] =	vst v63  }
0x50: {  	s23 =	simm.s32 $0x880;
	s24 =	simm.s32 $0x4800  }
0x51: {  	[tilespmem:s24], [sflag:$0x1] =	stream.indirect.gather [hbm4b:s3+s19], $0x8, s23, s19, $0xb8;
	[tilespmem:$0xB800] =	vst v63  }
0x52: {  	s26 =	simm.s32 $0x900;
	s28 =	simm.s32 $0x4C00  }
0x53: {  	[tilespmem:s28], [sflag:$0x1] =	stream.indirect.gather [hbm4b:s3+s19], $0x8, s26, s19, $0xb8;
	[tilespmem:$0xB800] =	vst v63  }
0x54: {  	s23 =	simm.s32 $0x980;
	s24 =	simm.s32 $0x5000  }
0x55: {  	[tilespmem:s24], [sflag:$0x1] =	stream.indirect.gather [hbm4b:s3+s19], $0x8, s23, s19, $0xb8;
	[tilespmem:$0xB800] =	vst v63  }
0x56: {  	s26 =	simm.s32 $0xA00;
	s28 =	simm.s32 $0x5400  }
0x57: {  	[tilespmem:s28], [sflag:$0x1] =	stream.indirect.gather [hbm4b:s3+s19], $0x8, s26, s19, $0xb8;
	[tilespmem:$0xB800] =	vst v63  }
0x58: {  	s23 =	simm.s32 $0xA80;
	s24 =	simm.s32 $0x5800  }
0x59: {  	[tilespmem:s24], [sflag:$0x1] =	stream.indirect.gather [hbm4b:s3+s19], $0x8, s23, s19, $0xb8;
	[tilespmem:$0xB800] =	vst v63  }
0x5a: {  	s26 =	simm.s32 $0xB00;
	s28 =	simm.s32 $0x5C00  }
0x5b: {  	[tilespmem:s28], [sflag:$0x1] =	stream.indirect.gather [hbm4b:s3+s19], $0x8, s26, s19, $0xb8;
	[tilespmem:$0xB800] =	vst v63  }
0x5c: {  	s23 =	simm.s32 $0xB80;
	s24 =	simm.s32 $0x6000  }
0x5d: {  	[tilespmem:s24], [sflag:$0x1] =	stream.indirect.gather [hbm4b:s3+s19], $0x8, s23, s19, $0xb8;
	[tilespmem:$0xB800] =	vst v63  }
0x5e: {  	s26 =	simm.s32 $0xC00;
	s28 =	simm.s32 $0x6400  }
0x5f: {  	[tilespmem:s28], [sflag:$0x1] =	stream.indirect.gather [hbm4b:s3+s19], $0x8, s26, s19, $0xb8;
	[tilespmem:$0xB800] =	vst v63  }
0x60: {  	s23 =	simm.s32 $0xC80;
	s24 =	simm.s32 $0x6800  }
0x61: {  	[tilespmem:s24], [sflag:$0x1] =	stream.indirect.gather [hbm4b:s3+s19], $0x8, s23, s19, $0xb8;
	[tilespmem:$0xB800] =	vst v63  }
0x62: {  	s26 =	simm.s32 $0xD00;
	s28 =	simm.s32 $0x6C00  }
0x63: {  	[tilespmem:s28], [sflag:$0x1] =	stream.indirect.gather [hbm4b:s3+s19], $0x8, s26, s19, $0xb8;
	[tilespmem:$0xB800] =	vst v63  }
0x64: {  	s23 =	simm.s32 $0xD80;
	s24 =	simm.s32 $0x7000  }
0x65: {  	[tilespmem:s24], [sflag:$0x1] =	stream.indirect.gather [hbm4b:s3+s19], $0x8, s23, s19, $0xb8;
	[tilespmem:$0xB800] =	vst v63  }
0x66: {  	s26 =	simm.s32 $0xE00;
	s28 =	simm.s32 $0x7400  }
0x67: {  	[tilespmem:s28], [sflag:$0x1] =	stream.indirect.gather [hbm4b:s3+s19], $0x8, s26, s19, $0xb8;
	[tilespmem:$0xB800] =	vst v63  }
0x68: {  	s23 =	simm.s32 $0xE80;
	s24 =	simm.s32 $0x7800  }
0x69: {  	[tilespmem:s24], [sflag:$0x1] =	stream.indirect.gather [hbm4b:s3+s19], $0x8, s23, s19, $0xb8;
	[tilespmem:$0xB800] =	vst v63  }
0x6a: {  	s26 =	simm.s32 $0xF00;
	s28 =	simm.s32 $0x7C00  }
0x6b: {  	[tilespmem:s28], [sflag:$0x1] =	stream.indirect.gather [hbm4b:s3+s19], $0x8, s26, s19, $0xb8;
	[tilespmem:$0xB800] =	vst v63  }
0x6c: {  	s23 =	simm.s32 $0xF80;
	s24 =	simm.s32 $0x8000  }
0x6d: {  	[tilespmem:s24], [sflag:$0x1] =	stream.indirect.gather [hbm4b:s3+s19], $0x8, s23, s19, $0xb8;
	[tilespmem:$0xB800] =	vst v63  }
0x6e: {  	s26 =	simm.s32 $0x1000;
	s28 =	simm.s32 $0x8400  }
0x6f: {  	[tilespmem:s28], [sflag:$0x1] =	stream.indirect.gather [hbm4b:s3+s19], $0x8, s26, s19, $0xb8;
	[tilespmem:$0xB800] =	vst v63  }
0x70: {  	s23 =	simm.s32 $0x1080;
	s24 =	simm.s32 $0x8800  }
0x71: {  	[tilespmem:s24], [sflag:$0x1] =	stream.indirect.gather [hbm4b:s3+s19], $0x8, s23, s19, $0xb8;
	[tilespmem:$0xB800] =	vst v63  }
0x72: {  	s26 =	simm.s32 $0x1100;
	s28 =	simm.s32 $0x8C00  }
0x73: {  	[tilespmem:s28], [sflag:$0x1] =	stream.indirect.gather [hbm4b:s3+s19], $0x8, s26, s19, $0xb8;
	[tilespmem:$0xB800] =	vst v63  }
0x74: {  	s22 =	simm.s32 $0x1180;
	s23 =	simm.s32 $0x9000  }
0x75: {  	[tilespmem:s23], [sflag:$0x1] =	stream.indirect.gather [hbm4b:s3+s19], $0x8, s22, s19, $0xb8;
	[tilespmem:$0xB800] =	vst v63  }
0x76: {  	s24 =	simm.s32 $0x1200  }
0x77: {  	[tilespmem:s25], [sflag:$0x1] =	stream.indirect.gather [hbm4b:s4+s19], $0x8, s24, s19, $0xb8;
	[tilespmem:$0xB800] =	vst v63  }
0x78: {  	s26 =	simm.s32 $0x1280;
	s28 =	simm.s32 $0x9800  }
0x79: {  	[tilespmem:s28], [sflag:$0x1] =	stream.indirect.gather [hbm4b:s4+s19], $0x8, s26, s19, $0xb8;
	[tilespmem:$0xB800] =	vst v63  }
0x7a: {  	s23 =	simm.s32 $0x1300;
	s24 =	simm.s32 $0x9C00  }
0x7b: {  	[tilespmem:s24], [sflag:$0x1] =	stream.indirect.gather [hbm4b:s4+s19], $0x8, s23, s19, $0xb8;
	[tilespmem:$0xB800] =	vst v63  }
0x7c: {  	s26 =	simm.s32 $0x1380;
	s28 =	simm.s32 $0xA000  }
0x7d: {  	[tilespmem:s28], [sflag:$0x1] =	stream.indirect.gather [hbm4b:s4+s19], $0x8, s26, s19, $0xb8;
	[tilespmem:$0xB800] =	vst v63  }
0x7e: {  	_ =	swait.ge [sflag:s1], $0x400  }
0x7f: {  	[sflag:s1] =	ssyncset.done $0x0  }
0x80: {  	[sflag:s1] =	ssyncadd.s32 $0xFFFFFC00  }
0x81: {  	_ =	swait.ge [sflag:s1], $0x400  }
0x82: {  	[sflag:s1] =	ssyncset.done $0x0  }
0x83: {  	[sflag:s1] =	ssyncadd.s32 $0xFFFFFC00  }
0x84: {  	_ =	swait.ge [sflag:s1], $0x400  }
0x85: {  	[sflag:s1] =	ssyncset.done $0x0  }
0x86: {  	[sflag:s1] =	ssyncadd.s32 $0xFFFFFC00  }
0x87: {  	_ =	swait.ge [sflag:s1], $0x400  }
0x88: {  	[sflag:s1] =	ssyncset.done $0x0  }
0x89: {  	[sflag:s1] =	ssyncadd.s32 $0xFFFFFC00  }
0x8a: {  	_ =	swait.ge [sflag:s1], $0x400  }
0x8b: {  	[sflag:s1] =	ssyncset.done $0x0  }
0x8c: {  	[sflag:s1] =	ssyncadd.s32 $0xFFFFFC00  }
0x8d: {  	_ =	swait.ge [sflag:s1], $0x400  }
0x8e: {  	[sflag:s1] =	ssyncset.done $0x0  }
0x8f: {  	[sflag:s1] =	ssyncadd.s32 $0xFFFFFC00  }
0x90: {  	_ =	swait.ge [sflag:s1], $0x400  }
0x91: {  	[sflag:s1] =	ssyncset.done $0x0  }
0x92: {  	[sflag:s1] =	ssyncadd.s32 $0xFFFFFC00  }
0x93: {  	_ =	swait.ge [sflag:s1], $0x400  }
0x94: {  	[sflag:s1] =	ssyncset.done $0x0  }
0x95: {  	[sflag:s1] =	ssyncadd.s32 $0xFFFFFC00  }
0x96: {  	_ =	swait.ge [sflag:s1], $0x400  }
0x97: {  	[sflag:s1] =	ssyncset.done $0x0  }
0x98: {  	[sflag:s1] =	ssyncadd.s32 $0xFFFFFC00  }
0x99: {  	_ =	swait.ge [sflag:s1], $0x400  }
0x9a: {  	[sflag:s1] =	ssyncset.done $0x0  }
0x9b: {  	[sflag:s1] =	ssyncadd.s32 $0xFFFFFC00  }
0x9c: {  	_ =	swait.ge [sflag:s1], $0x400  }
0x9d: {  	[sflag:s1] =	ssyncset.done $0x0  }
0x9e: {  	[sflag:s1] =	ssyncadd.s32 $0xFFFFFC00  }
0x9f: {  	_ =	swait.ge [sflag:s1], $0x400  }
0xa0: {  	[sflag:s1] =	ssyncset.done $0x0  }
0xa1: {  	[sflag:s1] =	ssyncadd.s32 $0xFFFFFC00  }
0xa2: {  	_ =	swait.ge [sflag:s1], $0x400  }
0xa3: {  	[sflag:s1] =	ssyncset.done $0x0  }
0xa4: {  	[sflag:s1] =	ssyncadd.s32 $0xFFFFFC00  }
0xa5: {  	_ =	swait.ge [sflag:s1], $0x400  }
0xa6: {  	[sflag:s1] =	ssyncset.done $0x0  }
0xa7: {  	[sflag:s1] =	ssyncadd.s32 $0xFFFFFC00  }
0xa8: {  	_ =	swait.ge [sflag:s1], $0x400  }
0xa9: {  	[sflag:s1] =	ssyncset.done $0x0  }
0xaa: {  	[sflag:s1] =	ssyncadd.s32 $0xFFFFFC00  }
0xab: {  	_ =	swait.ge [sflag:s1], $0x400  }
0xac: {  	[sflag:s1] =	ssyncset.done $0x0  }
0xad: {  	[sflag:s1] =	ssyncadd.s32 $0xFFFFFC00  }
0xae: {  	_ =	swait.ge [sflag:s1], $0x400  }
0xaf: {  	[sflag:s1] =	ssyncset.done $0x0  }
0xb0: {  	[sflag:s1] =	ssyncadd.s32 $0xFFFFFC00  }
0xb1: {  	_ =	swait.ge [sflag:s1], $0x400  }
0xb2: {  	[sflag:s1] =	ssyncset.done $0x0  }
0xb3: {  	[sflag:s1] =	ssyncadd.s32 $0xFFFFFC00  }
0xb4: {  	_ =	swait.ge [sflag:s1], $0x400  }
0xb5: {  	[sflag:s1] =	ssyncset.done $0x0  }
0xb6: {  	[sflag:s1] =	ssyncadd.s32 $0xFFFFFC00  }
0xb7: {  	_ =	swait.ge [sflag:s1], $0x400  }
0xb8: {  	[sflag:s1] =	ssyncset.done $0x0  }
0xb9: {  	[sflag:s1] =	ssyncadd.s32 $0xFFFFFC00  }
0xba: {  	_ =	swait.ge [sflag:s1], $0x400  }
0xbb: {  	[sflag:s1] =	ssyncset.done $0x0  }
0xbc: {  	[sflag:s1] =	ssyncadd.s32 $0xFFFFFC00  }
0xbd: {  	_ =	swait.ge [sflag:s1], $0x400  }
0xbe: {  	[sflag:s1] =	ssyncset.done $0x0  }
0xbf: {  	[sflag:s1] =	ssyncadd.s32 $0xFFFFFC00  }
0xc0: {  	_ =	swait.ge [sflag:s1], $0x400  }
0xc1: {  	[sflag:s1] =	ssyncset.done $0x0  }
0xc2: {  	[sflag:s1] =	ssyncadd.s32 $0xFFFFFC00  }
0xc3: {  	_ =	swait.ge [sflag:s1], $0x400  }
0xc4: {  	[sflag:s1] =	ssyncset.done $0x0  }
0xc5: {  	[sflag:s1] =	ssyncadd.s32 $0xFFFFFC00  }
0xc6: {  	_ =	swait.ge [sflag:s1], $0x400  }
0xc7: {  	[sflag:s1] =	ssyncset.done $0x0  }
0xc8: {  	[sflag:s1] =	ssyncadd.s32 $0xFFFFFC00  }
0xc9: {  	_ =	swait.ge [sflag:s1], $0x400  }
0xca: {  	[sflag:s1] =	ssyncset.done $0x0  }
0xcb: {  	[sflag:s1] =	ssyncadd.s32 $0xFFFFFC00  }
0xcc: {  	_ =	swait.ge [sflag:s1], $0x400  }
0xcd: {  	[sflag:s1] =	ssyncset.done $0x0  }
0xce: {  	[sflag:s1] =	ssyncadd.s32 $0xFFFFFC00  }
0xcf: {  	_ =	swait.ge [sflag:s1], $0x400  }
0xd0: {  	[sflag:s1] =	ssyncset.done $0x0  }
0xd1: {  	[sflag:s1] =	ssyncadd.s32 $0xFFFFFC00  }
0xd2: {  	_ =	swait.ge [sflag:s1], $0x400  }
0xd3: {  	[sflag:s1] =	ssyncset.done $0x0  }
0xd4: {  	[sflag:s1] =	ssyncadd.s32 $0xFFFFFC00  }
0xd5: {  	_ =	swait.ge [sflag:s1], $0x400  }
0xd6: {  	[sflag:s1] =	ssyncset.done $0x0  }
0xd7: {  	[sflag:s1] =	ssyncadd.s32 $0xFFFFFC00  }
0xd8: {  	_ =	swait.ge [sflag:s1], $0x400  }
0xd9: {  	[sflag:s1] =	ssyncset.done $0x0  }
0xda: {  	[sflag:s1] =	ssyncadd.s32 $0xFFFFFC00  }
0xdb: {  	_ =	swait.ge [sflag:s1], $0x400  }
0xdc: {  	[sflag:s1] =	ssyncset.done $0x0  }
0xdd: {  	[sflag:s1] =	ssyncadd.s32 $0xFFFFFC00  }
0xde: {  	_ =	swait.ge [sflag:s1], $0x400  }
0xdf: {  	[sflag:s1] =	ssyncset.done $0x0  }
0xe0: {  	[sflag:s1] =	ssyncadd.s32 $0xFFFFFC00  }
0xe1: {  	_ =	swait.ge [sflag:s1], $0x400  }
0xe2: {  	[sflag:s1] =	ssyncset.done $0x0  }
0xe3: {  	[sflag:s1] =	ssyncadd.s32 $0xFFFFFC00  }
0xe4: {  	_ =	swait.ge [sflag:s1], $0x400  }
0xe5: {  	[sflag:s1] =	ssyncset.done $0x0  }
0xe6: {  	[sflag:s1] =	ssyncadd.s32 $0xFFFFFC00  }
0xe7: {  	_ =	swait.ge [sflag:s1], $0x400  }
0xe8: {  	[sflag:s1] =	ssyncset.done $0x0  }
0xe9: {  	s20 =	simm.s32 $0x0;
	[sflag:s1] =	ssyncadd.s32 $0xFFFFFC00  }
0xea: {  	v8 =	vld [tilespmem:s20+$0x0];
	_ =	sdelay $0x2  }
0xeb: {  	v9 =	vmov s20  }
0xec: {  	v9 =	vshll.u32 v9, $0x3  }
0xed: {  	v11 =	vor.u32 v0, v9;
	v10 =	vand.u32 $0x7, v8  }
0xee: {  	v11 =	vor.u32 v11, v10;
	_ =	sdelay $0x3  }
0xef: {  	v53 =	vadd.s32 $0xFFF0BE00, v8  }
0xf0: {  	vm0 =	vgt.s32 v53, $0x0;
	v13 =	vld.idx.msk [tilespmem:v11+s25+$0x0], $0xffff  }
0xf1: {  	v12 =	vnsel vm0, $0x0, v53  }
0xf2: {  	v12 =	vshll.u32 v12, $0x3;
	_ =	sdelay $0x1  }
0xf3: {  	s22 =	simm.s32 $0xB600  }
0xf4: {  	[tilespmem:s22+$0x0] =	vst v13  }
0xf5: {  	v11 =	vld.idx.msk [tilespmem:v11+s21+$0x0], $0xffff  }
0xf6: {  	v13 =	vld.idx.msk [tilespmem:v12+s18+$0x0], $0xffff  }
0xf7: {  	v14 =	vadd.s32 v7, v9  }
0xf8: {  	v14 =	vor.u32 v14, v10  }
0xf9: {  	v15 =	vor.u32 $0x1, v12  }
0xfa: {  	vm0 =	vgt.s32 v8, $0xF41FF  }
0xfb: {  	s23 =	simm.s32 $0xAE00;
	v8 =	vsel vm0, v13, v11  }
0xfc: {  	[tilespmem:s23+$0xFFFFF800] =	vst v8  }
0xfd: {  	v8 =	vld.idx.msk [tilespmem:v14+s21+$0x0], $0xffff  }
0xfe: {  	v11 =	vld.idx.msk [tilespmem:v15+s18+$0x0], $0xffff  }
0xff: {  	v54 =	vadd.s32 v6, v9  }
0x100: {  	v13 =	vor.u32 v54, v10  }
0x101: {  	v55 =	vor.u32 $0x2, v12;
	_ =	sdelay $0x1  }
0x102: {  	v8 =	vsel vm0, v11, v8  }
0x103: {  	[tilespmem:s23+$0xFFFFFA00] =	vst v8  }
0x104: {  	v8 =	vld.idx.msk [tilespmem:v13+s21+$0x0], $0xffff  }
0x105: {  	v11 =	vld.idx.msk [tilespmem:v55+s18+$0x0], $0xffff  }
0x106: {  	v56 =	vadd.s32 v5, v9  }
0x107: {  	v13 =	vor.u32 v56, v10  }
0x108: {  	v57 =	vor.u32 $0x3, v12;
	_ =	sdelay $0x1  }
0x109: {  	v8 =	vsel vm0, v11, v8  }
0x10a: {  	[tilespmem:s23+$0xFFFFFC00] =	vst v8  }
0x10b: {  	v8 =	vld.idx.msk [tilespmem:v13+s21+$0x0], $0xffff  }
0x10c: {  	v11 =	vld.idx.msk [tilespmem:v57+s18+$0x0], $0xffff  }
0x10d: {  	v58 =	vadd.s32 v4, v9  }
0x10e: {  	v13 =	vor.u32 v58, v10  }
0x10f: {  	v59 =	vor.u32 $0x4, v12;
	_ =	sdelay $0x1  }
0x110: {  	v8 =	vsel vm0, v11, v8  }
0x111: {  	[tilespmem:s23+$0xFFFFFE00] =	vst v8  }
0x112: {  	v8 =	vld.idx.msk [tilespmem:v13+s21+$0x0], $0xffff  }
0x113: {  	v11 =	vld.idx.msk [tilespmem:v59+s18+$0x0], $0xffff  }
0x114: {  	v60 =	vadd.s32 v3, v9  }
0x115: {  	v13 =	vor.u32 v60, v10  }
0x116: {  	v61 =	vor.u32 $0x5, v12;
	_ =	sdelay $0x1  }
0x117: {  	v8 =	vsel vm0, v11, v8  }
0x118: {  	[tilespmem:s23+$0x0] =	vst v8  }
0x119: {  	v8 =	vld.idx.msk [tilespmem:v13+s21+$0x0], $0xffff  }
0x11a: {  	v11 =	vld.idx.msk [tilespmem:v61+s18+$0x0], $0xffff  }
0x11b: {  	v62 =	vadd.s32 v2, v9  }
0x11c: {  	v13 =	vor.u32 v62, v10  }
0x11d: {  	v63 =	vor.u32 $0x6, v12;
	_ =	sdelay $0x1  }
0x11e: {  	v8 =	vsel vm0, v11, v8  }
0x11f: {  	[tilespmem:s23+$0x200] =	vst v8  }
0x120: {  	v8 =	vld.idx.msk [tilespmem:v13+s21+$0x0], $0xffff  }
0x121: {  	v11 =	vld.idx.msk [tilespmem:v63+s18+$0x0], $0xffff;
	_ =	sdelay $0x3  }
0x122: {  	v9 =	vadd.s32 v1, v9  }
0x123: {  	v11 =	vsel vm0, v11, v8;
	v8 =	vor.u32 v9, v10  }
0x124: {  	v9 =	vor.u32 $0x7, v12;
	_ =	sdelay $0x2  }
0x125: {  	s24 =	simm.s32 $0x10;
	s26 =	simm.s32 $0xAE00;
	[tilespmem:s23+$0x400] =	vst v11  }
.LBB2_4:
0x126: {  	v8 =	vld.idx.msk [tilespmem:v8+s21+$0x0], $0xffff;
	s20 =	sadd.s32 $0x10, s20;
	s22 =	sadd.s32 $0x10, s22;
	s23 =	sadd.s32 $0x10, s23  }
0x127: {  	p0 =	sne.s32 s24, $0x1F0;
	s28 =	smov.u32 s24;
	s24 =	sadd.s32 $0x10, s24;
	v9 =	vld.idx.msk [tilespmem:v9+s18+$0x0], $0xffff  }
0x128: {  	_ =	sdelay $0x4  }
0x129: {  	v8 =	vsel vm0, v9, v8  }
0x12a: {  	[tilespmem:s26+$0x600] =	vst v8;
	s26 =	smov.u32 s23  }
0x12b: {  	v9 =	vld [tilespmem:s20+$0x0];
	_ =	sdelay $0x2  }
0x12c: {  	v8 =	vmov s28  }
0x12d: {  	v10 =	vshll.u32 v8, $0x3  }
0x12e: {  	v12 =	vor.u32 v0, v10;
	v11 =	vand.u32 $0x7, v9;
	v8 =	vadd.s32 $0xFFF0BE00, v9  }
0x12f: {  	v13 =	vadd.s32 v5, v10;
	vm0 =	vgt.s32 v8, $0x0;
	v12 =	vor.u32 v12, v11  }
0x130: {  	v13 =	vor.u32 v13, v11;
	v14 =	vnsel vm0, $0x0, v8;
	v8 =	vadd.s32 v4, v10  }
0x131: {  	v16 =	vadd.s32 v2, v10;
	v15 =	vor.u32 v8, v11;
	v8 =	vadd.s32 v3, v10  }
0x132: {  	v16 =	vor.u32 v16, v11;
	v17 =	vor.u32 v8, v11;
	v8 =	vadd.s32 v1, v10  }
0x133: {  	v8 =	vor.u32 v8, v11  }
0x134: {  	v18 =	vld.idx.msk [tilespmem:v12+s25+$0x0], $0xffff;
	_ =	sdelay $0x2  }
0x135: {  	v14 =	vshll.u32 v14, $0x3;
	_ =	sdelay $0x2  }
0x136: {  	[tilespmem:s22+$0x0] =	vst v18  }
0x137: {  	v12 =	vld.idx.msk [tilespmem:v12+s21+$0x0], $0xffff  }
0x138: {  	v18 =	vld.idx.msk [tilespmem:v14+s18+$0x0], $0xffff;
	_ =	sdelay $0x1  }
0x139: {  	v19 =	vadd.s32 v7, v10  }
0x13a: {  	v19 =	vor.u32 v19, v11;
	v20 =	vor.u32 $0x1, v14  }
0x13b: {  	vm0 =	vgt.s32 v9, $0xF41FF;
	_ =	sdelay $0x1  }
0x13c: {  	v9 =	vsel vm0, v18, v12  }
0x13d: {  	[tilespmem:s23+$0xFFFFF800] =	vst v9  }
0x13e: {  	v9 =	vld.idx.msk [tilespmem:v19+s21+$0x0], $0xffff  }
0x13f: {  	v12 =	vld.idx.msk [tilespmem:v20+s18+$0x0], $0xffff;
	_ =	sdelay $0x1  }
0x140: {  	v10 =	vadd.s32 v6, v10  }
0x141: {  	v10 =	vor.u32 v10, v11;
	v11 =	vor.u32 $0x2, v14;
	_ =	sdelay $0x2  }
0x142: {  	v9 =	vsel vm0, v12, v9  }
0x143: {  	[tilespmem:s23+$0xFFFFFA00] =	vst v9  }
0x144: {  	v9 =	vld.idx.msk [tilespmem:v10+s21+$0x0], $0xffff  }
0x145: {  	v10 =	vld.idx.msk [tilespmem:v11+s18+$0x0], $0xffff;
	_ =	sdelay $0x2  }
0x146: {  	v11 =	vor.u32 $0x3, v14;
	_ =	sdelay $0x2  }
0x147: {  	v9 =	vsel vm0, v10, v9  }
0x148: {  	[tilespmem:s23+$0xFFFFFC00] =	vst v9  }
0x149: {  	v9 =	vld.idx.msk [tilespmem:v13+s21+$0x0], $0xffff  }
0x14a: {  	v10 =	vld.idx.msk [tilespmem:v11+s18+$0x0], $0xffff;
	_ =	sdelay $0x2  }
0x14b: {  	v11 =	vor.u32 $0x4, v14;
	_ =	sdelay $0x2  }
0x14c: {  	v9 =	vsel vm0, v10, v9  }
0x14d: {  	[tilespmem:s23+$0xFFFFFE00] =	vst v9  }
0x14e: {  	v9 =	vld.idx.msk [tilespmem:v15+s21+$0x0], $0xffff  }
0x14f: {  	v10 =	vld.idx.msk [tilespmem:v11+s18+$0x0], $0xffff;
	_ =	sdelay $0x2  }
0x150: {  	v11 =	vor.u32 $0x5, v14;
	_ =	sdelay $0x2  }
0x151: {  	v9 =	vsel vm0, v10, v9  }
0x152: {  	[tilespmem:s23+$0x0] =	vst v9  }
0x153: {  	v9 =	vld.idx.msk [tilespmem:v17+s21+$0x0], $0xffff  }
0x154: {  	v10 =	vld.idx.msk [tilespmem:v11+s18+$0x0], $0xffff;
	_ =	sdelay $0x2  }
0x155: {  	v11 =	vor.u32 $0x6, v14;
	_ =	sdelay $0x2  }
0x156: {  	v9 =	vsel vm0, v10, v9  }
0x157: {  	[tilespmem:s23+$0x200] =	vst v9  }
0x158: {  	v10 =	vld.idx.msk [tilespmem:v16+s21+$0x0], $0xffff  }
0x159: {  	v11 =	vld.idx.msk [tilespmem:v11+s18+$0x0], $0xffff;
	_ =	sdelay $0x2  }
.Ltmp1:
0x15a: {  	v9 =	vor.u32 $0x7, v14;
	(pc) =	sbr.rel @p0 .LBB2_4-.Ltmp1, $3  }
0x15b: {  	_ =	sdelay $0x1  }
0x15c: {  	v10 =	vsel vm0, v11, v10  }
0x15d: {  	[tilespmem:s23+$0x400] =	vst v10  }
0x15e: {  	_ =	sdelay $0x3  }
0x15f: {  	v8 =	vld.idx.msk [tilespmem:v8+s21+$0x0], $0xffff  }
0x160: {  	v9 =	vld.idx.msk [tilespmem:v9+s18+$0x0], $0xffff;
	_ =	sdelay $0x4  }
0x161: {  	v8 =	vsel vm0, v9, v8  }
0x162: {  	s20 =	simm.s32 $0xA600;
	[tilespmem:s26+$0x600] =	vst v8  }
0x163: {  	[hbm4b:s6+s2] =	stream.linear.scatter [tilespmem:s20], [sflag:$0x2], $0x200, $0x38;
	[tilespmem:$0xB800] =	vst v63  }
0x164: {  	_ =	swait.ge [sflag:s17], $0x200  }
0x165: {  	[sflag:s17] =	ssyncset.done $0x0  }
0x166: {  	s22 =	simm.s32 $0xA800;
	[sflag:s17] =	ssyncadd.s32 $0xFFFFFE00  }
0x167: {  	[hbm4b:s7+s2] =	stream.linear.scatter [tilespmem:s22], [sflag:$0x2], $0x200, $0x38;
	[tilespmem:$0xB800] =	vst v63  }
0x168: {  	_ =	swait.ge [sflag:s17], $0x200  }
0x169: {  	[sflag:s17] =	ssyncset.done $0x0  }
0x16a: {  	s23 =	simm.s32 $0xAA00;
	[sflag:s17] =	ssyncadd.s32 $0xFFFFFE00  }
0x16b: {  	[hbm4b:s8+s2] =	stream.linear.scatter [tilespmem:s23], [sflag:$0x2], $0x200, $0x38;
	[tilespmem:$0xB800] =	vst v63  }
0x16c: {  	_ =	swait.ge [sflag:s17], $0x200  }
0x16d: {  	[sflag:s17] =	ssyncset.done $0x0  }
0x16e: {  	s24 =	simm.s32 $0xAC00;
	[sflag:s17] =	ssyncadd.s32 $0xFFFFFE00  }
0x16f: {  	[hbm4b:s9+s2] =	stream.linear.scatter [tilespmem:s24], [sflag:$0x2], $0x200, $0x38;
	[tilespmem:$0xB800] =	vst v63  }
0x170: {  	_ =	swait.ge [sflag:s17], $0x200  }
0x171: {  	[sflag:s17] =	ssyncset.done $0x0  }
0x172: {  	s26 =	simm.s32 $0xAE00;
	[sflag:s17] =	ssyncadd.s32 $0xFFFFFE00  }
0x173: {  	[hbm4b:s10+s2] =	stream.linear.scatter [tilespmem:s26], [sflag:$0x2], $0x200, $0x38;
	[tilespmem:$0xB800] =	vst v63  }
0x174: {  	_ =	swait.ge [sflag:s17], $0x200  }
0x175: {  	[sflag:s17] =	ssyncset.done $0x0  }
0x176: {  	s28 =	simm.s32 $0xB000;
	[sflag:s17] =	ssyncadd.s32 $0xFFFFFE00  }
0x177: {  	[hbm4b:s11+s2] =	stream.linear.scatter [tilespmem:s28], [sflag:$0x2], $0x200, $0x38;
	[tilespmem:$0xB800] =	vst v63  }
0x178: {  	_ =	swait.ge [sflag:s17], $0x200  }
0x179: {  	[sflag:s17] =	ssyncset.done $0x0  }
0x17a: {  	[sflag:s17] =	ssyncadd.s32 $0xFFFFFE00  }
0x17b: {  	[hbm4b:s12+s2] =	stream.linear.scatter [tilespmem:s29], [sflag:$0x2], $0x200, $0x38;
	[tilespmem:$0xB800] =	vst v63  }
0x17c: {  	_ =	swait.ge [sflag:s17], $0x200  }
0x17d: {  	[sflag:s17] =	ssyncset.done $0x0  }
0x17e: {  	[sflag:s17] =	ssyncadd.s32 $0xFFFFFE00  }
0x17f: {  	[hbm4b:s14+s2] =	stream.linear.scatter [tilespmem:s30], [sflag:$0x2], $0x200, $0x38;
	[tilespmem:$0xB800] =	vst v63  }
0x180: {  	s0 =	sadd.s32 $0x1, s0;
	_ =	swait.ge [sflag:s17], $0x200  }
0x181: {  	p0 =	sne.s32 s0, s16;
	[sflag:s17] =	ssyncset.done $0x0  }
.Ltmp2:
0x182: {  	[sflag:s17] =	ssyncadd.s32 $0xFFFFFE00;
	(pc) =	sbr.rel @p0 .LBB2_1-.Ltmp2, $4  }
0x183: {  	[hbm4b:s15+s2] =	stream.linear.scatter [tilespmem:s31], [sflag:$0x2], $0x200, $0x38;
	[tilespmem:$0xB800] =	vst v63  }
0x184: {  	_ =	swait.ge [sflag:s17], $0x200  }
0x185: {  	[sflag:s17] =	ssyncset.done $0x0  }
0x186: {  	[sflag:s17] =	ssyncadd.s32 $0xFFFFFE00  }
0x187: {  	_ =	sfence.sel $0x180000  }
0x188: {  	[bflag:$0x0] =	sbarrier.arrive $0xFFFF  }
0x189: {  	_ =	strace $0x90000047  }
0x18a: {  	s0 =	stileid.u32;
	[bflag:$0x2] =	sbarrier.arrive $0xFFFF  }
0x18b: {  	p0 =	sne.s32 s0, $0x0;
	s0 =	rddreg [dreg:$0x2]  }
0x18c: {  	s0 =	sadd.s32 @!p0 $0x100000, s0  }
0x18d: {  	[sflag:s0] =	ssyncadd.tile.s32 @!p0 $0x1;
	_ =	shalt  }
.Lfunc_end2:
_tile_overlayer_lowered:
.L_overlay_start_2:
0x18e: {  	(tag) =	ssettag $0x2  }
0x18f: {  	s0 =	rddreg [dreg:$0x0];
	s2 =	stileid.u32  }
0x190: {  	s1 =	rddreg [dreg:$0x1];
	p0 =	sne.s32 s2, $0x0  }
0x191: {  	s3 =	rddreg [dreg:$0x2];
	[bflag:$0x3] =	sbarrier.arrive $0xFFFF;
	s2 =	simm.s32 @!p0 $0x1C02  }
0x192: {  	[timem:s3], [sflag:s2] =	dma.local @!p0 [hbm:s0], s1  }
0x193: {  	s0 =	simm.s32 @!p0 $0x2  }
0x194: {  	_ =	swait.ge @!p0 [sflag:s0], s1  }
0x195: {  	s1 =	ssub.s32 @!p0 $0x0, s1;
	[sflag:s0] =	ssyncset.done @!p0 $0x0  }
0x196: {  	[sflag:s0] =	ssyncadd.s32 @!p0 s1  }
0x197: {  	[bflag:$0x3] =	sbarrier.arrive $0xFFFF  }
0x198: {  	_ =	shalt  }

// kernel: kernel.9.cloned.1.call-start
scs
__scs_entry_jumppad:
0x0: {  	(pc) =	sbr.rel $0x88, $3  }
0x1: {  	(tag) =	ssettag $0x0;
	lr =	simm.s32 $0x1  }
0x2: {  	[smem:$0x3F90] =	sst lr;
	_ =	strace $0xD0000000  }
0x3: {  	_ = 	snop  }
0x4: {  	_ = 	snop  }
0x5: {  	_ = 	snop  }
0x6: {  	_ = 	snop  }
0x7: {  	_ = 	snop  }
__scs_overlays_trampoline_lowered:
0x8: {  	[smem:$0x3F9F] =	sst s0  }
0x9: {  	[smem:$0x3FA0] =	sst s1  }
0xa: {  	[smem:$0x3FA1] =	sst s2  }
0xb: {  	[smem:$0x3FA2] =	sst s3  }
0xc: {  	[smem:$0x3FA3] =	sst s4  }
0xd: {  	[smem:$0x3FA4] =	sst s5  }
0xe: {  	[smem:$0x3FA5] =	sst s6  }
0xf: {  	[smem:$0x3FA6] =	sst s7  }
0x10: {  	[smem:$0x3FA7] =	sst s8  }
0x11: {  	[smem:$0x3FA8] =	sst s9;
	s0 =	simm.s32 @!p0 $0x0  }
0x12: {  	s1 =	sld [smem:$0x3F8E];
	s0 =	simm.s32 @p0 $0x1  }
0x13: {  	[smem:$0x3FA9] =	sst s0;
	s0 =	simm.s32 @!p1 $0x0  }
0x14: {  	s2 =	sld [smem:$0x3F8D];
	s0 =	simm.s32 @p1 $0x1  }
0x15: {  	[smem:$0x3FAA] =	sst s0;
	s0 =	simm.s32 @!p2 $0x0  }
0x16: {  	s3 =	sld [smem:$0x3FDB];
	s0 =	simm.s32 @p2 $0x1  }
0x17: {  	s4 =	simm.s32 $0x1BF5;
	[smem:$0x3FAC] =	sst s0  }
0x18: {  	s0 =	sld [smem:$0x3F8F];
	_ =	swait.ge [sflag:s4], $0x0  }
0x19: {  	s7 =	sld [smem:$0x3F90]  }
0x1a: {  	s8 =	sadd.s32 $0xFFFFE003, lr  }
0x1b: {  	s9 =	sadd.s32 $0xFFFFFEF7, lr;
	s5 =	simm.s32 $0xFFFFFFFF;
	p2 =	slt.u32 s8, $0xFFFFF086  }
0x1c: {  	p1 =	slt.u32 s9, $0xF7A;
	s5 =	simm.s32 @!p2 $0x0  }
0x1d: {  	s5 =	simm.s32 @p1 $0x1;
	p0 =	seq.s32 s7, s2  }
0x1e: {  	s7 =	smul.u32 @!p0 $0xF7A, s2;
	p2 =	seq.s32 @!p0 s5, $0x0  }
0x1f: {  	s9 =	smul.u32 $0xF7A, s1;
	s8 =	simm.s32 @!p0 $0x1BF5;
	p2 =	por !p2, p0  }
0x20: {  	[sflag:s8] =	ssyncset.s32 @!p0 $0xFFFFF086;
	s6 =	sadd.s32 @!p0 s3, s7;
	s7 =	simm.s32 @!p0 $0x108  }
0x21: {  	s3 =	sadd.s32 s3, s9;
	s6 =	sadd.s32 @!p0 $0x88, s6;
	s7 =	simm.s32 @p2 $0x1082  }
0x22: {  	[simem:s7], [sflag:s8] =	dma.local @!p0 [hbm:s6], $0xF7A  }
0x23: {  	s9 =	sor.u32 $0xD0000000, s2;
	s6 =	simm.s32 $0x108;
	_ =	swait.ge @!p0 [sflag:s8], $0x0  }
0x24: {  	s3 =	sadd.s32 $0x88, s3;
	s6 =	simm.s32 @!p1 $0x1082;
	[sflag:s4] =	ssyncset.s32 $0xFFFFF086  }
0x25: {  	[simem:s6], [sflag:s4] =	dma.local [hbm:s3], $0xF7A  }
0x26: {  	[smem:$0x3F90] =	sst s1;
	(tag) =	ssettag s2;
	_ =	strace s9  }
0x27: {  	s1 =	sld [smem:$0x3FA0]  }
0x28: {  	s2 =	sld [smem:$0x3FA1]  }
0x29: {  	s4 =	sld [smem:$0x3FA3]  }
0x2a: {  	p0 =	seq.s32 s5, $0x0;
	s5 =	sld [smem:$0x3FA4]  }
0x2b: {  	s6 =	sld [smem:$0x3FA5]  }
0x2c: {  	s7 =	sld [smem:$0x3FA6]  }
0x2d: {  	s3 =	simm.s32 $0x108;
	s8 =	sld [smem:$0x3FA7]  }
0x2e: {  	s3 =	simm.s32 @!p0 $0x1082;
	s9 =	sld [smem:$0x3FA8]  }
0x2f: {  	lr =	sadd.s32 s0, s3;
	s0 =	sld [smem:$0x3F9F]  }
0x30: {  	s3 =	sld [smem:$0x3FA2]  }
0x31: {  	[smem:$0x3FAB] =	sst s10  }
0x32: {  	s10 =	sld [smem:$0x3FA9];
	_ =	sdelay $0x3  }
0x33: {  	p0 =	seq.s32 s10, $0x1;
	s10 =	sld [smem:$0x3FAB];
	_ =	sdelay $0x3  }
0x34: {  	[smem:$0x3FAB] =	sst s10  }
0x35: {  	s10 =	sld [smem:$0x3FAA];
	_ =	sdelay $0x3  }
0x36: {  	p1 =	seq.s32 s10, $0x1;
	s10 =	sld [smem:$0x3FAB];
	_ =	sdelay $0x3  }
0x37: {  	[smem:$0x3FAB] =	sst s10  }
0x38: {  	s10 =	sld [smem:$0x3FAC]  }
0x39: {  	_ = 	snop;
	(pc) =	sbr.ind lr, $3  }
0x3a: {  	_ = 	snop  }
0x3b: {  	_ = 	snop  }
0x3c: {  	p2 =	seq.s32 s10, $0x1;
	s10 =	sld [smem:$0x3FAB]  }
0x3d: {  	_ =	shalt  }
0x3e: {  	_ =	shalt  }
0x3f: {  	_ =	shalt  }
0x40: {  	_ =	shalt  }
0x41: {  	_ =	shalt  }
0x42: {  	_ =	shalt  }
0x43: {  	_ =	shalt  }
0x44: {  	_ =	shalt  }
0x45: {  	_ =	shalt  }
0x46: {  	_ =	shalt  }
0x47: {  	_ =	shalt  }
0x48: {  	_ =	shalt  }
0x49: {  	_ =	shalt  }
0x4a: {  	_ =	shalt  }
0x4b: {  	_ =	shalt  }
0x4c: {  	_ =	shalt  }
0x4d: {  	_ =	shalt  }
0x4e: {  	_ =	shalt  }
0x4f: {  	_ =	shalt  }
0x50: {  	_ =	shalt  }
0x51: {  	_ =	shalt  }
0x52: {  	_ =	shalt  }
0x53: {  	_ =	shalt  }
0x54: {  	_ =	shalt  }
0x55: {  	_ =	shalt  }
0x56: {  	_ =	shalt  }
0x57: {  	_ =	shalt  }
0x58: {  	_ =	shalt  }
0x59: {  	_ =	shalt  }
0x5a: {  	_ =	shalt  }
0x5b: {  	_ =	shalt  }
0x5c: {  	_ =	shalt  }
0x5d: {  	_ =	shalt  }
0x5e: {  	_ =	shalt  }
0x5f: {  	_ =	shalt  }
0x60: {  	_ =	shalt  }
0x61: {  	_ =	shalt  }
0x62: {  	_ =	shalt  }
0x63: {  	_ =	shalt  }
0x64: {  	_ =	shalt  }
0x65: {  	_ =	shalt  }
0x66: {  	_ =	shalt  }
0x67: {  	_ =	shalt  }
0x68: {  	_ =	shalt  }
0x69: {  	_ =	shalt  }
0x6a: {  	_ =	shalt  }
0x6b: {  	_ =	shalt  }
0x6c: {  	_ =	shalt  }
0x6d: {  	_ =	shalt  }
0x6e: {  	_ =	shalt  }
0x6f: {  	_ =	shalt  }
0x70: {  	_ =	shalt  }
0x71: {  	_ =	shalt  }
0x72: {  	_ =	shalt  }
0x73: {  	_ =	shalt  }
0x74: {  	_ =	shalt  }
0x75: {  	_ =	shalt  }
0x76: {  	_ =	shalt  }
0x77: {  	_ =	shalt  }
0x78: {  	_ =	shalt  }
0x79: {  	_ =	shalt  }
0x7a: {  	_ =	shalt  }
0x7b: {  	_ =	shalt  }
0x7c: {  	_ =	shalt  }
0x7d: {  	_ =	shalt  }
0x7e: {  	_ =	shalt  }
0x7f: {  	_ =	shalt  }
0x80: {  	_ =	shalt  }
0x81: {  	_ =	shalt  }
0x82: {  	_ =	shalt  }
0x83: {  	_ =	shalt  }
0x84: {  	_ =	shalt  }
0x85: {  	_ =	shalt  }
0x86: {  	_ =	shalt  }
0x87: {  	_ =	shalt  }
.Lfunc_end0:
.L_simem_size_0:
called_computation_lowered:
.L_overlay_start_0:
0x88: {  	s2 =	sld [smem:$0x3FD9]  }
0x89: {  	s3 =	sld [smem:$0x3FFE];
	_ =	sdelay $0x1  }
0x8a: {  	s1 =	srdreg.scid  }
0x8b: {  	s0 =	sand.u32 $0x1, s1  }
0x8c: {  	s17 =	sshll.u32 s0, $0xA;
	s2 =	sadd.s32 s3, s2  }
0x8d: {  	s2 =	sadd.s32 s2, s17  }
0x8e: {  	[smem:$0x3FB7] =	sst s2  }
0x8f: {  	_ = 	snop  }
0x90: {  	s4 =	sld [smem:$0x3FC5]  }
0x91: {  	s18 =	sld [smem:$0x3FD0];
	(tm) =	ssettm $0x1  }
0x92: {  	s19 =	sld [smem:$0x3FFB];
	_ =	sdelay $0x3  }
0x93: {  	_ =	strace s19  }
0x94: {  	s2 =	sld [smem:$0x3FFC];
	_ =	sdelay $0x3  }
0x95: {  	_ =	strace s2  }
0x96: {  	s2 =	sld [smem:$0x3FFD];
	_ =	sdelay $0x3  }
0x97: {  	_ =	strace s2  }
0x98: {  	_ =	strace $0x8FFFFFFF  }
0x99: {  	s20 =	sld [smem:$0x3FDB];
	_ =	sdelay $0x1  }
0x9a: {  	s5 =	simm.s32 $_scs_section_size  }
0x9b: {  	s6 =	simm.s32 $_size__tile_overlayer_lowered;
	s7 =	simm.s32 $_tile_overlayer_lowered  }
0x9c: {  	s8 =	simm.s32 $0x1BFF;
	s21 =	sshll.u32 s7, $0x1;
	s5 =	sadd.s32 s5, s20  }
0x9d: {  	s22 =	simm.s32 $0x0;
	s6 =	sshll.u32 s6, $0x1;
	s7 =	sadd.s32 s21, s5  }
0x9e: {  	[timem:s22], [sflag:s8] =	dma.local [hbm:s7], s6  }
0x9f: {  	_ =	swait.ge [sflag:s8], s6  }
0xa0: {  	s6 =	ssub.s32 $0x0, s6;
	[sflag:s8] =	ssyncset.done $0x0  }
0xa1: {  	[sflag:s8] =	ssyncadd.s32 s6;
	_ =	sdelay $0x1  }
0xa2: {  	s23 =	simm.s32 $0x1B8B  }
0xa3: {  	_ =	swait.ge [sflag:s23], $0x1  }
0xa4: {  	[sflag:s23] =	ssyncset.done $0x0  }
0xa5: {  	[sflag:s23] =	ssyncadd.s32 $0xFFFFFFFF  }
0xa6: {  	s6 =	sld [smem:$0x0]  }
0xa7: {  	s7 =	sand.u32 $0xFFFFFFFE, s1  }
0xa8: {  	p0 =	sne.s32 s1, s7  }
0xa9: {  	s7 =	sshll.u32 @p0 s7, $0xE  }
0xaa: {  	s7 =	sadd.s32 @p0 $0x11B8D, s7;
	s8 =	sshll.u32 @p0 s6, $0x11  }
0xab: {  	s7 =	sor.u32 @p0 s8, s7  }
0xac: {  	[sflag:s7] =	ssyncadd.remote.s32 @p0 $0x1;
	_ =	sdelay $0x1  }
0xad: {  	s7 =	simm.s32 @p0 $0x1B8D  }
0xae: {  	_ =	swait.eq @p0 [sflag:s7], $0x1  }
0xaf: {  	[sflag:s7] =	ssyncadd.s32 @p0 $0xFFFFFFFF  }
0xb0: {  	s8 =	sshll.u32 @!p0 s1, $0xE  }
0xb1: {  	s8 =	sor.u32 @!p0 $0x4000, s8;
	s7 =	simm.s32 @!p0 $0x1B8D  }
0xb2: {  	s6 =	sshll.u32 @!p0 s6, $0x11;
	s8 =	sadd.s32 @!p0 $0x11B8D, s8;
	_ =	swait.eq @!p0 [sflag:s7], $0x1  }
0xb3: {  	s6 =	sor.u32 @!p0 s6, s8;
	[sflag:s7] =	ssyncadd.s32 @!p0 $0xFFFFFFFF  }
0xb4: {  	s25 =	simm.s32 $0x1B8E;
	s24 =	sld [smem:$0x3FFE];
	[sflag:s6] =	ssyncadd.remote.s32 @!p0 $0x1  }
0xb5: {  	s26 =	simm.s32 $execute0_lowered;
	[smem:$0x3FD2] =	sst s25  }
0xb6: {  	s7 =	sshll.u32 s26, $0x1;
	_ =	strace $0x8000004C;
	[dreg:$0x1] =	wrdreg $0xFFFFFFFF  }
0xb7: {  	s28 =	simm.s32 $_size_execute0_lowered;
	s5 =	sadd.s32 s5, s7;
	[dreg:$0x0] =	wrdreg $0x0  }
0xb8: {  	s7 =	sshll.u32 s28, $0x1;
	[dreg:$0x2] =	wrdreg s5  }
0xb9: {  	[dreg:$0x3] =	wrdreg s7  }
0xba: {  	[dreg:$0x4] =	wrdreg $0xC0  }
0xbb: {  	_ =	task [dreg:s22], $0x5FFFF  }
0xbc: {  	[dreg:$0x1] =	wrdreg $0xFFFFFFFF  }
0xbd: {  	[dreg:$0x0] =	wrdreg $0x60  }
0xbe: {  	[dreg:$0x2] =	wrdreg s4  }
0xbf: {  	[dreg:$0x3] =	wrdreg s24  }
0xc0: {  	[dreg:$0x4] =	wrdreg s18  }
0xc1: {  	[dreg:$0x5] =	wrdreg $0x9  }
0xc2: {  	_ =	task.clear_ibuf [dreg:s22], $0x6FFFF;
	_ =	strace $0x9000004C  }
0xc3: {  	s29 =	simm.s32 $0x9;
	_ =	strace $0x8000004E  }
0xc4: {  	_ =	swait.ge [sflag:s29], $0x1  }
0xc5: {  	[sflag:s29] =	ssyncadd.s32 $0xFFFFFFFF  }
0xc6: {  	_ =	strace $0x9000004E  }
0xc7: {  	_ =	sfence  }
0xc8: {  	s30 =	sld [smem:$0x0];
	_ =	sdelay $0x2  }
0xc9: {  	s31 =	sshll.u32 s1, $0xD;
	s1 =	sshrl.u32 s1, $0x2  }
0xca: {  	s4 =	sand.u32 $0x4000, s31;
	s1 =	sadd.s32 s1, s30  }
0xcb: {  	s0 =	sor.u32 s4, s0;
	s1 =	sshll.u32 s1, $0x11  }
0xcc: {  	s0 =	sor.u32 s1, s0  }
0xcd: {  	s0 =	sadd.s32 $0x8F2B, s0  }
0xce: {  	[sflag:s0] =	ssyncadd.remote.s32 $0x1  }
0xcf: {  	_ =	sfence.sel $0xFFFF  }
0xd0: {  	[dreg:$0x0] =	wrdreg $0xFFFFFFFF;
	(pc) =	sbr.abs _section_cstart, $3  }
0xd1: {  	[dreg:$0x1] =	wrdreg $0xFFFFFFFF  }
0xd2: {  	_ =	task.clear_ibuf [dreg:s22], $0x2FFFF;
	_ =	strace $0x9FFFFFFF  }
0xd3: {  	(tm) =	ssettm $0x7FFFFFFF  }
tec
execute0_lowered:
.L_overlay_start_1:
0x0: {  	(tag) =	ssettag $0x1  }
0x1: {  	s0 =	rddreg [dreg:$0x0]  }
0x2: {  	s5 =	rddreg [dreg:$0x1]  }
0x3: {  	s14 =	rddreg [dreg:$0x2]  }
0x4: {  	s3 =	srdreg.scid;
	s2 =	simm.s32 $0x0;
	s1 =	stileid.u32  }
0x5: {  	s17 =	simm.s32 $0x200;
	s18 =	simm.s32 $0xD80;
	s19 =	simm.s32 $0xEF0  }
0x6: {  	s20 =	simm.s32 $0x10F0;
	s21 =	simm.s32 $0x12F0;
	s22 =	simm.s32 $0x14F0  }
0x7: {  	s23 =	simm.s32 $0x16F0;
	s24 =	simm.s32 $0x18F0;
	s25 =	simm.s32 $0x1AF0  }
0x8: {  	s26 =	simm.s32 $0x1CF0;
	s28 =	simm.s32 $0x1EF0;
	s6 =	sand.u32 $0x1, s3  }
0x9: {  	s29 =	simm.s32 $0x0;
	s31 =	sshll.u32 s1, $0x7;
	s4 =	sshll.u32 s6, $0x6  }
0xa: {  	[smem:$0x7FF] =	sst s2;
	s3 =	sadd.s32 $0x232600, s5;
	s15 =	sor.u32 s4, s31  }
0xb: {  	_ =	strace $0x8000004D;
	s9 =	ssub.s32 $0x2, s6;
	s13 =	sadd.s32 s15, s5  }
0xc: {  	s4 =	sadd.s32 $0x232800, s5;
	s10 =	sshrl.u32 s9, $0x1;
	s5 =	sadd.s32 $0x232A00, s13  }
0xd: {  	s16 =	ssub.s32 s9, s10;
	s6 =	sadd.s32 $0x233200, s13;
	s7 =	sadd.s32 $0x233A00, s13  }
0xe: {  	s11 =	sadd.s32 s0, s15;
	s8 =	sadd.s32 $0x234200, s13;
	s9 =	sadd.s32 $0x234A00, s13  }
0xf: {  	s14 =	sadd.s32 s14, s15;
	s10 =	sadd.s32 $0x235200, s13;
	s12 =	sadd.s32 $0x235A00, s13  }
0x10: {  	s13 =	sadd.s32 $0x236200, s13;
	s15 =	smax.u32 s16, $0x1;
	s16 =	simm.s32 $0x1  }
.LBB2_1:
0x11: {  	[tilespmem:s2], [sflag:$0x1] =	stream.linear.gather [hbm4b:s11+s2], $0x200, $0x38;
	[tilespmem:$0x20F0] =	vst v63  }
0x12: {  	_ =	swait.ge [sflag:s16], $0x200  }
0x13: {  	[sflag:s16] =	ssyncset.done $0x0  }
0x14: {  	[sflag:s16] =	ssyncadd.s32 $0xFFFFFE00  }
0x15: {  	[tilespmem:s17], [sflag:$0x1] =	stream.linear.gather [hbm4b:s3+s2], $0xB80, $0x38;
	[tilespmem:$0x20F0] =	vst v63  }
0x16: {  	_ =	swait.ge [sflag:s16], $0xB80  }
0x17: {  	[sflag:s16] =	ssyncset.done $0x0  }
0x18: {  	[sflag:s16] =	ssyncadd.s32 $0xFFFFF480  }
0x19: {  	[tilespmem:s18], [sflag:$0x1] =	stream.linear.gather [hbm4b:s4+s2], $0x170, $0x38;
	[tilespmem:$0x20F0] =	vst v63  }
0x1a: {  	_ =	swait.ge [sflag:s16], $0x170  }
0x1b: {  	[sflag:s16] =	ssyncset.done $0x0  }
0x1c: {  	s30 =	simm.s32 $0x0;
	[sflag:s16] =	ssyncadd.s32 $0xFFFFFE90  }
0x1d: {  	v1 =	vld [tilespmem:s30+$0x0];
	_ =	sdelay $0x7  }
0x1e: {  	v0 =	vld.idx.msk [tilespmem:v1+s18+$0x0], $0xffff;
	_ =	sdelay $0x4  }
0x1f: {  	[tilespmem:s30+$0x1EF0] =	vst v0  }
0x20: {  	v0 =	vld.idx.msk [tilespmem:v1+s17+$0x0], $0xffff  }
0x21: {  	v2 =	vadd.s32 $0x170, v1;
	_ =	sdelay $0x3  }
0x22: {  	[tilespmem:s30+$0xEF0] =	vst v0  }
0x23: {  	v0 =	vld.idx.msk [tilespmem:v2+s17+$0x0], $0xffff  }
0x24: {  	v2 =	vadd.s32 $0x2E0, v1;
	_ =	sdelay $0x3  }
0x25: {  	[tilespmem:s30+$0x10F0] =	vst v0  }
0x26: {  	v0 =	vld.idx.msk [tilespmem:v2+s17+$0x0], $0xffff  }
0x27: {  	v2 =	vadd.s32 $0x450, v1;
	_ =	sdelay $0x3  }
0x28: {  	[tilespmem:s30+$0x12F0] =	vst v0  }
0x29: {  	v0 =	vld.idx.msk [tilespmem:v2+s17+$0x0], $0xffff  }
0x2a: {  	v2 =	vadd.s32 $0x5C0, v1;
	_ =	sdelay $0x3  }
0x2b: {  	[tilespmem:s30+$0x14F0] =	vst v0  }
0x2c: {  	v0 =	vld.idx.msk [tilespmem:v2+s17+$0x0], $0xffff  }
0x2d: {  	v2 =	vadd.s32 $0x730, v1;
	_ =	sdelay $0x3  }
0x2e: {  	[tilespmem:s30+$0x16F0] =	vst v0  }
0x2f: {  	v0 =	vld.idx.msk [tilespmem:v2+s17+$0x0], $0xffff  }
0x30: {  	v2 =	vadd.s32 $0x8A0, v1;
	_ =	sdelay $0x3  }
0x31: {  	[tilespmem:s30+$0x18F0] =	vst v0  }
0x32: {  	v0 =	vld.idx.msk [tilespmem:v2+s17+$0x0], $0xffff  }
0x33: {  	v1 =	vadd.s32 $0xA10, v1;
	_ =	sdelay $0x2  }
0x34: {  	s0 =	simm.s32 $0x10;
	s31 =	simm.s32 $0x80  }
.LBB2_2:
0x35: {  	p0 =	sne.s32 s31, $0x7C0;
	v2 =	vld [tilespmem:s0+$0x0];
	[tilespmem:s30+$0x1AF0] =	vst v0  }
0x36: {  	v0 =	vld.idx.msk [tilespmem:v1+s17+$0x0], $0xffff;
	_ =	sdelay $0x5  }
0x37: {  	[tilespmem:s30+$0x1CF0] =	vst v0;
	s30 =	smov.u32 s0  }
0x38: {  	v0 =	vld.idx.msk [tilespmem:v2+s18+$0x0], $0xffff;
	_ =	sdelay $0x5  }
0x39: {  	[tilespmem:s30+$0x1EF0] =	vst v0  }
0x3a: {  	v0 =	vld.idx.msk [tilespmem:v2+s17+$0x0], $0xffff;
	_ =	sdelay $0x1  }
0x3b: {  	v1 =	vadd.s32 $0x170, v2;
	_ =	sdelay $0x3  }
0x3c: {  	[tilespmem:s30+$0xEF0] =	vst v0  }
0x3d: {  	v0 =	vld.idx.msk [tilespmem:v1+s17+$0x0], $0xffff;
	_ =	sdelay $0x1  }
0x3e: {  	v1 =	vadd.s32 $0x2E0, v2;
	_ =	sdelay $0x3  }
0x3f: {  	[tilespmem:s30+$0x10F0] =	vst v0  }
0x40: {  	v0 =	vld.idx.msk [tilespmem:v1+s17+$0x0], $0xffff;
	_ =	sdelay $0x1  }
0x41: {  	v1 =	vadd.s32 $0x450, v2;
	_ =	sdelay $0x3  }
0x42: {  	[tilespmem:s30+$0x12F0] =	vst v0  }
0x43: {  	v0 =	vld.idx.msk [tilespmem:v1+s17+$0x0], $0xffff;
	_ =	sdelay $0x1  }
0x44: {  	v1 =	vadd.s32 $0x5C0, v2;
	_ =	sdelay $0x3  }
0x45: {  	[tilespmem:s30+$0x14F0] =	vst v0  }
0x46: {  	v0 =	vld.idx.msk [tilespmem:v1+s17+$0x0], $0xffff;
	_ =	sdelay $0x1  }
0x47: {  	v1 =	vadd.s32 $0x730, v2;
	_ =	sdelay $0x3  }
0x48: {  	[tilespmem:s30+$0x16F0] =	vst v0  }
0x49: {  	v0 =	vld.idx.msk [tilespmem:v1+s17+$0x0], $0xffff;
	_ =	sdelay $0x1  }
0x4a: {  	v1 =	vadd.s32 $0x8A0, v2;
	_ =	sdelay $0x3  }
0x4b: {  	[tilespmem:s30+$0x18F0] =	vst v0  }
0x4c: {  	v0 =	vld.idx.msk [tilespmem:v1+s17+$0x0], $0xffff  }
.Ltmp0:
0x4d: {  	(pc) =	sbr.rel @p0 .LBB2_2-.Ltmp0, $2  }
0x4e: {  	v1 =	vadd.s32 $0xA10, v2;
	_ =	sdelay $0x2  }
0x4f: {  	s0 =	sshra.s32 s31, $0x2;
	s31 =	sadd.s32 $0x40, s31  }
0x50: {  	_ =	sdelay $0x1  }
0x51: {  	v2 =	vld [tilespmem:s0+$0x0]  }
0x52: {  	[tilespmem:s30+$0x1AF0] =	vst v0  }
0x53: {  	v0 =	vld.idx.msk [tilespmem:v1+s17+$0x0], $0xffff;
	_ =	sdelay $0x4  }
0x54: {  	[tilespmem:s30+$0x1CF0] =	vst v0  }
0x55: {  	v0 =	vld.idx.msk [tilespmem:v2+s18+$0x0], $0xffff;
	_ =	sdelay $0x4  }
0x56: {  	[tilespmem:s0+$0x1EF0] =	vst v0  }
0x57: {  	v0 =	vld.idx.msk [tilespmem:v2+s17+$0x0], $0xffff  }
0x58: {  	v57 =	vadd.s32 $0x170, v2;
	_ =	sdelay $0x3  }
0x59: {  	[tilespmem:s0+$0xEF0] =	vst v0  }
0x5a: {  	v0 =	vld.idx.msk [tilespmem:v57+s17+$0x0], $0xffff  }
0x5b: {  	v58 =	vadd.s32 $0x2E0, v2;
	_ =	sdelay $0x3  }
0x5c: {  	[tilespmem:s0+$0x10F0] =	vst v0  }
0x5d: {  	v0 =	vld.idx.msk [tilespmem:v58+s17+$0x0], $0xffff  }
0x5e: {  	v59 =	vadd.s32 $0x450, v2;
	_ =	sdelay $0x3  }
0x5f: {  	[tilespmem:s0+$0x12F0] =	vst v0  }
0x60: {  	v0 =	vld.idx.msk [tilespmem:v59+s17+$0x0], $0xffff  }
0x61: {  	v60 =	vadd.s32 $0x5C0, v2;
	_ =	sdelay $0x3  }
0x62: {  	[tilespmem:s0+$0x14F0] =	vst v0  }
0x63: {  	v0 =	vld.idx.msk [tilespmem:v60+s17+$0x0], $0xffff  }
0x64: {  	v61 =	vadd.s32 $0x730, v2;
	_ =	sdelay $0x3  }
0x65: {  	[tilespmem:s0+$0x16F0] =	vst v0  }
0x66: {  	v0 =	vld.idx.msk [tilespmem:v61+s17+$0x0], $0xffff  }
0x67: {  	v62 =	vadd.s32 $0x8A0, v2;
	_ =	sdelay $0x3  }
0x68: {  	[tilespmem:s0+$0x18F0] =	vst v0  }
0x69: {  	v0 =	vld.idx.msk [tilespmem:v62+s17+$0x0], $0xffff  }
0x6a: {  	v63 =	vadd.s32 $0xA10, v2;
	_ =	sdelay $0x3  }
0x6b: {  	[tilespmem:s0+$0x1AF0] =	vst v0  }
0x6c: {  	v0 =	vld.idx.msk [tilespmem:v63+s17+$0x0], $0xffff;
	_ =	sdelay $0x4  }
0x6d: {  	[tilespmem:s0+$0x1CF0] =	vst v0  }
0x6e: {  	[hbm4b:s5+s2] =	stream.linear.scatter [tilespmem:s19], [sflag:$0x1], $0x200, $0x38;
	[tilespmem:$0x20F0] =	vst v63  }
0x6f: {  	_ =	swait.ge [sflag:s16], $0x200  }
0x70: {  	[sflag:s16] =	ssyncset.done $0x0  }
0x71: {  	[sflag:s16] =	ssyncadd.s32 $0xFFFFFE00  }
0x72: {  	[hbm4b:s6+s2] =	stream.linear.scatter [tilespmem:s20], [sflag:$0x1], $0x200, $0x38;
	[tilespmem:$0x20F0] =	vst v63  }
0x73: {  	_ =	swait.ge [sflag:s16], $0x200  }
0x74: {  	[sflag:s16] =	ssyncset.done $0x0  }
0x75: {  	[sflag:s16] =	ssyncadd.s32 $0xFFFFFE00  }
0x76: {  	[hbm4b:s7+s2] =	stream.linear.scatter [tilespmem:s21], [sflag:$0x1], $0x200, $0x38;
	[tilespmem:$0x20F0] =	vst v63  }
0x77: {  	_ =	swait.ge [sflag:s16], $0x200  }
0x78: {  	[sflag:s16] =	ssyncset.done $0x0  }
0x79: {  	[sflag:s16] =	ssyncadd.s32 $0xFFFFFE00  }
0x7a: {  	[hbm4b:s8+s2] =	stream.linear.scatter [tilespmem:s22], [sflag:$0x1], $0x200, $0x38;
	[tilespmem:$0x20F0] =	vst v63  }
0x7b: {  	_ =	swait.ge [sflag:s16], $0x200  }
0x7c: {  	[sflag:s16] =	ssyncset.done $0x0  }
0x7d: {  	[sflag:s16] =	ssyncadd.s32 $0xFFFFFE00  }
0x7e: {  	[hbm4b:s9+s2] =	stream.linear.scatter [tilespmem:s23], [sflag:$0x1], $0x200, $0x38;
	[tilespmem:$0x20F0] =	vst v63  }
0x7f: {  	_ =	swait.ge [sflag:s16], $0x200  }
0x80: {  	[sflag:s16] =	ssyncset.done $0x0  }
0x81: {  	[sflag:s16] =	ssyncadd.s32 $0xFFFFFE00  }
0x82: {  	[hbm4b:s10+s2] =	stream.linear.scatter [tilespmem:s24], [sflag:$0x1], $0x200, $0x38;
	[tilespmem:$0x20F0] =	vst v63  }
0x83: {  	_ =	swait.ge [sflag:s16], $0x200  }
0x84: {  	[sflag:s16] =	ssyncset.done $0x0  }
0x85: {  	[sflag:s16] =	ssyncadd.s32 $0xFFFFFE00  }
0x86: {  	[hbm4b:s12+s2] =	stream.linear.scatter [tilespmem:s25], [sflag:$0x1], $0x200, $0x38;
	[tilespmem:$0x20F0] =	vst v63  }
0x87: {  	_ =	swait.ge [sflag:s16], $0x200  }
0x88: {  	[sflag:s16] =	ssyncset.done $0x0  }
0x89: {  	[sflag:s16] =	ssyncadd.s32 $0xFFFFFE00  }
0x8a: {  	[hbm4b:s13+s2] =	stream.linear.scatter [tilespmem:s26], [sflag:$0x1], $0x200, $0x38;
	[tilespmem:$0x20F0] =	vst v63  }
0x8b: {  	s29 =	sadd.s32 $0x1, s29;
	_ =	swait.ge [sflag:s16], $0x200  }
0x8c: {  	p0 =	sne.s32 s29, s15;
	[sflag:s16] =	ssyncset.done $0x0  }
.Ltmp1:
0x8d: {  	[sflag:s16] =	ssyncadd.s32 $0xFFFFFE00;
	(pc) =	sbr.rel @p0 .LBB2_1-.Ltmp1, $4  }
0x8e: {  	[hbm4b:s14+s2] =	stream.linear.scatter [tilespmem:s28], [sflag:$0x1], $0x200, $0x38;
	[tilespmem:$0x20F0] =	vst v63  }
0x8f: {  	_ =	swait.ge [sflag:s16], $0x200  }
0x90: {  	[sflag:s16] =	ssyncset.done $0x0  }
0x91: {  	[sflag:s16] =	ssyncadd.s32 $0xFFFFFE00  }
0x92: {  	_ =	sfence.sel $0x180000  }
0x93: {  	[bflag:$0x0] =	sbarrier.arrive $0xFFFF  }
0x94: {  	_ =	strace $0x9000004D  }
0x95: {  	[bflag:$0x2] =	sbarrier.arrive $0xFFFF  }
0x96: {  	p0 =	sne.s32 s1, $0x0;
	s0 =	rddreg [dreg:$0x3]  }
0x97: {  	s0 =	sadd.s32 @!p0 $0x100000, s0  }
0x98: {  	[sflag:s0] =	ssyncadd.tile.s32 @!p0 $0x1;
	_ =	shalt  }
.Lfunc_end2:
_tile_overlayer_lowered:
.L_overlay_start_2:
0x99: {  	(tag) =	ssettag $0x2  }
0x9a: {  	s0 =	rddreg [dreg:$0x0];
	s2 =	stileid.u32  }
0x9b: {  	s1 =	rddreg [dreg:$0x1];
	p0 =	sne.s32 s2, $0x0  }
0x9c: {  	s3 =	rddreg [dreg:$0x2];
	[bflag:$0x3] =	sbarrier.arrive $0xFFFF;
	s2 =	simm.s32 @!p0 $0x1C01  }
0x9d: {  	[timem:s3], [sflag:s2] =	dma.local @!p0 [hbm:s0], s1  }
0x9e: {  	s0 =	simm.s32 @!p0 $0x1  }
0x9f: {  	_ =	swait.ge @!p0 [sflag:s0], s1  }
0xa0: {  	s1 =	ssub.s32 @!p0 $0x0, s1;
	[sflag:s0] =	ssyncset.done @!p0 $0x0  }
0xa1: {  	[sflag:s0] =	ssyncadd.s32 @!p0 s1  }
0xa2: {  	[bflag:$0x3] =	sbarrier.arrive $0xFFFF  }
0xa3: {  	_ =	shalt  }

</sc_bundles>
